<compile_context>
chip_gen: v7x
topology: tpu7x:2x2x1
jax: 0.10.2.dev20260603
libtpu: 0.0.44.dev20260713+nightly
codegen_flags: <defaults>
</compile_context>

<pallas_src>
import functools

import jax
import jax.numpy as jnp
from jax import lax
from jax.experimental import pallas as pl
from jax.experimental.pallas import tpu as pltpu
from jax.experimental.pallas import tpu_sc as plsc

N_G = 10000
NPAD = 10240
BATCH = 128
N_EDGES = 320000
NW = 32
NCH = 80
CHUNK = 128
EPT = NCH * CHUNK
EPAD = NW * EPT
ROWS_PT = NPAD // 16

_MESH = plsc.VectorSubcoreMesh(core_axis_name="c", subcore_axis_name="s")


@functools.partial(
    pl.kernel,
    out_type=jax.ShapeDtypeStruct((2, NPAD, BATCH), jnp.float32),
    mesh=_MESH,
    scratch_types=[
        pltpu.VMEM((NCH // 2, CHUNK), jnp.int32),
        pltpu.VMEM((CHUNK, BATCH), jnp.float32),
        pltpu.VMEM_SHARED((NPAD, BATCH), jnp.float32),
    ],
)
def _hist_sc(dst_hbm, out_hbm, dstv, blk, acc):
    cid = lax.axis_index("c")
    sid = lax.axis_index("s")
    wid = cid * 16 + sid

    def _zero(i, _):
        for j in range(BATCH // 16):
            blk[i, pl.ds(j * 16, 16)] = jnp.zeros((16,), jnp.float32)
        return _

    lax.fori_loop(0, CHUNK, _zero, None)
    for k in range(ROWS_PT // CHUNK):
        pltpu.sync_copy(blk, acc.at[pl.ds(sid * ROWS_PT + k * CHUNK, CHUNK)])

    def _fill(i, _):
        for j in range(BATCH // 16):
            blk[i, pl.ds(j * 16, 16)] = jnp.full((16,), 1.0, jnp.float32)
        return _

    lax.fori_loop(0, CHUNK, _fill, None)
    plsc.subcore_barrier()

    for sec in range(2):
        pltpu.sync_copy(dst_hbm.at[wid, pl.ds(sec * (NCH // 2), NCH // 2)],
                        dstv)

        def _scat(j, _):
            pltpu.sync_copy(blk, acc.at[dstv.at[j]], add=True)
            return _

        lax.fori_loop(0, NCH // 2, _scat, None)

    plsc.subcore_barrier()
    for k in range(ROWS_PT // CHUNK):
        off = sid * ROWS_PT + k * CHUNK
        pltpu.sync_copy(acc.at[pl.ds(off, CHUNK)], blk)
        pltpu.sync_copy(blk, out_hbm.at[cid, pl.ds(off, CHUNK)])


NSEC = 2
SCH = NCH // NSEC


@functools.partial(
    pl.kernel,
    out_type=jax.ShapeDtypeStruct((2, NPAD, BATCH), jnp.float32),
    mesh=_MESH,
    scratch_types=[
        pltpu.VMEM((SCH, CHUNK), jnp.int32),
        pltpu.VMEM((SCH, CHUNK), jnp.int32),
        pltpu.VMEM((2, CHUNK, BATCH), jnp.float32),
        pltpu.VMEM_SHARED((NPAD, BATCH), jnp.float32),
        pltpu.SemaphoreType.DMA,
        pltpu.SemaphoreType.DMA,
    ],
)
def _agg_sc(xs_hbm, src_hbm, dst_hbm, out_hbm, srcv, dstv, rows, acc,
            sem0, sem1):
    cid = lax.axis_index("c")
    sid = lax.axis_index("s")
    wid = cid * 16 + sid
    sems = (sem0, sem1)
    bounce = rows.at[0]

    def _zero(i, _):
        for j in range(BATCH // 16):
            bounce[i, pl.ds(j * 16, 16)] = jnp.zeros((16,), jnp.float32)
        return _

    lax.fori_loop(0, CHUNK, _zero, None)
    for k in range(ROWS_PT // CHUNK):
        pltpu.sync_copy(bounce, acc.at[pl.ds(sid * ROWS_PT + k * CHUNK, CHUNK)])
    plsc.subcore_barrier()

    for sec in range(NSEC):
        pltpu.sync_copy(src_hbm.at[wid, pl.ds(sec * SCH, SCH)], srcv)
        pltpu.sync_copy(dst_hbm.at[wid, pl.ds(sec * SCH, SCH)], dstv)

        for b in range(2):
            pltpu.make_async_copy(
                xs_hbm.at[srcv.at[b]], rows.at[b], sems[b]).start()

        def _group(g, _):
            for b in range(2):
                j = g * 2 + b
                pltpu.make_async_copy(
                    xs_hbm.at[srcv.at[j]], rows.at[b], sems[b]).wait()
                pltpu.sync_copy(rows.at[b], acc.at[dstv.at[j]], add=True)

                @pl.when(j + 2 < SCH)
                def _():
                    pltpu.make_async_copy(
                        xs_hbm.at[srcv.at[j + 2]], rows.at[b], sems[b]).start()
            return _

        lax.fori_loop(0, SCH // 2, _group, None)

    plsc.subcore_barrier()
    for k in range(ROWS_PT // CHUNK):
        off = sid * ROWS_PT + k * CHUNK
        pltpu.sync_copy(acc.at[pl.ds(off, CHUNK)], bounce)
        pltpu.sync_copy(bounce, out_hbm.at[cid, pl.ds(off, CHUNK)])


def _celu(v):
    return jnp.where(v > 0, v, jnp.exp(jnp.minimum(v, 0.0)) - 1.0)


def _dinv(h0, h1):
    return lax.rsqrt(h0 + h1 + 1.0)


GB = 512


def _scale_body(x_ref, h0_ref, h1_ref, xs_ref):
    xt = jnp.swapaxes(x_ref[...], 0, 1)
    xs_ref[...] = xt * _dinv(h0_ref[0, :, 0:1], h1_ref[0, :, 0:1])


def _scale_call(xp, hist):
    grid = (NPAD // GB,)
    return pl.pallas_call(
        _scale_body,
        grid=grid,
        in_specs=[
            pl.BlockSpec((BATCH, GB), lambda i: (0, i)),
            pl.BlockSpec((1, GB, BATCH), lambda i: (0, i, 0)),
            pl.BlockSpec((1, GB, BATCH), lambda i: (1, i, 0)),
        ],
        out_specs=pl.BlockSpec((GB, BATCH), lambda i: (i, 0)),
        out_shape=jax.ShapeDtypeStruct((NPAD, BATCH), jnp.float32),
    )(xp, hist, hist)


def _mid_body(a0_ref, a1_ref, xs_ref, h0_ref, h1_ref, w1_ref, b1_ref, w2_ref,
              o_ref):
    i = pl.program_id(0)
    dinv = _dinv(h0_ref[0, :, 0:1], h1_ref[0, :, 0:1])
    u = dinv * (a0_ref[0] + a1_ref[0] + xs_ref[...])
    hmid = _celu(jnp.dot(u, w1_ref[...], preferred_element_type=jnp.float32)
                 + b1_ref[...])
    p = jnp.dot(hmid, w2_ref[...], preferred_element_type=jnp.float32)
    rows = i * GB + lax.broadcasted_iota(jnp.int32, (GB, 1), 0)
    o_ref[...] = jnp.where(rows < N_G, dinv * p, 0.0)


def _mid_call(acc, xs1, hist, W1, b1r, W2):
    grid = (NPAD // GB,)
    mid = W1.shape[1]
    return pl.pallas_call(
        _mid_body,
        grid=grid,
        in_specs=[
            pl.BlockSpec((1, GB, BATCH), lambda i: (0, i, 0)),
            pl.BlockSpec((1, GB, BATCH), lambda i: (1, i, 0)),
            pl.BlockSpec((GB, BATCH), lambda i: (i, 0)),
            pl.BlockSpec((1, GB, BATCH), lambda i: (0, i, 0)),
            pl.BlockSpec((1, GB, BATCH), lambda i: (1, i, 0)),
            pl.BlockSpec((BATCH, mid), lambda i: (0, 0)),
            pl.BlockSpec((1, mid), lambda i: (0, 0)),
            pl.BlockSpec((mid, BATCH), lambda i: (0, 0)),
        ],
        out_specs=pl.BlockSpec((GB, BATCH), lambda i: (i, 0)),
        out_shape=jax.ShapeDtypeStruct((NPAD, BATCH), jnp.float32),
    )(acc, acc, xs1, hist, hist, W1, b1r, W2)


FB = 2000


def _final1_body(a0_ref, a1_ref, xs_ref, h0_ref, h1_ref, b2_ref, w_ref,
                 db_ref, z_ref):
    i = pl.program_id(0)
    dinv = _dinv(h0_ref[0, :, 0:1], h1_ref[0, :, 0:1])
    hg = _celu(dinv * (a0_ref[0] + a1_ref[0] + xs_ref[...]) + b2_ref[...])
    zpart = lax.dot_general(hg, w_ref[...], (((0,), (0,)), ((), ())),
                            preferred_element_type=jnp.float32)

    @pl.when(i == 0)
    def _():
        z_ref[...] = jnp.zeros_like(z_ref)

    z_ref[...] += zpart

    @pl.when(i == (N_G // FB) - 1)
    def _():
        z_ref[...] += db_ref[...]


def _final1_call(acc, xs2, hist, b2r, dr_W, dr_br):
    grid = (N_G // FB,)
    td = dr_W.shape[1]
    return pl.pallas_call(
        _final1_body,
        grid=grid,
        in_specs=[
            pl.BlockSpec((1, FB, BATCH), lambda i: (0, i, 0)),
            pl.BlockSpec((1, FB, BATCH), lambda i: (1, i, 0)),
            pl.BlockSpec((FB, BATCH), lambda i: (i, 0)),
            pl.BlockSpec((1, FB, BATCH), lambda i: (0, i, 0)),
            pl.BlockSpec((1, FB, BATCH), lambda i: (1, i, 0)),
            pl.BlockSpec((1, BATCH), lambda i: (0, 0)),
            pl.BlockSpec((FB, td), lambda i: (i, 0)),
            pl.BlockSpec((1, td), lambda i: (0, 0)),
        ],
        out_specs=pl.BlockSpec((BATCH, td), lambda i: (0, 0)),
        out_shape=jax.ShapeDtypeStruct((BATCH, td), jnp.float32),
    )(acc, acc, xs2, hist, hist, b2r, dr_W, dr_br)


def _final2_body(z_ref, w1_ref, b1_ref, w2_ref, b2_ref, y_ref):
    t = _celu(jnp.dot(z_ref[...], w1_ref[...],
                      preferred_element_type=jnp.float32) + b1_ref[...])
    y_ref[...] = _celu(jnp.dot(t, w2_ref[...],
                               preferred_element_type=jnp.float32) + b2_ref[...])


FB2 = 2048


def _final2_call(z, r1_W, r1_br, r2_W, r2_br):
    grid = (NPAD // FB2,)
    td = z.shape[1]
    rm = r1_W.shape[1]
    r2_Wp = jnp.pad(r2_W, ((0, 0), (0, NPAD - N_G)))
    r2_brp = jnp.pad(r2_br, ((0, 0), (0, NPAD - N_G)))
    yp = pl.pallas_call(
        _final2_body,
        grid=grid,
        in_specs=[
            pl.BlockSpec((BATCH, td), lambda i: (0, 0)),
            pl.BlockSpec((td, rm), lambda i: (0, 0)),
            pl.BlockSpec((1, rm), lambda i: (0, 0)),
            pl.BlockSpec((rm, FB2), lambda i: (0, i)),
            pl.BlockSpec((1, FB2), lambda i: (0, i)),
        ],
        out_specs=pl.BlockSpec((BATCH, FB2), lambda i: (0, i)),
        out_shape=jax.ShapeDtypeStruct((BATCH, NPAD), jnp.float32),
    )(z, r1_W, r1_br, r2_Wp, r2_brp)
    return yp[:, :N_G]


def kernel(x, edge_index, W1, b1, W2, b2, dr_W, dr_b, r1_W, r1_b, r2_W, r2_b):
    xp = jnp.pad(x, ((0, 0), (0, NPAD - N_G)))
    pad_n = EPAD - N_EDGES
    pad_idx = jnp.full((pad_n,), N_G, jnp.int32)
    src_p = jnp.concatenate([edge_index[0], pad_idx]).reshape(NW, NCH, CHUNK)
    dst_p = jnp.concatenate([edge_index[1], pad_idx]).reshape(NW, NCH, CHUNK)

    hist = _hist_sc(dst_p)

    xs1 = _scale_call(xp, hist)
    acc1 = _agg_sc(xs1, src_p, dst_p)
    xs2 = _mid_call(acc1, xs1, hist, W1,
                    b1.reshape(1, -1), W2)
    acc2 = _agg_sc(xs2, src_p, dst_p)

    z = _final1_call(acc2, xs2, hist, b2.reshape(1, -1),
                     dr_W, dr_b.reshape(1, -1))
    y = _final2_call(z, r1_W, r1_b.reshape(1, -1), r2_W, r2_b.reshape(1, -1))
    return (z, y)

# --- scband reference (transcript-rebuilt; emitter-appended) ---
"""Pipeline reference for scband-gdr-88029649699073 (READ-ONLY COPY).

The authoritative reference and input builder live on the scoring server;
editing this copy changes nothing except your own understanding.
"""

import jax, jax.numpy as jnp
import numpy as np

N_GENES = 10000
BATCH = 128
MID = 2
TDIM = 256
N_EDGES = 320000


def _gcn_conv(x, edge_index, W, b):
    # Faithful GCNConv: x @ W, add self loops, symmetric deg normalization, scatter-add aggregate, + bias
    n = N_GENES
    h = x @ W
    src = edge_index[0]
    dst = edge_index[1]
    loop = jnp.arange(n, dtype=edge_index.dtype)
    src = jnp.concatenate([src, loop])
    dst = jnp.concatenate([dst, loop])
    ew = jnp.ones(src.shape[0], dtype=h.dtype)
    deg = jax.ops.segment_sum(ew, dst, num_segments=n)
    dinv = jnp.where(deg > 0, jax.lax.rsqrt(deg), 0.0)
    norm = dinv[src] * dinv[dst]
    msg = h[src] * norm[:, None]
    out = jax.ops.segment_sum(msg, dst, num_segments=n)
    return out + b


def setup_inputs(seed: int = 0):
    key = jax.random.key(seed)
    k = lambda i: jax.random.fold_in(key, i)
    x = jax.random.normal(k(0), (BATCH, N_GENES), dtype=jnp.float32)
    edge_index = jax.random.randint(k(1), (2, N_EDGES), 0, N_GENES, dtype=jnp.int32)

    def w(ki, fi, fo):
        return jax.random.normal(ki, (fi, fo), dtype=jnp.float32) / np.sqrt(fi).astype(np.float32)

    W1 = w(k(2), BATCH, MID * BATCH)
    b1 = jnp.zeros((MID * BATCH,), jnp.float32)
    W2 = w(k(3), MID * BATCH, BATCH)
    b2 = jnp.zeros((BATCH,), jnp.float32)
    dr_W = w(k(4), N_GENES, TDIM)
    dr_b = jnp.zeros((TDIM,), jnp.float32)
    r1_W = w(k(5), TDIM, MID * TDIM)
    r1_b = jnp.zeros((MID * TDIM,), jnp.float32)
    r2_W = w(k(6), MID * TDIM, N_GENES)
    r2_b = jnp.zeros((N_GENES,), jnp.float32)
    return {"x": x, "edge_index": edge_index, "W1": W1, "b1": b1, "W2": W2, "b2": b2,
            "dr_W": dr_W, "dr_b": dr_b, "r1_W": r1_W, "r1_b": r1_b, "r2_W": r2_W, "r2_b": r2_b}


def reference(x, edge_index, W1, b1, W2, b2, dr_W, dr_b, r1_W, r1_b, r2_W, r2_b):
    h = jnp.swapaxes(x, -1, -2)                 # [in_genes, batch]
    h = _gcn_conv(h, edge_index, W1, b1)        # [in_genes, mid*batch]
    h = jax.nn.celu(h)
    h = _gcn_conv(h, edge_index, W2, b2)        # [in_genes, batch]
    h = jnp.swapaxes(h, -1, -2)                 # [batch, in_genes]
    h = jax.nn.celu(h)                          # dr: CELU then Linear
    z = h @ dr_W + dr_b                         # [batch, target_dims]
    y = jax.nn.celu(z @ r1_W + r1_b)            # recon
    y = y @ r2_W + r2_b
    y = jax.nn.celu(y)                          # [batch, in_genes]
    return (z, y)

if __name__ == "__main__":
    import jax
    _d = setup_inputs()
    print(jax.jit(kernel)(*tuple(_d.values())))

</pallas_src>

<mosaic_0001>
#map = affine_map<(d0, d1) -> (0, 0)>
#map1 = affine_map<(d0, d1) -> (0, 0, 0)>
module attributes {stable_mosaic.version = 14 : i64} {
  func.func @_agg_sc(%arg0: i32, %arg1: i32, %arg2: memref<10240x128xf32, #tpu.memory_space<hbm>>, %arg3: memref<32x80x128xi32, #tpu.memory_space<hbm>>, %arg4: memref<32x80x128xi32, #tpu.memory_space<hbm>>, %arg5: memref<2x10240x128xf32, #tpu.memory_space<hbm>>, %arg6: memref<40x128xi32, #tpu.memory_space<vmem>>, %arg7: memref<40x128xi32, #tpu.memory_space<vmem>>, %arg8: memref<2x128x128xf32, #tpu.memory_space<vmem>>, %arg9: memref<10240x128xf32, #tpu.memory_space<vmem_shared>>, %arg10: memref<!tpu.dma_semaphore, #tpu.memory_space<semaphore_mem>>, %arg11: memref<!tpu.dma_semaphore, #tpu.memory_space<semaphore_mem>>) attributes {dimension_semantics = [#tpu.dimension_semantics<core_parallel>, #tpu.dimension_semantics<subcore_parallel>], iteration_bounds = array<i64: 2, 16>, scalar_prefetch = 0 : i64, scratch_operands = 6 : i64, tpu.core_type = #tpu.core_type<sc_vector_subcore>, window_params = [{transform_indices = #map}, {transform_indices = #map1}, {transform_indices = #map1}, {transform_indices = #map1}]} {
    %mul3A = arith.constant 16 : i32
    %mul3A_0 = arith.muli %arg0, %mul3A : i32
    %add3A = arith.addi %mul3A_0, %arg1 : i32
    %scan3A = arith.constant 0 : i32
    %scan3A_1 = arith.constant 0 : i32
    %scan3A_2 = arith.constant 128 : i32
    %scan3A_3 = arith.addi %scan3A_1, %scan3A_2 : i32
    %scan3A_4 = arith.constant 1 : i32
    scf.for %scan3A_118 = %scan3A_1 to %scan3A_3 step %scan3A_4  : i32 {
      %broadcast_in_dim3A = arith.constant 0.000000e+00 : f32
      %broadcast_in_dim3A_119 = vector.broadcast %broadcast_in_dim3A : f32 to vector<16xf32>
      %swap3A = arith.constant 0 : i32
      %swap3A_120 = arith.constant 0 : i32
      %swap3A_121 = tpu.memref_slice %arg8[%scan3A, %swap3A, %swap3A_120] : memref<2x128x128xf32, #tpu.memory_space<vmem>> -> memref<1x128x128xf32, #tpu.memory_space<vmem>>
      %swap3A_122 = tpu.memref_squeeze %swap3A_121 : memref<1x128x128xf32, #tpu.memory_space<vmem>> -> memref<128x128xf32, #tpu.memory_space<vmem>>
      %swap3A_123 = arith.index_cast %scan3A_118 : i32 to index
      %swap3A_124 = arith.constant 0 : index
      %swap3A_125 = tpu.vector_load %swap3A_122[%swap3A_123, %swap3A_124] {strides = array<i32>} : memref<128x128xf32, #tpu.memory_space<vmem>>, vector<1x16xf32>,
      %swap3A_126 = vector.shape_cast %swap3A_125 : vector<1x16xf32> to vector<16xf32>
      %swap3A_127 = vector.shape_cast %broadcast_in_dim3A_119 : vector<16xf32> to vector<1x16xf32>
      tpu.vector_store %swap3A_122[%swap3A_123, %swap3A_124], %swap3A_127 {strides = array<i32>} : memref<128x128xf32, #tpu.memory_space<vmem>>, vector<1x16xf32>,
      %broadcast_in_dim3A_128 = arith.constant 0.000000e+00 : f32
      %broadcast_in_dim3A_129 = vector.broadcast %broadcast_in_dim3A_128 : f32 to vector<16xf32>
      %swap3A_130 = arith.constant 0 : i32
      %swap3A_131 = arith.constant 0 : i32
      %swap3A_132 = tpu.memref_slice %arg8[%scan3A, %swap3A_130, %swap3A_131] : memref<2x128x128xf32, #tpu.memory_space<vmem>> -> memref<1x128x128xf32, #tpu.memory_space<vmem>>
      %swap3A_133 = tpu.memref_squeeze %swap3A_132 : memref<1x128x128xf32, #tpu.memory_space<vmem>> -> memref<128x128xf32, #tpu.memory_space<vmem>>
      %swap3A_134 = arith.index_cast %scan3A_118 : i32 to index
      %swap3A_135 = arith.constant 16 : index
      %swap3A_136 = tpu.vector_load %swap3A_133[%swap3A_134, %swap3A_135] {strides = array<i32>} : memref<128x128xf32, #tpu.memory_space<vmem>>, vector<1x16xf32>,
      %swap3A_137 = vector.shape_cast %swap3A_136 : vector<1x16xf32> to vector<16xf32>
      %swap3A_138 = vector.shape_cast %broadcast_in_dim3A_129 : vector<16xf32> to vector<1x16xf32>
      tpu.vector_store %swap3A_133[%swap3A_134, %swap3A_135], %swap3A_138 {strides = array<i32>} : memref<128x128xf32, #tpu.memory_space<vmem>>, vector<1x16xf32>,
      %broadcast_in_dim3A_139 = arith.constant 0.000000e+00 : f32
      %broadcast_in_dim3A_140 = vector.broadcast %broadcast_in_dim3A_139 : f32 to vector<16xf32>
      %swap3A_141 = arith.constant 0 : i32
      %swap3A_142 = arith.constant 0 : i32
      %swap3A_143 = tpu.memref_slice %arg8[%scan3A, %swap3A_141, %swap3A_142] : memref<2x128x128xf32, #tpu.memory_space<vmem>> -> memref<1x128x128xf32, #tpu.memory_space<vmem>>
      %swap3A_144 = tpu.memref_squeeze %swap3A_143 : memref<1x128x128xf32, #tpu.memory_space<vmem>> -> memref<128x128xf32, #tpu.memory_space<vmem>>
      %swap3A_145 = arith.index_cast %scan3A_118 : i32 to index
      %swap3A_146 = arith.constant 32 : index
      %swap3A_147 = tpu.vector_load %swap3A_144[%swap3A_145, %swap3A_146] {strides = array<i32>} : memref<128x128xf32, #tpu.memory_space<vmem>>, vector<1x16xf32>,
      %swap3A_148 = vector.shape_cast %swap3A_147 : vector<1x16xf32> to vector<16xf32>
      %swap3A_149 = vector.shape_cast %broadcast_in_dim3A_140 : vector<16xf32> to vector<1x16xf32>
      tpu.vector_store %swap3A_144[%swap3A_145, %swap3A_146], %swap3A_149 {strides = array<i32>} : memref<128x128xf32, #tpu.memory_space<vmem>>, vector<1x16xf32>,
      %broadcast_in_dim3A_150 = arith.constant 0.000000e+00 : f32
      %broadcast_in_dim3A_151 = vector.broadcast %broadcast_in_dim3A_150 : f32 to vector<16xf32>
      %swap3A_152 = arith.constant 0 : i32
      %swap3A_153 = arith.constant 0 : i32
      %swap3A_154 = tpu.memref_slice %arg8[%scan3A, %swap3A_152, %swap3A_153] : memref<2x128x128xf32, #tpu.memory_space<vmem>> -> memref<1x128x128xf32, #tpu.memory_space<vmem>>
      %swap3A_155 = tpu.memref_squeeze %swap3A_154 : memref<1x128x128xf32, #tpu.memory_space<vmem>> -> memref<128x128xf32, #tpu.memory_space<vmem>>
      %swap3A_156 = arith.index_cast %scan3A_118 : i32 to index
      %swap3A_157 = arith.constant 48 : index
      %swap3A_158 = tpu.vector_load %swap3A_155[%swap3A_156, %swap3A_157] {strides = array<i32>} : memref<128x128xf32, #tpu.memory_space<vmem>>, vector<1x16xf32>,
      %swap3A_159 = vector.shape_cast %swap3A_158 : vector<1x16xf32> to vector<16xf32>
      %swap3A_160 = vector.shape_cast %broadcast_in_dim3A_151 : vector<16xf32> to vector<1x16xf32>
      tpu.vector_store %swap3A_155[%swap3A_156, %swap3A_157], %swap3A_160 {strides = array<i32>} : memref<128x128xf32, #tpu.memory_space<vmem>>, vector<1x16xf32>,
      %broadcast_in_dim3A_161 = arith.constant 0.000000e+00 : f32
      %broadcast_in_dim3A_162 = vector.broadcast %broadcast_in_dim3A_161 : f32 to vector<16xf32>
      %swap3A_163 = arith.constant 0 : i32
      %swap3A_164 = arith.constant 0 : i32
      %swap3A_165 = tpu.memref_slice %arg8[%scan3A, %swap3A_163, %swap3A_164] : memref<2x128x128xf32, #tpu.memory_space<vmem>> -> memref<1x128x128xf32, #tpu.memory_space<vmem>>
      %swap3A_166 = tpu.memref_squeeze %swap3A_165 : memref<1x128x128xf32, #tpu.memory_space<vmem>> -> memref<128x128xf32, #tpu.memory_space<vmem>>
      %swap3A_167 = arith.index_cast %scan3A_118 : i32 to index
      %swap3A_168 = arith.constant 64 : index
      %swap3A_169 = tpu.vector_load %swap3A_166[%swap3A_167, %swap3A_168] {strides = array<i32>} : memref<128x128xf32, #tpu.memory_space<vmem>>, vector<1x16xf32>,
      %swap3A_170 = vector.shape_cast %swap3A_169 : vector<1x16xf32> to vector<16xf32>
      %swap3A_171 = vector.shape_cast %broadcast_in_dim3A_162 : vector<16xf32> to vector<1x16xf32>
      tpu.vector_store %swap3A_166[%swap3A_167, %swap3A_168], %swap3A_171 {strides = array<i32>} : memref<128x128xf32, #tpu.memory_space<vmem>>, vector<1x16xf32>,
      %broadcast_in_dim3A_172 = arith.constant 0.000000e+00 : f32
      %broadcast_in_dim3A_173 = vector.broadcast %broadcast_in_dim3A_172 : f32 to vector<16xf32>
      %swap3A_174 = arith.constant 0 : i32
      %swap3A_175 = arith.constant 0 : i32
      %swap3A_176 = tpu.memref_slice %arg8[%scan3A, %swap3A_174, %swap3A_175] : memref<2x128x128xf32, #tpu.memory_space<vmem>> -> memref<1x128x128xf32, #tpu.memory_space<vmem>>
      %swap3A_177 = tpu.memref_squeeze %swap3A_176 : memref<1x128x128xf32, #tpu.memory_space<vmem>> -> memref<128x128xf32, #tpu.memory_space<vmem>>
      %swap3A_178 = arith.index_cast %scan3A_118 : i32 to index
      %swap3A_179 = arith.constant 80 : index
      %swap3A_180 = tpu.vector_load %swap3A_177[%swap3A_178, %swap3A_179] {strides = array<i32>} : memref<128x128xf32, #tpu.memory_space<vmem>>, vector<1x16xf32>,
      %swap3A_181 = vector.shape_cast %swap3A_180 : vector<1x16xf32> to vector<16xf32>
      %swap3A_182 = vector.shape_cast %broadcast_in_dim3A_173 : vector<16xf32> to vector<1x16xf32>
      tpu.vector_store %swap3A_177[%swap3A_178, %swap3A_179], %swap3A_182 {strides = array<i32>} : memref<128x128xf32, #tpu.memory_space<vmem>>, vector<1x16xf32>,
      %broadcast_in_dim3A_183 = arith.constant 0.000000e+00 : f32
      %broadcast_in_dim3A_184 = vector.broadcast %broadcast_in_dim3A_183 : f32 to vector<16xf32>
      %swap3A_185 = arith.constant 0 : i32
      %swap3A_186 = arith.constant 0 : i32
      %swap3A_187 = tpu.memref_slice %arg8[%scan3A, %swap3A_185, %swap3A_186] : memref<2x128x128xf32, #tpu.memory_space<vmem>> -> memref<1x128x128xf32, #tpu.memory_space<vmem>>
      %swap3A_188 = tpu.memref_squeeze %swap3A_187 : memref<1x128x128xf32, #tpu.memory_space<vmem>> -> memref<128x128xf32, #tpu.memory_space<vmem>>
      %swap3A_189 = arith.index_cast %scan3A_118 : i32 to index
      %swap3A_190 = arith.constant 96 : index
      %swap3A_191 = tpu.vector_load %swap3A_188[%swap3A_189, %swap3A_190] {strides = array<i32>} : memref<128x128xf32, #tpu.memory_space<vmem>>, vector<1x16xf32>,
      %swap3A_192 = vector.shape_cast %swap3A_191 : vector<1x16xf32> to vector<16xf32>
      %swap3A_193 = vector.shape_cast %broadcast_in_dim3A_184 : vector<16xf32> to vector<1x16xf32>
      tpu.vector_store %swap3A_188[%swap3A_189, %swap3A_190], %swap3A_193 {strides = array<i32>} : memref<128x128xf32, #tpu.memory_space<vmem>>, vector<1x16xf32>,
      %broadcast_in_dim3A_194 = arith.constant 0.000000e+00 : f32
      %broadcast_in_dim3A_195 = vector.broadcast %broadcast_in_dim3A_194 : f32 to vector<16xf32>
      %swap3A_196 = arith.constant 0 : i32
      %swap3A_197 = arith.constant 0 : i32
      %swap3A_198 = tpu.memref_slice %arg8[%scan3A, %swap3A_196, %swap3A_197] : memref<2x128x128xf32, #tpu.memory_space<vmem>> -> memref<1x128x128xf32, #tpu.memory_space<vmem>>
      %swap3A_199 = tpu.memref_squeeze %swap3A_198 : memref<1x128x128xf32, #tpu.memory_space<vmem>> -> memref<128x128xf32, #tpu.memory_space<vmem>>
      %swap3A_200 = arith.index_cast %scan3A_118 : i32 to index
      %swap3A_201 = arith.constant 112 : index
      %swap3A_202 = tpu.vector_load %swap3A_199[%swap3A_200, %swap3A_201] {strides = array<i32>} : memref<128x128xf32, #tpu.memory_space<vmem>>, vector<1x16xf32>,
      %swap3A_203 = vector.shape_cast %swap3A_202 : vector<1x16xf32> to vector<16xf32>
      %swap3A_204 = vector.shape_cast %broadcast_in_dim3A_195 : vector<16xf32> to vector<1x16xf32>
      tpu.vector_store %swap3A_199[%swap3A_200, %swap3A_201], %swap3A_204 {strides = array<i32>} : memref<128x128xf32, #tpu.memory_space<vmem>>, vector<1x16xf32>,
    }
    %scan3A_5 = arith.constant 128 : i32
    %mul3A_6 = arith.constant 640 : i32
    %mul3A_7 = arith.muli %arg1, %mul3A_6 : i32
    %add3A_8 = arith.constant 0 : i32
    %add3A_9 = arith.addi %mul3A_7, %add3A_8 : i32
    %run_scoped3A = arith.constant 0 : i32
    "tpu.region"() ({
      %run_scoped3A_118 = tpu.sem_alloc : memref<!tpu.dma_semaphore, #tpu.memory_space<semaphore_mem>>
      %dma_start3A_119 = arith.constant 0 : i32
      %dma_start3A_120 = arith.constant 0 : i32
      %dma_start3A_121 = tpu.memref_slice %arg8[%run_scoped3A, %dma_start3A_119, %dma_start3A_120] : memref<2x128x128xf32, #tpu.memory_space<vmem>> -> memref<1x128x128xf32, #tpu.memory_space<vmem>>
      %dma_start3A_122 = tpu.memref_squeeze %dma_start3A_121 : memref<1x128x128xf32, #tpu.memory_space<vmem>> -> memref<128x128xf32, #tpu.memory_space<vmem>>
      %dma_start3A_123 = arith.constant 0 : i32
      %dma_start3A_124 = tpu.memref_slice %arg9[%add3A_9, %dma_start3A_123] : memref<10240x128xf32, #tpu.memory_space<vmem_shared>> -> memref<128x128xf32, #tpu.memory_space<vmem_shared>>
      %dma_start3A_125 = arith.constant 0 : i32
      %dma_start3A_126 = tpu.memref_slice %arg9[%add3A_9, %dma_start3A_125] : memref<10240x128xf32, #tpu.memory_space<vmem_shared>> -> memref<128x128xf32, #tpu.memory_space<vmem_shared>>
      %dma_start3A_127 = arith.constant 0 : i32
      %dma_start3A_128 = arith.constant 0 : i32
      %dma_start3A_129 = tpu.memref_slice %arg8[%run_scoped3A, %dma_start3A_127, %dma_start3A_128] : memref<2x128x128xf32, #tpu.memory_space<vmem>> -> memref<1x128x128xf32, #tpu.memory_space<vmem>>
      %dma_start3A_130 = tpu.memref_squeeze %dma_start3A_129 : memref<1x128x128xf32, #tpu.memory_space<vmem>> -> memref<128x128xf32, #tpu.memory_space<vmem>>
      tpu.enqueue_dma source(%dma_start3A_130 : memref<128x128xf32, #tpu.memory_space<vmem>>) target(%dma_start3A_126 : memref<128x128xf32, #tpu.memory_space<vmem_shared>>) target_semaphore(%run_scoped3A_118 : memref<!tpu.dma_semaphore, #tpu.memory_space<semaphore_mem>>)
      %dma_wait3A = arith.constant 0 : i32
      %dma_wait3A_131 = arith.constant 0 : i32
      %dma_wait3A_132 = tpu.memref_slice %arg8[%run_scoped3A, %dma_wait3A, %dma_wait3A_131] : memref<2x128x128xf32, #tpu.memory_space<vmem>> -> memref<1x128x128xf32, #tpu.memory_space<vmem>>
      %dma_wait3A_133 = tpu.memref_squeeze %dma_wait3A_132 : memref<1x128x128xf32, #tpu.memory_space<vmem>> -> memref<128x128xf32, #tpu.memory_space<vmem>>
      %dma_wait3A_134 = arith.constant 0 : i32
      %dma_wait3A_135 = tpu.memref_slice %arg9[%add3A_9, %dma_wait3A_134] : memref<10240x128xf32, #tpu.memory_space<vmem_shared>> -> memref<128x128xf32, #tpu.memory_space<vmem_shared>>
      %dma_wait3A_136 = arith.constant 0 : i32
      %dma_wait3A_137 = tpu.memref_slice %arg9[%add3A_9, %dma_wait3A_136] : memref<10240x128xf32, #tpu.memory_space<vmem_shared>> -> memref<128x128xf32, #tpu.memory_space<vmem_shared>>
      %dma_wait3A_138 = arith.constant 0 : i32
      %dma_wait3A_139 = arith.constant 0 : i32
      %dma_wait3A_140 = tpu.memref_slice %arg8[%run_scoped3A, %dma_wait3A_138, %dma_wait3A_139] : memref<2x128x128xf32, #tpu.memory_space<vmem>> -> memref<1x128x128xf32, #tpu.memory_space<vmem>>
      %dma_wait3A_141 = tpu.memref_squeeze %dma_wait3A_140 : memref<1x128x128xf32, #tpu.memory_space<vmem>> -> memref<128x128xf32, #tpu.memory_space<vmem>>
      tpu.wait_dma2 semaphore(%run_scoped3A_118 : memref<!tpu.dma_semaphore, #tpu.memory_space<semaphore_mem>>) src(%dma_wait3A_141 : memref<128x128xf32, #tpu.memory_space<vmem>>) dst(%dma_wait3A_137 : memref<128x128xf32, #tpu.memory_space<vmem_shared>>)
      tpu.yield
    }) : () -> ()
    %mul3A_10 = arith.constant 640 : i32
    %mul3A_11 = arith.muli %arg1, %mul3A_10 : i32
    %add3A_12 = arith.constant 128 : i32
    %add3A_13 = arith.addi %mul3A_11, %add3A_12 : i32
    %run_scoped3A_14 = arith.constant 0 : i32
    "tpu.region"() ({
      %run_scoped3A_118 = tpu.sem_alloc : memref<!tpu.dma_semaphore, #tpu.memory_space<semaphore_mem>>
      %dma_start3A_119 = arith.constant 0 : i32
      %dma_start3A_120 = arith.constant 0 : i32
      %dma_start3A_121 = tpu.memref_slice %arg8[%run_scoped3A_14, %dma_start3A_119, %dma_start3A_120] : memref<2x128x128xf32, #tpu.memory_space<vmem>> -> memref<1x128x128xf32, #tpu.memory_space<vmem>>
      %dma_start3A_122 = tpu.memref_squeeze %dma_start3A_121 : memref<1x128x128xf32, #tpu.memory_space<vmem>> -> memref<128x128xf32, #tpu.memory_space<vmem>>
      %dma_start3A_123 = arith.constant 0 : i32
      %dma_start3A_124 = tpu.memref_slice %arg9[%add3A_13, %dma_start3A_123] : memref<10240x128xf32, #tpu.memory_space<vmem_shared>> -> memref<128x128xf32, #tpu.memory_space<vmem_shared>>
      %dma_start3A_125 = arith.constant 0 : i32
      %dma_start3A_126 = tpu.memref_slice %arg9[%add3A_13, %dma_start3A_125] : memref<10240x128xf32, #tpu.memory_space<vmem_shared>> -> memref<128x128xf32, #tpu.memory_space<vmem_shared>>
      %dma_start3A_127 = arith.constant 0 : i32
      %dma_start3A_128 = arith.constant 0 : i32
      %dma_start3A_129 = tpu.memref_slice %arg8[%run_scoped3A_14, %dma_start3A_127, %dma_start3A_128] : memref<2x128x128xf32, #tpu.memory_space<vmem>> -> memref<1x128x128xf32, #tpu.memory_space<vmem>>
      %dma_start3A_130 = tpu.memref_squeeze %dma_start3A_129 : memref<1x128x128xf32, #tpu.memory_space<vmem>> -> memref<128x128xf32, #tpu.memory_space<vmem>>
      tpu.enqueue_dma source(%dma_start3A_130 : memref<128x128xf32, #tpu.memory_space<vmem>>) target(%dma_start3A_126 : memref<128x128xf32, #tpu.memory_space<vmem_shared>>) target_semaphore(%run_scoped3A_118 : memref<!tpu.dma_semaphore, #tpu.memory_space<semaphore_mem>>)
      %dma_wait3A = arith.constant 0 : i32
      %dma_wait3A_131 = arith.constant 0 : i32
      %dma_wait3A_132 = tpu.memref_slice %arg8[%run_scoped3A_14, %dma_wait3A, %dma_wait3A_131] : memref<2x128x128xf32, #tpu.memory_space<vmem>> -> memref<1x128x128xf32, #tpu.memory_space<vmem>>
      %dma_wait3A_133 = tpu.memref_squeeze %dma_wait3A_132 : memref<1x128x128xf32, #tpu.memory_space<vmem>> -> memref<128x128xf32, #tpu.memory_space<vmem>>
      %dma_wait3A_134 = arith.constant 0 : i32
      %dma_wait3A_135 = tpu.memref_slice %arg9[%add3A_13, %dma_wait3A_134] : memref<10240x128xf32, #tpu.memory_space<vmem_shared>> -> memref<128x128xf32, #tpu.memory_space<vmem_shared>>
      %dma_wait3A_136 = arith.constant 0 : i32
      %dma_wait3A_137 = tpu.memref_slice %arg9[%add3A_13, %dma_wait3A_136] : memref<10240x128xf32, #tpu.memory_space<vmem_shared>> -> memref<128x128xf32, #tpu.memory_space<vmem_shared>>
      %dma_wait3A_138 = arith.constant 0 : i32
      %dma_wait3A_139 = arith.constant 0 : i32
      %dma_wait3A_140 = tpu.memref_slice %arg8[%run_scoped3A_14, %dma_wait3A_138, %dma_wait3A_139] : memref<2x128x128xf32, #tpu.memory_space<vmem>> -> memref<1x128x128xf32, #tpu.memory_space<vmem>>
      %dma_wait3A_141 = tpu.memref_squeeze %dma_wait3A_140 : memref<1x128x128xf32, #tpu.memory_space<vmem>> -> memref<128x128xf32, #tpu.memory_space<vmem>>
      tpu.wait_dma2 semaphore(%run_scoped3A_118 : memref<!tpu.dma_semaphore, #tpu.memory_space<semaphore_mem>>) src(%dma_wait3A_141 : memref<128x128xf32, #tpu.memory_space<vmem>>) dst(%dma_wait3A_137 : memref<128x128xf32, #tpu.memory_space<vmem_shared>>)
      tpu.yield
    }) : () -> ()
    %mul3A_15 = arith.constant 640 : i32
    %mul3A_16 = arith.muli %arg1, %mul3A_15 : i32
    %add3A_17 = arith.constant 256 : i32
    %add3A_18 = arith.addi %mul3A_16, %add3A_17 : i32
    %run_scoped3A_19 = arith.constant 0 : i32
    "tpu.region"() ({
      %run_scoped3A_118 = tpu.sem_alloc : memref<!tpu.dma_semaphore, #tpu.memory_space<semaphore_mem>>
      %dma_start3A_119 = arith.constant 0 : i32
      %dma_start3A_120 = arith.constant 0 : i32
      %dma_start3A_121 = tpu.memref_slice %arg8[%run_scoped3A_19, %dma_start3A_119, %dma_start3A_120] : memref<2x128x128xf32, #tpu.memory_space<vmem>> -> memref<1x128x128xf32, #tpu.memory_space<vmem>>
      %dma_start3A_122 = tpu.memref_squeeze %dma_start3A_121 : memref<1x128x128xf32, #tpu.memory_space<vmem>> -> memref<128x128xf32, #tpu.memory_space<vmem>>
      %dma_start3A_123 = arith.constant 0 : i32
      %dma_start3A_124 = tpu.memref_slice %arg9[%add3A_18, %dma_start3A_123] : memref<10240x128xf32, #tpu.memory_space<vmem_shared>> -> memref<128x128xf32, #tpu.memory_space<vmem_shared>>
      %dma_start3A_125 = arith.constant 0 : i32
      %dma_start3A_126 = tpu.memref_slice %arg9[%add3A_18, %dma_start3A_125] : memref<10240x128xf32, #tpu.memory_space<vmem_shared>> -> memref<128x128xf32, #tpu.memory_space<vmem_shared>>
      %dma_start3A_127 = arith.constant 0 : i32
      %dma_start3A_128 = arith.constant 0 : i32
      %dma_start3A_129 = tpu.memref_slice %arg8[%run_scoped3A_19, %dma_start3A_127, %dma_start3A_128] : memref<2x128x128xf32, #tpu.memory_space<vmem>> -> memref<1x128x128xf32, #tpu.memory_space<vmem>>
      %dma_start3A_130 = tpu.memref_squeeze %dma_start3A_129 : memref<1x128x128xf32, #tpu.memory_space<vmem>> -> memref<128x128xf32, #tpu.memory_space<vmem>>
      tpu.enqueue_dma source(%dma_start3A_130 : memref<128x128xf32, #tpu.memory_space<vmem>>) target(%dma_start3A_126 : memref<128x128xf32, #tpu.memory_space<vmem_shared>>) target_semaphore(%run_scoped3A_118 : memref<!tpu.dma_semaphore, #tpu.memory_space<semaphore_mem>>)
      %dma_wait3A = arith.constant 0 : i32
      %dma_wait3A_131 = arith.constant 0 : i32
      %dma_wait3A_132 = tpu.memref_slice %arg8[%run_scoped3A_19, %dma_wait3A, %dma_wait3A_131] : memref<2x128x128xf32, #tpu.memory_space<vmem>> -> memref<1x128x128xf32, #tpu.memory_space<vmem>>
      %dma_wait3A_133 = tpu.memref_squeeze %dma_wait3A_132 : memref<1x128x128xf32, #tpu.memory_space<vmem>> -> memref<128x128xf32, #tpu.memory_space<vmem>>
      %dma_wait3A_134 = arith.constant 0 : i32
      %dma_wait3A_135 = tpu.memref_slice %arg9[%add3A_18, %dma_wait3A_134] : memref<10240x128xf32, #tpu.memory_space<vmem_shared>> -> memref<128x128xf32, #tpu.memory_space<vmem_shared>>
      %dma_wait3A_136 = arith.constant 0 : i32
      %dma_wait3A_137 = tpu.memref_slice %arg9[%add3A_18, %dma_wait3A_136] : memref<10240x128xf32, #tpu.memory_space<vmem_shared>> -> memref<128x128xf32, #tpu.memory_space<vmem_shared>>
      %dma_wait3A_138 = arith.constant 0 : i32
      %dma_wait3A_139 = arith.constant 0 : i32
      %dma_wait3A_140 = tpu.memref_slice %arg8[%run_scoped3A_19, %dma_wait3A_138, %dma_wait3A_139] : memref<2x128x128xf32, #tpu.memory_space<vmem>> -> memref<1x128x128xf32, #tpu.memory_space<vmem>>
      %dma_wait3A_141 = tpu.memref_squeeze %dma_wait3A_140 : memref<1x128x128xf32, #tpu.memory_space<vmem>> -> memref<128x128xf32, #tpu.memory_space<vmem>>
      tpu.wait_dma2 semaphore(%run_scoped3A_118 : memref<!tpu.dma_semaphore, #tpu.memory_space<semaphore_mem>>) src(%dma_wait3A_141 : memref<128x128xf32, #tpu.memory_space<vmem>>) dst(%dma_wait3A_137 : memref<128x128xf32, #tpu.memory_space<vmem_shared>>)
      tpu.yield
    }) : () -> ()
    %mul3A_20 = arith.constant 640 : i32
    %mul3A_21 = arith.muli %arg1, %mul3A_20 : i32
    %add3A_22 = arith.constant 384 : i32
    %add3A_23 = arith.addi %mul3A_21, %add3A_22 : i32
    %run_scoped3A_24 = arith.constant 0 : i32
    "tpu.region"() ({
      %run_scoped3A_118 = tpu.sem_alloc : memref<!tpu.dma_semaphore, #tpu.memory_space<semaphore_mem>>
      %dma_start3A_119 = arith.constant 0 : i32
      %dma_start3A_120 = arith.constant 0 : i32
      %dma_start3A_121 = tpu.memref_slice %arg8[%run_scoped3A_24, %dma_start3A_119, %dma_start3A_120] : memref<2x128x128xf32, #tpu.memory_space<vmem>> -> memref<1x128x128xf32, #tpu.memory_space<vmem>>
      %dma_start3A_122 = tpu.memref_squeeze %dma_start3A_121 : memref<1x128x128xf32, #tpu.memory_space<vmem>> -> memref<128x128xf32, #tpu.memory_space<vmem>>
      %dma_start3A_123 = arith.constant 0 : i32
      %dma_start3A_124 = tpu.memref_slice %arg9[%add3A_23, %dma_start3A_123] : memref<10240x128xf32, #tpu.memory_space<vmem_shared>> -> memref<128x128xf32, #tpu.memory_space<vmem_shared>>
      %dma_start3A_125 = arith.constant 0 : i32
      %dma_start3A_126 = tpu.memref_slice %arg9[%add3A_23, %dma_start3A_125] : memref<10240x128xf32, #tpu.memory_space<vmem_shared>> -> memref<128x128xf32, #tpu.memory_space<vmem_shared>>
      %dma_start3A_127 = arith.constant 0 : i32
      %dma_start3A_128 = arith.constant 0 : i32
      %dma_start3A_129 = tpu.memref_slice %arg8[%run_scoped3A_24, %dma_start3A_127, %dma_start3A_128] : memref<2x128x128xf32, #tpu.memory_space<vmem>> -> memref<1x128x128xf32, #tpu.memory_space<vmem>>
      %dma_start3A_130 = tpu.memref_squeeze %dma_start3A_129 : memref<1x128x128xf32, #tpu.memory_space<vmem>> -> memref<128x128xf32, #tpu.memory_space<vmem>>
      tpu.enqueue_dma source(%dma_start3A_130 : memref<128x128xf32, #tpu.memory_space<vmem>>) target(%dma_start3A_126 : memref<128x128xf32, #tpu.memory_space<vmem_shared>>) target_semaphore(%run_scoped3A_118 : memref<!tpu.dma_semaphore, #tpu.memory_space<semaphore_mem>>)
      %dma_wait3A = arith.constant 0 : i32
      %dma_wait3A_131 = arith.constant 0 : i32
      %dma_wait3A_132 = tpu.memref_slice %arg8[%run_scoped3A_24, %dma_wait3A, %dma_wait3A_131] : memref<2x128x128xf32, #tpu.memory_space<vmem>> -> memref<1x128x128xf32, #tpu.memory_space<vmem>>
      %dma_wait3A_133 = tpu.memref_squeeze %dma_wait3A_132 : memref<1x128x128xf32, #tpu.memory_space<vmem>> -> memref<128x128xf32, #tpu.memory_space<vmem>>
      %dma_wait3A_134 = arith.constant 0 : i32
      %dma_wait3A_135 = tpu.memref_slice %arg9[%add3A_23, %dma_wait3A_134] : memref<10240x128xf32, #tpu.memory_space<vmem_shared>> -> memref<128x128xf32, #tpu.memory_space<vmem_shared>>
      %dma_wait3A_136 = arith.constant 0 : i32
      %dma_wait3A_137 = tpu.memref_slice %arg9[%add3A_23, %dma_wait3A_136] : memref<10240x128xf32, #tpu.memory_space<vmem_shared>> -> memref<128x128xf32, #tpu.memory_space<vmem_shared>>
      %dma_wait3A_138 = arith.constant 0 : i32
      %dma_wait3A_139 = arith.constant 0 : i32
      %dma_wait3A_140 = tpu.memref_slice %arg8[%run_scoped3A_24, %dma_wait3A_138, %dma_wait3A_139] : memref<2x128x128xf32, #tpu.memory_space<vmem>> -> memref<1x128x128xf32, #tpu.memory_space<vmem>>
      %dma_wait3A_141 = tpu.memref_squeeze %dma_wait3A_140 : memref<1x128x128xf32, #tpu.memory_space<vmem>> -> memref<128x128xf32, #tpu.memory_space<vmem>>
      tpu.wait_dma2 semaphore(%run_scoped3A_118 : memref<!tpu.dma_semaphore, #tpu.memory_space<semaphore_mem>>) src(%dma_wait3A_141 : memref<128x128xf32, #tpu.memory_space<vmem>>) dst(%dma_wait3A_137 : memref<128x128xf32, #tpu.memory_space<vmem_shared>>)
      tpu.yield
    }) : () -> ()
    %mul3A_25 = arith.constant 640 : i32
    %mul3A_26 = arith.muli %arg1, %mul3A_25 : i32
    %add3A_27 = arith.constant 512 : i32
    %add3A_28 = arith.addi %mul3A_26, %add3A_27 : i32
    %run_scoped3A_29 = arith.constant 0 : i32
    "tpu.region"() ({
      %run_scoped3A_118 = tpu.sem_alloc : memref<!tpu.dma_semaphore, #tpu.memory_space<semaphore_mem>>
      %dma_start3A_119 = arith.constant 0 : i32
      %dma_start3A_120 = arith.constant 0 : i32
      %dma_start3A_121 = tpu.memref_slice %arg8[%run_scoped3A_29, %dma_start3A_119, %dma_start3A_120] : memref<2x128x128xf32, #tpu.memory_space<vmem>> -> memref<1x128x128xf32, #tpu.memory_space<vmem>>
      %dma_start3A_122 = tpu.memref_squeeze %dma_start3A_121 : memref<1x128x128xf32, #tpu.memory_space<vmem>> -> memref<128x128xf32, #tpu.memory_space<vmem>>
      %dma_start3A_123 = arith.constant 0 : i32
      %dma_start3A_124 = tpu.memref_slice %arg9[%add3A_28, %dma_start3A_123] : memref<10240x128xf32, #tpu.memory_space<vmem_shared>> -> memref<128x128xf32, #tpu.memory_space<vmem_shared>>
      %dma_start3A_125 = arith.constant 0 : i32
      %dma_start3A_126 = tpu.memref_slice %arg9[%add3A_28, %dma_start3A_125] : memref<10240x128xf32, #tpu.memory_space<vmem_shared>> -> memref<128x128xf32, #tpu.memory_space<vmem_shared>>
      %dma_start3A_127 = arith.constant 0 : i32
      %dma_start3A_128 = arith.constant 0 : i32
      %dma_start3A_129 = tpu.memref_slice %arg8[%run_scoped3A_29, %dma_start3A_127, %dma_start3A_128] : memref<2x128x128xf32, #tpu.memory_space<vmem>> -> memref<1x128x128xf32, #tpu.memory_space<vmem>>
      %dma_start3A_130 = tpu.memref_squeeze %dma_start3A_129 : memref<1x128x128xf32, #tpu.memory_space<vmem>> -> memref<128x128xf32, #tpu.memory_space<vmem>>
      tpu.enqueue_dma source(%dma_start3A_130 : memref<128x128xf32, #tpu.memory_space<vmem>>) target(%dma_start3A_126 : memref<128x128xf32, #tpu.memory_space<vmem_shared>>) target_semaphore(%run_scoped3A_118 : memref<!tpu.dma_semaphore, #tpu.memory_space<semaphore_mem>>)
      %dma_wait3A = arith.constant 0 : i32
      %dma_wait3A_131 = arith.constant 0 : i32
      %dma_wait3A_132 = tpu.memref_slice %arg8[%run_scoped3A_29, %dma_wait3A, %dma_wait3A_131] : memref<2x128x128xf32, #tpu.memory_space<vmem>> -> memref<1x128x128xf32, #tpu.memory_space<vmem>>
      %dma_wait3A_133 = tpu.memref_squeeze %dma_wait3A_132 : memref<1x128x128xf32, #tpu.memory_space<vmem>> -> memref<128x128xf32, #tpu.memory_space<vmem>>
      %dma_wait3A_134 = arith.constant 0 : i32
      %dma_wait3A_135 = tpu.memref_slice %arg9[%add3A_28, %dma_wait3A_134] : memref<10240x128xf32, #tpu.memory_space<vmem_shared>> -> memref<128x128xf32, #tpu.memory_space<vmem_shared>>
      %dma_wait3A_136 = arith.constant 0 : i32
      %dma_wait3A_137 = tpu.memref_slice %arg9[%add3A_28, %dma_wait3A_136] : memref<10240x128xf32, #tpu.memory_space<vmem_shared>> -> memref<128x128xf32, #tpu.memory_space<vmem_shared>>
      %dma_wait3A_138 = arith.constant 0 : i32
      %dma_wait3A_139 = arith.constant 0 : i32
      %dma_wait3A_140 = tpu.memref_slice %arg8[%run_scoped3A_29, %dma_wait3A_138, %dma_wait3A_139] : memref<2x128x128xf32, #tpu.memory_space<vmem>> -> memref<1x128x128xf32, #tpu.memory_space<vmem>>
      %dma_wait3A_141 = tpu.memref_squeeze %dma_wait3A_140 : memref<1x128x128xf32, #tpu.memory_space<vmem>> -> memref<128x128xf32, #tpu.memory_space<vmem>>
      tpu.wait_dma2 semaphore(%run_scoped3A_118 : memref<!tpu.dma_semaphore, #tpu.memory_space<semaphore_mem>>) src(%dma_wait3A_141 : memref<128x128xf32, #tpu.memory_space<vmem>>) dst(%dma_wait3A_137 : memref<128x128xf32, #tpu.memory_space<vmem_shared>>)
      tpu.yield
    }) : () -> ()
    %barrier3A = arith.constant 0 : index
    tpu.barrier barrier_id(%barrier3A)
    "tpu.region"() ({
      %run_scoped3A_118 = tpu.sem_alloc : memref<!tpu.dma_semaphore, #tpu.memory_space<semaphore_mem>>
      %dma_start3A_119 = arith.constant 0 : i32
      %dma_start3A_120 = arith.constant 0 : i32
      %dma_start3A_121 = tpu.memref_slice %arg3[%add3A, %dma_start3A_119, %dma_start3A_120] : memref<32x80x128xi32, #tpu.memory_space<hbm>> -> memref<1x40x128xi32, #tpu.memory_space<hbm>>
      %dma_start3A_122 = tpu.memref_squeeze %dma_start3A_121 : memref<1x40x128xi32, #tpu.memory_space<hbm>> -> memref<40x128xi32, #tpu.memory_space<hbm>>
      %dma_start3A_123 = arith.constant 0 : i32
      %dma_start3A_124 = arith.constant 0 : i32
      %dma_start3A_125 = tpu.memref_slice %arg3[%add3A, %dma_start3A_123, %dma_start3A_124] : memref<32x80x128xi32, #tpu.memory_space<hbm>> -> memref<1x40x128xi32, #tpu.memory_space<hbm>>
      %dma_start3A_126 = tpu.memref_squeeze %dma_start3A_125 : memref<1x40x128xi32, #tpu.memory_space<hbm>> -> memref<40x128xi32, #tpu.memory_space<hbm>>
      tpu.enqueue_dma source(%dma_start3A_126 : memref<40x128xi32, #tpu.memory_space<hbm>>) target(%arg6 : memref<40x128xi32, #tpu.memory_space<vmem>>) target_semaphore(%run_scoped3A_118 : memref<!tpu.dma_semaphore, #tpu.memory_space<semaphore_mem>>)
      %dma_wait3A = arith.constant 0 : i32
      %dma_wait3A_127 = arith.constant 0 : i32
      %dma_wait3A_128 = tpu.memref_slice %arg3[%add3A, %dma_wait3A, %dma_wait3A_127] : memref<32x80x128xi32, #tpu.memory_space<hbm>> -> memref<1x40x128xi32, #tpu.memory_space<hbm>>
      %dma_wait3A_129 = tpu.memref_squeeze %dma_wait3A_128 : memref<1x40x128xi32, #tpu.memory_space<hbm>> -> memref<40x128xi32, #tpu.memory_space<hbm>>
      %dma_wait3A_130 = arith.constant 0 : i32
      %dma_wait3A_131 = arith.constant 0 : i32
      %dma_wait3A_132 = tpu.memref_slice %arg3[%add3A, %dma_wait3A_130, %dma_wait3A_131] : memref<32x80x128xi32, #tpu.memory_space<hbm>> -> memref<1x40x128xi32, #tpu.memory_space<hbm>>
      %dma_wait3A_133 = tpu.memref_squeeze %dma_wait3A_132 : memref<1x40x128xi32, #tpu.memory_space<hbm>> -> memref<40x128xi32, #tpu.memory_space<hbm>>
      tpu.wait_dma2 semaphore(%run_scoped3A_118 : memref<!tpu.dma_semaphore, #tpu.memory_space<semaphore_mem>>) src(%dma_wait3A_133 : memref<40x128xi32, #tpu.memory_space<hbm>>) dst(%arg6 : memref<40x128xi32, #tpu.memory_space<vmem>>)
      tpu.yield
    }) : () -> ()
    "tpu.region"() ({
      %run_scoped3A_118 = tpu.sem_alloc : memref<!tpu.dma_semaphore, #tpu.memory_space<semaphore_mem>>
      %dma_start3A_119 = arith.constant 0 : i32
      %dma_start3A_120 = arith.constant 0 : i32
      %dma_start3A_121 = tpu.memref_slice %arg4[%add3A, %dma_start3A_119, %dma_start3A_120] : memref<32x80x128xi32, #tpu.memory_space<hbm>> -> memref<1x40x128xi32, #tpu.memory_space<hbm>>
      %dma_start3A_122 = tpu.memref_squeeze %dma_start3A_121 : memref<1x40x128xi32, #tpu.memory_space<hbm>> -> memref<40x128xi32, #tpu.memory_space<hbm>>
      %dma_start3A_123 = arith.constant 0 : i32
      %dma_start3A_124 = arith.constant 0 : i32
      %dma_start3A_125 = tpu.memref_slice %arg4[%add3A, %dma_start3A_123, %dma_start3A_124] : memref<32x80x128xi32, #tpu.memory_space<hbm>> -> memref<1x40x128xi32, #tpu.memory_space<hbm>>
      %dma_start3A_126 = tpu.memref_squeeze %dma_start3A_125 : memref<1x40x128xi32, #tpu.memory_space<hbm>> -> memref<40x128xi32, #tpu.memory_space<hbm>>
      tpu.enqueue_dma source(%dma_start3A_126 : memref<40x128xi32, #tpu.memory_space<hbm>>) target(%arg7 : memref<40x128xi32, #tpu.memory_space<vmem>>) target_semaphore(%run_scoped3A_118 : memref<!tpu.dma_semaphore, #tpu.memory_space<semaphore_mem>>)
      %dma_wait3A = arith.constant 0 : i32
      %dma_wait3A_127 = arith.constant 0 : i32
      %dma_wait3A_128 = tpu.memref_slice %arg4[%add3A, %dma_wait3A, %dma_wait3A_127] : memref<32x80x128xi32, #tpu.memory_space<hbm>> -> memref<1x40x128xi32, #tpu.memory_space<hbm>>
      %dma_wait3A_129 = tpu.memref_squeeze %dma_wait3A_128 : memref<1x40x128xi32, #tpu.memory_space<hbm>> -> memref<40x128xi32, #tpu.memory_space<hbm>>
      %dma_wait3A_130 = arith.constant 0 : i32
      %dma_wait3A_131 = arith.constant 0 : i32
      %dma_wait3A_132 = tpu.memref_slice %arg4[%add3A, %dma_wait3A_130, %dma_wait3A_131] : memref<32x80x128xi32, #tpu.memory_space<hbm>> -> memref<1x40x128xi32, #tpu.memory_space<hbm>>
      %dma_wait3A_133 = tpu.memref_squeeze %dma_wait3A_132 : memref<1x40x128xi32, #tpu.memory_space<hbm>> -> memref<40x128xi32, #tpu.memory_space<hbm>>
      tpu.wait_dma2 semaphore(%run_scoped3A_118 : memref<!tpu.dma_semaphore, #tpu.memory_space<semaphore_mem>>) src(%dma_wait3A_133 : memref<40x128xi32, #tpu.memory_space<hbm>>) dst(%arg7 : memref<40x128xi32, #tpu.memory_space<vmem>>)
      tpu.yield
    }) : () -> ()
    %dma_start3A = arith.constant 0 : i32
    %dma_start3A_30 = arith.constant 0 : i32
    %dma_start3A_31 = arith.constant 0 : i32
    %dma_start3A_32 = arith.constant 0 : i32
    %dma_start3A_33 = tpu.memref_slice %arg8[%dma_start3A_30, %dma_start3A_31, %dma_start3A_32] : memref<2x128x128xf32, #tpu.memory_space<vmem>> -> memref<1x128x128xf32, #tpu.memory_space<vmem>>
    %dma_start3A_34 = tpu.memref_squeeze %dma_start3A_33 : memref<1x128x128xf32, #tpu.memory_space<vmem>> -> memref<128x128xf32, #tpu.memory_space<vmem>>
    %dma_start3A_35 = arith.constant 0 : i32
    %dma_start3A_36 = tpu.memref_slice %arg6[%dma_start3A, %dma_start3A_35] : memref<40x128xi32, #tpu.memory_space<vmem>> -> memref<1x128xi32, #tpu.memory_space<vmem>>
    %dma_start3A_37 = tpu.memref_squeeze %dma_start3A_36 : memref<1x128xi32, #tpu.memory_space<vmem>> -> memref<128xi32, #tpu.memory_space<vmem>>
    %dma_start3A_38 = arith.constant 0 : i32
    %dma_start3A_39 = arith.constant 0 : i32
    %dma_start3A_40 = tpu.memref_slice %arg2[%dma_start3A_38, %dma_start3A_39] : memref<10240x128xf32, #tpu.memory_space<hbm>> -> memref<10240x128xf32, #tpu.memory_space<hbm>>
    tpu.enqueue_indirect_dma source(%dma_start3A_40 : memref<10240x128xf32, #tpu.memory_space<hbm>>) target(%dma_start3A_34 : memref<128x128xf32, #tpu.memory_space<vmem>>) offsets(%dma_start3A_37 : memref<128xi32, #tpu.memory_space<vmem>>) semaphore(%arg10 : memref<!tpu.dma_semaphore, #tpu.memory_space<semaphore_mem>>)
    %dma_start3A_41 = arith.constant 1 : i32
    %dma_start3A_42 = arith.constant 1 : i32
    %dma_start3A_43 = arith.constant 0 : i32
    %dma_start3A_44 = arith.constant 0 : i32
    %dma_start3A_45 = tpu.memref_slice %arg8[%dma_start3A_42, %dma_start3A_43, %dma_start3A_44] : memref<2x128x128xf32, #tpu.memory_space<vmem>> -> memref<1x128x128xf32, #tpu.memory_space<vmem>>
    %dma_start3A_46 = tpu.memref_squeeze %dma_start3A_45 : memref<1x128x128xf32, #tpu.memory_space<vmem>> -> memref<128x128xf32, #tpu.memory_space<vmem>>
    %dma_start3A_47 = arith.constant 0 : i32
    %dma_start3A_48 = tpu.memref_slice %arg6[%dma_start3A_41, %dma_start3A_47] : memref<40x128xi32, #tpu.memory_space<vmem>> -> memref<1x128xi32, #tpu.memory_space<vmem>>
    %dma_start3A_49 = tpu.memref_squeeze %dma_start3A_48 : memref<1x128xi32, #tpu.memory_space<vmem>> -> memref<128xi32, #tpu.memory_space<vmem>>
    %dma_start3A_50 = arith.constant 0 : i32
    %dma_start3A_51 = arith.constant 0 : i32
    %dma_start3A_52 = tpu.memref_slice %arg2[%dma_start3A_50, %dma_start3A_51] : memref<10240x128xf32, #tpu.memory_space<hbm>> -> memref<10240x128xf32, #tpu.memory_space<hbm>>
    tpu.enqueue_indirect_dma source(%dma_start3A_52 : memref<10240x128xf32, #tpu.memory_space<hbm>>) target(%dma_start3A_46 : memref<128x128xf32, #tpu.memory_space<vmem>>) offsets(%dma_start3A_49 : memref<128xi32, #tpu.memory_space<vmem>>) semaphore(%arg11 : memref<!tpu.dma_semaphore, #tpu.memory_space<semaphore_mem>>)
    %scan3A_53 = arith.constant 0 : i32
    %scan3A_54 = arith.constant 20 : i32
    %scan3A_55 = arith.addi %scan3A_53, %scan3A_54 : i32
    %scan3A_56 = arith.constant 1 : i32
    scf.for %scan3A_118 = %scan3A_53 to %scan3A_55 step %scan3A_56  : i32 {
      %mul3A_119 = arith.constant 2 : i32
      %mul3A_120 = arith.muli %scan3A_118, %mul3A_119 : i32
      %add3A_121 = arith.constant 0 : i32
      %add3A_122 = arith.addi %mul3A_120, %add3A_121 : i32
      %dma_wait3A = arith.constant 0 : i32
      %dma_wait3A_123 = arith.constant 0 : i32
      %dma_wait3A_124 = arith.constant 0 : i32
      %dma_wait3A_125 = tpu.memref_slice %arg8[%dma_wait3A, %dma_wait3A_123, %dma_wait3A_124] : memref<2x128x128xf32, #tpu.memory_space<vmem>> -> memref<1x128x128xf32, #tpu.memory_space<vmem>>
      %dma_wait3A_126 = tpu.memref_squeeze %dma_wait3A_125 : memref<1x128x128xf32, #tpu.memory_space<vmem>> -> memref<128x128xf32, #tpu.memory_space<vmem>>
      %dma_wait3A_127 = arith.constant 0 : i32
      %dma_wait3A_128 = tpu.memref_slice %arg6[%add3A_122, %dma_wait3A_127] : memref<40x128xi32, #tpu.memory_space<vmem>> -> memref<1x128xi32, #tpu.memory_space<vmem>>
      %dma_wait3A_129 = tpu.memref_squeeze %dma_wait3A_128 : memref<1x128xi32, #tpu.memory_space<vmem>> -> memref<128xi32, #tpu.memory_space<vmem>>
      %dma_wait3A_130 = arith.constant 0 : i32
      %dma_wait3A_131 = arith.constant 0 : i32
      %dma_wait3A_132 = tpu.memref_slice %arg2[%dma_wait3A_130, %dma_wait3A_131] : memref<10240x128xf32, #tpu.memory_space<hbm>> -> memref<10240x128xf32, #tpu.memory_space<hbm>>
      tpu.wait_indirect_dma semaphore(%arg10 : memref<!tpu.dma_semaphore, #tpu.memory_space<semaphore_mem>>) src(%dma_wait3A_132 : memref<10240x128xf32, #tpu.memory_space<hbm>>) dst(%dma_wait3A_126 : memref<128x128xf32, #tpu.memory_space<vmem>>)
      %run_scoped3A_133 = arith.constant 0 : i32
      "tpu.region"() ({
        %run_scoped3A_161 = tpu.sem_alloc : memref<!tpu.dma_semaphore, #tpu.memory_space<semaphore_mem>>
        %dma_start3A_162 = arith.constant 0 : i32
        %dma_start3A_163 = arith.constant 0 : i32
        %dma_start3A_164 = tpu.memref_slice %arg8[%run_scoped3A_133, %dma_start3A_162, %dma_start3A_163] : memref<2x128x128xf32, #tpu.memory_space<vmem>> -> memref<1x128x128xf32, #tpu.memory_space<vmem>>
        %dma_start3A_165 = tpu.memref_squeeze %dma_start3A_164 : memref<1x128x128xf32, #tpu.memory_space<vmem>> -> memref<128x128xf32, #tpu.memory_space<vmem>>
        %dma_start3A_166 = arith.constant 0 : i32
        %dma_start3A_167 = tpu.memref_slice %arg7[%add3A_122, %dma_start3A_166] : memref<40x128xi32, #tpu.memory_space<vmem>> -> memref<1x128xi32, #tpu.memory_space<vmem>>
        %dma_start3A_168 = tpu.memref_squeeze %dma_start3A_167 : memref<1x128xi32, #tpu.memory_space<vmem>> -> memref<128xi32, #tpu.memory_space<vmem>>
        %dma_start3A_169 = arith.constant 0 : i32
        %dma_start3A_170 = arith.constant 0 : i32
        %dma_start3A_171 = tpu.memref_slice %arg9[%dma_start3A_169, %dma_start3A_170] : memref<10240x128xf32, #tpu.memory_space<vmem_shared>> -> memref<10240x128xf32, #tpu.memory_space<vmem_shared>>
        tpu.enqueue_indirect_dma source(%dma_start3A_165 : memref<128x128xf32, #tpu.memory_space<vmem>>) target(%dma_start3A_171 : memref<10240x128xf32, #tpu.memory_space<vmem_shared>>) offsets(%dma_start3A_168 : memref<128xi32, #tpu.memory_space<vmem>>) semaphore(%run_scoped3A_161 : memref<!tpu.dma_semaphore, #tpu.memory_space<semaphore_mem>>) {add = true}
        %dma_wait3A_172 = arith.constant 0 : i32
        %dma_wait3A_173 = arith.constant 0 : i32
        %dma_wait3A_174 = tpu.memref_slice %arg8[%run_scoped3A_133, %dma_wait3A_172, %dma_wait3A_173] : memref<2x128x128xf32, #tpu.memory_space<vmem>> -> memref<1x128x128xf32, #tpu.memory_space<vmem>>
        %dma_wait3A_175 = tpu.memref_squeeze %dma_wait3A_174 : memref<1x128x128xf32, #tpu.memory_space<vmem>> -> memref<128x128xf32, #tpu.memory_space<vmem>>
        %dma_wait3A_176 = arith.constant 0 : i32
        %dma_wait3A_177 = tpu.memref_slice %arg7[%add3A_122, %dma_wait3A_176] : memref<40x128xi32, #tpu.memory_space<vmem>> -> memref<1x128xi32, #tpu.memory_space<vmem>>
        %dma_wait3A_178 = tpu.memref_squeeze %dma_wait3A_177 : memref<1x128xi32, #tpu.memory_space<vmem>> -> memref<128xi32, #tpu.memory_space<vmem>>
        %dma_wait3A_179 = arith.constant 0 : i32
        %dma_wait3A_180 = arith.constant 0 : i32
        %dma_wait3A_181 = tpu.memref_slice %arg9[%dma_wait3A_179, %dma_wait3A_180] : memref<10240x128xf32, #tpu.memory_space<vmem_shared>> -> memref<10240x128xf32, #tpu.memory_space<vmem_shared>>
        tpu.wait_indirect_dma semaphore(%run_scoped3A_161 : memref<!tpu.dma_semaphore, #tpu.memory_space<semaphore_mem>>) src(%dma_wait3A_175 : memref<128x128xf32, #tpu.memory_space<vmem>>) dst(%dma_wait3A_181 : memref<10240x128xf32, #tpu.memory_space<vmem_shared>>)
        tpu.yield
      }) : () -> ()
      %add3A_134 = arith.constant 2 : i32
      %add3A_135 = arith.addi %add3A_122, %add3A_134 : i32
      %lt3A = arith.constant 40 : i32
      %lt3A_136 = arith.cmpi slt, %add3A_135, %lt3A : i32
      %convert_element_type3A = arith.extui %lt3A_136 : i1 to i32
      %cond3A = arith.constant 0 : i32
      %cond3A_137 = arith.cmpi ne, %convert_element_type3A, %cond3A : i32
      scf.if %cond3A_137 {
        %add3A_161 = arith.constant 2 : i32
        %add3A_162 = arith.addi %add3A_122, %add3A_161 : i32
        %dma_start3A_163 = arith.constant 0 : i32
        %dma_start3A_164 = arith.constant 0 : i32
        %dma_start3A_165 = arith.constant 0 : i32
        %dma_start3A_166 = tpu.memref_slice %arg8[%dma_start3A_163, %dma_start3A_164, %dma_start3A_165] : memref<2x128x128xf32, #tpu.memory_space<vmem>> -> memref<1x128x128xf32, #tpu.memory_space<vmem>>
        %dma_start3A_167 = tpu.memref_squeeze %dma_start3A_166 : memref<1x128x128xf32, #tpu.memory_space<vmem>> -> memref<128x128xf32, #tpu.memory_space<vmem>>
        %dma_start3A_168 = arith.constant 0 : i32
        %dma_start3A_169 = tpu.memref_slice %arg6[%add3A_162, %dma_start3A_168] : memref<40x128xi32, #tpu.memory_space<vmem>> -> memref<1x128xi32, #tpu.memory_space<vmem>>
        %dma_start3A_170 = tpu.memref_squeeze %dma_start3A_169 : memref<1x128xi32, #tpu.memory_space<vmem>> -> memref<128xi32, #tpu.memory_space<vmem>>
        %dma_start3A_171 = arith.constant 0 : i32
        %dma_start3A_172 = arith.constant 0 : i32
        %dma_start3A_173 = tpu.memref_slice %arg2[%dma_start3A_171, %dma_start3A_172] : memref<10240x128xf32, #tpu.memory_space<hbm>> -> memref<10240x128xf32, #tpu.memory_space<hbm>>
        tpu.enqueue_indirect_dma source(%dma_start3A_173 : memref<10240x128xf32, #tpu.memory_space<hbm>>) target(%dma_start3A_167 : memref<128x128xf32, #tpu.memory_space<vmem>>) offsets(%dma_start3A_170 : memref<128xi32, #tpu.memory_space<vmem>>) semaphore(%arg10 : memref<!tpu.dma_semaphore, #tpu.memory_space<semaphore_mem>>)
      } else {
      }
      %mul3A_138 = arith.constant 2 : i32
      %mul3A_139 = arith.muli %scan3A_118, %mul3A_138 : i32
      %add3A_140 = arith.constant 1 : i32
      %add3A_141 = arith.addi %mul3A_139, %add3A_140 : i32
      %dma_wait3A_142 = arith.constant 1 : i32
      %dma_wait3A_143 = arith.constant 0 : i32
      %dma_wait3A_144 = arith.constant 0 : i32
      %dma_wait3A_145 = tpu.memref_slice %arg8[%dma_wait3A_142, %dma_wait3A_143, %dma_wait3A_144] : memref<2x128x128xf32, #tpu.memory_space<vmem>> -> memref<1x128x128xf32, #tpu.memory_space<vmem>>
      %dma_wait3A_146 = tpu.memref_squeeze %dma_wait3A_145 : memref<1x128x128xf32, #tpu.memory_space<vmem>> -> memref<128x128xf32, #tpu.memory_space<vmem>>
      %dma_wait3A_147 = arith.constant 0 : i32
      %dma_wait3A_148 = tpu.memref_slice %arg6[%add3A_141, %dma_wait3A_147] : memref<40x128xi32, #tpu.memory_space<vmem>> -> memref<1x128xi32, #tpu.memory_space<vmem>>
      %dma_wait3A_149 = tpu.memref_squeeze %dma_wait3A_148 : memref<1x128xi32, #tpu.memory_space<vmem>> -> memref<128xi32, #tpu.memory_space<vmem>>
      %dma_wait3A_150 = arith.constant 0 : i32
      %dma_wait3A_151 = arith.constant 0 : i32
      %dma_wait3A_152 = tpu.memref_slice %arg2[%dma_wait3A_150, %dma_wait3A_151] : memref<10240x128xf32, #tpu.memory_space<hbm>> -> memref<10240x128xf32, #tpu.memory_space<hbm>>
      tpu.wait_indirect_dma semaphore(%arg11 : memref<!tpu.dma_semaphore, #tpu.memory_space<semaphore_mem>>) src(%dma_wait3A_152 : memref<10240x128xf32, #tpu.memory_space<hbm>>) dst(%dma_wait3A_146 : memref<128x128xf32, #tpu.memory_space<vmem>>)
      %run_scoped3A_153 = arith.constant 1 : i32
      "tpu.region"() ({
        %run_scoped3A_161 = tpu.sem_alloc : memref<!tpu.dma_semaphore, #tpu.memory_space<semaphore_mem>>
        %dma_start3A_162 = arith.constant 0 : i32
        %dma_start3A_163 = arith.constant 0 : i32
        %dma_start3A_164 = tpu.memref_slice %arg8[%run_scoped3A_153, %dma_start3A_162, %dma_start3A_163] : memref<2x128x128xf32, #tpu.memory_space<vmem>> -> memref<1x128x128xf32, #tpu.memory_space<vmem>>
        %dma_start3A_165 = tpu.memref_squeeze %dma_start3A_164 : memref<1x128x128xf32, #tpu.memory_space<vmem>> -> memref<128x128xf32, #tpu.memory_space<vmem>>
        %dma_start3A_166 = arith.constant 0 : i32
        %dma_start3A_167 = tpu.memref_slice %arg7[%add3A_141, %dma_start3A_166] : memref<40x128xi32, #tpu.memory_space<vmem>> -> memref<1x128xi32, #tpu.memory_space<vmem>>
        %dma_start3A_168 = tpu.memref_squeeze %dma_start3A_167 : memref<1x128xi32, #tpu.memory_space<vmem>> -> memref<128xi32, #tpu.memory_space<vmem>>
        %dma_start3A_169 = arith.constant 0 : i32
        %dma_start3A_170 = arith.constant 0 : i32
        %dma_start3A_171 = tpu.memref_slice %arg9[%dma_start3A_169, %dma_start3A_170] : memref<10240x128xf32, #tpu.memory_space<vmem_shared>> -> memref<10240x128xf32, #tpu.memory_space<vmem_shared>>
        tpu.enqueue_indirect_dma source(%dma_start3A_165 : memref<128x128xf32, #tpu.memory_space<vmem>>) target(%dma_start3A_171 : memref<10240x128xf32, #tpu.memory_space<vmem_shared>>) offsets(%dma_start3A_168 : memref<128xi32, #tpu.memory_space<vmem>>) semaphore(%run_scoped3A_161 : memref<!tpu.dma_semaphore, #tpu.memory_space<semaphore_mem>>) {add = true}
        %dma_wait3A_172 = arith.constant 0 : i32
        %dma_wait3A_173 = arith.constant 0 : i32
        %dma_wait3A_174 = tpu.memref_slice %arg8[%run_scoped3A_153, %dma_wait3A_172, %dma_wait3A_173] : memref<2x128x128xf32, #tpu.memory_space<vmem>> -> memref<1x128x128xf32, #tpu.memory_space<vmem>>
        %dma_wait3A_175 = tpu.memref_squeeze %dma_wait3A_174 : memref<1x128x128xf32, #tpu.memory_space<vmem>> -> memref<128x128xf32, #tpu.memory_space<vmem>>
        %dma_wait3A_176 = arith.constant 0 : i32
        %dma_wait3A_177 = tpu.memref_slice %arg7[%add3A_141, %dma_wait3A_176] : memref<40x128xi32, #tpu.memory_space<vmem>> -> memref<1x128xi32, #tpu.memory_space<vmem>>
        %dma_wait3A_178 = tpu.memref_squeeze %dma_wait3A_177 : memref<1x128xi32, #tpu.memory_space<vmem>> -> memref<128xi32, #tpu.memory_space<vmem>>
        %dma_wait3A_179 = arith.constant 0 : i32
        %dma_wait3A_180 = arith.constant 0 : i32
        %dma_wait3A_181 = tpu.memref_slice %arg9[%dma_wait3A_179, %dma_wait3A_180] : memref<10240x128xf32, #tpu.memory_space<vmem_shared>> -> memref<10240x128xf32, #tpu.memory_space<vmem_shared>>
        tpu.wait_indirect_dma semaphore(%run_scoped3A_161 : memref<!tpu.dma_semaphore, #tpu.memory_space<semaphore_mem>>) src(%dma_wait3A_175 : memref<128x128xf32, #tpu.memory_space<vmem>>) dst(%dma_wait3A_181 : memref<10240x128xf32, #tpu.memory_space<vmem_shared>>)
        tpu.yield
      }) : () -> ()
      %add3A_154 = arith.constant 2 : i32
      %add3A_155 = arith.addi %add3A_141, %add3A_154 : i32
      %lt3A_156 = arith.constant 40 : i32
      %lt3A_157 = arith.cmpi slt, %add3A_155, %lt3A_156 : i32
      %convert_element_type3A_158 = arith.extui %lt3A_157 : i1 to i32
      %cond3A_159 = arith.constant 0 : i32
      %cond3A_160 = arith.cmpi ne, %convert_element_type3A_158, %cond3A_159 : i32
      scf.if %cond3A_160 {
        %add3A_161 = arith.constant 2 : i32
        %add3A_162 = arith.addi %add3A_141, %add3A_161 : i32
        %dma_start3A_163 = arith.constant 1 : i32
        %dma_start3A_164 = arith.constant 0 : i32
        %dma_start3A_165 = arith.constant 0 : i32
        %dma_start3A_166 = tpu.memref_slice %arg8[%dma_start3A_163, %dma_start3A_164, %dma_start3A_165] : memref<2x128x128xf32, #tpu.memory_space<vmem>> -> memref<1x128x128xf32, #tpu.memory_space<vmem>>
        %dma_start3A_167 = tpu.memref_squeeze %dma_start3A_166 : memref<1x128x128xf32, #tpu.memory_space<vmem>> -> memref<128x128xf32, #tpu.memory_space<vmem>>
        %dma_start3A_168 = arith.constant 0 : i32
        %dma_start3A_169 = tpu.memref_slice %arg6[%add3A_162, %dma_start3A_168] : memref<40x128xi32, #tpu.memory_space<vmem>> -> memref<1x128xi32, #tpu.memory_space<vmem>>
        %dma_start3A_170 = tpu.memref_squeeze %dma_start3A_169 : memref<1x128xi32, #tpu.memory_space<vmem>> -> memref<128xi32, #tpu.memory_space<vmem>>
        %dma_start3A_171 = arith.constant 0 : i32
        %dma_start3A_172 = arith.constant 0 : i32
        %dma_start3A_173 = tpu.memref_slice %arg2[%dma_start3A_171, %dma_start3A_172] : memref<10240x128xf32, #tpu.memory_space<hbm>> -> memref<10240x128xf32, #tpu.memory_space<hbm>>
        tpu.enqueue_indirect_dma source(%dma_start3A_173 : memref<10240x128xf32, #tpu.memory_space<hbm>>) target(%dma_start3A_167 : memref<128x128xf32, #tpu.memory_space<vmem>>) offsets(%dma_start3A_170 : memref<128xi32, #tpu.memory_space<vmem>>) semaphore(%arg11 : memref<!tpu.dma_semaphore, #tpu.memory_space<semaphore_mem>>)
      } else {
      }
    }
    %scan3A_57 = arith.constant 20 : i32
    "tpu.region"() ({
      %run_scoped3A_118 = tpu.sem_alloc : memref<!tpu.dma_semaphore, #tpu.memory_space<semaphore_mem>>
      %dma_start3A_119 = arith.constant 40 : i32
      %dma_start3A_120 = arith.constant 0 : i32
      %dma_start3A_121 = tpu.memref_slice %arg3[%add3A, %dma_start3A_119, %dma_start3A_120] : memref<32x80x128xi32, #tpu.memory_space<hbm>> -> memref<1x40x128xi32, #tpu.memory_space<hbm>>
      %dma_start3A_122 = tpu.memref_squeeze %dma_start3A_121 : memref<1x40x128xi32, #tpu.memory_space<hbm>> -> memref<40x128xi32, #tpu.memory_space<hbm>>
      %dma_start3A_123 = arith.constant 40 : i32
      %dma_start3A_124 = arith.constant 0 : i32
      %dma_start3A_125 = tpu.memref_slice %arg3[%add3A, %dma_start3A_123, %dma_start3A_124] : memref<32x80x128xi32, #tpu.memory_space<hbm>> -> memref<1x40x128xi32, #tpu.memory_space<hbm>>
      %dma_start3A_126 = tpu.memref_squeeze %dma_start3A_125 : memref<1x40x128xi32, #tpu.memory_space<hbm>> -> memref<40x128xi32, #tpu.memory_space<hbm>>
      tpu.enqueue_dma source(%dma_start3A_126 : memref<40x128xi32, #tpu.memory_space<hbm>>) target(%arg6 : memref<40x128xi32, #tpu.memory_space<vmem>>) target_semaphore(%run_scoped3A_118 : memref<!tpu.dma_semaphore, #tpu.memory_space<semaphore_mem>>)
      %dma_wait3A = arith.constant 40 : i32
      %dma_wait3A_127 = arith.constant 0 : i32
      %dma_wait3A_128 = tpu.memref_slice %arg3[%add3A, %dma_wait3A, %dma_wait3A_127] : memref<32x80x128xi32, #tpu.memory_space<hbm>> -> memref<1x40x128xi32, #tpu.memory_space<hbm>>
      %dma_wait3A_129 = tpu.memref_squeeze %dma_wait3A_128 : memref<1x40x128xi32, #tpu.memory_space<hbm>> -> memref<40x128xi32, #tpu.memory_space<hbm>>
      %dma_wait3A_130 = arith.constant 40 : i32
      %dma_wait3A_131 = arith.constant 0 : i32
      %dma_wait3A_132 = tpu.memref_slice %arg3[%add3A, %dma_wait3A_130, %dma_wait3A_131] : memref<32x80x128xi32, #tpu.memory_space<hbm>> -> memref<1x40x128xi32, #tpu.memory_space<hbm>>
      %dma_wait3A_133 = tpu.memref_squeeze %dma_wait3A_132 : memref<1x40x128xi32, #tpu.memory_space<hbm>> -> memref<40x128xi32, #tpu.memory_space<hbm>>
      tpu.wait_dma2 semaphore(%run_scoped3A_118 : memref<!tpu.dma_semaphore, #tpu.memory_space<semaphore_mem>>) src(%dma_wait3A_133 : memref<40x128xi32, #tpu.memory_space<hbm>>) dst(%arg6 : memref<40x128xi32, #tpu.memory_space<vmem>>)
      tpu.yield
    }) : () -> ()
    "tpu.region"() ({
      %run_scoped3A_118 = tpu.sem_alloc : memref<!tpu.dma_semaphore, #tpu.memory_space<semaphore_mem>>
      %dma_start3A_119 = arith.constant 40 : i32
      %dma_start3A_120 = arith.constant 0 : i32
      %dma_start3A_121 = tpu.memref_slice %arg4[%add3A, %dma_start3A_119, %dma_start3A_120] : memref<32x80x128xi32, #tpu.memory_space<hbm>> -> memref<1x40x128xi32, #tpu.memory_space<hbm>>
      %dma_start3A_122 = tpu.memref_squeeze %dma_start3A_121 : memref<1x40x128xi32, #tpu.memory_space<hbm>> -> memref<40x128xi32, #tpu.memory_space<hbm>>
      %dma_start3A_123 = arith.constant 40 : i32
      %dma_start3A_124 = arith.constant 0 : i32
      %dma_start3A_125 = tpu.memref_slice %arg4[%add3A, %dma_start3A_123, %dma_start3A_124] : memref<32x80x128xi32, #tpu.memory_space<hbm>> -> memref<1x40x128xi32, #tpu.memory_space<hbm>>
      %dma_start3A_126 = tpu.memref_squeeze %dma_start3A_125 : memref<1x40x128xi32, #tpu.memory_space<hbm>> -> memref<40x128xi32, #tpu.memory_space<hbm>>
      tpu.enqueue_dma source(%dma_start3A_126 : memref<40x128xi32, #tpu.memory_space<hbm>>) target(%arg7 : memref<40x128xi32, #tpu.memory_space<vmem>>) target_semaphore(%run_scoped3A_118 : memref<!tpu.dma_semaphore, #tpu.memory_space<semaphore_mem>>)
      %dma_wait3A = arith.constant 40 : i32
      %dma_wait3A_127 = arith.constant 0 : i32
      %dma_wait3A_128 = tpu.memref_slice %arg4[%add3A, %dma_wait3A, %dma_wait3A_127] : memref<32x80x128xi32, #tpu.memory_space<hbm>> -> memref<1x40x128xi32, #tpu.memory_space<hbm>>
      %dma_wait3A_129 = tpu.memref_squeeze %dma_wait3A_128 : memref<1x40x128xi32, #tpu.memory_space<hbm>> -> memref<40x128xi32, #tpu.memory_space<hbm>>
      %dma_wait3A_130 = arith.constant 40 : i32
      %dma_wait3A_131 = arith.constant 0 : i32
      %dma_wait3A_132 = tpu.memref_slice %arg4[%add3A, %dma_wait3A_130, %dma_wait3A_131] : memref<32x80x128xi32, #tpu.memory_space<hbm>> -> memref<1x40x128xi32, #tpu.memory_space<hbm>>
      %dma_wait3A_133 = tpu.memref_squeeze %dma_wait3A_132 : memref<1x40x128xi32, #tpu.memory_space<hbm>> -> memref<40x128xi32, #tpu.memory_space<hbm>>
      tpu.wait_dma2 semaphore(%run_scoped3A_118 : memref<!tpu.dma_semaphore, #tpu.memory_space<semaphore_mem>>) src(%dma_wait3A_133 : memref<40x128xi32, #tpu.memory_space<hbm>>) dst(%arg7 : memref<40x128xi32, #tpu.memory_space<vmem>>)
      tpu.yield
    }) : () -> ()
    %dma_start3A_58 = arith.constant 0 : i32
    %dma_start3A_59 = arith.constant 0 : i32
    %dma_start3A_60 = arith.constant 0 : i32
    %dma_start3A_61 = arith.constant 0 : i32
    %dma_start3A_62 = tpu.memref_slice %arg8[%dma_start3A_59, %dma_start3A_60, %dma_start3A_61] : memref<2x128x128xf32, #tpu.memory_space<vmem>> -> memref<1x128x128xf32, #tpu.memory_space<vmem>>
    %dma_start3A_63 = tpu.memref_squeeze %dma_start3A_62 : memref<1x128x128xf32, #tpu.memory_space<vmem>> -> memref<128x128xf32, #tpu.memory_space<vmem>>
    %dma_start3A_64 = arith.constant 0 : i32
    %dma_start3A_65 = tpu.memref_slice %arg6[%dma_start3A_58, %dma_start3A_64] : memref<40x128xi32, #tpu.memory_space<vmem>> -> memref<1x128xi32, #tpu.memory_space<vmem>>
    %dma_start3A_66 = tpu.memref_squeeze %dma_start3A_65 : memref<1x128xi32, #tpu.memory_space<vmem>> -> memref<128xi32, #tpu.memory_space<vmem>>
    %dma_start3A_67 = arith.constant 0 : i32
    %dma_start3A_68 = arith.constant 0 : i32
    %dma_start3A_69 = tpu.memref_slice %arg2[%dma_start3A_67, %dma_start3A_68] : memref<10240x128xf32, #tpu.memory_space<hbm>> -> memref<10240x128xf32, #tpu.memory_space<hbm>>
    tpu.enqueue_indirect_dma source(%dma_start3A_69 : memref<10240x128xf32, #tpu.memory_space<hbm>>) target(%dma_start3A_63 : memref<128x128xf32, #tpu.memory_space<vmem>>) offsets(%dma_start3A_66 : memref<128xi32, #tpu.memory_space<vmem>>) semaphore(%arg10 : memref<!tpu.dma_semaphore, #tpu.memory_space<semaphore_mem>>)
    %dma_start3A_70 = arith.constant 1 : i32
    %dma_start3A_71 = arith.constant 1 : i32
    %dma_start3A_72 = arith.constant 0 : i32
    %dma_start3A_73 = arith.constant 0 : i32
    %dma_start3A_74 = tpu.memref_slice %arg8[%dma_start3A_71, %dma_start3A_72, %dma_start3A_73] : memref<2x128x128xf32, #tpu.memory_space<vmem>> -> memref<1x128x128xf32, #tpu.memory_space<vmem>>
    %dma_start3A_75 = tpu.memref_squeeze %dma_start3A_74 : memref<1x128x128xf32, #tpu.memory_space<vmem>> -> memref<128x128xf32, #tpu.memory_space<vmem>>
    %dma_start3A_76 = arith.constant 0 : i32
    %dma_start3A_77 = tpu.memref_slice %arg6[%dma_start3A_70, %dma_start3A_76] : memref<40x128xi32, #tpu.memory_space<vmem>> -> memref<1x128xi32, #tpu.memory_space<vmem>>
    %dma_start3A_78 = tpu.memref_squeeze %dma_start3A_77 : memref<1x128xi32, #tpu.memory_space<vmem>> -> memref<128xi32, #tpu.memory_space<vmem>>
    %dma_start3A_79 = arith.constant 0 : i32
    %dma_start3A_80 = arith.constant 0 : i32
    %dma_start3A_81 = tpu.memref_slice %arg2[%dma_start3A_79, %dma_start3A_80] : memref<10240x128xf32, #tpu.memory_space<hbm>> -> memref<10240x128xf32, #tpu.memory_space<hbm>>
    tpu.enqueue_indirect_dma source(%dma_start3A_81 : memref<10240x128xf32, #tpu.memory_space<hbm>>) target(%dma_start3A_75 : memref<128x128xf32, #tpu.memory_space<vmem>>) offsets(%dma_start3A_78 : memref<128xi32, #tpu.memory_space<vmem>>) semaphore(%arg11 : memref<!tpu.dma_semaphore, #tpu.memory_space<semaphore_mem>>)
    %scan3A_82 = arith.constant 0 : i32
    %scan3A_83 = arith.constant 20 : i32
    %scan3A_84 = arith.addi %scan3A_82, %scan3A_83 : i32
    %scan3A_85 = arith.constant 1 : i32
    scf.for %scan3A_118 = %scan3A_82 to %scan3A_84 step %scan3A_85  : i32 {
      %mul3A_119 = arith.constant 2 : i32
      %mul3A_120 = arith.muli %scan3A_118, %mul3A_119 : i32
      %add3A_121 = arith.constant 0 : i32
      %add3A_122 = arith.addi %mul3A_120, %add3A_121 : i32
      %dma_wait3A = arith.constant 0 : i32
      %dma_wait3A_123 = arith.constant 0 : i32
      %dma_wait3A_124 = arith.constant 0 : i32
      %dma_wait3A_125 = tpu.memref_slice %arg8[%dma_wait3A, %dma_wait3A_123, %dma_wait3A_124] : memref<2x128x128xf32, #tpu.memory_space<vmem>> -> memref<1x128x128xf32, #tpu.memory_space<vmem>>
      %dma_wait3A_126 = tpu.memref_squeeze %dma_wait3A_125 : memref<1x128x128xf32, #tpu.memory_space<vmem>> -> memref<128x128xf32, #tpu.memory_space<vmem>>
      %dma_wait3A_127 = arith.constant 0 : i32
      %dma_wait3A_128 = tpu.memref_slice %arg6[%add3A_122, %dma_wait3A_127] : memref<40x128xi32, #tpu.memory_space<vmem>> -> memref<1x128xi32, #tpu.memory_space<vmem>>
      %dma_wait3A_129 = tpu.memref_squeeze %dma_wait3A_128 : memref<1x128xi32, #tpu.memory_space<vmem>> -> memref<128xi32, #tpu.memory_space<vmem>>
      %dma_wait3A_130 = arith.constant 0 : i32
      %dma_wait3A_131 = arith.constant 0 : i32
      %dma_wait3A_132 = tpu.memref_slice %arg2[%dma_wait3A_130, %dma_wait3A_131] : memref<10240x128xf32, #tpu.memory_space<hbm>> -> memref<10240x128xf32, #tpu.memory_space<hbm>>
      tpu.wait_indirect_dma semaphore(%arg10 : memref<!tpu.dma_semaphore, #tpu.memory_space<semaphore_mem>>) src(%dma_wait3A_132 : memref<10240x128xf32, #tpu.memory_space<hbm>>) dst(%dma_wait3A_126 : memref<128x128xf32, #tpu.memory_space<vmem>>)
      %run_scoped3A_133 = arith.constant 0 : i32
      "tpu.region"() ({
        %run_scoped3A_161 = tpu.sem_alloc : memref<!tpu.dma_semaphore, #tpu.memory_space<semaphore_mem>>
        %dma_start3A_162 = arith.constant 0 : i32
        %dma_start3A_163 = arith.constant 0 : i32
        %dma_start3A_164 = tpu.memref_slice %arg8[%run_scoped3A_133, %dma_start3A_162, %dma_start3A_163] : memref<2x128x128xf32, #tpu.memory_space<vmem>> -> memref<1x128x128xf32, #tpu.memory_space<vmem>>
        %dma_start3A_165 = tpu.memref_squeeze %dma_start3A_164 : memref<1x128x128xf32, #tpu.memory_space<vmem>> -> memref<128x128xf32, #tpu.memory_space<vmem>>
        %dma_start3A_166 = arith.constant 0 : i32
        %dma_start3A_167 = tpu.memref_slice %arg7[%add3A_122, %dma_start3A_166] : memref<40x128xi32, #tpu.memory_space<vmem>> -> memref<1x128xi32, #tpu.memory_space<vmem>>
        %dma_start3A_168 = tpu.memref_squeeze %dma_start3A_167 : memref<1x128xi32, #tpu.memory_space<vmem>> -> memref<128xi32, #tpu.memory_space<vmem>>
        %dma_start3A_169 = arith.constant 0 : i32
        %dma_start3A_170 = arith.constant 0 : i32
        %dma_start3A_171 = tpu.memref_slice %arg9[%dma_start3A_169, %dma_start3A_170] : memref<10240x128xf32, #tpu.memory_space<vmem_shared>> -> memref<10240x128xf32, #tpu.memory_space<vmem_shared>>
        tpu.enqueue_indirect_dma source(%dma_start3A_165 : memref<128x128xf32, #tpu.memory_space<vmem>>) target(%dma_start3A_171 : memref<10240x128xf32, #tpu.memory_space<vmem_shared>>) offsets(%dma_start3A_168 : memref<128xi32, #tpu.memory_space<vmem>>) semaphore(%run_scoped3A_161 : memref<!tpu.dma_semaphore, #tpu.memory_space<semaphore_mem>>) {add = true}
        %dma_wait3A_172 = arith.constant 0 : i32
        %dma_wait3A_173 = arith.constant 0 : i32
        %dma_wait3A_174 = tpu.memref_slice %arg8[%run_scoped3A_133, %dma_wait3A_172, %dma_wait3A_173] : memref<2x128x128xf32, #tpu.memory_space<vmem>> -> memref<1x128x128xf32, #tpu.memory_space<vmem>>
        %dma_wait3A_175 = tpu.memref_squeeze %dma_wait3A_174 : memref<1x128x128xf32, #tpu.memory_space<vmem>> -> memref<128x128xf32, #tpu.memory_space<vmem>>
        %dma_wait3A_176 = arith.constant 0 : i32
        %dma_wait3A_177 = tpu.memref_slice %arg7[%add3A_122, %dma_wait3A_176] : memref<40x128xi32, #tpu.memory_space<vmem>> -> memref<1x128xi32, #tpu.memory_space<vmem>>
        %dma_wait3A_178 = tpu.memref_squeeze %dma_wait3A_177 : memref<1x128xi32, #tpu.memory_space<vmem>> -> memref<128xi32, #tpu.memory_space<vmem>>
        %dma_wait3A_179 = arith.constant 0 : i32
        %dma_wait3A_180 = arith.constant 0 : i32
        %dma_wait3A_181 = tpu.memref_slice %arg9[%dma_wait3A_179, %dma_wait3A_180] : memref<10240x128xf32, #tpu.memory_space<vmem_shared>> -> memref<10240x128xf32, #tpu.memory_space<vmem_shared>>
        tpu.wait_indirect_dma semaphore(%run_scoped3A_161 : memref<!tpu.dma_semaphore, #tpu.memory_space<semaphore_mem>>) src(%dma_wait3A_175 : memref<128x128xf32, #tpu.memory_space<vmem>>) dst(%dma_wait3A_181 : memref<10240x128xf32, #tpu.memory_space<vmem_shared>>)
        tpu.yield
      }) : () -> ()
      %add3A_134 = arith.constant 2 : i32
      %add3A_135 = arith.addi %add3A_122, %add3A_134 : i32
      %lt3A = arith.constant 40 : i32
      %lt3A_136 = arith.cmpi slt, %add3A_135, %lt3A : i32
      %convert_element_type3A = arith.extui %lt3A_136 : i1 to i32
      %cond3A = arith.constant 0 : i32
      %cond3A_137 = arith.cmpi ne, %convert_element_type3A, %cond3A : i32
      scf.if %cond3A_137 {
        %add3A_161 = arith.constant 2 : i32
        %add3A_162 = arith.addi %add3A_122, %add3A_161 : i32
        %dma_start3A_163 = arith.constant 0 : i32
        %dma_start3A_164 = arith.constant 0 : i32
        %dma_start3A_165 = arith.constant 0 : i32
        %dma_start3A_166 = tpu.memref_slice %arg8[%dma_start3A_163, %dma_start3A_164, %dma_start3A_165] : memref<2x128x128xf32, #tpu.memory_space<vmem>> -> memref<1x128x128xf32, #tpu.memory_space<vmem>>
        %dma_start3A_167 = tpu.memref_squeeze %dma_start3A_166 : memref<1x128x128xf32, #tpu.memory_space<vmem>> -> memref<128x128xf32, #tpu.memory_space<vmem>>
        %dma_start3A_168 = arith.constant 0 : i32
        %dma_start3A_169 = tpu.memref_slice %arg6[%add3A_162, %dma_start3A_168] : memref<40x128xi32, #tpu.memory_space<vmem>> -> memref<1x128xi32, #tpu.memory_space<vmem>>
        %dma_start3A_170 = tpu.memref_squeeze %dma_start3A_169 : memref<1x128xi32, #tpu.memory_space<vmem>> -> memref<128xi32, #tpu.memory_space<vmem>>
        %dma_start3A_171 = arith.constant 0 : i32
        %dma_start3A_172 = arith.constant 0 : i32
        %dma_start3A_173 = tpu.memref_slice %arg2[%dma_start3A_171, %dma_start3A_172] : memref<10240x128xf32, #tpu.memory_space<hbm>> -> memref<10240x128xf32, #tpu.memory_space<hbm>>
        tpu.enqueue_indirect_dma source(%dma_start3A_173 : memref<10240x128xf32, #tpu.memory_space<hbm>>) target(%dma_start3A_167 : memref<128x128xf32, #tpu.memory_space<vmem>>) offsets(%dma_start3A_170 : memref<128xi32, #tpu.memory_space<vmem>>) semaphore(%arg10 : memref<!tpu.dma_semaphore, #tpu.memory_space<semaphore_mem>>)
      } else {
      }
      %mul3A_138 = arith.constant 2 : i32
      %mul3A_139 = arith.muli %scan3A_118, %mul3A_138 : i32
      %add3A_140 = arith.constant 1 : i32
      %add3A_141 = arith.addi %mul3A_139, %add3A_140 : i32
      %dma_wait3A_142 = arith.constant 1 : i32
      %dma_wait3A_143 = arith.constant 0 : i32
      %dma_wait3A_144 = arith.constant 0 : i32
      %dma_wait3A_145 = tpu.memref_slice %arg8[%dma_wait3A_142, %dma_wait3A_143, %dma_wait3A_144] : memref<2x128x128xf32, #tpu.memory_space<vmem>> -> memref<1x128x128xf32, #tpu.memory_space<vmem>>
      %dma_wait3A_146 = tpu.memref_squeeze %dma_wait3A_145 : memref<1x128x128xf32, #tpu.memory_space<vmem>> -> memref<128x128xf32, #tpu.memory_space<vmem>>
      %dma_wait3A_147 = arith.constant 0 : i32
      %dma_wait3A_148 = tpu.memref_slice %arg6[%add3A_141, %dma_wait3A_147] : memref<40x128xi32, #tpu.memory_space<vmem>> -> memref<1x128xi32, #tpu.memory_space<vmem>>
      %dma_wait3A_149 = tpu.memref_squeeze %dma_wait3A_148 : memref<1x128xi32, #tpu.memory_space<vmem>> -> memref<128xi32, #tpu.memory_space<vmem>>
      %dma_wait3A_150 = arith.constant 0 : i32
      %dma_wait3A_151 = arith.constant 0 : i32
      %dma_wait3A_152 = tpu.memref_slice %arg2[%dma_wait3A_150, %dma_wait3A_151] : memref<10240x128xf32, #tpu.memory_space<hbm>> -> memref<10240x128xf32, #tpu.memory_space<hbm>>
      tpu.wait_indirect_dma semaphore(%arg11 : memref<!tpu.dma_semaphore, #tpu.memory_space<semaphore_mem>>) src(%dma_wait3A_152 : memref<10240x128xf32, #tpu.memory_space<hbm>>) dst(%dma_wait3A_146 : memref<128x128xf32, #tpu.memory_space<vmem>>)
      %run_scoped3A_153 = arith.constant 1 : i32
      "tpu.region"() ({
        %run_scoped3A_161 = tpu.sem_alloc : memref<!tpu.dma_semaphore, #tpu.memory_space<semaphore_mem>>
        %dma_start3A_162 = arith.constant 0 : i32
        %dma_start3A_163 = arith.constant 0 : i32
        %dma_start3A_164 = tpu.memref_slice %arg8[%run_scoped3A_153, %dma_start3A_162, %dma_start3A_163] : memref<2x128x128xf32, #tpu.memory_space<vmem>> -> memref<1x128x128xf32, #tpu.memory_space<vmem>>
        %dma_start3A_165 = tpu.memref_squeeze %dma_start3A_164 : memref<1x128x128xf32, #tpu.memory_space<vmem>> -> memref<128x128xf32, #tpu.memory_space<vmem>>
        %dma_start3A_166 = arith.constant 0 : i32
        %dma_start3A_167 = tpu.memref_slice %arg7[%add3A_141, %dma_start3A_166] : memref<40x128xi32, #tpu.memory_space<vmem>> -> memref<1x128xi32, #tpu.memory_space<vmem>>
        %dma_start3A_168 = tpu.memref_squeeze %dma_start3A_167 : memref<1x128xi32, #tpu.memory_space<vmem>> -> memref<128xi32, #tpu.memory_space<vmem>>
        %dma_start3A_169 = arith.constant 0 : i32
        %dma_start3A_170 = arith.constant 0 : i32
        %dma_start3A_171 = tpu.memref_slice %arg9[%dma_start3A_169, %dma_start3A_170] : memref<10240x128xf32, #tpu.memory_space<vmem_shared>> -> memref<10240x128xf32, #tpu.memory_space<vmem_shared>>
        tpu.enqueue_indirect_dma source(%dma_start3A_165 : memref<128x128xf32, #tpu.memory_space<vmem>>) target(%dma_start3A_171 : memref<10240x128xf32, #tpu.memory_space<vmem_shared>>) offsets(%dma_start3A_168 : memref<128xi32, #tpu.memory_space<vmem>>) semaphore(%run_scoped3A_161 : memref<!tpu.dma_semaphore, #tpu.memory_space<semaphore_mem>>) {add = true}
        %dma_wait3A_172 = arith.constant 0 : i32
        %dma_wait3A_173 = arith.constant 0 : i32
        %dma_wait3A_174 = tpu.memref_slice %arg8[%run_scoped3A_153, %dma_wait3A_172, %dma_wait3A_173] : memref<2x128x128xf32, #tpu.memory_space<vmem>> -> memref<1x128x128xf32, #tpu.memory_space<vmem>>
        %dma_wait3A_175 = tpu.memref_squeeze %dma_wait3A_174 : memref<1x128x128xf32, #tpu.memory_space<vmem>> -> memref<128x128xf32, #tpu.memory_space<vmem>>
        %dma_wait3A_176 = arith.constant 0 : i32
        %dma_wait3A_177 = tpu.memref_slice %arg7[%add3A_141, %dma_wait3A_176] : memref<40x128xi32, #tpu.memory_space<vmem>> -> memref<1x128xi32, #tpu.memory_space<vmem>>
        %dma_wait3A_178 = tpu.memref_squeeze %dma_wait3A_177 : memref<1x128xi32, #tpu.memory_space<vmem>> -> memref<128xi32, #tpu.memory_space<vmem>>
        %dma_wait3A_179 = arith.constant 0 : i32
        %dma_wait3A_180 = arith.constant 0 : i32
        %dma_wait3A_181 = tpu.memref_slice %arg9[%dma_wait3A_179, %dma_wait3A_180] : memref<10240x128xf32, #tpu.memory_space<vmem_shared>> -> memref<10240x128xf32, #tpu.memory_space<vmem_shared>>
        tpu.wait_indirect_dma semaphore(%run_scoped3A_161 : memref<!tpu.dma_semaphore, #tpu.memory_space<semaphore_mem>>) src(%dma_wait3A_175 : memref<128x128xf32, #tpu.memory_space<vmem>>) dst(%dma_wait3A_181 : memref<10240x128xf32, #tpu.memory_space<vmem_shared>>)
        tpu.yield
      }) : () -> ()
      %add3A_154 = arith.constant 2 : i32
      %add3A_155 = arith.addi %add3A_141, %add3A_154 : i32
      %lt3A_156 = arith.constant 40 : i32
      %lt3A_157 = arith.cmpi slt, %add3A_155, %lt3A_156 : i32
      %convert_element_type3A_158 = arith.extui %lt3A_157 : i1 to i32
      %cond3A_159 = arith.constant 0 : i32
      %cond3A_160 = arith.cmpi ne, %convert_element_type3A_158, %cond3A_159 : i32
      scf.if %cond3A_160 {
        %add3A_161 = arith.constant 2 : i32
        %add3A_162 = arith.addi %add3A_141, %add3A_161 : i32
        %dma_start3A_163 = arith.constant 1 : i32
        %dma_start3A_164 = arith.constant 0 : i32
        %dma_start3A_165 = arith.constant 0 : i32
        %dma_start3A_166 = tpu.memref_slice %arg8[%dma_start3A_163, %dma_start3A_164, %dma_start3A_165] : memref<2x128x128xf32, #tpu.memory_space<vmem>> -> memref<1x128x128xf32, #tpu.memory_space<vmem>>
        %dma_start3A_167 = tpu.memref_squeeze %dma_start3A_166 : memref<1x128x128xf32, #tpu.memory_space<vmem>> -> memref<128x128xf32, #tpu.memory_space<vmem>>
        %dma_start3A_168 = arith.constant 0 : i32
        %dma_start3A_169 = tpu.memref_slice %arg6[%add3A_162, %dma_start3A_168] : memref<40x128xi32, #tpu.memory_space<vmem>> -> memref<1x128xi32, #tpu.memory_space<vmem>>
        %dma_start3A_170 = tpu.memref_squeeze %dma_start3A_169 : memref<1x128xi32, #tpu.memory_space<vmem>> -> memref<128xi32, #tpu.memory_space<vmem>>
        %dma_start3A_171 = arith.constant 0 : i32
        %dma_start3A_172 = arith.constant 0 : i32
        %dma_start3A_173 = tpu.memref_slice %arg2[%dma_start3A_171, %dma_start3A_172] : memref<10240x128xf32, #tpu.memory_space<hbm>> -> memref<10240x128xf32, #tpu.memory_space<hbm>>
        tpu.enqueue_indirect_dma source(%dma_start3A_173 : memref<10240x128xf32, #tpu.memory_space<hbm>>) target(%dma_start3A_167 : memref<128x128xf32, #tpu.memory_space<vmem>>) offsets(%dma_start3A_170 : memref<128xi32, #tpu.memory_space<vmem>>) semaphore(%arg11 : memref<!tpu.dma_semaphore, #tpu.memory_space<semaphore_mem>>)
      } else {
      }
    }
    %scan3A_86 = arith.constant 20 : i32
    %barrier3A_87 = arith.constant 0 : index
    tpu.barrier barrier_id(%barrier3A_87)
    %mul3A_88 = arith.constant 640 : i32
    %mul3A_89 = arith.muli %arg1, %mul3A_88 : i32
    %add3A_90 = arith.constant 0 : i32
    %add3A_91 = arith.addi %mul3A_89, %add3A_90 : i32
    %run_scoped3A_92 = arith.constant 0 : i32
    "tpu.region"() ({
      %run_scoped3A_118 = tpu.sem_alloc : memref<!tpu.dma_semaphore, #tpu.memory_space<semaphore_mem>>
      %dma_start3A_119 = arith.constant 0 : i32
      %dma_start3A_120 = arith.constant 0 : i32
      %dma_start3A_121 = tpu.memref_slice %arg8[%run_scoped3A_92, %dma_start3A_119, %dma_start3A_120] : memref<2x128x128xf32, #tpu.memory_space<vmem>> -> memref<1x128x128xf32, #tpu.memory_space<vmem>>
      %dma_start3A_122 = tpu.memref_squeeze %dma_start3A_121 : memref<1x128x128xf32, #tpu.memory_space<vmem>> -> memref<128x128xf32, #tpu.memory_space<vmem>>
      %dma_start3A_123 = arith.constant 0 : i32
      %dma_start3A_124 = tpu.memref_slice %arg9[%add3A_91, %dma_start3A_123] : memref<10240x128xf32, #tpu.memory_space<vmem_shared>> -> memref<128x128xf32, #tpu.memory_space<vmem_shared>>
      %dma_start3A_125 = arith.constant 0 : i32
      %dma_start3A_126 = arith.constant 0 : i32
      %dma_start3A_127 = tpu.memref_slice %arg8[%run_scoped3A_92, %dma_start3A_125, %dma_start3A_126] : memref<2x128x128xf32, #tpu.memory_space<vmem>> -> memref<1x128x128xf32, #tpu.memory_space<vmem>>
      %dma_start3A_128 = tpu.memref_squeeze %dma_start3A_127 : memref<1x128x128xf32, #tpu.memory_space<vmem>> -> memref<128x128xf32, #tpu.memory_space<vmem>>
      %dma_start3A_129 = arith.constant 0 : i32
      %dma_start3A_130 = tpu.memref_slice %arg9[%add3A_91, %dma_start3A_129] : memref<10240x128xf32, #tpu.memory_space<vmem_shared>> -> memref<128x128xf32, #tpu.memory_space<vmem_shared>>
      tpu.enqueue_dma source(%dma_start3A_130 : memref<128x128xf32, #tpu.memory_space<vmem_shared>>) target(%dma_start3A_128 : memref<128x128xf32, #tpu.memory_space<vmem>>) target_semaphore(%run_scoped3A_118 : memref<!tpu.dma_semaphore, #tpu.memory_space<semaphore_mem>>)
      %dma_wait3A = arith.constant 0 : i32
      %dma_wait3A_131 = arith.constant 0 : i32
      %dma_wait3A_132 = tpu.memref_slice %arg8[%run_scoped3A_92, %dma_wait3A, %dma_wait3A_131] : memref<2x128x128xf32, #tpu.memory_space<vmem>> -> memref<1x128x128xf32, #tpu.memory_space<vmem>>
      %dma_wait3A_133 = tpu.memref_squeeze %dma_wait3A_132 : memref<1x128x128xf32, #tpu.memory_space<vmem>> -> memref<128x128xf32, #tpu.memory_space<vmem>>
      %dma_wait3A_134 = arith.constant 0 : i32
      %dma_wait3A_135 = tpu.memref_slice %arg9[%add3A_91, %dma_wait3A_134] : memref<10240x128xf32, #tpu.memory_space<vmem_shared>> -> memref<128x128xf32, #tpu.memory_space<vmem_shared>>
      %dma_wait3A_136 = arith.constant 0 : i32
      %dma_wait3A_137 = arith.constant 0 : i32
      %dma_wait3A_138 = tpu.memref_slice %arg8[%run_scoped3A_92, %dma_wait3A_136, %dma_wait3A_137] : memref<2x128x128xf32, #tpu.memory_space<vmem>> -> memref<1x128x128xf32, #tpu.memory_space<vmem>>
      %dma_wait3A_139 = tpu.memref_squeeze %dma_wait3A_138 : memref<1x128x128xf32, #tpu.memory_space<vmem>> -> memref<128x128xf32, #tpu.memory_space<vmem>>
      %dma_wait3A_140 = arith.constant 0 : i32
      %dma_wait3A_141 = tpu.memref_slice %arg9[%add3A_91, %dma_wait3A_140] : memref<10240x128xf32, #tpu.memory_space<vmem_shared>> -> memref<128x128xf32, #tpu.memory_space<vmem_shared>>
      tpu.wait_dma2 semaphore(%run_scoped3A_118 : memref<!tpu.dma_semaphore, #tpu.memory_space<semaphore_mem>>) src(%dma_wait3A_141 : memref<128x128xf32, #tpu.memory_space<vmem_shared>>) dst(%dma_wait3A_139 : memref<128x128xf32, #tpu.memory_space<vmem>>)
      tpu.yield
    }) : () -> ()
    %run_scoped3A_93 = arith.constant 0 : i32
    "tpu.region"() ({
      %run_scoped3A_118 = tpu.sem_alloc : memref<!tpu.dma_semaphore, #tpu.memory_space<semaphore_mem>>
      %dma_start3A_119 = arith.constant 0 : i32
      %dma_start3A_120 = arith.constant 0 : i32
      %dma_start3A_121 = tpu.memref_slice %arg8[%run_scoped3A_93, %dma_start3A_119, %dma_start3A_120] : memref<2x128x128xf32, #tpu.memory_space<vmem>> -> memref<1x128x128xf32, #tpu.memory_space<vmem>>
      %dma_start3A_122 = tpu.memref_squeeze %dma_start3A_121 : memref<1x128x128xf32, #tpu.memory_space<vmem>> -> memref<128x128xf32, #tpu.memory_space<vmem>>
      %dma_start3A_123 = arith.constant 0 : i32
      %dma_start3A_124 = tpu.memref_slice %arg5[%arg0, %add3A_91, %dma_start3A_123] : memref<2x10240x128xf32, #tpu.memory_space<hbm>> -> memref<1x128x128xf32, #tpu.memory_space<hbm>>
      %dma_start3A_125 = tpu.memref_squeeze %dma_start3A_124 : memref<1x128x128xf32, #tpu.memory_space<hbm>> -> memref<128x128xf32, #tpu.memory_space<hbm>>
      %dma_start3A_126 = arith.constant 0 : i32
      %dma_start3A_127 = tpu.memref_slice %arg5[%arg0, %add3A_91, %dma_start3A_126] : memref<2x10240x128xf32, #tpu.memory_space<hbm>> -> memref<1x128x128xf32, #tpu.memory_space<hbm>>
      %dma_start3A_128 = tpu.memref_squeeze %dma_start3A_127 : memref<1x128x128xf32, #tpu.memory_space<hbm>> -> memref<128x128xf32, #tpu.memory_space<hbm>>
      %dma_start3A_129 = arith.constant 0 : i32
      %dma_start3A_130 = arith.constant 0 : i32
      %dma_start3A_131 = tpu.memref_slice %arg8[%run_scoped3A_93, %dma_start3A_129, %dma_start3A_130] : memref<2x128x128xf32, #tpu.memory_space<vmem>> -> memref<1x128x128xf32, #tpu.memory_space<vmem>>
      %dma_start3A_132 = tpu.memref_squeeze %dma_start3A_131 : memref<1x128x128xf32, #tpu.memory_space<vmem>> -> memref<128x128xf32, #tpu.memory_space<vmem>>
      tpu.enqueue_dma source(%dma_start3A_132 : memref<128x128xf32, #tpu.memory_space<vmem>>) target(%dma_start3A_128 : memref<128x128xf32, #tpu.memory_space<hbm>>) target_semaphore(%run_scoped3A_118 : memref<!tpu.dma_semaphore, #tpu.memory_space<semaphore_mem>>)
      %dma_wait3A = arith.constant 0 : i32
      %dma_wait3A_133 = arith.constant 0 : i32
      %dma_wait3A_134 = tpu.memref_slice %arg8[%run_scoped3A_93, %dma_wait3A, %dma_wait3A_133] : memref<2x128x128xf32, #tpu.memory_space<vmem>> -> memref<1x128x128xf32, #tpu.memory_space<vmem>>
      %dma_wait3A_135 = tpu.memref_squeeze %dma_wait3A_134 : memref<1x128x128xf32, #tpu.memory_space<vmem>> -> memref<128x128xf32, #tpu.memory_space<vmem>>
      %dma_wait3A_136 = arith.constant 0 : i32
      %dma_wait3A_137 = tpu.memref_slice %arg5[%arg0, %add3A_91, %dma_wait3A_136] : memref<2x10240x128xf32, #tpu.memory_space<hbm>> -> memref<1x128x128xf32, #tpu.memory_space<hbm>>
      %dma_wait3A_138 = tpu.memref_squeeze %dma_wait3A_137 : memref<1x128x128xf32, #tpu.memory_space<hbm>> -> memref<128x128xf32, #tpu.memory_space<hbm>>
      %dma_wait3A_139 = arith.constant 0 : i32
      %dma_wait3A_140 = tpu.memref_slice %arg5[%arg0, %add3A_91, %dma_wait3A_139] : memref<2x10240x128xf32, #tpu.memory_space<hbm>> -> memref<1x128x128xf32, #tpu.memory_space<hbm>>
      %dma_wait3A_141 = tpu.memref_squeeze %dma_wait3A_140 : memref<1x128x128xf32, #tpu.memory_space<hbm>> -> memref<128x128xf32, #tpu.memory_space<hbm>>
      %dma_wait3A_142 = arith.constant 0 : i32
      %dma_wait3A_143 = arith.constant 0 : i32
      %dma_wait3A_144 = tpu.memref_slice %arg8[%run_scoped3A_93, %dma_wait3A_142, %dma_wait3A_143] : memref<2x128x128xf32, #tpu.memory_space<vmem>> -> memref<1x128x128xf32, #tpu.memory_space<vmem>>
      %dma_wait3A_145 = tpu.memref_squeeze %dma_wait3A_144 : memref<1x128x128xf32, #tpu.memory_space<vmem>> -> memref<128x128xf32, #tpu.memory_space<vmem>>
      tpu.wait_dma2 semaphore(%run_scoped3A_118 : memref<!tpu.dma_semaphore, #tpu.memory_space<semaphore_mem>>) src(%dma_wait3A_145 : memref<128x128xf32, #tpu.memory_space<vmem>>) dst(%dma_wait3A_141 : memref<128x128xf32, #tpu.memory_space<hbm>>)
      tpu.yield
    }) : () -> ()
    %mul3A_94 = arith.constant 640 : i32
    %mul3A_95 = arith.muli %arg1, %mul3A_94 : i32
    %add3A_96 = arith.constant 128 : i32
    %add3A_97 = arith.addi %mul3A_95, %add3A_96 : i32
    %run_scoped3A_98 = arith.constant 0 : i32
    "tpu.region"() ({
      %run_scoped3A_118 = tpu.sem_alloc : memref<!tpu.dma_semaphore, #tpu.memory_space<semaphore_mem>>
      %dma_start3A_119 = arith.constant 0 : i32
      %dma_start3A_120 = arith.constant 0 : i32
      %dma_start3A_121 = tpu.memref_slice %arg8[%run_scoped3A_98, %dma_start3A_119, %dma_start3A_120] : memref<2x128x128xf32, #tpu.memory_space<vmem>> -> memref<1x128x128xf32, #tpu.memory_space<vmem>>
      %dma_start3A_122 = tpu.memref_squeeze %dma_start3A_121 : memref<1x128x128xf32, #tpu.memory_space<vmem>> -> memref<128x128xf32, #tpu.memory_space<vmem>>
      %dma_start3A_123 = arith.constant 0 : i32
      %dma_start3A_124 = tpu.memref_slice %arg9[%add3A_97, %dma_start3A_123] : memref<10240x128xf32, #tpu.memory_space<vmem_shared>> -> memref<128x128xf32, #tpu.memory_space<vmem_shared>>
      %dma_start3A_125 = arith.constant 0 : i32
      %dma_start3A_126 = arith.constant 0 : i32
      %dma_start3A_127 = tpu.memref_slice %arg8[%run_scoped3A_98, %dma_start3A_125, %dma_start3A_126] : memref<2x128x128xf32, #tpu.memory_space<vmem>> -> memref<1x128x128xf32, #tpu.memory_space<vmem>>
      %dma_start3A_128 = tpu.memref_squeeze %dma_start3A_127 : memref<1x128x128xf32, #tpu.memory_space<vmem>> -> memref<128x128xf32, #tpu.memory_space<vmem>>
      %dma_start3A_129 = arith.constant 0 : i32
      %dma_start3A_130 = tpu.memref_slice %arg9[%add3A_97, %dma_start3A_129] : memref<10240x128xf32, #tpu.memory_space<vmem_shared>> -> memref<128x128xf32, #tpu.memory_space<vmem_shared>>
      tpu.enqueue_dma source(%dma_start3A_130 : memref<128x128xf32, #tpu.memory_space<vmem_shared>>) target(%dma_start3A_128 : memref<128x128xf32, #tpu.memory_space<vmem>>) target_semaphore(%run_scoped3A_118 : memref<!tpu.dma_semaphore, #tpu.memory_space<semaphore_mem>>)
      %dma_wait3A = arith.constant 0 : i32
      %dma_wait3A_131 = arith.constant 0 : i32
      %dma_wait3A_132 = tpu.memref_slice %arg8[%run_scoped3A_98, %dma_wait3A, %dma_wait3A_131] : memref<2x128x128xf32, #tpu.memory_space<vmem>> -> memref<1x128x128xf32, #tpu.memory_space<vmem>>
      %dma_wait3A_133 = tpu.memref_squeeze %dma_wait3A_132 : memref<1x128x128xf32, #tpu.memory_space<vmem>> -> memref<128x128xf32, #tpu.memory_space<vmem>>
      %dma_wait3A_134 = arith.constant 0 : i32
      %dma_wait3A_135 = tpu.memref_slice %arg9[%add3A_97, %dma_wait3A_134] : memref<10240x128xf32, #tpu.memory_space<vmem_shared>> -> memref<128x128xf32, #tpu.memory_space<vmem_shared>>
      %dma_wait3A_136 = arith.constant 0 : i32
      %dma_wait3A_137 = arith.constant 0 : i32
      %dma_wait3A_138 = tpu.memref_slice %arg8[%run_scoped3A_98, %dma_wait3A_136, %dma_wait3A_137] : memref<2x128x128xf32, #tpu.memory_space<vmem>> -> memref<1x128x128xf32, #tpu.memory_space<vmem>>
      %dma_wait3A_139 = tpu.memref_squeeze %dma_wait3A_138 : memref<1x128x128xf32, #tpu.memory_space<vmem>> -> memref<128x128xf32, #tpu.memory_space<vmem>>
      %dma_wait3A_140 = arith.constant 0 : i32
      %dma_wait3A_141 = tpu.memref_slice %arg9[%add3A_97, %dma_wait3A_140] : memref<10240x128xf32, #tpu.memory_space<vmem_shared>> -> memref<128x128xf32, #tpu.memory_space<vmem_shared>>
      tpu.wait_dma2 semaphore(%run_scoped3A_118 : memref<!tpu.dma_semaphore, #tpu.memory_space<semaphore_mem>>) src(%dma_wait3A_141 : memref<128x128xf32, #tpu.memory_space<vmem_shared>>) dst(%dma_wait3A_139 : memref<128x128xf32, #tpu.memory_space<vmem>>)
      tpu.yield
    }) : () -> ()
    %run_scoped3A_99 = arith.constant 0 : i32
    "tpu.region"() ({
      %run_scoped3A_118 = tpu.sem_alloc : memref<!tpu.dma_semaphore, #tpu.memory_space<semaphore_mem>>
      %dma_start3A_119 = arith.constant 0 : i32
      %dma_start3A_120 = arith.constant 0 : i32
      %dma_start3A_121 = tpu.memref_slice %arg8[%run_scoped3A_99, %dma_start3A_119, %dma_start3A_120] : memref<2x128x128xf32, #tpu.memory_space<vmem>> -> memref<1x128x128xf32, #tpu.memory_space<vmem>>
      %dma_start3A_122 = tpu.memref_squeeze %dma_start3A_121 : memref<1x128x128xf32, #tpu.memory_space<vmem>> -> memref<128x128xf32, #tpu.memory_space<vmem>>
      %dma_start3A_123 = arith.constant 0 : i32
      %dma_start3A_124 = tpu.memref_slice %arg5[%arg0, %add3A_97, %dma_start3A_123] : memref<2x10240x128xf32, #tpu.memory_space<hbm>> -> memref<1x128x128xf32, #tpu.memory_space<hbm>>
      %dma_start3A_125 = tpu.memref_squeeze %dma_start3A_124 : memref<1x128x128xf32, #tpu.memory_space<hbm>> -> memref<128x128xf32, #tpu.memory_space<hbm>>
      %dma_start3A_126 = arith.constant 0 : i32
      %dma_start3A_127 = tpu.memref_slice %arg5[%arg0, %add3A_97, %dma_start3A_126] : memref<2x10240x128xf32, #tpu.memory_space<hbm>> -> memref<1x128x128xf32, #tpu.memory_space<hbm>>
      %dma_start3A_128 = tpu.memref_squeeze %dma_start3A_127 : memref<1x128x128xf32, #tpu.memory_space<hbm>> -> memref<128x128xf32, #tpu.memory_space<hbm>>
      %dma_start3A_129 = arith.constant 0 : i32
      %dma_start3A_130 = arith.constant 0 : i32
      %dma_start3A_131 = tpu.memref_slice %arg8[%run_scoped3A_99, %dma_start3A_129, %dma_start3A_130] : memref<2x128x128xf32, #tpu.memory_space<vmem>> -> memref<1x128x128xf32, #tpu.memory_space<vmem>>
      %dma_start3A_132 = tpu.memref_squeeze %dma_start3A_131 : memref<1x128x128xf32, #tpu.memory_space<vmem>> -> memref<128x128xf32, #tpu.memory_space<vmem>>
      tpu.enqueue_dma source(%dma_start3A_132 : memref<128x128xf32, #tpu.memory_space<vmem>>) target(%dma_start3A_128 : memref<128x128xf32, #tpu.memory_space<hbm>>) target_semaphore(%run_scoped3A_118 : memref<!tpu.dma_semaphore, #tpu.memory_space<semaphore_mem>>)
      %dma_wait3A = arith.constant 0 : i32
      %dma_wait3A_133 = arith.constant 0 : i32
      %dma_wait3A_134 = tpu.memref_slice %arg8[%run_scoped3A_99, %dma_wait3A, %dma_wait3A_133] : memref<2x128x128xf32, #tpu.memory_space<vmem>> -> memref<1x128x128xf32, #tpu.memory_space<vmem>>
      %dma_wait3A_135 = tpu.memref_squeeze %dma_wait3A_134 : memref<1x128x128xf32, #tpu.memory_space<vmem>> -> memref<128x128xf32, #tpu.memory_space<vmem>>
      %dma_wait3A_136 = arith.constant 0 : i32
      %dma_wait3A_137 = tpu.memref_slice %arg5[%arg0, %add3A_97, %dma_wait3A_136] : memref<2x10240x128xf32, #tpu.memory_space<hbm>> -> memref<1x128x128xf32, #tpu.memory_space<hbm>>
      %dma_wait3A_138 = tpu.memref_squeeze %dma_wait3A_137 : memref<1x128x128xf32, #tpu.memory_space<hbm>> -> memref<128x128xf32, #tpu.memory_space<hbm>>
      %dma_wait3A_139 = arith.constant 0 : i32
      %dma_wait3A_140 = tpu.memref_slice %arg5[%arg0, %add3A_97, %dma_wait3A_139] : memref<2x10240x128xf32, #tpu.memory_space<hbm>> -> memref<1x128x128xf32, #tpu.memory_space<hbm>>
      %dma_wait3A_141 = tpu.memref_squeeze %dma_wait3A_140 : memref<1x128x128xf32, #tpu.memory_space<hbm>> -> memref<128x128xf32, #tpu.memory_space<hbm>>
      %dma_wait3A_142 = arith.constant 0 : i32
      %dma_wait3A_143 = arith.constant 0 : i32
      %dma_wait3A_144 = tpu.memref_slice %arg8[%run_scoped3A_99, %dma_wait3A_142, %dma_wait3A_143] : memref<2x128x128xf32, #tpu.memory_space<vmem>> -> memref<1x128x128xf32, #tpu.memory_space<vmem>>
      %dma_wait3A_145 = tpu.memref_squeeze %dma_wait3A_144 : memref<1x128x128xf32, #tpu.memory_space<vmem>> -> memref<128x128xf32, #tpu.memory_space<vmem>>
      tpu.wait_dma2 semaphore(%run_scoped3A_118 : memref<!tpu.dma_semaphore, #tpu.memory_space<semaphore_mem>>) src(%dma_wait3A_145 : memref<128x128xf32, #tpu.memory_space<vmem>>) dst(%dma_wait3A_141 : memref<128x128xf32, #tpu.memory_space<hbm>>)
      tpu.yield
    }) : () -> ()
    %mul3A_100 = arith.constant 640 : i32
    %mul3A_101 = arith.muli %arg1, %mul3A_100 : i32
    %add3A_102 = arith.constant 256 : i32
    %add3A_103 = arith.addi %mul3A_101, %add3A_102 : i32
    %run_scoped3A_104 = arith.constant 0 : i32
    "tpu.region"() ({
      %run_scoped3A_118 = tpu.sem_alloc : memref<!tpu.dma_semaphore, #tpu.memory_space<semaphore_mem>>
      %dma_start3A_119 = arith.constant 0 : i32
      %dma_start3A_120 = arith.constant 0 : i32
      %dma_start3A_121 = tpu.memref_slice %arg8[%run_scoped3A_104, %dma_start3A_119, %dma_start3A_120] : memref<2x128x128xf32, #tpu.memory_space<vmem>> -> memref<1x128x128xf32, #tpu.memory_space<vmem>>
      %dma_start3A_122 = tpu.memref_squeeze %dma_start3A_121 : memref<1x128x128xf32, #tpu.memory_space<vmem>> -> memref<128x128xf32, #tpu.memory_space<vmem>>
      %dma_start3A_123 = arith.constant 0 : i32
      %dma_start3A_124 = tpu.memref_slice %arg9[%add3A_103, %dma_start3A_123] : memref<10240x128xf32, #tpu.memory_space<vmem_shared>> -> memref<128x128xf32, #tpu.memory_space<vmem_shared>>
      %dma_start3A_125 = arith.constant 0 : i32
      %dma_start3A_126 = arith.constant 0 : i32
      %dma_start3A_127 = tpu.memref_slice %arg8[%run_scoped3A_104, %dma_start3A_125, %dma_start3A_126] : memref<2x128x128xf32, #tpu.memory_space<vmem>> -> memref<1x128x128xf32, #tpu.memory_space<vmem>>
      %dma_start3A_128 = tpu.memref_squeeze %dma_start3A_127 : memref<1x128x128xf32, #tpu.memory_space<vmem>> -> memref<128x128xf32, #tpu.memory_space<vmem>>
      %dma_start3A_129 = arith.constant 0 : i32
      %dma_start3A_130 = tpu.memref_slice %arg9[%add3A_103, %dma_start3A_129] : memref<10240x128xf32, #tpu.memory_space<vmem_shared>> -> memref<128x128xf32, #tpu.memory_space<vmem_shared>>
      tpu.enqueue_dma source(%dma_start3A_130 : memref<128x128xf32, #tpu.memory_space<vmem_shared>>) target(%dma_start3A_128 : memref<128x128xf32, #tpu.memory_space<vmem>>) target_semaphore(%run_scoped3A_118 : memref<!tpu.dma_semaphore, #tpu.memory_space<semaphore_mem>>)
      %dma_wait3A = arith.constant 0 : i32
      %dma_wait3A_131 = arith.constant 0 : i32
      %dma_wait3A_132 = tpu.memref_slice %arg8[%run_scoped3A_104, %dma_wait3A, %dma_wait3A_131] : memref<2x128x128xf32, #tpu.memory_space<vmem>> -> memref<1x128x128xf32, #tpu.memory_space<vmem>>
      %dma_wait3A_133 = tpu.memref_squeeze %dma_wait3A_132 : memref<1x128x128xf32, #tpu.memory_space<vmem>> -> memref<128x128xf32, #tpu.memory_space<vmem>>
      %dma_wait3A_134 = arith.constant 0 : i32
      %dma_wait3A_135 = tpu.memref_slice %arg9[%add3A_103, %dma_wait3A_134] : memref<10240x128xf32, #tpu.memory_space<vmem_shared>> -> memref<128x128xf32, #tpu.memory_space<vmem_shared>>
      %dma_wait3A_136 = arith.constant 0 : i32
      %dma_wait3A_137 = arith.constant 0 : i32
      %dma_wait3A_138 = tpu.memref_slice %arg8[%run_scoped3A_104, %dma_wait3A_136, %dma_wait3A_137] : memref<2x128x128xf32, #tpu.memory_space<vmem>> -> memref<1x128x128xf32, #tpu.memory_space<vmem>>
      %dma_wait3A_139 = tpu.memref_squeeze %dma_wait3A_138 : memref<1x128x128xf32, #tpu.memory_space<vmem>> -> memref<128x128xf32, #tpu.memory_space<vmem>>
      %dma_wait3A_140 = arith.constant 0 : i32
      %dma_wait3A_141 = tpu.memref_slice %arg9[%add3A_103, %dma_wait3A_140] : memref<10240x128xf32, #tpu.memory_space<vmem_shared>> -> memref<128x128xf32, #tpu.memory_space<vmem_shared>>
      tpu.wait_dma2 semaphore(%run_scoped3A_118 : memref<!tpu.dma_semaphore, #tpu.memory_space<semaphore_mem>>) src(%dma_wait3A_141 : memref<128x128xf32, #tpu.memory_space<vmem_shared>>) dst(%dma_wait3A_139 : memref<128x128xf32, #tpu.memory_space<vmem>>)
      tpu.yield
    }) : () -> ()
    %run_scoped3A_105 = arith.constant 0 : i32
    "tpu.region"() ({
      %run_scoped3A_118 = tpu.sem_alloc : memref<!tpu.dma_semaphore, #tpu.memory_space<semaphore_mem>>
      %dma_start3A_119 = arith.constant 0 : i32
      %dma_start3A_120 = arith.constant 0 : i32
      %dma_start3A_121 = tpu.memref_slice %arg8[%run_scoped3A_105, %dma_start3A_119, %dma_start3A_120] : memref<2x128x128xf32, #tpu.memory_space<vmem>> -> memref<1x128x128xf32, #tpu.memory_space<vmem>>
      %dma_start3A_122 = tpu.memref_squeeze %dma_start3A_121 : memref<1x128x128xf32, #tpu.memory_space<vmem>> -> memref<128x128xf32, #tpu.memory_space<vmem>>
      %dma_start3A_123 = arith.constant 0 : i32
      %dma_start3A_124 = tpu.memref_slice %arg5[%arg0, %add3A_103, %dma_start3A_123] : memref<2x10240x128xf32, #tpu.memory_space<hbm>> -> memref<1x128x128xf32, #tpu.memory_space<hbm>>
      %dma_start3A_125 = tpu.memref_squeeze %dma_start3A_124 : memref<1x128x128xf32, #tpu.memory_space<hbm>> -> memref<128x128xf32, #tpu.memory_space<hbm>>
      %dma_start3A_126 = arith.constant 0 : i32
      %dma_start3A_127 = tpu.memref_slice %arg5[%arg0, %add3A_103, %dma_start3A_126] : memref<2x10240x128xf32, #tpu.memory_space<hbm>> -> memref<1x128x128xf32, #tpu.memory_space<hbm>>
      %dma_start3A_128 = tpu.memref_squeeze %dma_start3A_127 : memref<1x128x128xf32, #tpu.memory_space<hbm>> -> memref<128x128xf32, #tpu.memory_space<hbm>>
      %dma_start3A_129 = arith.constant 0 : i32
      %dma_start3A_130 = arith.constant 0 : i32
      %dma_start3A_131 = tpu.memref_slice %arg8[%run_scoped3A_105, %dma_start3A_129, %dma_start3A_130] : memref<2x128x128xf32, #tpu.memory_space<vmem>> -> memref<1x128x128xf32, #tpu.memory_space<vmem>>
      %dma_start3A_132 = tpu.memref_squeeze %dma_start3A_131 : memref<1x128x128xf32, #tpu.memory_space<vmem>> -> memref<128x128xf32, #tpu.memory_space<vmem>>
      tpu.enqueue_dma source(%dma_start3A_132 : memref<128x128xf32, #tpu.memory_space<vmem>>) target(%dma_start3A_128 : memref<128x128xf32, #tpu.memory_space<hbm>>) target_semaphore(%run_scoped3A_118 : memref<!tpu.dma_semaphore, #tpu.memory_space<semaphore_mem>>)
      %dma_wait3A = arith.constant 0 : i32
      %dma_wait3A_133 = arith.constant 0 : i32
      %dma_wait3A_134 = tpu.memref_slice %arg8[%run_scoped3A_105, %dma_wait3A, %dma_wait3A_133] : memref<2x128x128xf32, #tpu.memory_space<vmem>> -> memref<1x128x128xf32, #tpu.memory_space<vmem>>
      %dma_wait3A_135 = tpu.memref_squeeze %dma_wait3A_134 : memref<1x128x128xf32, #tpu.memory_space<vmem>> -> memref<128x128xf32, #tpu.memory_space<vmem>>
      %dma_wait3A_136 = arith.constant 0 : i32
      %dma_wait3A_137 = tpu.memref_slice %arg5[%arg0, %add3A_103, %dma_wait3A_136] : memref<2x10240x128xf32, #tpu.memory_space<hbm>> -> memref<1x128x128xf32, #tpu.memory_space<hbm>>
      %dma_wait3A_138 = tpu.memref_squeeze %dma_wait3A_137 : memref<1x128x128xf32, #tpu.memory_space<hbm>> -> memref<128x128xf32, #tpu.memory_space<hbm>>
      %dma_wait3A_139 = arith.constant 0 : i32
      %dma_wait3A_140 = tpu.memref_slice %arg5[%arg0, %add3A_103, %dma_wait3A_139] : memref<2x10240x128xf32, #tpu.memory_space<hbm>> -> memref<1x128x128xf32, #tpu.memory_space<hbm>>
      %dma_wait3A_141 = tpu.memref_squeeze %dma_wait3A_140 : memref<1x128x128xf32, #tpu.memory_space<hbm>> -> memref<128x128xf32, #tpu.memory_space<hbm>>
      %dma_wait3A_142 = arith.constant 0 : i32
      %dma_wait3A_143 = arith.constant 0 : i32
      %dma_wait3A_144 = tpu.memref_slice %arg8[%run_scoped3A_105, %dma_wait3A_142, %dma_wait3A_143] : memref<2x128x128xf32, #tpu.memory_space<vmem>> -> memref<1x128x128xf32, #tpu.memory_space<vmem>>
      %dma_wait3A_145 = tpu.memref_squeeze %dma_wait3A_144 : memref<1x128x128xf32, #tpu.memory_space<vmem>> -> memref<128x128xf32, #tpu.memory_space<vmem>>
      tpu.wait_dma2 semaphore(%run_scoped3A_118 : memref<!tpu.dma_semaphore, #tpu.memory_space<semaphore_mem>>) src(%dma_wait3A_145 : memref<128x128xf32, #tpu.memory_space<vmem>>) dst(%dma_wait3A_141 : memref<128x128xf32, #tpu.memory_space<hbm>>)
      tpu.yield
    }) : () -> ()
    %mul3A_106 = arith.constant 640 : i32
    %mul3A_107 = arith.muli %arg1, %mul3A_106 : i32
    %add3A_108 = arith.constant 384 : i32
    %add3A_109 = arith.addi %mul3A_107, %add3A_108 : i32
    %run_scoped3A_110 = arith.constant 0 : i32
    "tpu.region"() ({
      %run_scoped3A_118 = tpu.sem_alloc : memref<!tpu.dma_semaphore, #tpu.memory_space<semaphore_mem>>
      %dma_start3A_119 = arith.constant 0 : i32
      %dma_start3A_120 = arith.constant 0 : i32
      %dma_start3A_121 = tpu.memref_slice %arg8[%run_scoped3A_110, %dma_start3A_119, %dma_start3A_120] : memref<2x128x128xf32, #tpu.memory_space<vmem>> -> memref<1x128x128xf32, #tpu.memory_space<vmem>>
      %dma_start3A_122 = tpu.memref_squeeze %dma_start3A_121 : memref<1x128x128xf32, #tpu.memory_space<vmem>> -> memref<128x128xf32, #tpu.memory_space<vmem>>
      %dma_start3A_123 = arith.constant 0 : i32
      %dma_start3A_124 = tpu.memref_slice %arg9[%add3A_109, %dma_start3A_123] : memref<10240x128xf32, #tpu.memory_space<vmem_shared>> -> memref<128x128xf32, #tpu.memory_space<vmem_shared>>
      %dma_start3A_125 = arith.constant 0 : i32
      %dma_start3A_126 = arith.constant 0 : i32
      %dma_start3A_127 = tpu.memref_slice %arg8[%run_scoped3A_110, %dma_start3A_125, %dma_start3A_126] : memref<2x128x128xf32, #tpu.memory_space<vmem>> -> memref<1x128x128xf32, #tpu.memory_space<vmem>>
      %dma_start3A_128 = tpu.memref_squeeze %dma_start3A_127 : memref<1x128x128xf32, #tpu.memory_space<vmem>> -> memref<128x128xf32, #tpu.memory_space<vmem>>
      %dma_start3A_129 = arith.constant 0 : i32
      %dma_start3A_130 = tpu.memref_slice %arg9[%add3A_109, %dma_start3A_129] : memref<10240x128xf32, #tpu.memory_space<vmem_shared>> -> memref<128x128xf32, #tpu.memory_space<vmem_shared>>
      tpu.enqueue_dma source(%dma_start3A_130 : memref<128x128xf32, #tpu.memory_space<vmem_shared>>) target(%dma_start3A_128 : memref<128x128xf32, #tpu.memory_space<vmem>>) target_semaphore(%run_scoped3A_118 : memref<!tpu.dma_semaphore, #tpu.memory_space<semaphore_mem>>)
      %dma_wait3A = arith.constant 0 : i32
      %dma_wait3A_131 = arith.constant 0 : i32
      %dma_wait3A_132 = tpu.memref_slice %arg8[%run_scoped3A_110, %dma_wait3A, %dma_wait3A_131] : memref<2x128x128xf32, #tpu.memory_space<vmem>> -> memref<1x128x128xf32, #tpu.memory_space<vmem>>
      %dma_wait3A_133 = tpu.memref_squeeze %dma_wait3A_132 : memref<1x128x128xf32, #tpu.memory_space<vmem>> -> memref<128x128xf32, #tpu.memory_space<vmem>>
      %dma_wait3A_134 = arith.constant 0 : i32
      %dma_wait3A_135 = tpu.memref_slice %arg9[%add3A_109, %dma_wait3A_134] : memref<10240x128xf32, #tpu.memory_space<vmem_shared>> -> memref<128x128xf32, #tpu.memory_space<vmem_shared>>
      %dma_wait3A_136 = arith.constant 0 : i32
      %dma_wait3A_137 = arith.constant 0 : i32
      %dma_wait3A_138 = tpu.memref_slice %arg8[%run_scoped3A_110, %dma_wait3A_136, %dma_wait3A_137] : memref<2x128x128xf32, #tpu.memory_space<vmem>> -> memref<1x128x128xf32, #tpu.memory_space<vmem>>
      %dma_wait3A_139 = tpu.memref_squeeze %dma_wait3A_138 : memref<1x128x128xf32, #tpu.memory_space<vmem>> -> memref<128x128xf32, #tpu.memory_space<vmem>>
      %dma_wait3A_140 = arith.constant 0 : i32
      %dma_wait3A_141 = tpu.memref_slice %arg9[%add3A_109, %dma_wait3A_140] : memref<10240x128xf32, #tpu.memory_space<vmem_shared>> -> memref<128x128xf32, #tpu.memory_space<vmem_shared>>
      tpu.wait_dma2 semaphore(%run_scoped3A_118 : memref<!tpu.dma_semaphore, #tpu.memory_space<semaphore_mem>>) src(%dma_wait3A_141 : memref<128x128xf32, #tpu.memory_space<vmem_shared>>) dst(%dma_wait3A_139 : memref<128x128xf32, #tpu.memory_space<vmem>>)
      tpu.yield
    }) : () -> ()
    %run_scoped3A_111 = arith.constant 0 : i32
    "tpu.region"() ({
      %run_scoped3A_118 = tpu.sem_alloc : memref<!tpu.dma_semaphore, #tpu.memory_space<semaphore_mem>>
      %dma_start3A_119 = arith.constant 0 : i32
      %dma_start3A_120 = arith.constant 0 : i32
      %dma_start3A_121 = tpu.memref_slice %arg8[%run_scoped3A_111, %dma_start3A_119, %dma_start3A_120] : memref<2x128x128xf32, #tpu.memory_space<vmem>> -> memref<1x128x128xf32, #tpu.memory_space<vmem>>
      %dma_start3A_122 = tpu.memref_squeeze %dma_start3A_121 : memref<1x128x128xf32, #tpu.memory_space<vmem>> -> memref<128x128xf32, #tpu.memory_space<vmem>>
      %dma_start3A_123 = arith.constant 0 : i32
      %dma_start3A_124 = tpu.memref_slice %arg5[%arg0, %add3A_109, %dma_start3A_123] : memref<2x10240x128xf32, #tpu.memory_space<hbm>> -> memref<1x128x128xf32, #tpu.memory_space<hbm>>
      %dma_start3A_125 = tpu.memref_squeeze %dma_start3A_124 : memref<1x128x128xf32, #tpu.memory_space<hbm>> -> memref<128x128xf32, #tpu.memory_space<hbm>>
      %dma_start3A_126 = arith.constant 0 : i32
      %dma_start3A_127 = tpu.memref_slice %arg5[%arg0, %add3A_109, %dma_start3A_126] : memref<2x10240x128xf32, #tpu.memory_space<hbm>> -> memref<1x128x128xf32, #tpu.memory_space<hbm>>
      %dma_start3A_128 = tpu.memref_squeeze %dma_start3A_127 : memref<1x128x128xf32, #tpu.memory_space<hbm>> -> memref<128x128xf32, #tpu.memory_space<hbm>>
      %dma_start3A_129 = arith.constant 0 : i32
      %dma_start3A_130 = arith.constant 0 : i32
      %dma_start3A_131 = tpu.memref_slice %arg8[%run_scoped3A_111, %dma_start3A_129, %dma_start3A_130] : memref<2x128x128xf32, #tpu.memory_space<vmem>> -> memref<1x128x128xf32, #tpu.memory_space<vmem>>
      %dma_start3A_132 = tpu.memref_squeeze %dma_start3A_131 : memref<1x128x128xf32, #tpu.memory_space<vmem>> -> memref<128x128xf32, #tpu.memory_space<vmem>>
      tpu.enqueue_dma source(%dma_start3A_132 : memref<128x128xf32, #tpu.memory_space<vmem>>) target(%dma_start3A_128 : memref<128x128xf32, #tpu.memory_space<hbm>>) target_semaphore(%run_scoped3A_118 : memref<!tpu.dma_semaphore, #tpu.memory_space<semaphore_mem>>)
      %dma_wait3A = arith.constant 0 : i32
      %dma_wait3A_133 = arith.constant 0 : i32
      %dma_wait3A_134 = tpu.memref_slice %arg8[%run_scoped3A_111, %dma_wait3A, %dma_wait3A_133] : memref<2x128x128xf32, #tpu.memory_space<vmem>> -> memref<1x128x128xf32, #tpu.memory_space<vmem>>
      %dma_wait3A_135 = tpu.memref_squeeze %dma_wait3A_134 : memref<1x128x128xf32, #tpu.memory_space<vmem>> -> memref<128x128xf32, #tpu.memory_space<vmem>>
      %dma_wait3A_136 = arith.constant 0 : i32
      %dma_wait3A_137 = tpu.memref_slice %arg5[%arg0, %add3A_109, %dma_wait3A_136] : memref<2x10240x128xf32, #tpu.memory_space<hbm>> -> memref<1x128x128xf32, #tpu.memory_space<hbm>>
      %dma_wait3A_138 = tpu.memref_squeeze %dma_wait3A_137 : memref<1x128x128xf32, #tpu.memory_space<hbm>> -> memref<128x128xf32, #tpu.memory_space<hbm>>
      %dma_wait3A_139 = arith.constant 0 : i32
      %dma_wait3A_140 = tpu.memref_slice %arg5[%arg0, %add3A_109, %dma_wait3A_139] : memref<2x10240x128xf32, #tpu.memory_space<hbm>> -> memref<1x128x128xf32, #tpu.memory_space<hbm>>
      %dma_wait3A_141 = tpu.memref_squeeze %dma_wait3A_140 : memref<1x128x128xf32, #tpu.memory_space<hbm>> -> memref<128x128xf32, #tpu.memory_space<hbm>>
      %dma_wait3A_142 = arith.constant 0 : i32
      %dma_wait3A_143 = arith.constant 0 : i32
      %dma_wait3A_144 = tpu.memref_slice %arg8[%run_scoped3A_111, %dma_wait3A_142, %dma_wait3A_143] : memref<2x128x128xf32, #tpu.memory_space<vmem>> -> memref<1x128x128xf32, #tpu.memory_space<vmem>>
      %dma_wait3A_145 = tpu.memref_squeeze %dma_wait3A_144 : memref<1x128x128xf32, #tpu.memory_space<vmem>> -> memref<128x128xf32, #tpu.memory_space<vmem>>
      tpu.wait_dma2 semaphore(%run_scoped3A_118 : memref<!tpu.dma_semaphore, #tpu.memory_space<semaphore_mem>>) src(%dma_wait3A_145 : memref<128x128xf32, #tpu.memory_space<vmem>>) dst(%dma_wait3A_141 : memref<128x128xf32, #tpu.memory_space<hbm>>)
      tpu.yield
    }) : () -> ()
    %mul3A_112 = arith.constant 640 : i32
    %mul3A_113 = arith.muli %arg1, %mul3A_112 : i32
    %add3A_114 = arith.constant 512 : i32
    %add3A_115 = arith.addi %mul3A_113, %add3A_114 : i32
    %run_scoped3A_116 = arith.constant 0 : i32
    "tpu.region"() ({
      %run_scoped3A_118 = tpu.sem_alloc : memref<!tpu.dma_semaphore, #tpu.memory_space<semaphore_mem>>
      %dma_start3A_119 = arith.constant 0 : i32
      %dma_start3A_120 = arith.constant 0 : i32
      %dma_start3A_121 = tpu.memref_slice %arg8[%run_scoped3A_116, %dma_start3A_119, %dma_start3A_120] : memref<2x128x128xf32, #tpu.memory_space<vmem>> -> memref<1x128x128xf32, #tpu.memory_space<vmem>>
      %dma_start3A_122 = tpu.memref_squeeze %dma_start3A_121 : memref<1x128x128xf32, #tpu.memory_space<vmem>> -> memref<128x128xf32, #tpu.memory_space<vmem>>
      %dma_start3A_123 = arith.constant 0 : i32
      %dma_start3A_124 = tpu.memref_slice %arg9[%add3A_115, %dma_start3A_123] : memref<10240x128xf32, #tpu.memory_space<vmem_shared>> -> memref<128x128xf32, #tpu.memory_space<vmem_shared>>
      %dma_start3A_125 = arith.constant 0 : i32
      %dma_start3A_126 = arith.constant 0 : i32
      %dma_start3A_127 = tpu.memref_slice %arg8[%run_scoped3A_116, %dma_start3A_125, %dma_start3A_126] : memref<2x128x128xf32, #tpu.memory_space<vmem>> -> memref<1x128x128xf32, #tpu.memory_space<vmem>>
      %dma_start3A_128 = tpu.memref_squeeze %dma_start3A_127 : memref<1x128x128xf32, #tpu.memory_space<vmem>> -> memref<128x128xf32, #tpu.memory_space<vmem>>
      %dma_start3A_129 = arith.constant 0 : i32
      %dma_start3A_130 = tpu.memref_slice %arg9[%add3A_115, %dma_start3A_129] : memref<10240x128xf32, #tpu.memory_space<vmem_shared>> -> memref<128x128xf32, #tpu.memory_space<vmem_shared>>
      tpu.enqueue_dma source(%dma_start3A_130 : memref<128x128xf32, #tpu.memory_space<vmem_shared>>) target(%dma_start3A_128 : memref<128x128xf32, #tpu.memory_space<vmem>>) target_semaphore(%run_scoped3A_118 : memref<!tpu.dma_semaphore, #tpu.memory_space<semaphore_mem>>)
      %dma_wait3A = arith.constant 0 : i32
      %dma_wait3A_131 = arith.constant 0 : i32
      %dma_wait3A_132 = tpu.memref_slice %arg8[%run_scoped3A_116, %dma_wait3A, %dma_wait3A_131] : memref<2x128x128xf32, #tpu.memory_space<vmem>> -> memref<1x128x128xf32, #tpu.memory_space<vmem>>
      %dma_wait3A_133 = tpu.memref_squeeze %dma_wait3A_132 : memref<1x128x128xf32, #tpu.memory_space<vmem>> -> memref<128x128xf32, #tpu.memory_space<vmem>>
      %dma_wait3A_134 = arith.constant 0 : i32
      %dma_wait3A_135 = tpu.memref_slice %arg9[%add3A_115, %dma_wait3A_134] : memref<10240x128xf32, #tpu.memory_space<vmem_shared>> -> memref<128x128xf32, #tpu.memory_space<vmem_shared>>
      %dma_wait3A_136 = arith.constant 0 : i32
      %dma_wait3A_137 = arith.constant 0 : i32
      %dma_wait3A_138 = tpu.memref_slice %arg8[%run_scoped3A_116, %dma_wait3A_136, %dma_wait3A_137] : memref<2x128x128xf32, #tpu.memory_space<vmem>> -> memref<1x128x128xf32, #tpu.memory_space<vmem>>
      %dma_wait3A_139 = tpu.memref_squeeze %dma_wait3A_138 : memref<1x128x128xf32, #tpu.memory_space<vmem>> -> memref<128x128xf32, #tpu.memory_space<vmem>>
      %dma_wait3A_140 = arith.constant 0 : i32
      %dma_wait3A_141 = tpu.memref_slice %arg9[%add3A_115, %dma_wait3A_140] : memref<10240x128xf32, #tpu.memory_space<vmem_shared>> -> memref<128x128xf32, #tpu.memory_space<vmem_shared>>
      tpu.wait_dma2 semaphore(%run_scoped3A_118 : memref<!tpu.dma_semaphore, #tpu.memory_space<semaphore_mem>>) src(%dma_wait3A_141 : memref<128x128xf32, #tpu.memory_space<vmem_shared>>) dst(%dma_wait3A_139 : memref<128x128xf32, #tpu.memory_space<vmem>>)
      tpu.yield
    }) : () -> ()
    %run_scoped3A_117 = arith.constant 0 : i32
    "tpu.region"() ({
      %run_scoped3A_118 = tpu.sem_alloc : memref<!tpu.dma_semaphore, #tpu.memory_space<semaphore_mem>>
      %dma_start3A_119 = arith.constant 0 : i32
      %dma_start3A_120 = arith.constant 0 : i32
      %dma_start3A_121 = tpu.memref_slice %arg8[%run_scoped3A_117, %dma_start3A_119, %dma_start3A_120] : memref<2x128x128xf32, #tpu.memory_space<vmem>> -> memref<1x128x128xf32, #tpu.memory_space<vmem>>
      %dma_start3A_122 = tpu.memref_squeeze %dma_start3A_121 : memref<1x128x128xf32, #tpu.memory_space<vmem>> -> memref<128x128xf32, #tpu.memory_space<vmem>>
      %dma_start3A_123 = arith.constant 0 : i32
      %dma_start3A_124 = tpu.memref_slice %arg5[%arg0, %add3A_115, %dma_start3A_123] : memref<2x10240x128xf32, #tpu.memory_space<hbm>> -> memref<1x128x128xf32, #tpu.memory_space<hbm>>
      %dma_start3A_125 = tpu.memref_squeeze %dma_start3A_124 : memref<1x128x128xf32, #tpu.memory_space<hbm>> -> memref<128x128xf32, #tpu.memory_space<hbm>>
      %dma_start3A_126 = arith.constant 0 : i32
      %dma_start3A_127 = tpu.memref_slice %arg5[%arg0, %add3A_115, %dma_start3A_126] : memref<2x10240x128xf32, #tpu.memory_space<hbm>> -> memref<1x128x128xf32, #tpu.memory_space<hbm>>
      %dma_start3A_128 = tpu.memref_squeeze %dma_start3A_127 : memref<1x128x128xf32, #tpu.memory_space<hbm>> -> memref<128x128xf32, #tpu.memory_space<hbm>>
      %dma_start3A_129 = arith.constant 0 : i32
      %dma_start3A_130 = arith.constant 0 : i32
      %dma_start3A_131 = tpu.memref_slice %arg8[%run_scoped3A_117, %dma_start3A_129, %dma_start3A_130] : memref<2x128x128xf32, #tpu.memory_space<vmem>> -> memref<1x128x128xf32, #tpu.memory_space<vmem>>
      %dma_start3A_132 = tpu.memref_squeeze %dma_start3A_131 : memref<1x128x128xf32, #tpu.memory_space<vmem>> -> memref<128x128xf32, #tpu.memory_space<vmem>>
      tpu.enqueue_dma source(%dma_start3A_132 : memref<128x128xf32, #tpu.memory_space<vmem>>) target(%dma_start3A_128 : memref<128x128xf32, #tpu.memory_space<hbm>>) target_semaphore(%run_scoped3A_118 : memref<!tpu.dma_semaphore, #tpu.memory_space<semaphore_mem>>)
      %dma_wait3A = arith.constant 0 : i32
      %dma_wait3A_133 = arith.constant 0 : i32
      %dma_wait3A_134 = tpu.memref_slice %arg8[%run_scoped3A_117, %dma_wait3A, %dma_wait3A_133] : memref<2x128x128xf32, #tpu.memory_space<vmem>> -> memref<1x128x128xf32, #tpu.memory_space<vmem>>
      %dma_wait3A_135 = tpu.memref_squeeze %dma_wait3A_134 : memref<1x128x128xf32, #tpu.memory_space<vmem>> -> memref<128x128xf32, #tpu.memory_space<vmem>>
      %dma_wait3A_136 = arith.constant 0 : i32
      %dma_wait3A_137 = tpu.memref_slice %arg5[%arg0, %add3A_115, %dma_wait3A_136] : memref<2x10240x128xf32, #tpu.memory_space<hbm>> -> memref<1x128x128xf32, #tpu.memory_space<hbm>>
      %dma_wait3A_138 = tpu.memref_squeeze %dma_wait3A_137 : memref<1x128x128xf32, #tpu.memory_space<hbm>> -> memref<128x128xf32, #tpu.memory_space<hbm>>
      %dma_wait3A_139 = arith.constant 0 : i32
      %dma_wait3A_140 = tpu.memref_slice %arg5[%arg0, %add3A_115, %dma_wait3A_139] : memref<2x10240x128xf32, #tpu.memory_space<hbm>> -> memref<1x128x128xf32, #tpu.memory_space<hbm>>
      %dma_wait3A_141 = tpu.memref_squeeze %dma_wait3A_140 : memref<1x128x128xf32, #tpu.memory_space<hbm>> -> memref<128x128xf32, #tpu.memory_space<hbm>>
      %dma_wait3A_142 = arith.constant 0 : i32
      %dma_wait3A_143 = arith.constant 0 : i32
      %dma_wait3A_144 = tpu.memref_slice %arg8[%run_scoped3A_117, %dma_wait3A_142, %dma_wait3A_143] : memref<2x128x128xf32, #tpu.memory_space<vmem>> -> memref<1x128x128xf32, #tpu.memory_space<vmem>>
      %dma_wait3A_145 = tpu.memref_squeeze %dma_wait3A_144 : memref<1x128x128xf32, #tpu.memory_space<vmem>> -> memref<128x128xf32, #tpu.memory_space<vmem>>
      tpu.wait_dma2 semaphore(%run_scoped3A_118 : memref<!tpu.dma_semaphore, #tpu.memory_space<semaphore_mem>>) src(%dma_wait3A_145 : memref<128x128xf32, #tpu.memory_space<vmem>>) dst(%dma_wait3A_141 : memref<128x128xf32, #tpu.memory_space<hbm>>)
      tpu.yield
    }) : () -> ()
    return
  }
}

#map = affine_map<(d0, d1) -> (0, 0, 0)>
module attributes {stable_mosaic.version = 14 : i64} {
  func.func @_hist_sc(%arg0: i32, %arg1: i32, %arg2: memref<32x80x128xi32, #tpu.memory_space<hbm>>, %arg3: memref<2x10240x128xf32, #tpu.memory_space<hbm>>, %arg4: memref<40x128xi32, #tpu.memory_space<vmem>>, %arg5: memref<128x128xf32, #tpu.memory_space<vmem>>, %arg6: memref<10240x128xf32, #tpu.memory_space<vmem_shared>>) attributes {dimension_semantics = [#tpu.dimension_semantics<core_parallel>, #tpu.dimension_semantics<subcore_parallel>], iteration_bounds = array<i64: 2, 16>, scalar_prefetch = 0 : i64, scratch_operands = 3 : i64, tpu.core_type = #tpu.core_type<sc_vector_subcore>, window_params = [{transform_indices = #map}, {transform_indices = #map}]} {
    %mul3A = arith.constant 16 : i32
    %mul3A_0 = arith.muli %arg0, %mul3A : i32
    %add3A = arith.addi %mul3A_0, %arg1 : i32
    %scan3A = arith.constant 0 : i32
    %scan3A_1 = arith.constant 128 : i32
    %scan3A_2 = arith.addi %scan3A, %scan3A_1 : i32
    %scan3A_3 = arith.constant 1 : i32
    scf.for %scan3A_61 = %scan3A to %scan3A_2 step %scan3A_3  : i32 {
      %broadcast_in_dim3A = arith.constant 0.000000e+00 : f32
      %broadcast_in_dim3A_62 = vector.broadcast %broadcast_in_dim3A : f32 to vector<16xf32>
      %swap3A = arith.index_cast %scan3A_61 : i32 to index
      %swap3A_63 = arith.constant 0 : index
      %swap3A_64 = tpu.vector_load %arg5[%swap3A, %swap3A_63] {strides = array<i32>} : memref<128x128xf32, #tpu.memory_space<vmem>>, vector<1x16xf32>,
      %swap3A_65 = vector.shape_cast %swap3A_64 : vector<1x16xf32> to vector<16xf32>
      %swap3A_66 = vector.shape_cast %broadcast_in_dim3A_62 : vector<16xf32> to vector<1x16xf32>
      tpu.vector_store %arg5[%swap3A, %swap3A_63], %swap3A_66 {strides = array<i32>} : memref<128x128xf32, #tpu.memory_space<vmem>>, vector<1x16xf32>,
      %broadcast_in_dim3A_67 = arith.constant 0.000000e+00 : f32
      %broadcast_in_dim3A_68 = vector.broadcast %broadcast_in_dim3A_67 : f32 to vector<16xf32>
      %swap3A_69 = arith.index_cast %scan3A_61 : i32 to index
      %swap3A_70 = arith.constant 16 : index
      %swap3A_71 = tpu.vector_load %arg5[%swap3A_69, %swap3A_70] {strides = array<i32>} : memref<128x128xf32, #tpu.memory_space<vmem>>, vector<1x16xf32>,
      %swap3A_72 = vector.shape_cast %swap3A_71 : vector<1x16xf32> to vector<16xf32>
      %swap3A_73 = vector.shape_cast %broadcast_in_dim3A_68 : vector<16xf32> to vector<1x16xf32>
      tpu.vector_store %arg5[%swap3A_69, %swap3A_70], %swap3A_73 {strides = array<i32>} : memref<128x128xf32, #tpu.memory_space<vmem>>, vector<1x16xf32>,
      %broadcast_in_dim3A_74 = arith.constant 0.000000e+00 : f32
      %broadcast_in_dim3A_75 = vector.broadcast %broadcast_in_dim3A_74 : f32 to vector<16xf32>
      %swap3A_76 = arith.index_cast %scan3A_61 : i32 to index
      %swap3A_77 = arith.constant 32 : index
      %swap3A_78 = tpu.vector_load %arg5[%swap3A_76, %swap3A_77] {strides = array<i32>} : memref<128x128xf32, #tpu.memory_space<vmem>>, vector<1x16xf32>,
      %swap3A_79 = vector.shape_cast %swap3A_78 : vector<1x16xf32> to vector<16xf32>
      %swap3A_80 = vector.shape_cast %broadcast_in_dim3A_75 : vector<16xf32> to vector<1x16xf32>
      tpu.vector_store %arg5[%swap3A_76, %swap3A_77], %swap3A_80 {strides = array<i32>} : memref<128x128xf32, #tpu.memory_space<vmem>>, vector<1x16xf32>,
      %broadcast_in_dim3A_81 = arith.constant 0.000000e+00 : f32
      %broadcast_in_dim3A_82 = vector.broadcast %broadcast_in_dim3A_81 : f32 to vector<16xf32>
      %swap3A_83 = arith.index_cast %scan3A_61 : i32 to index
      %swap3A_84 = arith.constant 48 : index
      %swap3A_85 = tpu.vector_load %arg5[%swap3A_83, %swap3A_84] {strides = array<i32>} : memref<128x128xf32, #tpu.memory_space<vmem>>, vector<1x16xf32>,
      %swap3A_86 = vector.shape_cast %swap3A_85 : vector<1x16xf32> to vector<16xf32>
      %swap3A_87 = vector.shape_cast %broadcast_in_dim3A_82 : vector<16xf32> to vector<1x16xf32>
      tpu.vector_store %arg5[%swap3A_83, %swap3A_84], %swap3A_87 {strides = array<i32>} : memref<128x128xf32, #tpu.memory_space<vmem>>, vector<1x16xf32>,
      %broadcast_in_dim3A_88 = arith.constant 0.000000e+00 : f32
      %broadcast_in_dim3A_89 = vector.broadcast %broadcast_in_dim3A_88 : f32 to vector<16xf32>
      %swap3A_90 = arith.index_cast %scan3A_61 : i32 to index
      %swap3A_91 = arith.constant 64 : index
      %swap3A_92 = tpu.vector_load %arg5[%swap3A_90, %swap3A_91] {strides = array<i32>} : memref<128x128xf32, #tpu.memory_space<vmem>>, vector<1x16xf32>,
      %swap3A_93 = vector.shape_cast %swap3A_92 : vector<1x16xf32> to vector<16xf32>
      %swap3A_94 = vector.shape_cast %broadcast_in_dim3A_89 : vector<16xf32> to vector<1x16xf32>
      tpu.vector_store %arg5[%swap3A_90, %swap3A_91], %swap3A_94 {strides = array<i32>} : memref<128x128xf32, #tpu.memory_space<vmem>>, vector<1x16xf32>,
      %broadcast_in_dim3A_95 = arith.constant 0.000000e+00 : f32
      %broadcast_in_dim3A_96 = vector.broadcast %broadcast_in_dim3A_95 : f32 to vector<16xf32>
      %swap3A_97 = arith.index_cast %scan3A_61 : i32 to index
      %swap3A_98 = arith.constant 80 : index
      %swap3A_99 = tpu.vector_load %arg5[%swap3A_97, %swap3A_98] {strides = array<i32>} : memref<128x128xf32, #tpu.memory_space<vmem>>, vector<1x16xf32>,
      %swap3A_100 = vector.shape_cast %swap3A_99 : vector<1x16xf32> to vector<16xf32>
      %swap3A_101 = vector.shape_cast %broadcast_in_dim3A_96 : vector<16xf32> to vector<1x16xf32>
      tpu.vector_store %arg5[%swap3A_97, %swap3A_98], %swap3A_101 {strides = array<i32>} : memref<128x128xf32, #tpu.memory_space<vmem>>, vector<1x16xf32>,
      %broadcast_in_dim3A_102 = arith.constant 0.000000e+00 : f32
      %broadcast_in_dim3A_103 = vector.broadcast %broadcast_in_dim3A_102 : f32 to vector<16xf32>
      %swap3A_104 = arith.index_cast %scan3A_61 : i32 to index
      %swap3A_105 = arith.constant 96 : index
      %swap3A_106 = tpu.vector_load %arg5[%swap3A_104, %swap3A_105] {strides = array<i32>} : memref<128x128xf32, #tpu.memory_space<vmem>>, vector<1x16xf32>,
      %swap3A_107 = vector.shape_cast %swap3A_106 : vector<1x16xf32> to vector<16xf32>
      %swap3A_108 = vector.shape_cast %broadcast_in_dim3A_103 : vector<16xf32> to vector<1x16xf32>
      tpu.vector_store %arg5[%swap3A_104, %swap3A_105], %swap3A_108 {strides = array<i32>} : memref<128x128xf32, #tpu.memory_space<vmem>>, vector<1x16xf32>,
      %broadcast_in_dim3A_109 = arith.constant 0.000000e+00 : f32
      %broadcast_in_dim3A_110 = vector.broadcast %broadcast_in_dim3A_109 : f32 to vector<16xf32>
      %swap3A_111 = arith.index_cast %scan3A_61 : i32 to index
      %swap3A_112 = arith.constant 112 : index
      %swap3A_113 = tpu.vector_load %arg5[%swap3A_111, %swap3A_112] {strides = array<i32>} : memref<128x128xf32, #tpu.memory_space<vmem>>, vector<1x16xf32>,
      %swap3A_114 = vector.shape_cast %swap3A_113 : vector<1x16xf32> to vector<16xf32>
      %swap3A_115 = vector.shape_cast %broadcast_in_dim3A_110 : vector<16xf32> to vector<1x16xf32>
      tpu.vector_store %arg5[%swap3A_111, %swap3A_112], %swap3A_115 {strides = array<i32>} : memref<128x128xf32, #tpu.memory_space<vmem>>, vector<1x16xf32>,
    }
    %scan3A_4 = arith.constant 128 : i32
    %mul3A_5 = arith.constant 640 : i32
    %mul3A_6 = arith.muli %arg1, %mul3A_5 : i32
    %add3A_7 = arith.constant 0 : i32
    %add3A_8 = arith.addi %mul3A_6, %add3A_7 : i32
    "tpu.region"() ({
      %run_scoped3A = tpu.sem_alloc : memref<!tpu.dma_semaphore, #tpu.memory_space<semaphore_mem>>
      %dma_start3A = arith.constant 0 : i32
      %dma_start3A_61 = tpu.memref_slice %arg6[%add3A_8, %dma_start3A] : memref<10240x128xf32, #tpu.memory_space<vmem_shared>> -> memref<128x128xf32, #tpu.memory_space<vmem_shared>>
      %dma_start3A_62 = arith.constant 0 : i32
      %dma_start3A_63 = tpu.memref_slice %arg6[%add3A_8, %dma_start3A_62] : memref<10240x128xf32, #tpu.memory_space<vmem_shared>> -> memref<128x128xf32, #tpu.memory_space<vmem_shared>>
      tpu.enqueue_dma source(%arg5 : memref<128x128xf32, #tpu.memory_space<vmem>>) target(%dma_start3A_63 : memref<128x128xf32, #tpu.memory_space<vmem_shared>>) target_semaphore(%run_scoped3A : memref<!tpu.dma_semaphore, #tpu.memory_space<semaphore_mem>>)
      %dma_wait3A = arith.constant 0 : i32
      %dma_wait3A_64 = tpu.memref_slice %arg6[%add3A_8, %dma_wait3A] : memref<10240x128xf32, #tpu.memory_space<vmem_shared>> -> memref<128x128xf32, #tpu.memory_space<vmem_shared>>
      %dma_wait3A_65 = arith.constant 0 : i32
      %dma_wait3A_66 = tpu.memref_slice %arg6[%add3A_8, %dma_wait3A_65] : memref<10240x128xf32, #tpu.memory_space<vmem_shared>> -> memref<128x128xf32, #tpu.memory_space<vmem_shared>>
      tpu.wait_dma2 semaphore(%run_scoped3A : memref<!tpu.dma_semaphore, #tpu.memory_space<semaphore_mem>>) src(%arg5 : memref<128x128xf32, #tpu.memory_space<vmem>>) dst(%dma_wait3A_66 : memref<128x128xf32, #tpu.memory_space<vmem_shared>>)
      tpu.yield
    }) : () -> ()
    %mul3A_9 = arith.constant 640 : i32
    %mul3A_10 = arith.muli %arg1, %mul3A_9 : i32
    %add3A_11 = arith.constant 128 : i32
    %add3A_12 = arith.addi %mul3A_10, %add3A_11 : i32
    "tpu.region"() ({
      %run_scoped3A = tpu.sem_alloc : memref<!tpu.dma_semaphore, #tpu.memory_space<semaphore_mem>>
      %dma_start3A = arith.constant 0 : i32
      %dma_start3A_61 = tpu.memref_slice %arg6[%add3A_12, %dma_start3A] : memref<10240x128xf32, #tpu.memory_space<vmem_shared>> -> memref<128x128xf32, #tpu.memory_space<vmem_shared>>
      %dma_start3A_62 = arith.constant 0 : i32
      %dma_start3A_63 = tpu.memref_slice %arg6[%add3A_12, %dma_start3A_62] : memref<10240x128xf32, #tpu.memory_space<vmem_shared>> -> memref<128x128xf32, #tpu.memory_space<vmem_shared>>
      tpu.enqueue_dma source(%arg5 : memref<128x128xf32, #tpu.memory_space<vmem>>) target(%dma_start3A_63 : memref<128x128xf32, #tpu.memory_space<vmem_shared>>) target_semaphore(%run_scoped3A : memref<!tpu.dma_semaphore, #tpu.memory_space<semaphore_mem>>)
      %dma_wait3A = arith.constant 0 : i32
      %dma_wait3A_64 = tpu.memref_slice %arg6[%add3A_12, %dma_wait3A] : memref<10240x128xf32, #tpu.memory_space<vmem_shared>> -> memref<128x128xf32, #tpu.memory_space<vmem_shared>>
      %dma_wait3A_65 = arith.constant 0 : i32
      %dma_wait3A_66 = tpu.memref_slice %arg6[%add3A_12, %dma_wait3A_65] : memref<10240x128xf32, #tpu.memory_space<vmem_shared>> -> memref<128x128xf32, #tpu.memory_space<vmem_shared>>
      tpu.wait_dma2 semaphore(%run_scoped3A : memref<!tpu.dma_semaphore, #tpu.memory_space<semaphore_mem>>) src(%arg5 : memref<128x128xf32, #tpu.memory_space<vmem>>) dst(%dma_wait3A_66 : memref<128x128xf32, #tpu.memory_space<vmem_shared>>)
      tpu.yield
    }) : () -> ()
    %mul3A_13 = arith.constant 640 : i32
    %mul3A_14 = arith.muli %arg1, %mul3A_13 : i32
    %add3A_15 = arith.constant 256 : i32
    %add3A_16 = arith.addi %mul3A_14, %add3A_15 : i32
    "tpu.region"() ({
      %run_scoped3A = tpu.sem_alloc : memref<!tpu.dma_semaphore, #tpu.memory_space<semaphore_mem>>
      %dma_start3A = arith.constant 0 : i32
      %dma_start3A_61 = tpu.memref_slice %arg6[%add3A_16, %dma_start3A] : memref<10240x128xf32, #tpu.memory_space<vmem_shared>> -> memref<128x128xf32, #tpu.memory_space<vmem_shared>>
      %dma_start3A_62 = arith.constant 0 : i32
      %dma_start3A_63 = tpu.memref_slice %arg6[%add3A_16, %dma_start3A_62] : memref<10240x128xf32, #tpu.memory_space<vmem_shared>> -> memref<128x128xf32, #tpu.memory_space<vmem_shared>>
      tpu.enqueue_dma source(%arg5 : memref<128x128xf32, #tpu.memory_space<vmem>>) target(%dma_start3A_63 : memref<128x128xf32, #tpu.memory_space<vmem_shared>>) target_semaphore(%run_scoped3A : memref<!tpu.dma_semaphore, #tpu.memory_space<semaphore_mem>>)
      %dma_wait3A = arith.constant 0 : i32
      %dma_wait3A_64 = tpu.memref_slice %arg6[%add3A_16, %dma_wait3A] : memref<10240x128xf32, #tpu.memory_space<vmem_shared>> -> memref<128x128xf32, #tpu.memory_space<vmem_shared>>
      %dma_wait3A_65 = arith.constant 0 : i32
      %dma_wait3A_66 = tpu.memref_slice %arg6[%add3A_16, %dma_wait3A_65] : memref<10240x128xf32, #tpu.memory_space<vmem_shared>> -> memref<128x128xf32, #tpu.memory_space<vmem_shared>>
      tpu.wait_dma2 semaphore(%run_scoped3A : memref<!tpu.dma_semaphore, #tpu.memory_space<semaphore_mem>>) src(%arg5 : memref<128x128xf32, #tpu.memory_space<vmem>>) dst(%dma_wait3A_66 : memref<128x128xf32, #tpu.memory_space<vmem_shared>>)
      tpu.yield
    }) : () -> ()
    %mul3A_17 = arith.constant 640 : i32
    %mul3A_18 = arith.muli %arg1, %mul3A_17 : i32
    %add3A_19 = arith.constant 384 : i32
    %add3A_20 = arith.addi %mul3A_18, %add3A_19 : i32
    "tpu.region"() ({
      %run_scoped3A = tpu.sem_alloc : memref<!tpu.dma_semaphore, #tpu.memory_space<semaphore_mem>>
      %dma_start3A = arith.constant 0 : i32
      %dma_start3A_61 = tpu.memref_slice %arg6[%add3A_20, %dma_start3A] : memref<10240x128xf32, #tpu.memory_space<vmem_shared>> -> memref<128x128xf32, #tpu.memory_space<vmem_shared>>
      %dma_start3A_62 = arith.constant 0 : i32
      %dma_start3A_63 = tpu.memref_slice %arg6[%add3A_20, %dma_start3A_62] : memref<10240x128xf32, #tpu.memory_space<vmem_shared>> -> memref<128x128xf32, #tpu.memory_space<vmem_shared>>
      tpu.enqueue_dma source(%arg5 : memref<128x128xf32, #tpu.memory_space<vmem>>) target(%dma_start3A_63 : memref<128x128xf32, #tpu.memory_space<vmem_shared>>) target_semaphore(%run_scoped3A : memref<!tpu.dma_semaphore, #tpu.memory_space<semaphore_mem>>)
      %dma_wait3A = arith.constant 0 : i32
      %dma_wait3A_64 = tpu.memref_slice %arg6[%add3A_20, %dma_wait3A] : memref<10240x128xf32, #tpu.memory_space<vmem_shared>> -> memref<128x128xf32, #tpu.memory_space<vmem_shared>>
      %dma_wait3A_65 = arith.constant 0 : i32
      %dma_wait3A_66 = tpu.memref_slice %arg6[%add3A_20, %dma_wait3A_65] : memref<10240x128xf32, #tpu.memory_space<vmem_shared>> -> memref<128x128xf32, #tpu.memory_space<vmem_shared>>
      tpu.wait_dma2 semaphore(%run_scoped3A : memref<!tpu.dma_semaphore, #tpu.memory_space<semaphore_mem>>) src(%arg5 : memref<128x128xf32, #tpu.memory_space<vmem>>) dst(%dma_wait3A_66 : memref<128x128xf32, #tpu.memory_space<vmem_shared>>)
      tpu.yield
    }) : () -> ()
    %mul3A_21 = arith.constant 640 : i32
    %mul3A_22 = arith.muli %arg1, %mul3A_21 : i32
    %add3A_23 = arith.constant 512 : i32
    %add3A_24 = arith.addi %mul3A_22, %add3A_23 : i32
    "tpu.region"() ({
      %run_scoped3A = tpu.sem_alloc : memref<!tpu.dma_semaphore, #tpu.memory_space<semaphore_mem>>
      %dma_start3A = arith.constant 0 : i32
      %dma_start3A_61 = tpu.memref_slice %arg6[%add3A_24, %dma_start3A] : memref<10240x128xf32, #tpu.memory_space<vmem_shared>> -> memref<128x128xf32, #tpu.memory_space<vmem_shared>>
      %dma_start3A_62 = arith.constant 0 : i32
      %dma_start3A_63 = tpu.memref_slice %arg6[%add3A_24, %dma_start3A_62] : memref<10240x128xf32, #tpu.memory_space<vmem_shared>> -> memref<128x128xf32, #tpu.memory_space<vmem_shared>>
      tpu.enqueue_dma source(%arg5 : memref<128x128xf32, #tpu.memory_space<vmem>>) target(%dma_start3A_63 : memref<128x128xf32, #tpu.memory_space<vmem_shared>>) target_semaphore(%run_scoped3A : memref<!tpu.dma_semaphore, #tpu.memory_space<semaphore_mem>>)
      %dma_wait3A = arith.constant 0 : i32
      %dma_wait3A_64 = tpu.memref_slice %arg6[%add3A_24, %dma_wait3A] : memref<10240x128xf32, #tpu.memory_space<vmem_shared>> -> memref<128x128xf32, #tpu.memory_space<vmem_shared>>
      %dma_wait3A_65 = arith.constant 0 : i32
      %dma_wait3A_66 = tpu.memref_slice %arg6[%add3A_24, %dma_wait3A_65] : memref<10240x128xf32, #tpu.memory_space<vmem_shared>> -> memref<128x128xf32, #tpu.memory_space<vmem_shared>>
      tpu.wait_dma2 semaphore(%run_scoped3A : memref<!tpu.dma_semaphore, #tpu.memory_space<semaphore_mem>>) src(%arg5 : memref<128x128xf32, #tpu.memory_space<vmem>>) dst(%dma_wait3A_66 : memref<128x128xf32, #tpu.memory_space<vmem_shared>>)
      tpu.yield
    }) : () -> ()
    %scan3A_25 = arith.constant 0 : i32
    %scan3A_26 = arith.constant 128 : i32
    %scan3A_27 = arith.addi %scan3A_25, %scan3A_26 : i32
    %scan3A_28 = arith.constant 1 : i32
    scf.for %scan3A_61 = %scan3A_25 to %scan3A_27 step %scan3A_28  : i32 {
      %broadcast_in_dim3A = arith.constant 1.000000e+00 : f32
      %broadcast_in_dim3A_62 = vector.broadcast %broadcast_in_dim3A : f32 to vector<16xf32>
      %swap3A = arith.index_cast %scan3A_61 : i32 to index
      %swap3A_63 = arith.constant 0 : index
      %swap3A_64 = tpu.vector_load %arg5[%swap3A, %swap3A_63] {strides = array<i32>} : memref<128x128xf32, #tpu.memory_space<vmem>>, vector<1x16xf32>,
      %swap3A_65 = vector.shape_cast %swap3A_64 : vector<1x16xf32> to vector<16xf32>
      %swap3A_66 = vector.shape_cast %broadcast_in_dim3A_62 : vector<16xf32> to vector<1x16xf32>
      tpu.vector_store %arg5[%swap3A, %swap3A_63], %swap3A_66 {strides = array<i32>} : memref<128x128xf32, #tpu.memory_space<vmem>>, vector<1x16xf32>,
      %broadcast_in_dim3A_67 = arith.constant 1.000000e+00 : f32
      %broadcast_in_dim3A_68 = vector.broadcast %broadcast_in_dim3A_67 : f32 to vector<16xf32>
      %swap3A_69 = arith.index_cast %scan3A_61 : i32 to index
      %swap3A_70 = arith.constant 16 : index
      %swap3A_71 = tpu.vector_load %arg5[%swap3A_69, %swap3A_70] {strides = array<i32>} : memref<128x128xf32, #tpu.memory_space<vmem>>, vector<1x16xf32>,
      %swap3A_72 = vector.shape_cast %swap3A_71 : vector<1x16xf32> to vector<16xf32>
      %swap3A_73 = vector.shape_cast %broadcast_in_dim3A_68 : vector<16xf32> to vector<1x16xf32>
      tpu.vector_store %arg5[%swap3A_69, %swap3A_70], %swap3A_73 {strides = array<i32>} : memref<128x128xf32, #tpu.memory_space<vmem>>, vector<1x16xf32>,
      %broadcast_in_dim3A_74 = arith.constant 1.000000e+00 : f32
      %broadcast_in_dim3A_75 = vector.broadcast %broadcast_in_dim3A_74 : f32 to vector<16xf32>
      %swap3A_76 = arith.index_cast %scan3A_61 : i32 to index
      %swap3A_77 = arith.constant 32 : index
      %swap3A_78 = tpu.vector_load %arg5[%swap3A_76, %swap3A_77] {strides = array<i32>} : memref<128x128xf32, #tpu.memory_space<vmem>>, vector<1x16xf32>,
      %swap3A_79 = vector.shape_cast %swap3A_78 : vector<1x16xf32> to vector<16xf32>
      %swap3A_80 = vector.shape_cast %broadcast_in_dim3A_75 : vector<16xf32> to vector<1x16xf32>
      tpu.vector_store %arg5[%swap3A_76, %swap3A_77], %swap3A_80 {strides = array<i32>} : memref<128x128xf32, #tpu.memory_space<vmem>>, vector<1x16xf32>,
      %broadcast_in_dim3A_81 = arith.constant 1.000000e+00 : f32
      %broadcast_in_dim3A_82 = vector.broadcast %broadcast_in_dim3A_81 : f32 to vector<16xf32>
      %swap3A_83 = arith.index_cast %scan3A_61 : i32 to index
      %swap3A_84 = arith.constant 48 : index
      %swap3A_85 = tpu.vector_load %arg5[%swap3A_83, %swap3A_84] {strides = array<i32>} : memref<128x128xf32, #tpu.memory_space<vmem>>, vector<1x16xf32>,
      %swap3A_86 = vector.shape_cast %swap3A_85 : vector<1x16xf32> to vector<16xf32>
      %swap3A_87 = vector.shape_cast %broadcast_in_dim3A_82 : vector<16xf32> to vector<1x16xf32>
      tpu.vector_store %arg5[%swap3A_83, %swap3A_84], %swap3A_87 {strides = array<i32>} : memref<128x128xf32, #tpu.memory_space<vmem>>, vector<1x16xf32>,
      %broadcast_in_dim3A_88 = arith.constant 1.000000e+00 : f32
      %broadcast_in_dim3A_89 = vector.broadcast %broadcast_in_dim3A_88 : f32 to vector<16xf32>
      %swap3A_90 = arith.index_cast %scan3A_61 : i32 to index
      %swap3A_91 = arith.constant 64 : index
      %swap3A_92 = tpu.vector_load %arg5[%swap3A_90, %swap3A_91] {strides = array<i32>} : memref<128x128xf32, #tpu.memory_space<vmem>>, vector<1x16xf32>,
      %swap3A_93 = vector.shape_cast %swap3A_92 : vector<1x16xf32> to vector<16xf32>
      %swap3A_94 = vector.shape_cast %broadcast_in_dim3A_89 : vector<16xf32> to vector<1x16xf32>
      tpu.vector_store %arg5[%swap3A_90, %swap3A_91], %swap3A_94 {strides = array<i32>} : memref<128x128xf32, #tpu.memory_space<vmem>>, vector<1x16xf32>,
      %broadcast_in_dim3A_95 = arith.constant 1.000000e+00 : f32
      %broadcast_in_dim3A_96 = vector.broadcast %broadcast_in_dim3A_95 : f32 to vector<16xf32>
      %swap3A_97 = arith.index_cast %scan3A_61 : i32 to index
      %swap3A_98 = arith.constant 80 : index
      %swap3A_99 = tpu.vector_load %arg5[%swap3A_97, %swap3A_98] {strides = array<i32>} : memref<128x128xf32, #tpu.memory_space<vmem>>, vector<1x16xf32>,
      %swap3A_100 = vector.shape_cast %swap3A_99 : vector<1x16xf32> to vector<16xf32>
      %swap3A_101 = vector.shape_cast %broadcast_in_dim3A_96 : vector<16xf32> to vector<1x16xf32>
      tpu.vector_store %arg5[%swap3A_97, %swap3A_98], %swap3A_101 {strides = array<i32>} : memref<128x128xf32, #tpu.memory_space<vmem>>, vector<1x16xf32>,
      %broadcast_in_dim3A_102 = arith.constant 1.000000e+00 : f32
      %broadcast_in_dim3A_103 = vector.broadcast %broadcast_in_dim3A_102 : f32 to vector<16xf32>
      %swap3A_104 = arith.index_cast %scan3A_61 : i32 to index
      %swap3A_105 = arith.constant 96 : index
      %swap3A_106 = tpu.vector_load %arg5[%swap3A_104, %swap3A_105] {strides = array<i32>} : memref<128x128xf32, #tpu.memory_space<vmem>>, vector<1x16xf32>,
      %swap3A_107 = vector.shape_cast %swap3A_106 : vector<1x16xf32> to vector<16xf32>
      %swap3A_108 = vector.shape_cast %broadcast_in_dim3A_103 : vector<16xf32> to vector<1x16xf32>
      tpu.vector_store %arg5[%swap3A_104, %swap3A_105], %swap3A_108 {strides = array<i32>} : memref<128x128xf32, #tpu.memory_space<vmem>>, vector<1x16xf32>,
      %broadcast_in_dim3A_109 = arith.constant 1.000000e+00 : f32
      %broadcast_in_dim3A_110 = vector.broadcast %broadcast_in_dim3A_109 : f32 to vector<16xf32>
      %swap3A_111 = arith.index_cast %scan3A_61 : i32 to index
      %swap3A_112 = arith.constant 112 : index
      %swap3A_113 = tpu.vector_load %arg5[%swap3A_111, %swap3A_112] {strides = array<i32>} : memref<128x128xf32, #tpu.memory_space<vmem>>, vector<1x16xf32>,
      %swap3A_114 = vector.shape_cast %swap3A_113 : vector<1x16xf32> to vector<16xf32>
      %swap3A_115 = vector.shape_cast %broadcast_in_dim3A_110 : vector<16xf32> to vector<1x16xf32>
      tpu.vector_store %arg5[%swap3A_111, %swap3A_112], %swap3A_115 {strides = array<i32>} : memref<128x128xf32, #tpu.memory_space<vmem>>, vector<1x16xf32>,
    }
    %scan3A_29 = arith.constant 128 : i32
    %barrier3A = arith.constant 0 : index
    tpu.barrier barrier_id(%barrier3A)
    "tpu.region"() ({
      %run_scoped3A = tpu.sem_alloc : memref<!tpu.dma_semaphore, #tpu.memory_space<semaphore_mem>>
      %dma_start3A = arith.constant 0 : i32
      %dma_start3A_61 = arith.constant 0 : i32
      %dma_start3A_62 = tpu.memref_slice %arg2[%add3A, %dma_start3A, %dma_start3A_61] : memref<32x80x128xi32, #tpu.memory_space<hbm>> -> memref<1x40x128xi32, #tpu.memory_space<hbm>>
      %dma_start3A_63 = tpu.memref_squeeze %dma_start3A_62 : memref<1x40x128xi32, #tpu.memory_space<hbm>> -> memref<40x128xi32, #tpu.memory_space<hbm>>
      %dma_start3A_64 = arith.constant 0 : i32
      %dma_start3A_65 = arith.constant 0 : i32
      %dma_start3A_66 = tpu.memref_slice %arg2[%add3A, %dma_start3A_64, %dma_start3A_65] : memref<32x80x128xi32, #tpu.memory_space<hbm>> -> memref<1x40x128xi32, #tpu.memory_space<hbm>>
      %dma_start3A_67 = tpu.memref_squeeze %dma_start3A_66 : memref<1x40x128xi32, #tpu.memory_space<hbm>> -> memref<40x128xi32, #tpu.memory_space<hbm>>
      tpu.enqueue_dma source(%dma_start3A_67 : memref<40x128xi32, #tpu.memory_space<hbm>>) target(%arg4 : memref<40x128xi32, #tpu.memory_space<vmem>>) target_semaphore(%run_scoped3A : memref<!tpu.dma_semaphore, #tpu.memory_space<semaphore_mem>>)
      %dma_wait3A = arith.constant 0 : i32
      %dma_wait3A_68 = arith.constant 0 : i32
      %dma_wait3A_69 = tpu.memref_slice %arg2[%add3A, %dma_wait3A, %dma_wait3A_68] : memref<32x80x128xi32, #tpu.memory_space<hbm>> -> memref<1x40x128xi32, #tpu.memory_space<hbm>>
      %dma_wait3A_70 = tpu.memref_squeeze %dma_wait3A_69 : memref<1x40x128xi32, #tpu.memory_space<hbm>> -> memref<40x128xi32, #tpu.memory_space<hbm>>
      %dma_wait3A_71 = arith.constant 0 : i32
      %dma_wait3A_72 = arith.constant 0 : i32
      %dma_wait3A_73 = tpu.memref_slice %arg2[%add3A, %dma_wait3A_71, %dma_wait3A_72] : memref<32x80x128xi32, #tpu.memory_space<hbm>> -> memref<1x40x128xi32, #tpu.memory_space<hbm>>
      %dma_wait3A_74 = tpu.memref_squeeze %dma_wait3A_73 : memref<1x40x128xi32, #tpu.memory_space<hbm>> -> memref<40x128xi32, #tpu.memory_space<hbm>>
      tpu.wait_dma2 semaphore(%run_scoped3A : memref<!tpu.dma_semaphore, #tpu.memory_space<semaphore_mem>>) src(%dma_wait3A_74 : memref<40x128xi32, #tpu.memory_space<hbm>>) dst(%arg4 : memref<40x128xi32, #tpu.memory_space<vmem>>)
      tpu.yield
    }) : () -> ()
    %scan3A_30 = arith.constant 0 : i32
    %scan3A_31 = arith.constant 40 : i32
    %scan3A_32 = arith.addi %scan3A_30, %scan3A_31 : i32
    %scan3A_33 = arith.constant 1 : i32
    scf.for %scan3A_61 = %scan3A_30 to %scan3A_32 step %scan3A_33  : i32 {
      "tpu.region"() ({
        %run_scoped3A = tpu.sem_alloc : memref<!tpu.dma_semaphore, #tpu.memory_space<semaphore_mem>>
        %dma_start3A = arith.constant 0 : i32
        %dma_start3A_62 = tpu.memref_slice %arg4[%scan3A_61, %dma_start3A] : memref<40x128xi32, #tpu.memory_space<vmem>> -> memref<1x128xi32, #tpu.memory_space<vmem>>
        %dma_start3A_63 = tpu.memref_squeeze %dma_start3A_62 : memref<1x128xi32, #tpu.memory_space<vmem>> -> memref<128xi32, #tpu.memory_space<vmem>>
        %dma_start3A_64 = arith.constant 0 : i32
        %dma_start3A_65 = arith.constant 0 : i32
        %dma_start3A_66 = tpu.memref_slice %arg6[%dma_start3A_64, %dma_start3A_65] : memref<10240x128xf32, #tpu.memory_space<vmem_shared>> -> memref<10240x128xf32, #tpu.memory_space<vmem_shared>>
        tpu.enqueue_indirect_dma source(%arg5 : memref<128x128xf32, #tpu.memory_space<vmem>>) target(%dma_start3A_66 : memref<10240x128xf32, #tpu.memory_space<vmem_shared>>) offsets(%dma_start3A_63 : memref<128xi32, #tpu.memory_space<vmem>>) semaphore(%run_scoped3A : memref<!tpu.dma_semaphore, #tpu.memory_space<semaphore_mem>>) {add = true}
        %dma_wait3A = arith.constant 0 : i32
        %dma_wait3A_67 = tpu.memref_slice %arg4[%scan3A_61, %dma_wait3A] : memref<40x128xi32, #tpu.memory_space<vmem>> -> memref<1x128xi32, #tpu.memory_space<vmem>>
        %dma_wait3A_68 = tpu.memref_squeeze %dma_wait3A_67 : memref<1x128xi32, #tpu.memory_space<vmem>> -> memref<128xi32, #tpu.memory_space<vmem>>
        %dma_wait3A_69 = arith.constant 0 : i32
        %dma_wait3A_70 = arith.constant 0 : i32
        %dma_wait3A_71 = tpu.memref_slice %arg6[%dma_wait3A_69, %dma_wait3A_70] : memref<10240x128xf32, #tpu.memory_space<vmem_shared>> -> memref<10240x128xf32, #tpu.memory_space<vmem_shared>>
        tpu.wait_indirect_dma semaphore(%run_scoped3A : memref<!tpu.dma_semaphore, #tpu.memory_space<semaphore_mem>>) src(%arg5 : memref<128x128xf32, #tpu.memory_space<vmem>>) dst(%dma_wait3A_71 : memref<10240x128xf32, #tpu.memory_space<vmem_shared>>)
        tpu.yield
      }) : () -> ()
    }
    %scan3A_34 = arith.constant 40 : i32
    "tpu.region"() ({
      %run_scoped3A = tpu.sem_alloc : memref<!tpu.dma_semaphore, #tpu.memory_space<semaphore_mem>>
      %dma_start3A = arith.constant 40 : i32
      %dma_start3A_61 = arith.constant 0 : i32
      %dma_start3A_62 = tpu.memref_slice %arg2[%add3A, %dma_start3A, %dma_start3A_61] : memref<32x80x128xi32, #tpu.memory_space<hbm>> -> memref<1x40x128xi32, #tpu.memory_space<hbm>>
      %dma_start3A_63 = tpu.memref_squeeze %dma_start3A_62 : memref<1x40x128xi32, #tpu.memory_space<hbm>> -> memref<40x128xi32, #tpu.memory_space<hbm>>
      %dma_start3A_64 = arith.constant 40 : i32
      %dma_start3A_65 = arith.constant 0 : i32
      %dma_start3A_66 = tpu.memref_slice %arg2[%add3A, %dma_start3A_64, %dma_start3A_65] : memref<32x80x128xi32, #tpu.memory_space<hbm>> -> memref<1x40x128xi32, #tpu.memory_space<hbm>>
      %dma_start3A_67 = tpu.memref_squeeze %dma_start3A_66 : memref<1x40x128xi32, #tpu.memory_space<hbm>> -> memref<40x128xi32, #tpu.memory_space<hbm>>
      tpu.enqueue_dma source(%dma_start3A_67 : memref<40x128xi32, #tpu.memory_space<hbm>>) target(%arg4 : memref<40x128xi32, #tpu.memory_space<vmem>>) target_semaphore(%run_scoped3A : memref<!tpu.dma_semaphore, #tpu.memory_space<semaphore_mem>>)
      %dma_wait3A = arith.constant 40 : i32
      %dma_wait3A_68 = arith.constant 0 : i32
      %dma_wait3A_69 = tpu.memref_slice %arg2[%add3A, %dma_wait3A, %dma_wait3A_68] : memref<32x80x128xi32, #tpu.memory_space<hbm>> -> memref<1x40x128xi32, #tpu.memory_space<hbm>>
      %dma_wait3A_70 = tpu.memref_squeeze %dma_wait3A_69 : memref<1x40x128xi32, #tpu.memory_space<hbm>> -> memref<40x128xi32, #tpu.memory_space<hbm>>
      %dma_wait3A_71 = arith.constant 40 : i32
      %dma_wait3A_72 = arith.constant 0 : i32
      %dma_wait3A_73 = tpu.memref_slice %arg2[%add3A, %dma_wait3A_71, %dma_wait3A_72] : memref<32x80x128xi32, #tpu.memory_space<hbm>> -> memref<1x40x128xi32, #tpu.memory_space<hbm>>
      %dma_wait3A_74 = tpu.memref_squeeze %dma_wait3A_73 : memref<1x40x128xi32, #tpu.memory_space<hbm>> -> memref<40x128xi32, #tpu.memory_space<hbm>>
      tpu.wait_dma2 semaphore(%run_scoped3A : memref<!tpu.dma_semaphore, #tpu.memory_space<semaphore_mem>>) src(%dma_wait3A_74 : memref<40x128xi32, #tpu.memory_space<hbm>>) dst(%arg4 : memref<40x128xi32, #tpu.memory_space<vmem>>)
      tpu.yield
    }) : () -> ()
    %scan3A_35 = arith.constant 0 : i32
    %scan3A_36 = arith.constant 40 : i32
    %scan3A_37 = arith.addi %scan3A_35, %scan3A_36 : i32
    %scan3A_38 = arith.constant 1 : i32
    scf.for %scan3A_61 = %scan3A_35 to %scan3A_37 step %scan3A_38  : i32 {
      "tpu.region"() ({
        %run_scoped3A = tpu.sem_alloc : memref<!tpu.dma_semaphore, #tpu.memory_space<semaphore_mem>>
        %dma_start3A = arith.constant 0 : i32
        %dma_start3A_62 = tpu.memref_slice %arg4[%scan3A_61, %dma_start3A] : memref<40x128xi32, #tpu.memory_space<vmem>> -> memref<1x128xi32, #tpu.memory_space<vmem>>
        %dma_start3A_63 = tpu.memref_squeeze %dma_start3A_62 : memref<1x128xi32, #tpu.memory_space<vmem>> -> memref<128xi32, #tpu.memory_space<vmem>>
        %dma_start3A_64 = arith.constant 0 : i32
        %dma_start3A_65 = arith.constant 0 : i32
        %dma_start3A_66 = tpu.memref_slice %arg6[%dma_start3A_64, %dma_start3A_65] : memref<10240x128xf32, #tpu.memory_space<vmem_shared>> -> memref<10240x128xf32, #tpu.memory_space<vmem_shared>>
        tpu.enqueue_indirect_dma source(%arg5 : memref<128x128xf32, #tpu.memory_space<vmem>>) target(%dma_start3A_66 : memref<10240x128xf32, #tpu.memory_space<vmem_shared>>) offsets(%dma_start3A_63 : memref<128xi32, #tpu.memory_space<vmem>>) semaphore(%run_scoped3A : memref<!tpu.dma_semaphore, #tpu.memory_space<semaphore_mem>>) {add = true}
        %dma_wait3A = arith.constant 0 : i32
        %dma_wait3A_67 = tpu.memref_slice %arg4[%scan3A_61, %dma_wait3A] : memref<40x128xi32, #tpu.memory_space<vmem>> -> memref<1x128xi32, #tpu.memory_space<vmem>>
        %dma_wait3A_68 = tpu.memref_squeeze %dma_wait3A_67 : memref<1x128xi32, #tpu.memory_space<vmem>> -> memref<128xi32, #tpu.memory_space<vmem>>
        %dma_wait3A_69 = arith.constant 0 : i32
        %dma_wait3A_70 = arith.constant 0 : i32
        %dma_wait3A_71 = tpu.memref_slice %arg6[%dma_wait3A_69, %dma_wait3A_70] : memref<10240x128xf32, #tpu.memory_space<vmem_shared>> -> memref<10240x128xf32, #tpu.memory_space<vmem_shared>>
        tpu.wait_indirect_dma semaphore(%run_scoped3A : memref<!tpu.dma_semaphore, #tpu.memory_space<semaphore_mem>>) src(%arg5 : memref<128x128xf32, #tpu.memory_space<vmem>>) dst(%dma_wait3A_71 : memref<10240x128xf32, #tpu.memory_space<vmem_shared>>)
        tpu.yield
      }) : () -> ()
    }
    %scan3A_39 = arith.constant 40 : i32
    %barrier3A_40 = arith.constant 0 : index
    tpu.barrier barrier_id(%barrier3A_40)
    %mul3A_41 = arith.constant 640 : i32
    %mul3A_42 = arith.muli %arg1, %mul3A_41 : i32
    %add3A_43 = arith.constant 0 : i32
    %add3A_44 = arith.addi %mul3A_42, %add3A_43 : i32
    "tpu.region"() ({
      %run_scoped3A = tpu.sem_alloc : memref<!tpu.dma_semaphore, #tpu.memory_space<semaphore_mem>>
      %dma_start3A = arith.constant 0 : i32
      %dma_start3A_61 = tpu.memref_slice %arg6[%add3A_44, %dma_start3A] : memref<10240x128xf32, #tpu.memory_space<vmem_shared>> -> memref<128x128xf32, #tpu.memory_space<vmem_shared>>
      %dma_start3A_62 = arith.constant 0 : i32
      %dma_start3A_63 = tpu.memref_slice %arg6[%add3A_44, %dma_start3A_62] : memref<10240x128xf32, #tpu.memory_space<vmem_shared>> -> memref<128x128xf32, #tpu.memory_space<vmem_shared>>
      tpu.enqueue_dma source(%dma_start3A_63 : memref<128x128xf32, #tpu.memory_space<vmem_shared>>) target(%arg5 : memref<128x128xf32, #tpu.memory_space<vmem>>) target_semaphore(%run_scoped3A : memref<!tpu.dma_semaphore, #tpu.memory_space<semaphore_mem>>)
      %dma_wait3A = arith.constant 0 : i32
      %dma_wait3A_64 = tpu.memref_slice %arg6[%add3A_44, %dma_wait3A] : memref<10240x128xf32, #tpu.memory_space<vmem_shared>> -> memref<128x128xf32, #tpu.memory_space<vmem_shared>>
      %dma_wait3A_65 = arith.constant 0 : i32
      %dma_wait3A_66 = tpu.memref_slice %arg6[%add3A_44, %dma_wait3A_65] : memref<10240x128xf32, #tpu.memory_space<vmem_shared>> -> memref<128x128xf32, #tpu.memory_space<vmem_shared>>
      tpu.wait_dma2 semaphore(%run_scoped3A : memref<!tpu.dma_semaphore, #tpu.memory_space<semaphore_mem>>) src(%dma_wait3A_66 : memref<128x128xf32, #tpu.memory_space<vmem_shared>>) dst(%arg5 : memref<128x128xf32, #tpu.memory_space<vmem>>)
      tpu.yield
    }) : () -> ()
    "tpu.region"() ({
      %run_scoped3A = tpu.sem_alloc : memref<!tpu.dma_semaphore, #tpu.memory_space<semaphore_mem>>
      %dma_start3A = arith.constant 0 : i32
      %dma_start3A_61 = tpu.memref_slice %arg3[%arg0, %add3A_44, %dma_start3A] : memref<2x10240x128xf32, #tpu.memory_space<hbm>> -> memref<1x128x128xf32, #tpu.memory_space<hbm>>
      %dma_start3A_62 = tpu.memref_squeeze %dma_start3A_61 : memref<1x128x128xf32, #tpu.memory_space<hbm>> -> memref<128x128xf32, #tpu.memory_space<hbm>>
      %dma_start3A_63 = arith.constant 0 : i32
      %dma_start3A_64 = tpu.memref_slice %arg3[%arg0, %add3A_44, %dma_start3A_63] : memref<2x10240x128xf32, #tpu.memory_space<hbm>> -> memref<1x128x128xf32, #tpu.memory_space<hbm>>
      %dma_start3A_65 = tpu.memref_squeeze %dma_start3A_64 : memref<1x128x128xf32, #tpu.memory_space<hbm>> -> memref<128x128xf32, #tpu.memory_space<hbm>>
      tpu.enqueue_dma source(%arg5 : memref<128x128xf32, #tpu.memory_space<vmem>>) target(%dma_start3A_65 : memref<128x128xf32, #tpu.memory_space<hbm>>) target_semaphore(%run_scoped3A : memref<!tpu.dma_semaphore, #tpu.memory_space<semaphore_mem>>)
      %dma_wait3A = arith.constant 0 : i32
      %dma_wait3A_66 = tpu.memref_slice %arg3[%arg0, %add3A_44, %dma_wait3A] : memref<2x10240x128xf32, #tpu.memory_space<hbm>> -> memref<1x128x128xf32, #tpu.memory_space<hbm>>
      %dma_wait3A_67 = tpu.memref_squeeze %dma_wait3A_66 : memref<1x128x128xf32, #tpu.memory_space<hbm>> -> memref<128x128xf32, #tpu.memory_space<hbm>>
      %dma_wait3A_68 = arith.constant 0 : i32
      %dma_wait3A_69 = tpu.memref_slice %arg3[%arg0, %add3A_44, %dma_wait3A_68] : memref<2x10240x128xf32, #tpu.memory_space<hbm>> -> memref<1x128x128xf32, #tpu.memory_space<hbm>>
      %dma_wait3A_70 = tpu.memref_squeeze %dma_wait3A_69 : memref<1x128x128xf32, #tpu.memory_space<hbm>> -> memref<128x128xf32, #tpu.memory_space<hbm>>
      tpu.wait_dma2 semaphore(%run_scoped3A : memref<!tpu.dma_semaphore, #tpu.memory_space<semaphore_mem>>) src(%arg5 : memref<128x128xf32, #tpu.memory_space<vmem>>) dst(%dma_wait3A_70 : memref<128x128xf32, #tpu.memory_space<hbm>>)
      tpu.yield
    }) : () -> ()
    %mul3A_45 = arith.constant 640 : i32
    %mul3A_46 = arith.muli %arg1, %mul3A_45 : i32
    %add3A_47 = arith.constant 128 : i32
    %add3A_48 = arith.addi %mul3A_46, %add3A_47 : i32
    "tpu.region"() ({
      %run_scoped3A = tpu.sem_alloc : memref<!tpu.dma_semaphore, #tpu.memory_space<semaphore_mem>>
      %dma_start3A = arith.constant 0 : i32
      %dma_start3A_61 = tpu.memref_slice %arg6[%add3A_48, %dma_start3A] : memref<10240x128xf32, #tpu.memory_space<vmem_shared>> -> memref<128x128xf32, #tpu.memory_space<vmem_shared>>
      %dma_start3A_62 = arith.constant 0 : i32
      %dma_start3A_63 = tpu.memref_slice %arg6[%add3A_48, %dma_start3A_62] : memref<10240x128xf32, #tpu.memory_space<vmem_shared>> -> memref<128x128xf32, #tpu.memory_space<vmem_shared>>
      tpu.enqueue_dma source(%dma_start3A_63 : memref<128x128xf32, #tpu.memory_space<vmem_shared>>) target(%arg5 : memref<128x128xf32, #tpu.memory_space<vmem>>) target_semaphore(%run_scoped3A : memref<!tpu.dma_semaphore, #tpu.memory_space<semaphore_mem>>)
      %dma_wait3A = arith.constant 0 : i32
      %dma_wait3A_64 = tpu.memref_slice %arg6[%add3A_48, %dma_wait3A] : memref<10240x128xf32, #tpu.memory_space<vmem_shared>> -> memref<128x128xf32, #tpu.memory_space<vmem_shared>>
      %dma_wait3A_65 = arith.constant 0 : i32
      %dma_wait3A_66 = tpu.memref_slice %arg6[%add3A_48, %dma_wait3A_65] : memref<10240x128xf32, #tpu.memory_space<vmem_shared>> -> memref<128x128xf32, #tpu.memory_space<vmem_shared>>
      tpu.wait_dma2 semaphore(%run_scoped3A : memref<!tpu.dma_semaphore, #tpu.memory_space<semaphore_mem>>) src(%dma_wait3A_66 : memref<128x128xf32, #tpu.memory_space<vmem_shared>>) dst(%arg5 : memref<128x128xf32, #tpu.memory_space<vmem>>)
      tpu.yield
    }) : () -> ()
    "tpu.region"() ({
      %run_scoped3A = tpu.sem_alloc : memref<!tpu.dma_semaphore, #tpu.memory_space<semaphore_mem>>
      %dma_start3A = arith.constant 0 : i32
      %dma_start3A_61 = tpu.memref_slice %arg3[%arg0, %add3A_48, %dma_start3A] : memref<2x10240x128xf32, #tpu.memory_space<hbm>> -> memref<1x128x128xf32, #tpu.memory_space<hbm>>
      %dma_start3A_62 = tpu.memref_squeeze %dma_start3A_61 : memref<1x128x128xf32, #tpu.memory_space<hbm>> -> memref<128x128xf32, #tpu.memory_space<hbm>>
      %dma_start3A_63 = arith.constant 0 : i32
      %dma_start3A_64 = tpu.memref_slice %arg3[%arg0, %add3A_48, %dma_start3A_63] : memref<2x10240x128xf32, #tpu.memory_space<hbm>> -> memref<1x128x128xf32, #tpu.memory_space<hbm>>
      %dma_start3A_65 = tpu.memref_squeeze %dma_start3A_64 : memref<1x128x128xf32, #tpu.memory_space<hbm>> -> memref<128x128xf32, #tpu.memory_space<hbm>>
      tpu.enqueue_dma source(%arg5 : memref<128x128xf32, #tpu.memory_space<vmem>>) target(%dma_start3A_65 : memref<128x128xf32, #tpu.memory_space<hbm>>) target_semaphore(%run_scoped3A : memref<!tpu.dma_semaphore, #tpu.memory_space<semaphore_mem>>)
      %dma_wait3A = arith.constant 0 : i32
      %dma_wait3A_66 = tpu.memref_slice %arg3[%arg0, %add3A_48, %dma_wait3A] : memref<2x10240x128xf32, #tpu.memory_space<hbm>> -> memref<1x128x128xf32, #tpu.memory_space<hbm>>
      %dma_wait3A_67 = tpu.memref_squeeze %dma_wait3A_66 : memref<1x128x128xf32, #tpu.memory_space<hbm>> -> memref<128x128xf32, #tpu.memory_space<hbm>>
      %dma_wait3A_68 = arith.constant 0 : i32
      %dma_wait3A_69 = tpu.memref_slice %arg3[%arg0, %add3A_48, %dma_wait3A_68] : memref<2x10240x128xf32, #tpu.memory_space<hbm>> -> memref<1x128x128xf32, #tpu.memory_space<hbm>>
      %dma_wait3A_70 = tpu.memref_squeeze %dma_wait3A_69 : memref<1x128x128xf32, #tpu.memory_space<hbm>> -> memref<128x128xf32, #tpu.memory_space<hbm>>
      tpu.wait_dma2 semaphore(%run_scoped3A : memref<!tpu.dma_semaphore, #tpu.memory_space<semaphore_mem>>) src(%arg5 : memref<128x128xf32, #tpu.memory_space<vmem>>) dst(%dma_wait3A_70 : memref<128x128xf32, #tpu.memory_space<hbm>>)
      tpu.yield
    }) : () -> ()
    %mul3A_49 = arith.constant 640 : i32
    %mul3A_50 = arith.muli %arg1, %mul3A_49 : i32
    %add3A_51 = arith.constant 256 : i32
    %add3A_52 = arith.addi %mul3A_50, %add3A_51 : i32
    "tpu.region"() ({
      %run_scoped3A = tpu.sem_alloc : memref<!tpu.dma_semaphore, #tpu.memory_space<semaphore_mem>>
      %dma_start3A = arith.constant 0 : i32
      %dma_start3A_61 = tpu.memref_slice %arg6[%add3A_52, %dma_start3A] : memref<10240x128xf32, #tpu.memory_space<vmem_shared>> -> memref<128x128xf32, #tpu.memory_space<vmem_shared>>
      %dma_start3A_62 = arith.constant 0 : i32
      %dma_start3A_63 = tpu.memref_slice %arg6[%add3A_52, %dma_start3A_62] : memref<10240x128xf32, #tpu.memory_space<vmem_shared>> -> memref<128x128xf32, #tpu.memory_space<vmem_shared>>
      tpu.enqueue_dma source(%dma_start3A_63 : memref<128x128xf32, #tpu.memory_space<vmem_shared>>) target(%arg5 : memref<128x128xf32, #tpu.memory_space<vmem>>) target_semaphore(%run_scoped3A : memref<!tpu.dma_semaphore, #tpu.memory_space<semaphore_mem>>)
      %dma_wait3A = arith.constant 0 : i32
      %dma_wait3A_64 = tpu.memref_slice %arg6[%add3A_52, %dma_wait3A] : memref<10240x128xf32, #tpu.memory_space<vmem_shared>> -> memref<128x128xf32, #tpu.memory_space<vmem_shared>>
      %dma_wait3A_65 = arith.constant 0 : i32
      %dma_wait3A_66 = tpu.memref_slice %arg6[%add3A_52, %dma_wait3A_65] : memref<10240x128xf32, #tpu.memory_space<vmem_shared>> -> memref<128x128xf32, #tpu.memory_space<vmem_shared>>
      tpu.wait_dma2 semaphore(%run_scoped3A : memref<!tpu.dma_semaphore, #tpu.memory_space<semaphore_mem>>) src(%dma_wait3A_66 : memref<128x128xf32, #tpu.memory_space<vmem_shared>>) dst(%arg5 : memref<128x128xf32, #tpu.memory_space<vmem>>)
      tpu.yield
    }) : () -> ()
    "tpu.region"() ({
      %run_scoped3A = tpu.sem_alloc : memref<!tpu.dma_semaphore, #tpu.memory_space<semaphore_mem>>
      %dma_start3A = arith.constant 0 : i32
      %dma_start3A_61 = tpu.memref_slice %arg3[%arg0, %add3A_52, %dma_start3A] : memref<2x10240x128xf32, #tpu.memory_space<hbm>> -> memref<1x128x128xf32, #tpu.memory_space<hbm>>
      %dma_start3A_62 = tpu.memref_squeeze %dma_start3A_61 : memref<1x128x128xf32, #tpu.memory_space<hbm>> -> memref<128x128xf32, #tpu.memory_space<hbm>>
      %dma_start3A_63 = arith.constant 0 : i32
      %dma_start3A_64 = tpu.memref_slice %arg3[%arg0, %add3A_52, %dma_start3A_63] : memref<2x10240x128xf32, #tpu.memory_space<hbm>> -> memref<1x128x128xf32, #tpu.memory_space<hbm>>
      %dma_start3A_65 = tpu.memref_squeeze %dma_start3A_64 : memref<1x128x128xf32, #tpu.memory_space<hbm>> -> memref<128x128xf32, #tpu.memory_space<hbm>>
      tpu.enqueue_dma source(%arg5 : memref<128x128xf32, #tpu.memory_space<vmem>>) target(%dma_start3A_65 : memref<128x128xf32, #tpu.memory_space<hbm>>) target_semaphore(%run_scoped3A : memref<!tpu.dma_semaphore, #tpu.memory_space<semaphore_mem>>)
      %dma_wait3A = arith.constant 0 : i32
      %dma_wait3A_66 = tpu.memref_slice %arg3[%arg0, %add3A_52, %dma_wait3A] : memref<2x10240x128xf32, #tpu.memory_space<hbm>> -> memref<1x128x128xf32, #tpu.memory_space<hbm>>
      %dma_wait3A_67 = tpu.memref_squeeze %dma_wait3A_66 : memref<1x128x128xf32, #tpu.memory_space<hbm>> -> memref<128x128xf32, #tpu.memory_space<hbm>>
      %dma_wait3A_68 = arith.constant 0 : i32
      %dma_wait3A_69 = tpu.memref_slice %arg3[%arg0, %add3A_52, %dma_wait3A_68] : memref<2x10240x128xf32, #tpu.memory_space<hbm>> -> memref<1x128x128xf32, #tpu.memory_space<hbm>>
      %dma_wait3A_70 = tpu.memref_squeeze %dma_wait3A_69 : memref<1x128x128xf32, #tpu.memory_space<hbm>> -> memref<128x128xf32, #tpu.memory_space<hbm>>
      tpu.wait_dma2 semaphore(%run_scoped3A : memref<!tpu.dma_semaphore, #tpu.memory_space<semaphore_mem>>) src(%arg5 : memref<128x128xf32, #tpu.memory_space<vmem>>) dst(%dma_wait3A_70 : memref<128x128xf32, #tpu.memory_space<hbm>>)
      tpu.yield
    }) : () -> ()
    %mul3A_53 = arith.constant 640 : i32
    %mul3A_54 = arith.muli %arg1, %mul3A_53 : i32
    %add3A_55 = arith.constant 384 : i32
    %add3A_56 = arith.addi %mul3A_54, %add3A_55 : i32
    "tpu.region"() ({
      %run_scoped3A = tpu.sem_alloc : memref<!tpu.dma_semaphore, #tpu.memory_space<semaphore_mem>>
      %dma_start3A = arith.constant 0 : i32
      %dma_start3A_61 = tpu.memref_slice %arg6[%add3A_56, %dma_start3A] : memref<10240x128xf32, #tpu.memory_space<vmem_shared>> -> memref<128x128xf32, #tpu.memory_space<vmem_shared>>
      %dma_start3A_62 = arith.constant 0 : i32
      %dma_start3A_63 = tpu.memref_slice %arg6[%add3A_56, %dma_start3A_62] : memref<10240x128xf32, #tpu.memory_space<vmem_shared>> -> memref<128x128xf32, #tpu.memory_space<vmem_shared>>
      tpu.enqueue_dma source(%dma_start3A_63 : memref<128x128xf32, #tpu.memory_space<vmem_shared>>) target(%arg5 : memref<128x128xf32, #tpu.memory_space<vmem>>) target_semaphore(%run_scoped3A : memref<!tpu.dma_semaphore, #tpu.memory_space<semaphore_mem>>)
      %dma_wait3A = arith.constant 0 : i32
      %dma_wait3A_64 = tpu.memref_slice %arg6[%add3A_56, %dma_wait3A] : memref<10240x128xf32, #tpu.memory_space<vmem_shared>> -> memref<128x128xf32, #tpu.memory_space<vmem_shared>>
      %dma_wait3A_65 = arith.constant 0 : i32
      %dma_wait3A_66 = tpu.memref_slice %arg6[%add3A_56, %dma_wait3A_65] : memref<10240x128xf32, #tpu.memory_space<vmem_shared>> -> memref<128x128xf32, #tpu.memory_space<vmem_shared>>
      tpu.wait_dma2 semaphore(%run_scoped3A : memref<!tpu.dma_semaphore, #tpu.memory_space<semaphore_mem>>) src(%dma_wait3A_66 : memref<128x128xf32, #tpu.memory_space<vmem_shared>>) dst(%arg5 : memref<128x128xf32, #tpu.memory_space<vmem>>)
      tpu.yield
    }) : () -> ()
    "tpu.region"() ({
      %run_scoped3A = tpu.sem_alloc : memref<!tpu.dma_semaphore, #tpu.memory_space<semaphore_mem>>
      %dma_start3A = arith.constant 0 : i32
      %dma_start3A_61 = tpu.memref_slice %arg3[%arg0, %add3A_56, %dma_start3A] : memref<2x10240x128xf32, #tpu.memory_space<hbm>> -> memref<1x128x128xf32, #tpu.memory_space<hbm>>
      %dma_start3A_62 = tpu.memref_squeeze %dma_start3A_61 : memref<1x128x128xf32, #tpu.memory_space<hbm>> -> memref<128x128xf32, #tpu.memory_space<hbm>>
      %dma_start3A_63 = arith.constant 0 : i32
      %dma_start3A_64 = tpu.memref_slice %arg3[%arg0, %add3A_56, %dma_start3A_63] : memref<2x10240x128xf32, #tpu.memory_space<hbm>> -> memref<1x128x128xf32, #tpu.memory_space<hbm>>
      %dma_start3A_65 = tpu.memref_squeeze %dma_start3A_64 : memref<1x128x128xf32, #tpu.memory_space<hbm>> -> memref<128x128xf32, #tpu.memory_space<hbm>>
      tpu.enqueue_dma source(%arg5 : memref<128x128xf32, #tpu.memory_space<vmem>>) target(%dma_start3A_65 : memref<128x128xf32, #tpu.memory_space<hbm>>) target_semaphore(%run_scoped3A : memref<!tpu.dma_semaphore, #tpu.memory_space<semaphore_mem>>)
      %dma_wait3A = arith.constant 0 : i32
      %dma_wait3A_66 = tpu.memref_slice %arg3[%arg0, %add3A_56, %dma_wait3A] : memref<2x10240x128xf32, #tpu.memory_space<hbm>> -> memref<1x128x128xf32, #tpu.memory_space<hbm>>
      %dma_wait3A_67 = tpu.memref_squeeze %dma_wait3A_66 : memref<1x128x128xf32, #tpu.memory_space<hbm>> -> memref<128x128xf32, #tpu.memory_space<hbm>>
      %dma_wait3A_68 = arith.constant 0 : i32
      %dma_wait3A_69 = tpu.memref_slice %arg3[%arg0, %add3A_56, %dma_wait3A_68] : memref<2x10240x128xf32, #tpu.memory_space<hbm>> -> memref<1x128x128xf32, #tpu.memory_space<hbm>>
      %dma_wait3A_70 = tpu.memref_squeeze %dma_wait3A_69 : memref<1x128x128xf32, #tpu.memory_space<hbm>> -> memref<128x128xf32, #tpu.memory_space<hbm>>
      tpu.wait_dma2 semaphore(%run_scoped3A : memref<!tpu.dma_semaphore, #tpu.memory_space<semaphore_mem>>) src(%arg5 : memref<128x128xf32, #tpu.memory_space<vmem>>) dst(%dma_wait3A_70 : memref<128x128xf32, #tpu.memory_space<hbm>>)
      tpu.yield
    }) : () -> ()
    %mul3A_57 = arith.constant 640 : i32
    %mul3A_58 = arith.muli %arg1, %mul3A_57 : i32
    %add3A_59 = arith.constant 512 : i32
    %add3A_60 = arith.addi %mul3A_58, %add3A_59 : i32
    "tpu.region"() ({
      %run_scoped3A = tpu.sem_alloc : memref<!tpu.dma_semaphore, #tpu.memory_space<semaphore_mem>>
      %dma_start3A = arith.constant 0 : i32
      %dma_start3A_61 = tpu.memref_slice %arg6[%add3A_60, %dma_start3A] : memref<10240x128xf32, #tpu.memory_space<vmem_shared>> -> memref<128x128xf32, #tpu.memory_space<vmem_shared>>
      %dma_start3A_62 = arith.constant 0 : i32
      %dma_start3A_63 = tpu.memref_slice %arg6[%add3A_60, %dma_start3A_62] : memref<10240x128xf32, #tpu.memory_space<vmem_shared>> -> memref<128x128xf32, #tpu.memory_space<vmem_shared>>
      tpu.enqueue_dma source(%dma_start3A_63 : memref<128x128xf32, #tpu.memory_space<vmem_shared>>) target(%arg5 : memref<128x128xf32, #tpu.memory_space<vmem>>) target_semaphore(%run_scoped3A : memref<!tpu.dma_semaphore, #tpu.memory_space<semaphore_mem>>)
      %dma_wait3A = arith.constant 0 : i32
      %dma_wait3A_64 = tpu.memref_slice %arg6[%add3A_60, %dma_wait3A] : memref<10240x128xf32, #tpu.memory_space<vmem_shared>> -> memref<128x128xf32, #tpu.memory_space<vmem_shared>>
      %dma_wait3A_65 = arith.constant 0 : i32
      %dma_wait3A_66 = tpu.memref_slice %arg6[%add3A_60, %dma_wait3A_65] : memref<10240x128xf32, #tpu.memory_space<vmem_shared>> -> memref<128x128xf32, #tpu.memory_space<vmem_shared>>
      tpu.wait_dma2 semaphore(%run_scoped3A : memref<!tpu.dma_semaphore, #tpu.memory_space<semaphore_mem>>) src(%dma_wait3A_66 : memref<128x128xf32, #tpu.memory_space<vmem_shared>>) dst(%arg5 : memref<128x128xf32, #tpu.memory_space<vmem>>)
      tpu.yield
    }) : () -> ()
    "tpu.region"() ({
      %run_scoped3A = tpu.sem_alloc : memref<!tpu.dma_semaphore, #tpu.memory_space<semaphore_mem>>
      %dma_start3A = arith.constant 0 : i32
      %dma_start3A_61 = tpu.memref_slice %arg3[%arg0, %add3A_60, %dma_start3A] : memref<2x10240x128xf32, #tpu.memory_space<hbm>> -> memref<1x128x128xf32, #tpu.memory_space<hbm>>
      %dma_start3A_62 = tpu.memref_squeeze %dma_start3A_61 : memref<1x128x128xf32, #tpu.memory_space<hbm>> -> memref<128x128xf32, #tpu.memory_space<hbm>>
      %dma_start3A_63 = arith.constant 0 : i32
      %dma_start3A_64 = tpu.memref_slice %arg3[%arg0, %add3A_60, %dma_start3A_63] : memref<2x10240x128xf32, #tpu.memory_space<hbm>> -> memref<1x128x128xf32, #tpu.memory_space<hbm>>
      %dma_start3A_65 = tpu.memref_squeeze %dma_start3A_64 : memref<1x128x128xf32, #tpu.memory_space<hbm>> -> memref<128x128xf32, #tpu.memory_space<hbm>>
      tpu.enqueue_dma source(%arg5 : memref<128x128xf32, #tpu.memory_space<vmem>>) target(%dma_start3A_65 : memref<128x128xf32, #tpu.memory_space<hbm>>) target_semaphore(%run_scoped3A : memref<!tpu.dma_semaphore, #tpu.memory_space<semaphore_mem>>)
      %dma_wait3A = arith.constant 0 : i32
      %dma_wait3A_66 = tpu.memref_slice %arg3[%arg0, %add3A_60, %dma_wait3A] : memref<2x10240x128xf32, #tpu.memory_space<hbm>> -> memref<1x128x128xf32, #tpu.memory_space<hbm>>
      %dma_wait3A_67 = tpu.memref_squeeze %dma_wait3A_66 : memref<1x128x128xf32, #tpu.memory_space<hbm>> -> memref<128x128xf32, #tpu.memory_space<hbm>>
      %dma_wait3A_68 = arith.constant 0 : i32
      %dma_wait3A_69 = tpu.memref_slice %arg3[%arg0, %add3A_60, %dma_wait3A_68] : memref<2x10240x128xf32, #tpu.memory_space<hbm>> -> memref<1x128x128xf32, #tpu.memory_space<hbm>>
      %dma_wait3A_70 = tpu.memref_squeeze %dma_wait3A_69 : memref<1x128x128xf32, #tpu.memory_space<hbm>> -> memref<128x128xf32, #tpu.memory_space<hbm>>
      tpu.wait_dma2 semaphore(%run_scoped3A : memref<!tpu.dma_semaphore, #tpu.memory_space<semaphore_mem>>) src(%arg5 : memref<128x128xf32, #tpu.memory_space<vmem>>) dst(%dma_wait3A_70 : memref<128x128xf32, #tpu.memory_space<hbm>>)
      tpu.yield
    }) : () -> ()
    return
  }
}

#map = affine_map<(d0, d1) -> (0, 0)>
#map1 = affine_map<(d0, d1) -> (0, 0, 0)>
module attributes {stable_mosaic.version = 14 : i64} {
  func.func @_agg_sc(%arg0: i32, %arg1: i32, %arg2: memref<10240x128xf32, #tpu.memory_space<hbm>>, %arg3: memref<32x80x128xi32, #tpu.memory_space<hbm>>, %arg4: memref<32x80x128xi32, #tpu.memory_space<hbm>>, %arg5: memref<2x10240x128xf32, #tpu.memory_space<hbm>>, %arg6: memref<40x128xi32, #tpu.memory_space<vmem>>, %arg7: memref<40x128xi32, #tpu.memory_space<vmem>>, %arg8: memref<2x128x128xf32, #tpu.memory_space<vmem>>, %arg9: memref<10240x128xf32, #tpu.memory_space<vmem_shared>>, %arg10: memref<!tpu.dma_semaphore, #tpu.memory_space<semaphore_mem>>, %arg11: memref<!tpu.dma_semaphore, #tpu.memory_space<semaphore_mem>>) attributes {dimension_semantics = [#tpu.dimension_semantics<core_parallel>, #tpu.dimension_semantics<subcore_parallel>], iteration_bounds = array<i64: 2, 16>, scalar_prefetch = 0 : i64, scratch_operands = 6 : i64, tpu.core_type = #tpu.core_type<sc_vector_subcore>, window_params = [{transform_indices = #map}, {transform_indices = #map1}, {transform_indices = #map1}, {transform_indices = #map1}]} {
    %mul3A = arith.constant 16 : i32
    %mul3A_0 = arith.muli %arg0, %mul3A : i32
    %add3A = arith.addi %mul3A_0, %arg1 : i32
    %scan3A = arith.constant 0 : i32
    %scan3A_1 = arith.constant 0 : i32
    %scan3A_2 = arith.constant 128 : i32
    %scan3A_3 = arith.addi %scan3A_1, %scan3A_2 : i32
    %scan3A_4 = arith.constant 1 : i32
    scf.for %scan3A_118 = %scan3A_1 to %scan3A_3 step %scan3A_4  : i32 {
      %broadcast_in_dim3A = arith.constant 0.000000e+00 : f32
      %broadcast_in_dim3A_119 = vector.broadcast %broadcast_in_dim3A : f32 to vector<16xf32>
      %swap3A = arith.constant 0 : i32
      %swap3A_120 = arith.constant 0 : i32
      %swap3A_121 = tpu.memref_slice %arg8[%scan3A, %swap3A, %swap3A_120] : memref<2x128x128xf32, #tpu.memory_space<vmem>> -> memref<1x128x128xf32, #tpu.memory_space<vmem>>
      %swap3A_122 = tpu.memref_squeeze %swap3A_121 : memref<1x128x128xf32, #tpu.memory_space<vmem>> -> memref<128x128xf32, #tpu.memory_space<vmem>>
      %swap3A_123 = arith.index_cast %scan3A_118 : i32 to index
      %swap3A_124 = arith.constant 0 : index
      %swap3A_125 = tpu.vector_load %swap3A_122[%swap3A_123, %swap3A_124] {strides = array<i32>} : memref<128x128xf32, #tpu.memory_space<vmem>>, vector<1x16xf32>,
      %swap3A_126 = vector.shape_cast %swap3A_125 : vector<1x16xf32> to vector<16xf32>
      %swap3A_127 = vector.shape_cast %broadcast_in_dim3A_119 : vector<16xf32> to vector<1x16xf32>
      tpu.vector_store %swap3A_122[%swap3A_123, %swap3A_124], %swap3A_127 {strides = array<i32>} : memref<128x128xf32, #tpu.memory_space<vmem>>, vector<1x16xf32>,
      %broadcast_in_dim3A_128 = arith.constant 0.000000e+00 : f32
      %broadcast_in_dim3A_129 = vector.broadcast %broadcast_in_dim3A_128 : f32 to vector<16xf32>
      %swap3A_130 = arith.constant 0 : i32
      %swap3A_131 = arith.constant 0 : i32
      %swap3A_132 = tpu.memref_slice %arg8[%scan3A, %swap3A_130, %swap3A_131] : memref<2x128x128xf32, #tpu.memory_space<vmem>> -> memref<1x128x128xf32, #tpu.memory_space<vmem>>
      %swap3A_133 = tpu.memref_squeeze %swap3A_132 : memref<1x128x128xf32, #tpu.memory_space<vmem>> -> memref<128x128xf32, #tpu.memory_space<vmem>>
      %swap3A_134 = arith.index_cast %scan3A_118 : i32 to index
      %swap3A_135 = arith.constant 16 : index
      %swap3A_136 = tpu.vector_load %swap3A_133[%swap3A_134, %swap3A_135] {strides = array<i32>} : memref<128x128xf32, #tpu.memory_space<vmem>>, vector<1x16xf32>,
      %swap3A_137 = vector.shape_cast %swap3A_136 : vector<1x16xf32> to vector<16xf32>
      %swap3A_138 = vector.shape_cast %broadcast_in_dim3A_129 : vector<16xf32> to vector<1x16xf32>
      tpu.vector_store %swap3A_133[%swap3A_134, %swap3A_135], %swap3A_138 {strides = array<i32>} : memref<128x128xf32, #tpu.memory_space<vmem>>, vector<1x16xf32>,
      %broadcast_in_dim3A_139 = arith.constant 0.000000e+00 : f32
      %broadcast_in_dim3A_140 = vector.broadcast %broadcast_in_dim3A_139 : f32 to vector<16xf32>
      %swap3A_141 = arith.constant 0 : i32
      %swap3A_142 = arith.constant 0 : i32
      %swap3A_143 = tpu.memref_slice %arg8[%scan3A, %swap3A_141, %swap3A_142] : memref<2x128x128xf32, #tpu.memory_space<vmem>> -> memref<1x128x128xf32, #tpu.memory_space<vmem>>
      %swap3A_144 = tpu.memref_squeeze %swap3A_143 : memref<1x128x128xf32, #tpu.memory_space<vmem>> -> memref<128x128xf32, #tpu.memory_space<vmem>>
      %swap3A_145 = arith.index_cast %scan3A_118 : i32 to index
      %swap3A_146 = arith.constant 32 : index
      %swap3A_147 = tpu.vector_load %swap3A_144[%swap3A_145, %swap3A_146] {strides = array<i32>} : memref<128x128xf32, #tpu.memory_space<vmem>>, vector<1x16xf32>,
      %swap3A_148 = vector.shape_cast %swap3A_147 : vector<1x16xf32> to vector<16xf32>
      %swap3A_149 = vector.shape_cast %broadcast_in_dim3A_140 : vector<16xf32> to vector<1x16xf32>
      tpu.vector_store %swap3A_144[%swap3A_145, %swap3A_146], %swap3A_149 {strides = array<i32>} : memref<128x128xf32, #tpu.memory_space<vmem>>, vector<1x16xf32>,
      %broadcast_in_dim3A_150 = arith.constant 0.000000e+00 : f32
      %broadcast_in_dim3A_151 = vector.broadcast %broadcast_in_dim3A_150 : f32 to vector<16xf32>
      %swap3A_152 = arith.constant 0 : i32
      %swap3A_153 = arith.constant 0 : i32
      %swap3A_154 = tpu.memref_slice %arg8[%scan3A, %swap3A_152, %swap3A_153] : memref<2x128x128xf32, #tpu.memory_space<vmem>> -> memref<1x128x128xf32, #tpu.memory_space<vmem>>
      %swap3A_155 = tpu.memref_squeeze %swap3A_154 : memref<1x128x128xf32, #tpu.memory_space<vmem>> -> memref<128x128xf32, #tpu.memory_space<vmem>>
      %swap3A_156 = arith.index_cast %scan3A_118 : i32 to index
      %swap3A_157 = arith.constant 48 : index
      %swap3A_158 = tpu.vector_load %swap3A_155[%swap3A_156, %swap3A_157] {strides = array<i32>} : memref<128x128xf32, #tpu.memory_space<vmem>>, vector<1x16xf32>,
      %swap3A_159 = vector.shape_cast %swap3A_158 : vector<1x16xf32> to vector<16xf32>
      %swap3A_160 = vector.shape_cast %broadcast_in_dim3A_151 : vector<16xf32> to vector<1x16xf32>
      tpu.vector_store %swap3A_155[%swap3A_156, %swap3A_157], %swap3A_160 {strides = array<i32>} : memref<128x128xf32, #tpu.memory_space<vmem>>, vector<1x16xf32>,
      %broadcast_in_dim3A_161 = arith.constant 0.000000e+00 : f32
      %broadcast_in_dim3A_162 = vector.broadcast %broadcast_in_dim3A_161 : f32 to vector<16xf32>
      %swap3A_163 = arith.constant 0 : i32
      %swap3A_164 = arith.constant 0 : i32
      %swap3A_165 = tpu.memref_slice %arg8[%scan3A, %swap3A_163, %swap3A_164] : memref<2x128x128xf32, #tpu.memory_space<vmem>> -> memref<1x128x128xf32, #tpu.memory_space<vmem>>
      %swap3A_166 = tpu.memref_squeeze %swap3A_165 : memref<1x128x128xf32, #tpu.memory_space<vmem>> -> memref<128x128xf32, #tpu.memory_space<vmem>>
      %swap3A_167 = arith.index_cast %scan3A_118 : i32 to index
      %swap3A_168 = arith.constant 64 : index
      %swap3A_169 = tpu.vector_load %swap3A_166[%swap3A_167, %swap3A_168] {strides = array<i32>} : memref<128x128xf32, #tpu.memory_space<vmem>>, vector<1x16xf32>,
      %swap3A_170 = vector.shape_cast %swap3A_169 : vector<1x16xf32> to vector<16xf32>
      %swap3A_171 = vector.shape_cast %broadcast_in_dim3A_162 : vector<16xf32> to vector<1x16xf32>
      tpu.vector_store %swap3A_166[%swap3A_167, %swap3A_168], %swap3A_171 {strides = array<i32>} : memref<128x128xf32, #tpu.memory_space<vmem>>, vector<1x16xf32>,
      %broadcast_in_dim3A_172 = arith.constant 0.000000e+00 : f32
      %broadcast_in_dim3A_173 = vector.broadcast %broadcast_in_dim3A_172 : f32 to vector<16xf32>
      %swap3A_174 = arith.constant 0 : i32
      %swap3A_175 = arith.constant 0 : i32
      %swap3A_176 = tpu.memref_slice %arg8[%scan3A, %swap3A_174, %swap3A_175] : memref<2x128x128xf32, #tpu.memory_space<vmem>> -> memref<1x128x128xf32, #tpu.memory_space<vmem>>
      %swap3A_177 = tpu.memref_squeeze %swap3A_176 : memref<1x128x128xf32, #tpu.memory_space<vmem>> -> memref<128x128xf32, #tpu.memory_space<vmem>>
      %swap3A_178 = arith.index_cast %scan3A_118 : i32 to index
      %swap3A_179 = arith.constant 80 : index
      %swap3A_180 = tpu.vector_load %swap3A_177[%swap3A_178, %swap3A_179] {strides = array<i32>} : memref<128x128xf32, #tpu.memory_space<vmem>>, vector<1x16xf32>,
      %swap3A_181 = vector.shape_cast %swap3A_180 : vector<1x16xf32> to vector<16xf32>
      %swap3A_182 = vector.shape_cast %broadcast_in_dim3A_173 : vector<16xf32> to vector<1x16xf32>
      tpu.vector_store %swap3A_177[%swap3A_178, %swap3A_179], %swap3A_182 {strides = array<i32>} : memref<128x128xf32, #tpu.memory_space<vmem>>, vector<1x16xf32>,
      %broadcast_in_dim3A_183 = arith.constant 0.000000e+00 : f32
      %broadcast_in_dim3A_184 = vector.broadcast %broadcast_in_dim3A_183 : f32 to vector<16xf32>
      %swap3A_185 = arith.constant 0 : i32
      %swap3A_186 = arith.constant 0 : i32
      %swap3A_187 = tpu.memref_slice %arg8[%scan3A, %swap3A_185, %swap3A_186] : memref<2x128x128xf32, #tpu.memory_space<vmem>> -> memref<1x128x128xf32, #tpu.memory_space<vmem>>
      %swap3A_188 = tpu.memref_squeeze %swap3A_187 : memref<1x128x128xf32, #tpu.memory_space<vmem>> -> memref<128x128xf32, #tpu.memory_space<vmem>>
      %swap3A_189 = arith.index_cast %scan3A_118 : i32 to index
      %swap3A_190 = arith.constant 96 : index
      %swap3A_191 = tpu.vector_load %swap3A_188[%swap3A_189, %swap3A_190] {strides = array<i32>} : memref<128x128xf32, #tpu.memory_space<vmem>>, vector<1x16xf32>,
      %swap3A_192 = vector.shape_cast %swap3A_191 : vector<1x16xf32> to vector<16xf32>
      %swap3A_193 = vector.shape_cast %broadcast_in_dim3A_184 : vector<16xf32> to vector<1x16xf32>
      tpu.vector_store %swap3A_188[%swap3A_189, %swap3A_190], %swap3A_193 {strides = array<i32>} : memref<128x128xf32, #tpu.memory_space<vmem>>, vector<1x16xf32>,
      %broadcast_in_dim3A_194 = arith.constant 0.000000e+00 : f32
      %broadcast_in_dim3A_195 = vector.broadcast %broadcast_in_dim3A_194 : f32 to vector<16xf32>
      %swap3A_196 = arith.constant 0 : i32
      %swap3A_197 = arith.constant 0 : i32
      %swap3A_198 = tpu.memref_slice %arg8[%scan3A, %swap3A_196, %swap3A_197] : memref<2x128x128xf32, #tpu.memory_space<vmem>> -> memref<1x128x128xf32, #tpu.memory_space<vmem>>
      %swap3A_199 = tpu.memref_squeeze %swap3A_198 : memref<1x128x128xf32, #tpu.memory_space<vmem>> -> memref<128x128xf32, #tpu.memory_space<vmem>>
      %swap3A_200 = arith.index_cast %scan3A_118 : i32 to index
      %swap3A_201 = arith.constant 112 : index
      %swap3A_202 = tpu.vector_load %swap3A_199[%swap3A_200, %swap3A_201] {strides = array<i32>} : memref<128x128xf32, #tpu.memory_space<vmem>>, vector<1x16xf32>,
      %swap3A_203 = vector.shape_cast %swap3A_202 : vector<1x16xf32> to vector<16xf32>
      %swap3A_204 = vector.shape_cast %broadcast_in_dim3A_195 : vector<16xf32> to vector<1x16xf32>
      tpu.vector_store %swap3A_199[%swap3A_200, %swap3A_201], %swap3A_204 {strides = array<i32>} : memref<128x128xf32, #tpu.memory_space<vmem>>, vector<1x16xf32>,
    }
    %scan3A_5 = arith.constant 128 : i32
    %mul3A_6 = arith.constant 640 : i32
    %mul3A_7 = arith.muli %arg1, %mul3A_6 : i32
    %add3A_8 = arith.constant 0 : i32
    %add3A_9 = arith.addi %mul3A_7, %add3A_8 : i32
    %run_scoped3A = arith.constant 0 : i32
    "tpu.region"() ({
      %run_scoped3A_118 = tpu.sem_alloc : memref<!tpu.dma_semaphore, #tpu.memory_space<semaphore_mem>>
      %dma_start3A_119 = arith.constant 0 : i32
      %dma_start3A_120 = arith.constant 0 : i32
      %dma_start3A_121 = tpu.memref_slice %arg8[%run_scoped3A, %dma_start3A_119, %dma_start3A_120] : memref<2x128x128xf32, #tpu.memory_space<vmem>> -> memref<1x128x128xf32, #tpu.memory_space<vmem>>
      %dma_start3A_122 = tpu.memref_squeeze %dma_start3A_121 : memref<1x128x128xf32, #tpu.memory_space<vmem>> -> memref<128x128xf32, #tpu.memory_space<vmem>>
      %dma_start3A_123 = arith.constant 0 : i32
      %dma_start3A_124 = tpu.memref_slice %arg9[%add3A_9, %dma_start3A_123] : memref<10240x128xf32, #tpu.memory_space<vmem_shared>> -> memref<128x128xf32, #tpu.memory_space<vmem_shared>>
      %dma_start3A_125 = arith.constant 0 : i32
      %dma_start3A_126 = tpu.memref_slice %arg9[%add3A_9, %dma_start3A_125] : memref<10240x128xf32, #tpu.memory_space<vmem_shared>> -> memref<128x128xf32, #tpu.memory_space<vmem_shared>>
      %dma_start3A_127 = arith.constant 0 : i32
      %dma_start3A_128 = arith.constant 0 : i32
      %dma_start3A_129 = tpu.memref_slice %arg8[%run_scoped3A, %dma_start3A_127, %dma_start3A_128] : memref<2x128x128xf32, #tpu.memory_space<vmem>> -> memref<1x128x128xf32, #tpu.memory_space<vmem>>
      %dma_start3A_130 = tpu.memref_squeeze %dma_start3A_129 : memref<1x128x128xf32, #tpu.memory_space<vmem>> -> memref<128x128xf32, #tpu.memory_space<vmem>>
      tpu.enqueue_dma source(%dma_start3A_130 : memref<128x128xf32, #tpu.memory_space<vmem>>) target(%dma_start3A_126 : memref<128x128xf32, #tpu.memory_space<vmem_shared>>) target_semaphore(%run_scoped3A_118 : memref<!tpu.dma_semaphore, #tpu.memory_space<semaphore_mem>>)
      %dma_wait3A = arith.constant 0 : i32
      %dma_wait3A_131 = arith.constant 0 : i32
      %dma_wait3A_132 = tpu.memref_slice %arg8[%run_scoped3A, %dma_wait3A, %dma_wait3A_131] : memref<2x128x128xf32, #tpu.memory_space<vmem>> -> memref<1x128x128xf32, #tpu.memory_space<vmem>>
      %dma_wait3A_133 = tpu.memref_squeeze %dma_wait3A_132 : memref<1x128x128xf32, #tpu.memory_space<vmem>> -> memref<128x128xf32, #tpu.memory_space<vmem>>
      %dma_wait3A_134 = arith.constant 0 : i32
      %dma_wait3A_135 = tpu.memref_slice %arg9[%add3A_9, %dma_wait3A_134] : memref<10240x128xf32, #tpu.memory_space<vmem_shared>> -> memref<128x128xf32, #tpu.memory_space<vmem_shared>>
      %dma_wait3A_136 = arith.constant 0 : i32
      %dma_wait3A_137 = tpu.memref_slice %arg9[%add3A_9, %dma_wait3A_136] : memref<10240x128xf32, #tpu.memory_space<vmem_shared>> -> memref<128x128xf32, #tpu.memory_space<vmem_shared>>
      %dma_wait3A_138 = arith.constant 0 : i32
      %dma_wait3A_139 = arith.constant 0 : i32
      %dma_wait3A_140 = tpu.memref_slice %arg8[%run_scoped3A, %dma_wait3A_138, %dma_wait3A_139] : memref<2x128x128xf32, #tpu.memory_space<vmem>> -> memref<1x128x128xf32, #tpu.memory_space<vmem>>
      %dma_wait3A_141 = tpu.memref_squeeze %dma_wait3A_140 : memref<1x128x128xf32, #tpu.memory_space<vmem>> -> memref<128x128xf32, #tpu.memory_space<vmem>>
      tpu.wait_dma2 semaphore(%run_scoped3A_118 : memref<!tpu.dma_semaphore, #tpu.memory_space<semaphore_mem>>) src(%dma_wait3A_141 : memref<128x128xf32, #tpu.memory_space<vmem>>) dst(%dma_wait3A_137 : memref<128x128xf32, #tpu.memory_space<vmem_shared>>)
      tpu.yield
    }) : () -> ()
    %mul3A_10 = arith.constant 640 : i32
    %mul3A_11 = arith.muli %arg1, %mul3A_10 : i32
    %add3A_12 = arith.constant 128 : i32
    %add3A_13 = arith.addi %mul3A_11, %add3A_12 : i32
    %run_scoped3A_14 = arith.constant 0 : i32
    "tpu.region"() ({
      %run_scoped3A_118 = tpu.sem_alloc : memref<!tpu.dma_semaphore, #tpu.memory_space<semaphore_mem>>
      %dma_start3A_119 = arith.constant 0 : i32
      %dma_start3A_120 = arith.constant 0 : i32
      %dma_start3A_121 = tpu.memref_slice %arg8[%run_scoped3A_14, %dma_start3A_119, %dma_start3A_120] : memref<2x128x128xf32, #tpu.memory_space<vmem>> -> memref<1x128x128xf32, #tpu.memory_space<vmem>>
      %dma_start3A_122 = tpu.memref_squeeze %dma_start3A_121 : memref<1x128x128xf32, #tpu.memory_space<vmem>> -> memref<128x128xf32, #tpu.memory_space<vmem>>
      %dma_start3A_123 = arith.constant 0 : i32
      %dma_start3A_124 = tpu.memref_slice %arg9[%add3A_13, %dma_start3A_123] : memref<10240x128xf32, #tpu.memory_space<vmem_shared>> -> memref<128x128xf32, #tpu.memory_space<vmem_shared>>
      %dma_start3A_125 = arith.constant 0 : i32
      %dma_start3A_126 = tpu.memref_slice %arg9[%add3A_13, %dma_start3A_125] : memref<10240x128xf32, #tpu.memory_space<vmem_shared>> -> memref<128x128xf32, #tpu.memory_space<vmem_shared>>
      %dma_start3A_127 = arith.constant 0 : i32
      %dma_start3A_128 = arith.constant 0 : i32
      %dma_start3A_129 = tpu.memref_slice %arg8[%run_scoped3A_14, %dma_start3A_127, %dma_start3A_128] : memref<2x128x128xf32, #tpu.memory_space<vmem>> -> memref<1x128x128xf32, #tpu.memory_space<vmem>>
      %dma_start3A_130 = tpu.memref_squeeze %dma_start3A_129 : memref<1x128x128xf32, #tpu.memory_space<vmem>> -> memref<128x128xf32, #tpu.memory_space<vmem>>
      tpu.enqueue_dma source(%dma_start3A_130 : memref<128x128xf32, #tpu.memory_space<vmem>>) target(%dma_start3A_126 : memref<128x128xf32, #tpu.memory_space<vmem_shared>>) target_semaphore(%run_scoped3A_118 : memref<!tpu.dma_semaphore, #tpu.memory_space<semaphore_mem>>)
      %dma_wait3A = arith.constant 0 : i32
      %dma_wait3A_131 = arith.constant 0 : i32
      %dma_wait3A_132 = tpu.memref_slice %arg8[%run_scoped3A_14, %dma_wait3A, %dma_wait3A_131] : memref<2x128x128xf32, #tpu.memory_space<vmem>> -> memref<1x128x128xf32, #tpu.memory_space<vmem>>
      %dma_wait3A_133 = tpu.memref_squeeze %dma_wait3A_132 : memref<1x128x128xf32, #tpu.memory_space<vmem>> -> memref<128x128xf32, #tpu.memory_space<vmem>>
      %dma_wait3A_134 = arith.constant 0 : i32
      %dma_wait3A_135 = tpu.memref_slice %arg9[%add3A_13, %dma_wait3A_134] : memref<10240x128xf32, #tpu.memory_space<vmem_shared>> -> memref<128x128xf32, #tpu.memory_space<vmem_shared>>
      %dma_wait3A_136 = arith.constant 0 : i32
      %dma_wait3A_137 = tpu.memref_slice %arg9[%add3A_13, %dma_wait3A_136] : memref<10240x128xf32, #tpu.memory_space<vmem_shared>> -> memref<128x128xf32, #tpu.memory_space<vmem_shared>>
      %dma_wait3A_138 = arith.constant 0 : i32
      %dma_wait3A_139 = arith.constant 0 : i32
      %dma_wait3A_140 = tpu.memref_slice %arg8[%run_scoped3A_14, %dma_wait3A_138, %dma_wait3A_139] : memref<2x128x128xf32, #tpu.memory_space<vmem>> -> memref<1x128x128xf32, #tpu.memory_space<vmem>>
      %dma_wait3A_141 = tpu.memref_squeeze %dma_wait3A_140 : memref<1x128x128xf32, #tpu.memory_space<vmem>> -> memref<128x128xf32, #tpu.memory_space<vmem>>
      tpu.wait_dma2 semaphore(%run_scoped3A_118 : memref<!tpu.dma_semaphore, #tpu.memory_space<semaphore_mem>>) src(%dma_wait3A_141 : memref<128x128xf32, #tpu.memory_space<vmem>>) dst(%dma_wait3A_137 : memref<128x128xf32, #tpu.memory_space<vmem_shared>>)
      tpu.yield
    }) : () -> ()
    %mul3A_15 = arith.constant 640 : i32
    %mul3A_16 = arith.muli %arg1, %mul3A_15 : i32
    %add3A_17 = arith.constant 256 : i32
    %add3A_18 = arith.addi %mul3A_16, %add3A_17 : i32
    %run_scoped3A_19 = arith.constant 0 : i32
    "tpu.region"() ({
      %run_scoped3A_118 = tpu.sem_alloc : memref<!tpu.dma_semaphore, #tpu.memory_space<semaphore_mem>>
      %dma_start3A_119 = arith.constant 0 : i32
      %dma_start3A_120 = arith.constant 0 : i32
      %dma_start3A_121 = tpu.memref_slice %arg8[%run_scoped3A_19, %dma_start3A_119, %dma_start3A_120] : memref<2x128x128xf32, #tpu.memory_space<vmem>> -> memref<1x128x128xf32, #tpu.memory_space<vmem>>
      %dma_start3A_122 = tpu.memref_squeeze %dma_start3A_121 : memref<1x128x128xf32, #tpu.memory_space<vmem>> -> memref<128x128xf32, #tpu.memory_space<vmem>>
      %dma_start3A_123 = arith.constant 0 : i32
      %dma_start3A_124 = tpu.memref_slice %arg9[%add3A_18, %dma_start3A_123] : memref<10240x128xf32, #tpu.memory_space<vmem_shared>> -> memref<128x128xf32, #tpu.memory_space<vmem_shared>>
      %dma_start3A_125 = arith.constant 0 : i32
      %dma_start3A_126 = tpu.memref_slice %arg9[%add3A_18, %dma_start3A_125] : memref<10240x128xf32, #tpu.memory_space<vmem_shared>> -> memref<128x128xf32, #tpu.memory_space<vmem_shared>>
      %dma_start3A_127 = arith.constant 0 : i32
      %dma_start3A_128 = arith.constant 0 : i32
      %dma_start3A_129 = tpu.memref_slice %arg8[%run_scoped3A_19, %dma_start3A_127, %dma_start3A_128] : memref<2x128x128xf32, #tpu.memory_space<vmem>> -> memref<1x128x128xf32, #tpu.memory_space<vmem>>
      %dma_start3A_130 = tpu.memref_squeeze %dma_start3A_129 : memref<1x128x128xf32, #tpu.memory_space<vmem>> -> memref<128x128xf32, #tpu.memory_space<vmem>>
      tpu.enqueue_dma source(%dma_start3A_130 : memref<128x128xf32, #tpu.memory_space<vmem>>) target(%dma_start3A_126 : memref<128x128xf32, #tpu.memory_space<vmem_shared>>) target_semaphore(%run_scoped3A_118 : memref<!tpu.dma_semaphore, #tpu.memory_space<semaphore_mem>>)
      %dma_wait3A = arith.constant 0 : i32
      %dma_wait3A_131 = arith.constant 0 : i32
      %dma_wait3A_132 = tpu.memref_slice %arg8[%run_scoped3A_19, %dma_wait3A, %dma_wait3A_131] : memref<2x128x128xf32, #tpu.memory_space<vmem>> -> memref<1x128x128xf32, #tpu.memory_space<vmem>>
      %dma_wait3A_133 = tpu.memref_squeeze %dma_wait3A_132 : memref<1x128x128xf32, #tpu.memory_space<vmem>> -> memref<128x128xf32, #tpu.memory_space<vmem>>
      %dma_wait3A_134 = arith.constant 0 : i32
      %dma_wait3A_135 = tpu.memref_slice %arg9[%add3A_18, %dma_wait3A_134] : memref<10240x128xf32, #tpu.memory_space<vmem_shared>> -> memref<128x128xf32, #tpu.memory_space<vmem_shared>>
      %dma_wait3A_136 = arith.constant 0 : i32
      %dma_wait3A_137 = tpu.memref_slice %arg9[%add3A_18, %dma_wait3A_136] : memref<10240x128xf32, #tpu.memory_space<vmem_shared>> -> memref<128x128xf32, #tpu.memory_space<vmem_shared>>
      %dma_wait3A_138 = arith.constant 0 : i32
      %dma_wait3A_139 = arith.constant 0 : i32
      %dma_wait3A_140 = tpu.memref_slice %arg8[%run_scoped3A_19, %dma_wait3A_138, %dma_wait3A_139] : memref<2x128x128xf32, #tpu.memory_space<vmem>> -> memref<1x128x128xf32, #tpu.memory_space<vmem>>
      %dma_wait3A_141 = tpu.memref_squeeze %dma_wait3A_140 : memref<1x128x128xf32, #tpu.memory_space<vmem>> -> memref<128x128xf32, #tpu.memory_space<vmem>>
      tpu.wait_dma2 semaphore(%run_scoped3A_118 : memref<!tpu.dma_semaphore, #tpu.memory_space<semaphore_mem>>) src(%dma_wait3A_141 : memref<128x128xf32, #tpu.memory_space<vmem>>) dst(%dma_wait3A_137 : memref<128x128xf32, #tpu.memory_space<vmem_shared>>)
      tpu.yield
    }) : () -> ()
    %mul3A_20 = arith.constant 640 : i32
    %mul3A_21 = arith.muli %arg1, %mul3A_20 : i32
    %add3A_22 = arith.constant 384 : i32
    %add3A_23 = arith.addi %mul3A_21, %add3A_22 : i32
    %run_scoped3A_24 = arith.constant 0 : i32
    "tpu.region"() ({
      %run_scoped3A_118 = tpu.sem_alloc : memref<!tpu.dma_semaphore, #tpu.memory_space<semaphore_mem>>
      %dma_start3A_119 = arith.constant 0 : i32
      %dma_start3A_120 = arith.constant 0 : i32
      %dma_start3A_121 = tpu.memref_slice %arg8[%run_scoped3A_24, %dma_start3A_119, %dma_start3A_120] : memref<2x128x128xf32, #tpu.memory_space<vmem>> -> memref<1x128x128xf32, #tpu.memory_space<vmem>>
      %dma_start3A_122 = tpu.memref_squeeze %dma_start3A_121 : memref<1x128x128xf32, #tpu.memory_space<vmem>> -> memref<128x128xf32, #tpu.memory_space<vmem>>
      %dma_start3A_123 = arith.constant 0 : i32
      %dma_start3A_124 = tpu.memref_slice %arg9[%add3A_23, %dma_start3A_123] : memref<10240x128xf32, #tpu.memory_space<vmem_shared>> -> memref<128x128xf32, #tpu.memory_space<vmem_shared>>
      %dma_start3A_125 = arith.constant 0 : i32
      %dma_start3A_126 = tpu.memref_slice %arg9[%add3A_23, %dma_start3A_125] : memref<10240x128xf32, #tpu.memory_space<vmem_shared>> -> memref<128x128xf32, #tpu.memory_space<vmem_shared>>
      %dma_start3A_127 = arith.constant 0 : i32
      %dma_start3A_128 = arith.constant 0 : i32
      %dma_start3A_129 = tpu.memref_slice %arg8[%run_scoped3A_24, %dma_start3A_127, %dma_start3A_128] : memref<2x128x128xf32, #tpu.memory_space<vmem>> -> memref<1x128x128xf32, #tpu.memory_space<vmem>>
      %dma_start3A_130 = tpu.memref_squeeze %dma_start3A_129 : memref<1x128x128xf32, #tpu.memory_space<vmem>> -> memref<128x128xf32, #tpu.memory_space<vmem>>
      tpu.enqueue_dma source(%dma_start3A_130 : memref<128x128xf32, #tpu.memory_space<vmem>>) target(%dma_start3A_126 : memref<128x128xf32, #tpu.memory_space<vmem_shared>>) target_semaphore(%run_scoped3A_118 : memref<!tpu.dma_semaphore, #tpu.memory_space<semaphore_mem>>)
      %dma_wait3A = arith.constant 0 : i32
      %dma_wait3A_131 = arith.constant 0 : i32
      %dma_wait3A_132 = tpu.memref_slice %arg8[%run_scoped3A_24, %dma_wait3A, %dma_wait3A_131] : memref<2x128x128xf32, #tpu.memory_space<vmem>> -> memref<1x128x128xf32, #tpu.memory_space<vmem>>
      %dma_wait3A_133 = tpu.memref_squeeze %dma_wait3A_132 : memref<1x128x128xf32, #tpu.memory_space<vmem>> -> memref<128x128xf32, #tpu.memory_space<vmem>>
      %dma_wait3A_134 = arith.constant 0 : i32
      %dma_wait3A_135 = tpu.memref_slice %arg9[%add3A_23, %dma_wait3A_134] : memref<10240x128xf32, #tpu.memory_space<vmem_shared>> -> memref<128x128xf32, #tpu.memory_space<vmem_shared>>
      %dma_wait3A_136 = arith.constant 0 : i32
      %dma_wait3A_137 = tpu.memref_slice %arg9[%add3A_23, %dma_wait3A_136] : memref<10240x128xf32, #tpu.memory_space<vmem_shared>> -> memref<128x128xf32, #tpu.memory_space<vmem_shared>>
      %dma_wait3A_138 = arith.constant 0 : i32
      %dma_wait3A_139 = arith.constant 0 : i32
      %dma_wait3A_140 = tpu.memref_slice %arg8[%run_scoped3A_24, %dma_wait3A_138, %dma_wait3A_139] : memref<2x128x128xf32, #tpu.memory_space<vmem>> -> memref<1x128x128xf32, #tpu.memory_space<vmem>>
      %dma_wait3A_141 = tpu.memref_squeeze %dma_wait3A_140 : memref<1x128x128xf32, #tpu.memory_space<vmem>> -> memref<128x128xf32, #tpu.memory_space<vmem>>
      tpu.wait_dma2 semaphore(%run_scoped3A_118 : memref<!tpu.dma_semaphore, #tpu.memory_space<semaphore_mem>>) src(%dma_wait3A_141 : memref<128x128xf32, #tpu.memory_space<vmem>>) dst(%dma_wait3A_137 : memref<128x128xf32, #tpu.memory_space<vmem_shared>>)
      tpu.yield
    }) : () -> ()
    %mul3A_25 = arith.constant 640 : i32
    %mul3A_26 = arith.muli %arg1, %mul3A_25 : i32
    %add3A_27 = arith.constant 512 : i32
    %add3A_28 = arith.addi %mul3A_26, %add3A_27 : i32
    %run_scoped3A_29 = arith.constant 0 : i32
    "tpu.region"() ({
      %run_scoped3A_118 = tpu.sem_alloc : memref<!tpu.dma_semaphore, #tpu.memory_space<semaphore_mem>>
      %dma_start3A_119 = arith.constant 0 : i32
      %dma_start3A_120 = arith.constant 0 : i32
      %dma_start3A_121 = tpu.memref_slice %arg8[%run_scoped3A_29, %dma_start3A_119, %dma_start3A_120] : memref<2x128x128xf32, #tpu.memory_space<vmem>> -> memref<1x128x128xf32, #tpu.memory_space<vmem>>
      %dma_start3A_122 = tpu.memref_squeeze %dma_start3A_121 : memref<1x128x128xf32, #tpu.memory_space<vmem>> -> memref<128x128xf32, #tpu.memory_space<vmem>>
      %dma_start3A_123 = arith.constant 0 : i32
      %dma_start3A_124 = tpu.memref_slice %arg9[%add3A_28, %dma_start3A_123] : memref<10240x128xf32, #tpu.memory_space<vmem_shared>> -> memref<128x128xf32, #tpu.memory_space<vmem_shared>>
      %dma_start3A_125 = arith.constant 0 : i32
      %dma_start3A_126 = tpu.memref_slice %arg9[%add3A_28, %dma_start3A_125] : memref<10240x128xf32, #tpu.memory_space<vmem_shared>> -> memref<128x128xf32, #tpu.memory_space<vmem_shared>>
      %dma_start3A_127 = arith.constant 0 : i32
      %dma_start3A_128 = arith.constant 0 : i32
      %dma_start3A_129 = tpu.memref_slice %arg8[%run_scoped3A_29, %dma_start3A_127, %dma_start3A_128] : memref<2x128x128xf32, #tpu.memory_space<vmem>> -> memref<1x128x128xf32, #tpu.memory_space<vmem>>
      %dma_start3A_130 = tpu.memref_squeeze %dma_start3A_129 : memref<1x128x128xf32, #tpu.memory_space<vmem>> -> memref<128x128xf32, #tpu.memory_space<vmem>>
      tpu.enqueue_dma source(%dma_start3A_130 : memref<128x128xf32, #tpu.memory_space<vmem>>) target(%dma_start3A_126 : memref<128x128xf32, #tpu.memory_space<vmem_shared>>) target_semaphore(%run_scoped3A_118 : memref<!tpu.dma_semaphore, #tpu.memory_space<semaphore_mem>>)
      %dma_wait3A = arith.constant 0 : i32
      %dma_wait3A_131 = arith.constant 0 : i32
      %dma_wait3A_132 = tpu.memref_slice %arg8[%run_scoped3A_29, %dma_wait3A, %dma_wait3A_131] : memref<2x128x128xf32, #tpu.memory_space<vmem>> -> memref<1x128x128xf32, #tpu.memory_space<vmem>>
      %dma_wait3A_133 = tpu.memref_squeeze %dma_wait3A_132 : memref<1x128x128xf32, #tpu.memory_space<vmem>> -> memref<128x128xf32, #tpu.memory_space<vmem>>
      %dma_wait3A_134 = arith.constant 0 : i32
      %dma_wait3A_135 = tpu.memref_slice %arg9[%add3A_28, %dma_wait3A_134] : memref<10240x128xf32, #tpu.memory_space<vmem_shared>> -> memref<128x128xf32, #tpu.memory_space<vmem_shared>>
      %dma_wait3A_136 = arith.constant 0 : i32
      %dma_wait3A_137 = tpu.memref_slice %arg9[%add3A_28, %dma_wait3A_136] : memref<10240x128xf32, #tpu.memory_space<vmem_shared>> -> memref<128x128xf32, #tpu.memory_space<vmem_shared>>
      %dma_wait3A_138 = arith.constant 0 : i32
      %dma_wait3A_139 = arith.constant 0 : i32
      %dma_wait3A_140 = tpu.memref_slice %arg8[%run_scoped3A_29, %dma_wait3A_138, %dma_wait3A_139] : memref<2x128x128xf32, #tpu.memory_space<vmem>> -> memref<1x128x128xf32, #tpu.memory_space<vmem>>
      %dma_wait3A_141 = tpu.memref_squeeze %dma_wait3A_140 : memref<1x128x128xf32, #tpu.memory_space<vmem>> -> memref<128x128xf32, #tpu.memory_space<vmem>>
      tpu.wait_dma2 semaphore(%run_scoped3A_118 : memref<!tpu.dma_semaphore, #tpu.memory_space<semaphore_mem>>) src(%dma_wait3A_141 : memref<128x128xf32, #tpu.memory_space<vmem>>) dst(%dma_wait3A_137 : memref<128x128xf32, #tpu.memory_space<vmem_shared>>)
      tpu.yield
    }) : () -> ()
    %barrier3A = arith.constant 0 : index
    tpu.barrier barrier_id(%barrier3A)
    "tpu.region"() ({
      %run_scoped3A_118 = tpu.sem_alloc : memref<!tpu.dma_semaphore, #tpu.memory_space<semaphore_mem>>
      %dma_start3A_119 = arith.constant 0 : i32
      %dma_start3A_120 = arith.constant 0 : i32
      %dma_start3A_121 = tpu.memref_slice %arg3[%add3A, %dma_start3A_119, %dma_start3A_120] : memref<32x80x128xi32, #tpu.memory_space<hbm>> -> memref<1x40x128xi32, #tpu.memory_space<hbm>>
      %dma_start3A_122 = tpu.memref_squeeze %dma_start3A_121 : memref<1x40x128xi32, #tpu.memory_space<hbm>> -> memref<40x128xi32, #tpu.memory_space<hbm>>
      %dma_start3A_123 = arith.constant 0 : i32
      %dma_start3A_124 = arith.constant 0 : i32
      %dma_start3A_125 = tpu.memref_slice %arg3[%add3A, %dma_start3A_123, %dma_start3A_124] : memref<32x80x128xi32, #tpu.memory_space<hbm>> -> memref<1x40x128xi32, #tpu.memory_space<hbm>>
      %dma_start3A_126 = tpu.memref_squeeze %dma_start3A_125 : memref<1x40x128xi32, #tpu.memory_space<hbm>> -> memref<40x128xi32, #tpu.memory_space<hbm>>
      tpu.enqueue_dma source(%dma_start3A_126 : memref<40x128xi32, #tpu.memory_space<hbm>>) target(%arg6 : memref<40x128xi32, #tpu.memory_space<vmem>>) target_semaphore(%run_scoped3A_118 : memref<!tpu.dma_semaphore, #tpu.memory_space<semaphore_mem>>)
      %dma_wait3A = arith.constant 0 : i32
      %dma_wait3A_127 = arith.constant 0 : i32
      %dma_wait3A_128 = tpu.memref_slice %arg3[%add3A, %dma_wait3A, %dma_wait3A_127] : memref<32x80x128xi32, #tpu.memory_space<hbm>> -> memref<1x40x128xi32, #tpu.memory_space<hbm>>
      %dma_wait3A_129 = tpu.memref_squeeze %dma_wait3A_128 : memref<1x40x128xi32, #tpu.memory_space<hbm>> -> memref<40x128xi32, #tpu.memory_space<hbm>>
      %dma_wait3A_130 = arith.constant 0 : i32
      %dma_wait3A_131 = arith.constant 0 : i32
      %dma_wait3A_132 = tpu.memref_slice %arg3[%add3A, %dma_wait3A_130, %dma_wait3A_131] : memref<32x80x128xi32, #tpu.memory_space<hbm>> -> memref<1x40x128xi32, #tpu.memory_space<hbm>>
      %dma_wait3A_133 = tpu.memref_squeeze %dma_wait3A_132 : memref<1x40x128xi32, #tpu.memory_space<hbm>> -> memref<40x128xi32, #tpu.memory_space<hbm>>
      tpu.wait_dma2 semaphore(%run_scoped3A_118 : memref<!tpu.dma_semaphore, #tpu.memory_space<semaphore_mem>>) src(%dma_wait3A_133 : memref<40x128xi32, #tpu.memory_space<hbm>>) dst(%arg6 : memref<40x128xi32, #tpu.memory_space<vmem>>)
      tpu.yield
    }) : () -> ()
    "tpu.region"() ({
      %run_scoped3A_118 = tpu.sem_alloc : memref<!tpu.dma_semaphore, #tpu.memory_space<semaphore_mem>>
      %dma_start3A_119 = arith.constant 0 : i32
      %dma_start3A_120 = arith.constant 0 : i32
      %dma_start3A_121 = tpu.memref_slice %arg4[%add3A, %dma_start3A_119, %dma_start3A_120] : memref<32x80x128xi32, #tpu.memory_space<hbm>> -> memref<1x40x128xi32, #tpu.memory_space<hbm>>
      %dma_start3A_122 = tpu.memref_squeeze %dma_start3A_121 : memref<1x40x128xi32, #tpu.memory_space<hbm>> -> memref<40x128xi32, #tpu.memory_space<hbm>>
      %dma_start3A_123 = arith.constant 0 : i32
      %dma_start3A_124 = arith.constant 0 : i32
      %dma_start3A_125 = tpu.memref_slice %arg4[%add3A, %dma_start3A_123, %dma_start3A_124] : memref<32x80x128xi32, #tpu.memory_space<hbm>> -> memref<1x40x128xi32, #tpu.memory_space<hbm>>
      %dma_start3A_126 = tpu.memref_squeeze %dma_start3A_125 : memref<1x40x128xi32, #tpu.memory_space<hbm>> -> memref<40x128xi32, #tpu.memory_space<hbm>>
      tpu.enqueue_dma source(%dma_start3A_126 : memref<40x128xi32, #tpu.memory_space<hbm>>) target(%arg7 : memref<40x128xi32, #tpu.memory_space<vmem>>) target_semaphore(%run_scoped3A_118 : memref<!tpu.dma_semaphore, #tpu.memory_space<semaphore_mem>>)
      %dma_wait3A = arith.constant 0 : i32
      %dma_wait3A_127 = arith.constant 0 : i32
      %dma_wait3A_128 = tpu.memref_slice %arg4[%add3A, %dma_wait3A, %dma_wait3A_127] : memref<32x80x128xi32, #tpu.memory_space<hbm>> -> memref<1x40x128xi32, #tpu.memory_space<hbm>>
      %dma_wait3A_129 = tpu.memref_squeeze %dma_wait3A_128 : memref<1x40x128xi32, #tpu.memory_space<hbm>> -> memref<40x128xi32, #tpu.memory_space<hbm>>
      %dma_wait3A_130 = arith.constant 0 : i32
      %dma_wait3A_131 = arith.constant 0 : i32
      %dma_wait3A_132 = tpu.memref_slice %arg4[%add3A, %dma_wait3A_130, %dma_wait3A_131] : memref<32x80x128xi32, #tpu.memory_space<hbm>> -> memref<1x40x128xi32, #tpu.memory_space<hbm>>
      %dma_wait3A_133 = tpu.memref_squeeze %dma_wait3A_132 : memref<1x40x128xi32, #tpu.memory_space<hbm>> -> memref<40x128xi32, #tpu.memory_space<hbm>>
      tpu.wait_dma2 semaphore(%run_scoped3A_118 : memref<!tpu.dma_semaphore, #tpu.memory_space<semaphore_mem>>) src(%dma_wait3A_133 : memref<40x128xi32, #tpu.memory_space<hbm>>) dst(%arg7 : memref<40x128xi32, #tpu.memory_space<vmem>>)
      tpu.yield
    }) : () -> ()
    %dma_start3A = arith.constant 0 : i32
    %dma_start3A_30 = arith.constant 0 : i32
    %dma_start3A_31 = arith.constant 0 : i32
    %dma_start3A_32 = arith.constant 0 : i32
    %dma_start3A_33 = tpu.memref_slice %arg8[%dma_start3A_30, %dma_start3A_31, %dma_start3A_32] : memref<2x128x128xf32, #tpu.memory_space<vmem>> -> memref<1x128x128xf32, #tpu.memory_space<vmem>>
    %dma_start3A_34 = tpu.memref_squeeze %dma_start3A_33 : memref<1x128x128xf32, #tpu.memory_space<vmem>> -> memref<128x128xf32, #tpu.memory_space<vmem>>
    %dma_start3A_35 = arith.constant 0 : i32
    %dma_start3A_36 = tpu.memref_slice %arg6[%dma_start3A, %dma_start3A_35] : memref<40x128xi32, #tpu.memory_space<vmem>> -> memref<1x128xi32, #tpu.memory_space<vmem>>
    %dma_start3A_37 = tpu.memref_squeeze %dma_start3A_36 : memref<1x128xi32, #tpu.memory_space<vmem>> -> memref<128xi32, #tpu.memory_space<vmem>>
    %dma_start3A_38 = arith.constant 0 : i32
    %dma_start3A_39 = arith.constant 0 : i32
    %dma_start3A_40 = tpu.memref_slice %arg2[%dma_start3A_38, %dma_start3A_39] : memref<10240x128xf32, #tpu.memory_space<hbm>> -> memref<10240x128xf32, #tpu.memory_space<hbm>>
    tpu.enqueue_indirect_dma source(%dma_start3A_40 : memref<10240x128xf32, #tpu.memory_space<hbm>>) target(%dma_start3A_34 : memref<128x128xf32, #tpu.memory_space<vmem>>) offsets(%dma_start3A_37 : memref<128xi32, #tpu.memory_space<vmem>>) semaphore(%arg10 : memref<!tpu.dma_semaphore, #tpu.memory_space<semaphore_mem>>)
    %dma_start3A_41 = arith.constant 1 : i32
    %dma_start3A_42 = arith.constant 1 : i32
    %dma_start3A_43 = arith.constant 0 : i32
    %dma_start3A_44 = arith.constant 0 : i32
    %dma_start3A_45 = tpu.memref_slice %arg8[%dma_start3A_42, %dma_start3A_43, %dma_start3A_44] : memref<2x128x128xf32, #tpu.memory_space<vmem>> -> memref<1x128x128xf32, #tpu.memory_space<vmem>>
    %dma_start3A_46 = tpu.memref_squeeze %dma_start3A_45 : memref<1x128x128xf32, #tpu.memory_space<vmem>> -> memref<128x128xf32, #tpu.memory_space<vmem>>
    %dma_start3A_47 = arith.constant 0 : i32
    %dma_start3A_48 = tpu.memref_slice %arg6[%dma_start3A_41, %dma_start3A_47] : memref<40x128xi32, #tpu.memory_space<vmem>> -> memref<1x128xi32, #tpu.memory_space<vmem>>
    %dma_start3A_49 = tpu.memref_squeeze %dma_start3A_48 : memref<1x128xi32, #tpu.memory_space<vmem>> -> memref<128xi32, #tpu.memory_space<vmem>>
    %dma_start3A_50 = arith.constant 0 : i32
    %dma_start3A_51 = arith.constant 0 : i32
    %dma_start3A_52 = tpu.memref_slice %arg2[%dma_start3A_50, %dma_start3A_51] : memref<10240x128xf32, #tpu.memory_space<hbm>> -> memref<10240x128xf32, #tpu.memory_space<hbm>>
    tpu.enqueue_indirect_dma source(%dma_start3A_52 : memref<10240x128xf32, #tpu.memory_space<hbm>>) target(%dma_start3A_46 : memref<128x128xf32, #tpu.memory_space<vmem>>) offsets(%dma_start3A_49 : memref<128xi32, #tpu.memory_space<vmem>>) semaphore(%arg11 : memref<!tpu.dma_semaphore, #tpu.memory_space<semaphore_mem>>)
    %scan3A_53 = arith.constant 0 : i32
    %scan3A_54 = arith.constant 20 : i32
    %scan3A_55 = arith.addi %scan3A_53, %scan3A_54 : i32
    %scan3A_56 = arith.constant 1 : i32
    scf.for %scan3A_118 = %scan3A_53 to %scan3A_55 step %scan3A_56  : i32 {
      %mul3A_119 = arith.constant 2 : i32
      %mul3A_120 = arith.muli %scan3A_118, %mul3A_119 : i32
      %add3A_121 = arith.constant 0 : i32
      %add3A_122 = arith.addi %mul3A_120, %add3A_121 : i32
      %dma_wait3A = arith.constant 0 : i32
      %dma_wait3A_123 = arith.constant 0 : i32
      %dma_wait3A_124 = arith.constant 0 : i32
      %dma_wait3A_125 = tpu.memref_slice %arg8[%dma_wait3A, %dma_wait3A_123, %dma_wait3A_124] : memref<2x128x128xf32, #tpu.memory_space<vmem>> -> memref<1x128x128xf32, #tpu.memory_space<vmem>>
      %dma_wait3A_126 = tpu.memref_squeeze %dma_wait3A_125 : memref<1x128x128xf32, #tpu.memory_space<vmem>> -> memref<128x128xf32, #tpu.memory_space<vmem>>
      %dma_wait3A_127 = arith.constant 0 : i32
      %dma_wait3A_128 = tpu.memref_slice %arg6[%add3A_122, %dma_wait3A_127] : memref<40x128xi32, #tpu.memory_space<vmem>> -> memref<1x128xi32, #tpu.memory_space<vmem>>
      %dma_wait3A_129 = tpu.memref_squeeze %dma_wait3A_128 : memref<1x128xi32, #tpu.memory_space<vmem>> -> memref<128xi32, #tpu.memory_space<vmem>>
      %dma_wait3A_130 = arith.constant 0 : i32
      %dma_wait3A_131 = arith.constant 0 : i32
      %dma_wait3A_132 = tpu.memref_slice %arg2[%dma_wait3A_130, %dma_wait3A_131] : memref<10240x128xf32, #tpu.memory_space<hbm>> -> memref<10240x128xf32, #tpu.memory_space<hbm>>
      tpu.wait_indirect_dma semaphore(%arg10 : memref<!tpu.dma_semaphore, #tpu.memory_space<semaphore_mem>>) src(%dma_wait3A_132 : memref<10240x128xf32, #tpu.memory_space<hbm>>) dst(%dma_wait3A_126 : memref<128x128xf32, #tpu.memory_space<vmem>>)
      %run_scoped3A_133 = arith.constant 0 : i32
      "tpu.region"() ({
        %run_scoped3A_161 = tpu.sem_alloc : memref<!tpu.dma_semaphore, #tpu.memory_space<semaphore_mem>>
        %dma_start3A_162 = arith.constant 0 : i32
        %dma_start3A_163 = arith.constant 0 : i32
        %dma_start3A_164 = tpu.memref_slice %arg8[%run_scoped3A_133, %dma_start3A_162, %dma_start3A_163] : memref<2x128x128xf32, #tpu.memory_space<vmem>> -> memref<1x128x128xf32, #tpu.memory_space<vmem>>
        %dma_start3A_165 = tpu.memref_squeeze %dma_start3A_164 : memref<1x128x128xf32, #tpu.memory_space<vmem>> -> memref<128x128xf32, #tpu.memory_space<vmem>>
        %dma_start3A_166 = arith.constant 0 : i32
        %dma_start3A_167 = tpu.memref_slice %arg7[%add3A_122, %dma_start3A_166] : memref<40x128xi32, #tpu.memory_space<vmem>> -> memref<1x128xi32, #tpu.memory_space<vmem>>
        %dma_start3A_168 = tpu.memref_squeeze %dma_start3A_167 : memref<1x128xi32, #tpu.memory_space<vmem>> -> memref<128xi32, #tpu.memory_space<vmem>>
        %dma_start3A_169 = arith.constant 0 : i32
        %dma_start3A_170 = arith.constant 0 : i32
        %dma_start3A_171 = tpu.memref_slice %arg9[%dma_start3A_169, %dma_start3A_170] : memref<10240x128xf32, #tpu.memory_space<vmem_shared>> -> memref<10240x128xf32, #tpu.memory_space<vmem_shared>>
        tpu.enqueue_indirect_dma source(%dma_start3A_165 : memref<128x128xf32, #tpu.memory_space<vmem>>) target(%dma_start3A_171 : memref<10240x128xf32, #tpu.memory_space<vmem_shared>>) offsets(%dma_start3A_168 : memref<128xi32, #tpu.memory_space<vmem>>) semaphore(%run_scoped3A_161 : memref<!tpu.dma_semaphore, #tpu.memory_space<semaphore_mem>>) {add = true}
        %dma_wait3A_172 = arith.constant 0 : i32
        %dma_wait3A_173 = arith.constant 0 : i32
        %dma_wait3A_174 = tpu.memref_slice %arg8[%run_scoped3A_133, %dma_wait3A_172, %dma_wait3A_173] : memref<2x128x128xf32, #tpu.memory_space<vmem>> -> memref<1x128x128xf32, #tpu.memory_space<vmem>>
        %dma_wait3A_175 = tpu.memref_squeeze %dma_wait3A_174 : memref<1x128x128xf32, #tpu.memory_space<vmem>> -> memref<128x128xf32, #tpu.memory_space<vmem>>
        %dma_wait3A_176 = arith.constant 0 : i32
        %dma_wait3A_177 = tpu.memref_slice %arg7[%add3A_122, %dma_wait3A_176] : memref<40x128xi32, #tpu.memory_space<vmem>> -> memref<1x128xi32, #tpu.memory_space<vmem>>
        %dma_wait3A_178 = tpu.memref_squeeze %dma_wait3A_177 : memref<1x128xi32, #tpu.memory_space<vmem>> -> memref<128xi32, #tpu.memory_space<vmem>>
        %dma_wait3A_179 = arith.constant 0 : i32
        %dma_wait3A_180 = arith.constant 0 : i32
        %dma_wait3A_181 = tpu.memref_slice %arg9[%dma_wait3A_179, %dma_wait3A_180] : memref<10240x128xf32, #tpu.memory_space<vmem_shared>> -> memref<10240x128xf32, #tpu.memory_space<vmem_shared>>
        tpu.wait_indirect_dma semaphore(%run_scoped3A_161 : memref<!tpu.dma_semaphore, #tpu.memory_space<semaphore_mem>>) src(%dma_wait3A_175 : memref<128x128xf32, #tpu.memory_space<vmem>>) dst(%dma_wait3A_181 : memref<10240x128xf32, #tpu.memory_space<vmem_shared>>)
        tpu.yield
      }) : () -> ()
      %add3A_134 = arith.constant 2 : i32
      %add3A_135 = arith.addi %add3A_122, %add3A_134 : i32
      %lt3A = arith.constant 40 : i32
      %lt3A_136 = arith.cmpi slt, %add3A_135, %lt3A : i32
      %convert_element_type3A = arith.extui %lt3A_136 : i1 to i32
      %cond3A = arith.constant 0 : i32
      %cond3A_137 = arith.cmpi ne, %convert_element_type3A, %cond3A : i32
      scf.if %cond3A_137 {
        %add3A_161 = arith.constant 2 : i32
        %add3A_162 = arith.addi %add3A_122, %add3A_161 : i32
        %dma_start3A_163 = arith.constant 0 : i32
        %dma_start3A_164 = arith.constant 0 : i32
        %dma_start3A_165 = arith.constant 0 : i32
        %dma_start3A_166 = tpu.memref_slice %arg8[%dma_start3A_163, %dma_start3A_164, %dma_start3A_165] : memref<2x128x128xf32, #tpu.memory_space<vmem>> -> memref<1x128x128xf32, #tpu.memory_space<vmem>>
        %dma_start3A_167 = tpu.memref_squeeze %dma_start3A_166 : memref<1x128x128xf32, #tpu.memory_space<vmem>> -> memref<128x128xf32, #tpu.memory_space<vmem>>
        %dma_start3A_168 = arith.constant 0 : i32
        %dma_start3A_169 = tpu.memref_slice %arg6[%add3A_162, %dma_start3A_168] : memref<40x128xi32, #tpu.memory_space<vmem>> -> memref<1x128xi32, #tpu.memory_space<vmem>>
        %dma_start3A_170 = tpu.memref_squeeze %dma_start3A_169 : memref<1x128xi32, #tpu.memory_space<vmem>> -> memref<128xi32, #tpu.memory_space<vmem>>
        %dma_start3A_171 = arith.constant 0 : i32
        %dma_start3A_172 = arith.constant 0 : i32
        %dma_start3A_173 = tpu.memref_slice %arg2[%dma_start3A_171, %dma_start3A_172] : memref<10240x128xf32, #tpu.memory_space<hbm>> -> memref<10240x128xf32, #tpu.memory_space<hbm>>
        tpu.enqueue_indirect_dma source(%dma_start3A_173 : memref<10240x128xf32, #tpu.memory_space<hbm>>) target(%dma_start3A_167 : memref<128x128xf32, #tpu.memory_space<vmem>>) offsets(%dma_start3A_170 : memref<128xi32, #tpu.memory_space<vmem>>) semaphore(%arg10 : memref<!tpu.dma_semaphore, #tpu.memory_space<semaphore_mem>>)
      } else {
      }
      %mul3A_138 = arith.constant 2 : i32
      %mul3A_139 = arith.muli %scan3A_118, %mul3A_138 : i32
      %add3A_140 = arith.constant 1 : i32
      %add3A_141 = arith.addi %mul3A_139, %add3A_140 : i32
      %dma_wait3A_142 = arith.constant 1 : i32
      %dma_wait3A_143 = arith.constant 0 : i32
      %dma_wait3A_144 = arith.constant 0 : i32
      %dma_wait3A_145 = tpu.memref_slice %arg8[%dma_wait3A_142, %dma_wait3A_143, %dma_wait3A_144] : memref<2x128x128xf32, #tpu.memory_space<vmem>> -> memref<1x128x128xf32, #tpu.memory_space<vmem>>
      %dma_wait3A_146 = tpu.memref_squeeze %dma_wait3A_145 : memref<1x128x128xf32, #tpu.memory_space<vmem>> -> memref<128x128xf32, #tpu.memory_space<vmem>>
      %dma_wait3A_147 = arith.constant 0 : i32
      %dma_wait3A_148 = tpu.memref_slice %arg6[%add3A_141, %dma_wait3A_147] : memref<40x128xi32, #tpu.memory_space<vmem>> -> memref<1x128xi32, #tpu.memory_space<vmem>>
      %dma_wait3A_149 = tpu.memref_squeeze %dma_wait3A_148 : memref<1x128xi32, #tpu.memory_space<vmem>> -> memref<128xi32, #tpu.memory_space<vmem>>
      %dma_wait3A_150 = arith.constant 0 : i32
      %dma_wait3A_151 = arith.constant 0 : i32
      %dma_wait3A_152 = tpu.memref_slice %arg2[%dma_wait3A_150, %dma_wait3A_151] : memref<10240x128xf32, #tpu.memory_space<hbm>> -> memref<10240x128xf32, #tpu.memory_space<hbm>>
      tpu.wait_indirect_dma semaphore(%arg11 : memref<!tpu.dma_semaphore, #tpu.memory_space<semaphore_mem>>) src(%dma_wait3A_152 : memref<10240x128xf32, #tpu.memory_space<hbm>>) dst(%dma_wait3A_146 : memref<128x128xf32, #tpu.memory_space<vmem>>)
      %run_scoped3A_153 = arith.constant 1 : i32
      "tpu.region"() ({
        %run_scoped3A_161 = tpu.sem_alloc : memref<!tpu.dma_semaphore, #tpu.memory_space<semaphore_mem>>
        %dma_start3A_162 = arith.constant 0 : i32
        %dma_start3A_163 = arith.constant 0 : i32
        %dma_start3A_164 = tpu.memref_slice %arg8[%run_scoped3A_153, %dma_start3A_162, %dma_start3A_163] : memref<2x128x128xf32, #tpu.memory_space<vmem>> -> memref<1x128x128xf32, #tpu.memory_space<vmem>>
        %dma_start3A_165 = tpu.memref_squeeze %dma_start3A_164 : memref<1x128x128xf32, #tpu.memory_space<vmem>> -> memref<128x128xf32, #tpu.memory_space<vmem>>
        %dma_start3A_166 = arith.constant 0 : i32
        %dma_start3A_167 = tpu.memref_slice %arg7[%add3A_141, %dma_start3A_166] : memref<40x128xi32, #tpu.memory_space<vmem>> -> memref<1x128xi32, #tpu.memory_space<vmem>>
        %dma_start3A_168 = tpu.memref_squeeze %dma_start3A_167 : memref<1x128xi32, #tpu.memory_space<vmem>> -> memref<128xi32, #tpu.memory_space<vmem>>
        %dma_start3A_169 = arith.constant 0 : i32
        %dma_start3A_170 = arith.constant 0 : i32
        %dma_start3A_171 = tpu.memref_slice %arg9[%dma_start3A_169, %dma_start3A_170] : memref<10240x128xf32, #tpu.memory_space<vmem_shared>> -> memref<10240x128xf32, #tpu.memory_space<vmem_shared>>
        tpu.enqueue_indirect_dma source(%dma_start3A_165 : memref<128x128xf32, #tpu.memory_space<vmem>>) target(%dma_start3A_171 : memref<10240x128xf32, #tpu.memory_space<vmem_shared>>) offsets(%dma_start3A_168 : memref<128xi32, #tpu.memory_space<vmem>>) semaphore(%run_scoped3A_161 : memref<!tpu.dma_semaphore, #tpu.memory_space<semaphore_mem>>) {add = true}
        %dma_wait3A_172 = arith.constant 0 : i32
        %dma_wait3A_173 = arith.constant 0 : i32
        %dma_wait3A_174 = tpu.memref_slice %arg8[%run_scoped3A_153, %dma_wait3A_172, %dma_wait3A_173] : memref<2x128x128xf32, #tpu.memory_space<vmem>> -> memref<1x128x128xf32, #tpu.memory_space<vmem>>
        %dma_wait3A_175 = tpu.memref_squeeze %dma_wait3A_174 : memref<1x128x128xf32, #tpu.memory_space<vmem>> -> memref<128x128xf32, #tpu.memory_space<vmem>>
        %dma_wait3A_176 = arith.constant 0 : i32
        %dma_wait3A_177 = tpu.memref_slice %arg7[%add3A_141, %dma_wait3A_176] : memref<40x128xi32, #tpu.memory_space<vmem>> -> memref<1x128xi32, #tpu.memory_space<vmem>>
        %dma_wait3A_178 = tpu.memref_squeeze %dma_wait3A_177 : memref<1x128xi32, #tpu.memory_space<vmem>> -> memref<128xi32, #tpu.memory_space<vmem>>
        %dma_wait3A_179 = arith.constant 0 : i32
        %dma_wait3A_180 = arith.constant 0 : i32
        %dma_wait3A_181 = tpu.memref_slice %arg9[%dma_wait3A_179, %dma_wait3A_180] : memref<10240x128xf32, #tpu.memory_space<vmem_shared>> -> memref<10240x128xf32, #tpu.memory_space<vmem_shared>>
        tpu.wait_indirect_dma semaphore(%run_scoped3A_161 : memref<!tpu.dma_semaphore, #tpu.memory_space<semaphore_mem>>) src(%dma_wait3A_175 : memref<128x128xf32, #tpu.memory_space<vmem>>) dst(%dma_wait3A_181 : memref<10240x128xf32, #tpu.memory_space<vmem_shared>>)
        tpu.yield
      }) : () -> ()
      %add3A_154 = arith.constant 2 : i32
      %add3A_155 = arith.addi %add3A_141, %add3A_154 : i32
      %lt3A_156 = arith.constant 40 : i32
      %lt3A_157 = arith.cmpi slt, %add3A_155, %lt3A_156 : i32
      %convert_element_type3A_158 = arith.extui %lt3A_157 : i1 to i32
      %cond3A_159 = arith.constant 0 : i32
      %cond3A_160 = arith.cmpi ne, %convert_element_type3A_158, %cond3A_159 : i32
      scf.if %cond3A_160 {
        %add3A_161 = arith.constant 2 : i32
        %add3A_162 = arith.addi %add3A_141, %add3A_161 : i32
        %dma_start3A_163 = arith.constant 1 : i32
        %dma_start3A_164 = arith.constant 0 : i32
        %dma_start3A_165 = arith.constant 0 : i32
        %dma_start3A_166 = tpu.memref_slice %arg8[%dma_start3A_163, %dma_start3A_164, %dma_start3A_165] : memref<2x128x128xf32, #tpu.memory_space<vmem>> -> memref<1x128x128xf32, #tpu.memory_space<vmem>>
        %dma_start3A_167 = tpu.memref_squeeze %dma_start3A_166 : memref<1x128x128xf32, #tpu.memory_space<vmem>> -> memref<128x128xf32, #tpu.memory_space<vmem>>
        %dma_start3A_168 = arith.constant 0 : i32
        %dma_start3A_169 = tpu.memref_slice %arg6[%add3A_162, %dma_start3A_168] : memref<40x128xi32, #tpu.memory_space<vmem>> -> memref<1x128xi32, #tpu.memory_space<vmem>>
        %dma_start3A_170 = tpu.memref_squeeze %dma_start3A_169 : memref<1x128xi32, #tpu.memory_space<vmem>> -> memref<128xi32, #tpu.memory_space<vmem>>
        %dma_start3A_171 = arith.constant 0 : i32
        %dma_start3A_172 = arith.constant 0 : i32
        %dma_start3A_173 = tpu.memref_slice %arg2[%dma_start3A_171, %dma_start3A_172] : memref<10240x128xf32, #tpu.memory_space<hbm>> -> memref<10240x128xf32, #tpu.memory_space<hbm>>
        tpu.enqueue_indirect_dma source(%dma_start3A_173 : memref<10240x128xf32, #tpu.memory_space<hbm>>) target(%dma_start3A_167 : memref<128x128xf32, #tpu.memory_space<vmem>>) offsets(%dma_start3A_170 : memref<128xi32, #tpu.memory_space<vmem>>) semaphore(%arg11 : memref<!tpu.dma_semaphore, #tpu.memory_space<semaphore_mem>>)
      } else {
      }
    }
    %scan3A_57 = arith.constant 20 : i32
    "tpu.region"() ({
      %run_scoped3A_118 = tpu.sem_alloc : memref<!tpu.dma_semaphore, #tpu.memory_space<semaphore_mem>>
      %dma_start3A_119 = arith.constant 40 : i32
      %dma_start3A_120 = arith.constant 0 : i32
      %dma_start3A_121 = tpu.memref_slice %arg3[%add3A, %dma_start3A_119, %dma_start3A_120] : memref<32x80x128xi32, #tpu.memory_space<hbm>> -> memref<1x40x128xi32, #tpu.memory_space<hbm>>
      %dma_start3A_122 = tpu.memref_squeeze %dma_start3A_121 : memref<1x40x128xi32, #tpu.memory_space<hbm>> -> memref<40x128xi32, #tpu.memory_space<hbm>>
      %dma_start3A_123 = arith.constant 40 : i32
      %dma_start3A_124 = arith.constant 0 : i32
      %dma_start3A_125 = tpu.memref_slice %arg3[%add3A, %dma_start3A_123, %dma_start3A_124] : memref<32x80x128xi32, #tpu.memory_space<hbm>> -> memref<1x40x128xi32, #tpu.memory_space<hbm>>
      %dma_start3A_126 = tpu.memref_squeeze %dma_start3A_125 : memref<1x40x128xi32, #tpu.memory_space<hbm>> -> memref<40x128xi32, #tpu.memory_space<hbm>>
      tpu.enqueue_dma source(%dma_start3A_126 : memref<40x128xi32, #tpu.memory_space<hbm>>) target(%arg6 : memref<40x128xi32, #tpu.memory_space<vmem>>) target_semaphore(%run_scoped3A_118 : memref<!tpu.dma_semaphore, #tpu.memory_space<semaphore_mem>>)
      %dma_wait3A = arith.constant 40 : i32
      %dma_wait3A_127 = arith.constant 0 : i32
      %dma_wait3A_128 = tpu.memref_slice %arg3[%add3A, %dma_wait3A, %dma_wait3A_127] : memref<32x80x128xi32, #tpu.memory_space<hbm>> -> memref<1x40x128xi32, #tpu.memory_space<hbm>>
      %dma_wait3A_129 = tpu.memref_squeeze %dma_wait3A_128 : memref<1x40x128xi32, #tpu.memory_space<hbm>> -> memref<40x128xi32, #tpu.memory_space<hbm>>
      %dma_wait3A_130 = arith.constant 40 : i32
      %dma_wait3A_131 = arith.constant 0 : i32
      %dma_wait3A_132 = tpu.memref_slice %arg3[%add3A, %dma_wait3A_130, %dma_wait3A_131] : memref<32x80x128xi32, #tpu.memory_space<hbm>> -> memref<1x40x128xi32, #tpu.memory_space<hbm>>
      %dma_wait3A_133 = tpu.memref_squeeze %dma_wait3A_132 : memref<1x40x128xi32, #tpu.memory_space<hbm>> -> memref<40x128xi32, #tpu.memory_space<hbm>>
      tpu.wait_dma2 semaphore(%run_scoped3A_118 : memref<!tpu.dma_semaphore, #tpu.memory_space<semaphore_mem>>) src(%dma_wait3A_133 : memref<40x128xi32, #tpu.memory_space<hbm>>) dst(%arg6 : memref<40x128xi32, #tpu.memory_space<vmem>>)
      tpu.yield
    }) : () -> ()
    "tpu.region"() ({
      %run_scoped3A_118 = tpu.sem_alloc : memref<!tpu.dma_semaphore, #tpu.memory_space<semaphore_mem>>
      %dma_start3A_119 = arith.constant 40 : i32
      %dma_start3A_120 = arith.constant 0 : i32
      %dma_start3A_121 = tpu.memref_slice %arg4[%add3A, %dma_start3A_119, %dma_start3A_120] : memref<32x80x128xi32, #tpu.memory_space<hbm>> -> memref<1x40x128xi32, #tpu.memory_space<hbm>>
      %dma_start3A_122 = tpu.memref_squeeze %dma_start3A_121 : memref<1x40x128xi32, #tpu.memory_space<hbm>> -> memref<40x128xi32, #tpu.memory_space<hbm>>
      %dma_start3A_123 = arith.constant 40 : i32
      %dma_start3A_124 = arith.constant 0 : i32
      %dma_start3A_125 = tpu.memref_slice %arg4[%add3A, %dma_start3A_123, %dma_start3A_124] : memref<32x80x128xi32, #tpu.memory_space<hbm>> -> memref<1x40x128xi32, #tpu.memory_space<hbm>>
      %dma_start3A_126 = tpu.memref_squeeze %dma_start3A_125 : memref<1x40x128xi32, #tpu.memory_space<hbm>> -> memref<40x128xi32, #tpu.memory_space<hbm>>
      tpu.enqueue_dma source(%dma_start3A_126 : memref<40x128xi32, #tpu.memory_space<hbm>>) target(%arg7 : memref<40x128xi32, #tpu.memory_space<vmem>>) target_semaphore(%run_scoped3A_118 : memref<!tpu.dma_semaphore, #tpu.memory_space<semaphore_mem>>)
      %dma_wait3A = arith.constant 40 : i32
      %dma_wait3A_127 = arith.constant 0 : i32
      %dma_wait3A_128 = tpu.memref_slice %arg4[%add3A, %dma_wait3A, %dma_wait3A_127] : memref<32x80x128xi32, #tpu.memory_space<hbm>> -> memref<1x40x128xi32, #tpu.memory_space<hbm>>
      %dma_wait3A_129 = tpu.memref_squeeze %dma_wait3A_128 : memref<1x40x128xi32, #tpu.memory_space<hbm>> -> memref<40x128xi32, #tpu.memory_space<hbm>>
      %dma_wait3A_130 = arith.constant 40 : i32
      %dma_wait3A_131 = arith.constant 0 : i32
      %dma_wait3A_132 = tpu.memref_slice %arg4[%add3A, %dma_wait3A_130, %dma_wait3A_131] : memref<32x80x128xi32, #tpu.memory_space<hbm>> -> memref<1x40x128xi32, #tpu.memory_space<hbm>>
      %dma_wait3A_133 = tpu.memref_squeeze %dma_wait3A_132 : memref<1x40x128xi32, #tpu.memory_space<hbm>> -> memref<40x128xi32, #tpu.memory_space<hbm>>
      tpu.wait_dma2 semaphore(%run_scoped3A_118 : memref<!tpu.dma_semaphore, #tpu.memory_space<semaphore_mem>>) src(%dma_wait3A_133 : memref<40x128xi32, #tpu.memory_space<hbm>>) dst(%arg7 : memref<40x128xi32, #tpu.memory_space<vmem>>)
      tpu.yield
    }) : () -> ()
    %dma_start3A_58 = arith.constant 0 : i32
    %dma_start3A_59 = arith.constant 0 : i32
    %dma_start3A_60 = arith.constant 0 : i32
    %dma_start3A_61 = arith.constant 0 : i32
    %dma_start3A_62 = tpu.memref_slice %arg8[%dma_start3A_59, %dma_start3A_60, %dma_start3A_61] : memref<2x128x128xf32, #tpu.memory_space<vmem>> -> memref<1x128x128xf32, #tpu.memory_space<vmem>>
    %dma_start3A_63 = tpu.memref_squeeze %dma_start3A_62 : memref<1x128x128xf32, #tpu.memory_space<vmem>> -> memref<128x128xf32, #tpu.memory_space<vmem>>
    %dma_start3A_64 = arith.constant 0 : i32
    %dma_start3A_65 = tpu.memref_slice %arg6[%dma_start3A_58, %dma_start3A_64] : memref<40x128xi32, #tpu.memory_space<vmem>> -> memref<1x128xi32, #tpu.memory_space<vmem>>
    %dma_start3A_66 = tpu.memref_squeeze %dma_start3A_65 : memref<1x128xi32, #tpu.memory_space<vmem>> -> memref<128xi32, #tpu.memory_space<vmem>>
    %dma_start3A_67 = arith.constant 0 : i32
    %dma_start3A_68 = arith.constant 0 : i32
    %dma_start3A_69 = tpu.memref_slice %arg2[%dma_start3A_67, %dma_start3A_68] : memref<10240x128xf32, #tpu.memory_space<hbm>> -> memref<10240x128xf32, #tpu.memory_space<hbm>>
    tpu.enqueue_indirect_dma source(%dma_start3A_69 : memref<10240x128xf32, #tpu.memory_space<hbm>>) target(%dma_start3A_63 : memref<128x128xf32, #tpu.memory_space<vmem>>) offsets(%dma_start3A_66 : memref<128xi32, #tpu.memory_space<vmem>>) semaphore(%arg10 : memref<!tpu.dma_semaphore, #tpu.memory_space<semaphore_mem>>)
    %dma_start3A_70 = arith.constant 1 : i32
    %dma_start3A_71 = arith.constant 1 : i32
    %dma_start3A_72 = arith.constant 0 : i32
    %dma_start3A_73 = arith.constant 0 : i32
    %dma_start3A_74 = tpu.memref_slice %arg8[%dma_start3A_71, %dma_start3A_72, %dma_start3A_73] : memref<2x128x128xf32, #tpu.memory_space<vmem>> -> memref<1x128x128xf32, #tpu.memory_space<vmem>>
    %dma_start3A_75 = tpu.memref_squeeze %dma_start3A_74 : memref<1x128x128xf32, #tpu.memory_space<vmem>> -> memref<128x128xf32, #tpu.memory_space<vmem>>
    %dma_start3A_76 = arith.constant 0 : i32
    %dma_start3A_77 = tpu.memref_slice %arg6[%dma_start3A_70, %dma_start3A_76] : memref<40x128xi32, #tpu.memory_space<vmem>> -> memref<1x128xi32, #tpu.memory_space<vmem>>
    %dma_start3A_78 = tpu.memref_squeeze %dma_start3A_77 : memref<1x128xi32, #tpu.memory_space<vmem>> -> memref<128xi32, #tpu.memory_space<vmem>>
    %dma_start3A_79 = arith.constant 0 : i32
    %dma_start3A_80 = arith.constant 0 : i32
    %dma_start3A_81 = tpu.memref_slice %arg2[%dma_start3A_79, %dma_start3A_80] : memref<10240x128xf32, #tpu.memory_space<hbm>> -> memref<10240x128xf32, #tpu.memory_space<hbm>>
    tpu.enqueue_indirect_dma source(%dma_start3A_81 : memref<10240x128xf32, #tpu.memory_space<hbm>>) target(%dma_start3A_75 : memref<128x128xf32, #tpu.memory_space<vmem>>) offsets(%dma_start3A_78 : memref<128xi32, #tpu.memory_space<vmem>>) semaphore(%arg11 : memref<!tpu.dma_semaphore, #tpu.memory_space<semaphore_mem>>)
    %scan3A_82 = arith.constant 0 : i32
    %scan3A_83 = arith.constant 20 : i32
    %scan3A_84 = arith.addi %scan3A_82, %scan3A_83 : i32
    %scan3A_85 = arith.constant 1 : i32
    scf.for %scan3A_118 = %scan3A_82 to %scan3A_84 step %scan3A_85  : i32 {
      %mul3A_119 = arith.constant 2 : i32
      %mul3A_120 = arith.muli %scan3A_118, %mul3A_119 : i32
      %add3A_121 = arith.constant 0 : i32
      %add3A_122 = arith.addi %mul3A_120, %add3A_121 : i32
      %dma_wait3A = arith.constant 0 : i32
      %dma_wait3A_123 = arith.constant 0 : i32
      %dma_wait3A_124 = arith.constant 0 : i32
      %dma_wait3A_125 = tpu.memref_slice %arg8[%dma_wait3A, %dma_wait3A_123, %dma_wait3A_124] : memref<2x128x128xf32, #tpu.memory_space<vmem>> -> memref<1x128x128xf32, #tpu.memory_space<vmem>>
      %dma_wait3A_126 = tpu.memref_squeeze %dma_wait3A_125 : memref<1x128x128xf32, #tpu.memory_space<vmem>> -> memref<128x128xf32, #tpu.memory_space<vmem>>
      %dma_wait3A_127 = arith.constant 0 : i32
      %dma_wait3A_128 = tpu.memref_slice %arg6[%add3A_122, %dma_wait3A_127] : memref<40x128xi32, #tpu.memory_space<vmem>> -> memref<1x128xi32, #tpu.memory_space<vmem>>
      %dma_wait3A_129 = tpu.memref_squeeze %dma_wait3A_128 : memref<1x128xi32, #tpu.memory_space<vmem>> -> memref<128xi32, #tpu.memory_space<vmem>>
      %dma_wait3A_130 = arith.constant 0 : i32
      %dma_wait3A_131 = arith.constant 0 : i32
      %dma_wait3A_132 = tpu.memref_slice %arg2[%dma_wait3A_130, %dma_wait3A_131] : memref<10240x128xf32, #tpu.memory_space<hbm>> -> memref<10240x128xf32, #tpu.memory_space<hbm>>
      tpu.wait_indirect_dma semaphore(%arg10 : memref<!tpu.dma_semaphore, #tpu.memory_space<semaphore_mem>>) src(%dma_wait3A_132 : memref<10240x128xf32, #tpu.memory_space<hbm>>) dst(%dma_wait3A_126 : memref<128x128xf32, #tpu.memory_space<vmem>>)
      %run_scoped3A_133 = arith.constant 0 : i32
      "tpu.region"() ({
        %run_scoped3A_161 = tpu.sem_alloc : memref<!tpu.dma_semaphore, #tpu.memory_space<semaphore_mem>>
        %dma_start3A_162 = arith.constant 0 : i32
        %dma_start3A_163 = arith.constant 0 : i32
        %dma_start3A_164 = tpu.memref_slice %arg8[%run_scoped3A_133, %dma_start3A_162, %dma_start3A_163] : memref<2x128x128xf32, #tpu.memory_space<vmem>> -> memref<1x128x128xf32, #tpu.memory_space<vmem>>
        %dma_start3A_165 = tpu.memref_squeeze %dma_start3A_164 : memref<1x128x128xf32, #tpu.memory_space<vmem>> -> memref<128x128xf32, #tpu.memory_space<vmem>>
        %dma_start3A_166 = arith.constant 0 : i32
        %dma_start3A_167 = tpu.memref_slice %arg7[%add3A_122, %dma_start3A_166] : memref<40x128xi32, #tpu.memory_space<vmem>> -> memref<1x128xi32, #tpu.memory_space<vmem>>
        %dma_start3A_168 = tpu.memref_squeeze %dma_start3A_167 : memref<1x128xi32, #tpu.memory_space<vmem>> -> memref<128xi32, #tpu.memory_space<vmem>>
        %dma_start3A_169 = arith.constant 0 : i32
        %dma_start3A_170 = arith.constant 0 : i32
        %dma_start3A_171 = tpu.memref_slice %arg9[%dma_start3A_169, %dma_start3A_170] : memref<10240x128xf32, #tpu.memory_space<vmem_shared>> -> memref<10240x128xf32, #tpu.memory_space<vmem_shared>>
        tpu.enqueue_indirect_dma source(%dma_start3A_165 : memref<128x128xf32, #tpu.memory_space<vmem>>) target(%dma_start3A_171 : memref<10240x128xf32, #tpu.memory_space<vmem_shared>>) offsets(%dma_start3A_168 : memref<128xi32, #tpu.memory_space<vmem>>) semaphore(%run_scoped3A_161 : memref<!tpu.dma_semaphore, #tpu.memory_space<semaphore_mem>>) {add = true}
        %dma_wait3A_172 = arith.constant 0 : i32
        %dma_wait3A_173 = arith.constant 0 : i32
        %dma_wait3A_174 = tpu.memref_slice %arg8[%run_scoped3A_133, %dma_wait3A_172, %dma_wait3A_173] : memref<2x128x128xf32, #tpu.memory_space<vmem>> -> memref<1x128x128xf32, #tpu.memory_space<vmem>>
        %dma_wait3A_175 = tpu.memref_squeeze %dma_wait3A_174 : memref<1x128x128xf32, #tpu.memory_space<vmem>> -> memref<128x128xf32, #tpu.memory_space<vmem>>
        %dma_wait3A_176 = arith.constant 0 : i32
        %dma_wait3A_177 = tpu.memref_slice %arg7[%add3A_122, %dma_wait3A_176] : memref<40x128xi32, #tpu.memory_space<vmem>> -> memref<1x128xi32, #tpu.memory_space<vmem>>
        %dma_wait3A_178 = tpu.memref_squeeze %dma_wait3A_177 : memref<1x128xi32, #tpu.memory_space<vmem>> -> memref<128xi32, #tpu.memory_space<vmem>>
        %dma_wait3A_179 = arith.constant 0 : i32
        %dma_wait3A_180 = arith.constant 0 : i32
        %dma_wait3A_181 = tpu.memref_slice %arg9[%dma_wait3A_179, %dma_wait3A_180] : memref<10240x128xf32, #tpu.memory_space<vmem_shared>> -> memref<10240x128xf32, #tpu.memory_space<vmem_shared>>
        tpu.wait_indirect_dma semaphore(%run_scoped3A_161 : memref<!tpu.dma_semaphore, #tpu.memory_space<semaphore_mem>>) src(%dma_wait3A_175 : memref<128x128xf32, #tpu.memory_space<vmem>>) dst(%dma_wait3A_181 : memref<10240x128xf32, #tpu.memory_space<vmem_shared>>)
        tpu.yield
      }) : () -> ()
      %add3A_134 = arith.constant 2 : i32
      %add3A_135 = arith.addi %add3A_122, %add3A_134 : i32
      %lt3A = arith.constant 40 : i32
      %lt3A_136 = arith.cmpi slt, %add3A_135, %lt3A : i32
      %convert_element_type3A = arith.extui %lt3A_136 : i1 to i32
      %cond3A = arith.constant 0 : i32
      %cond3A_137 = arith.cmpi ne, %convert_element_type3A, %cond3A : i32
      scf.if %cond3A_137 {
        %add3A_161 = arith.constant 2 : i32
        %add3A_162 = arith.addi %add3A_122, %add3A_161 : i32
        %dma_start3A_163 = arith.constant 0 : i32
        %dma_start3A_164 = arith.constant 0 : i32
        %dma_start3A_165 = arith.constant 0 : i32
        %dma_start3A_166 = tpu.memref_slice %arg8[%dma_start3A_163, %dma_start3A_164, %dma_start3A_165] : memref<2x128x128xf32, #tpu.memory_space<vmem>> -> memref<1x128x128xf32, #tpu.memory_space<vmem>>
        %dma_start3A_167 = tpu.memref_squeeze %dma_start3A_166 : memref<1x128x128xf32, #tpu.memory_space<vmem>> -> memref<128x128xf32, #tpu.memory_space<vmem>>
        %dma_start3A_168 = arith.constant 0 : i32
        %dma_start3A_169 = tpu.memref_slice %arg6[%add3A_162, %dma_start3A_168] : memref<40x128xi32, #tpu.memory_space<vmem>> -> memref<1x128xi32, #tpu.memory_space<vmem>>
        %dma_start3A_170 = tpu.memref_squeeze %dma_start3A_169 : memref<1x128xi32, #tpu.memory_space<vmem>> -> memref<128xi32, #tpu.memory_space<vmem>>
        %dma_start3A_171 = arith.constant 0 : i32
        %dma_start3A_172 = arith.constant 0 : i32
        %dma_start3A_173 = tpu.memref_slice %arg2[%dma_start3A_171, %dma_start3A_172] : memref<10240x128xf32, #tpu.memory_space<hbm>> -> memref<10240x128xf32, #tpu.memory_space<hbm>>
        tpu.enqueue_indirect_dma source(%dma_start3A_173 : memref<10240x128xf32, #tpu.memory_space<hbm>>) target(%dma_start3A_167 : memref<128x128xf32, #tpu.memory_space<vmem>>) offsets(%dma_start3A_170 : memref<128xi32, #tpu.memory_space<vmem>>) semaphore(%arg10 : memref<!tpu.dma_semaphore, #tpu.memory_space<semaphore_mem>>)
      } else {
      }
      %mul3A_138 = arith.constant 2 : i32
      %mul3A_139 = arith.muli %scan3A_118, %mul3A_138 : i32
      %add3A_140 = arith.constant 1 : i32
      %add3A_141 = arith.addi %mul3A_139, %add3A_140 : i32
      %dma_wait3A_142 = arith.constant 1 : i32
      %dma_wait3A_143 = arith.constant 0 : i32
      %dma_wait3A_144 = arith.constant 0 : i32
      %dma_wait3A_145 = tpu.memref_slice %arg8[%dma_wait3A_142, %dma_wait3A_143, %dma_wait3A_144] : memref<2x128x128xf32, #tpu.memory_space<vmem>> -> memref<1x128x128xf32, #tpu.memory_space<vmem>>
      %dma_wait3A_146 = tpu.memref_squeeze %dma_wait3A_145 : memref<1x128x128xf32, #tpu.memory_space<vmem>> -> memref<128x128xf32, #tpu.memory_space<vmem>>
      %dma_wait3A_147 = arith.constant 0 : i32
      %dma_wait3A_148 = tpu.memref_slice %arg6[%add3A_141, %dma_wait3A_147] : memref<40x128xi32, #tpu.memory_space<vmem>> -> memref<1x128xi32, #tpu.memory_space<vmem>>
      %dma_wait3A_149 = tpu.memref_squeeze %dma_wait3A_148 : memref<1x128xi32, #tpu.memory_space<vmem>> -> memref<128xi32, #tpu.memory_space<vmem>>
      %dma_wait3A_150 = arith.constant 0 : i32
      %dma_wait3A_151 = arith.constant 0 : i32
      %dma_wait3A_152 = tpu.memref_slice %arg2[%dma_wait3A_150, %dma_wait3A_151] : memref<10240x128xf32, #tpu.memory_space<hbm>> -> memref<10240x128xf32, #tpu.memory_space<hbm>>
      tpu.wait_indirect_dma semaphore(%arg11 : memref<!tpu.dma_semaphore, #tpu.memory_space<semaphore_mem>>) src(%dma_wait3A_152 : memref<10240x128xf32, #tpu.memory_space<hbm>>) dst(%dma_wait3A_146 : memref<128x128xf32, #tpu.memory_space<vmem>>)
      %run_scoped3A_153 = arith.constant 1 : i32
      "tpu.region"() ({
        %run_scoped3A_161 = tpu.sem_alloc : memref<!tpu.dma_semaphore, #tpu.memory_space<semaphore_mem>>
        %dma_start3A_162 = arith.constant 0 : i32
        %dma_start3A_163 = arith.constant 0 : i32
        %dma_start3A_164 = tpu.memref_slice %arg8[%run_scoped3A_153, %dma_start3A_162, %dma_start3A_163] : memref<2x128x128xf32, #tpu.memory_space<vmem>> -> memref<1x128x128xf32, #tpu.memory_space<vmem>>
        %dma_start3A_165 = tpu.memref_squeeze %dma_start3A_164 : memref<1x128x128xf32, #tpu.memory_space<vmem>> -> memref<128x128xf32, #tpu.memory_space<vmem>>
        %dma_start3A_166 = arith.constant 0 : i32
        %dma_start3A_167 = tpu.memref_slice %arg7[%add3A_141, %dma_start3A_166] : memref<40x128xi32, #tpu.memory_space<vmem>> -> memref<1x128xi32, #tpu.memory_space<vmem>>
        %dma_start3A_168 = tpu.memref_squeeze %dma_start3A_167 : memref<1x128xi32, #tpu.memory_space<vmem>> -> memref<128xi32, #tpu.memory_space<vmem>>
        %dma_start3A_169 = arith.constant 0 : i32
        %dma_start3A_170 = arith.constant 0 : i32
        %dma_start3A_171 = tpu.memref_slice %arg9[%dma_start3A_169, %dma_start3A_170] : memref<10240x128xf32, #tpu.memory_space<vmem_shared>> -> memref<10240x128xf32, #tpu.memory_space<vmem_shared>>
        tpu.enqueue_indirect_dma source(%dma_start3A_165 : memref<128x128xf32, #tpu.memory_space<vmem>>) target(%dma_start3A_171 : memref<10240x128xf32, #tpu.memory_space<vmem_shared>>) offsets(%dma_start3A_168 : memref<128xi32, #tpu.memory_space<vmem>>) semaphore(%run_scoped3A_161 : memref<!tpu.dma_semaphore, #tpu.memory_space<semaphore_mem>>) {add = true}
        %dma_wait3A_172 = arith.constant 0 : i32
        %dma_wait3A_173 = arith.constant 0 : i32
        %dma_wait3A_174 = tpu.memref_slice %arg8[%run_scoped3A_153, %dma_wait3A_172, %dma_wait3A_173] : memref<2x128x128xf32, #tpu.memory_space<vmem>> -> memref<1x128x128xf32, #tpu.memory_space<vmem>>
        %dma_wait3A_175 = tpu.memref_squeeze %dma_wait3A_174 : memref<1x128x128xf32, #tpu.memory_space<vmem>> -> memref<128x128xf32, #tpu.memory_space<vmem>>
        %dma_wait3A_176 = arith.constant 0 : i32
        %dma_wait3A_177 = tpu.memref_slice %arg7[%add3A_141, %dma_wait3A_176] : memref<40x128xi32, #tpu.memory_space<vmem>> -> memref<1x128xi32, #tpu.memory_space<vmem>>
        %dma_wait3A_178 = tpu.memref_squeeze %dma_wait3A_177 : memref<1x128xi32, #tpu.memory_space<vmem>> -> memref<128xi32, #tpu.memory_space<vmem>>
        %dma_wait3A_179 = arith.constant 0 : i32
        %dma_wait3A_180 = arith.constant 0 : i32
        %dma_wait3A_181 = tpu.memref_slice %arg9[%dma_wait3A_179, %dma_wait3A_180] : memref<10240x128xf32, #tpu.memory_space<vmem_shared>> -> memref<10240x128xf32, #tpu.memory_space<vmem_shared>>
        tpu.wait_indirect_dma semaphore(%run_scoped3A_161 : memref<!tpu.dma_semaphore, #tpu.memory_space<semaphore_mem>>) src(%dma_wait3A_175 : memref<128x128xf32, #tpu.memory_space<vmem>>) dst(%dma_wait3A_181 : memref<10240x128xf32, #tpu.memory_space<vmem_shared>>)
        tpu.yield
      }) : () -> ()
      %add3A_154 = arith.constant 2 : i32
      %add3A_155 = arith.addi %add3A_141, %add3A_154 : i32
      %lt3A_156 = arith.constant 40 : i32
      %lt3A_157 = arith.cmpi slt, %add3A_155, %lt3A_156 : i32
      %convert_element_type3A_158 = arith.extui %lt3A_157 : i1 to i32
      %cond3A_159 = arith.constant 0 : i32
      %cond3A_160 = arith.cmpi ne, %convert_element_type3A_158, %cond3A_159 : i32
      scf.if %cond3A_160 {
        %add3A_161 = arith.constant 2 : i32
        %add3A_162 = arith.addi %add3A_141, %add3A_161 : i32
        %dma_start3A_163 = arith.constant 1 : i32
        %dma_start3A_164 = arith.constant 0 : i32
        %dma_start3A_165 = arith.constant 0 : i32
        %dma_start3A_166 = tpu.memref_slice %arg8[%dma_start3A_163, %dma_start3A_164, %dma_start3A_165] : memref<2x128x128xf32, #tpu.memory_space<vmem>> -> memref<1x128x128xf32, #tpu.memory_space<vmem>>
        %dma_start3A_167 = tpu.memref_squeeze %dma_start3A_166 : memref<1x128x128xf32, #tpu.memory_space<vmem>> -> memref<128x128xf32, #tpu.memory_space<vmem>>
        %dma_start3A_168 = arith.constant 0 : i32
        %dma_start3A_169 = tpu.memref_slice %arg6[%add3A_162, %dma_start3A_168] : memref<40x128xi32, #tpu.memory_space<vmem>> -> memref<1x128xi32, #tpu.memory_space<vmem>>
        %dma_start3A_170 = tpu.memref_squeeze %dma_start3A_169 : memref<1x128xi32, #tpu.memory_space<vmem>> -> memref<128xi32, #tpu.memory_space<vmem>>
        %dma_start3A_171 = arith.constant 0 : i32
        %dma_start3A_172 = arith.constant 0 : i32
        %dma_start3A_173 = tpu.memref_slice %arg2[%dma_start3A_171, %dma_start3A_172] : memref<10240x128xf32, #tpu.memory_space<hbm>> -> memref<10240x128xf32, #tpu.memory_space<hbm>>
        tpu.enqueue_indirect_dma source(%dma_start3A_173 : memref<10240x128xf32, #tpu.memory_space<hbm>>) target(%dma_start3A_167 : memref<128x128xf32, #tpu.memory_space<vmem>>) offsets(%dma_start3A_170 : memref<128xi32, #tpu.memory_space<vmem>>) semaphore(%arg11 : memref<!tpu.dma_semaphore, #tpu.memory_space<semaphore_mem>>)
      } else {
      }
    }
    %scan3A_86 = arith.constant 20 : i32
    %barrier3A_87 = arith.constant 0 : index
    tpu.barrier barrier_id(%barrier3A_87)
    %mul3A_88 = arith.constant 640 : i32
    %mul3A_89 = arith.muli %arg1, %mul3A_88 : i32
    %add3A_90 = arith.constant 0 : i32
    %add3A_91 = arith.addi %mul3A_89, %add3A_90 : i32
    %run_scoped3A_92 = arith.constant 0 : i32
    "tpu.region"() ({
      %run_scoped3A_118 = tpu.sem_alloc : memref<!tpu.dma_semaphore, #tpu.memory_space<semaphore_mem>>
      %dma_start3A_119 = arith.constant 0 : i32
      %dma_start3A_120 = arith.constant 0 : i32
      %dma_start3A_121 = tpu.memref_slice %arg8[%run_scoped3A_92, %dma_start3A_119, %dma_start3A_120] : memref<2x128x128xf32, #tpu.memory_space<vmem>> -> memref<1x128x128xf32, #tpu.memory_space<vmem>>
      %dma_start3A_122 = tpu.memref_squeeze %dma_start3A_121 : memref<1x128x128xf32, #tpu.memory_space<vmem>> -> memref<128x128xf32, #tpu.memory_space<vmem>>
      %dma_start3A_123 = arith.constant 0 : i32
      %dma_start3A_124 = tpu.memref_slice %arg9[%add3A_91, %dma_start3A_123] : memref<10240x128xf32, #tpu.memory_space<vmem_shared>> -> memref<128x128xf32, #tpu.memory_space<vmem_shared>>
      %dma_start3A_125 = arith.constant 0 : i32
      %dma_start3A_126 = arith.constant 0 : i32
      %dma_start3A_127 = tpu.memref_slice %arg8[%run_scoped3A_92, %dma_start3A_125, %dma_start3A_126] : memref<2x128x128xf32, #tpu.memory_space<vmem>> -> memref<1x128x128xf32, #tpu.memory_space<vmem>>
      %dma_start3A_128 = tpu.memref_squeeze %dma_start3A_127 : memref<1x128x128xf32, #tpu.memory_space<vmem>> -> memref<128x128xf32, #tpu.memory_space<vmem>>
      %dma_start3A_129 = arith.constant 0 : i32
      %dma_start3A_130 = tpu.memref_slice %arg9[%add3A_91, %dma_start3A_129] : memref<10240x128xf32, #tpu.memory_space<vmem_shared>> -> memref<128x128xf32, #tpu.memory_space<vmem_shared>>
      tpu.enqueue_dma source(%dma_start3A_130 : memref<128x128xf32, #tpu.memory_space<vmem_shared>>) target(%dma_start3A_128 : memref<128x128xf32, #tpu.memory_space<vmem>>) target_semaphore(%run_scoped3A_118 : memref<!tpu.dma_semaphore, #tpu.memory_space<semaphore_mem>>)
      %dma_wait3A = arith.constant 0 : i32
      %dma_wait3A_131 = arith.constant 0 : i32
      %dma_wait3A_132 = tpu.memref_slice %arg8[%run_scoped3A_92, %dma_wait3A, %dma_wait3A_131] : memref<2x128x128xf32, #tpu.memory_space<vmem>> -> memref<1x128x128xf32, #tpu.memory_space<vmem>>
      %dma_wait3A_133 = tpu.memref_squeeze %dma_wait3A_132 : memref<1x128x128xf32, #tpu.memory_space<vmem>> -> memref<128x128xf32, #tpu.memory_space<vmem>>
      %dma_wait3A_134 = arith.constant 0 : i32
      %dma_wait3A_135 = tpu.memref_slice %arg9[%add3A_91, %dma_wait3A_134] : memref<10240x128xf32, #tpu.memory_space<vmem_shared>> -> memref<128x128xf32, #tpu.memory_space<vmem_shared>>
      %dma_wait3A_136 = arith.constant 0 : i32
      %dma_wait3A_137 = arith.constant 0 : i32
      %dma_wait3A_138 = tpu.memref_slice %arg8[%run_scoped3A_92, %dma_wait3A_136, %dma_wait3A_137] : memref<2x128x128xf32, #tpu.memory_space<vmem>> -> memref<1x128x128xf32, #tpu.memory_space<vmem>>
      %dma_wait3A_139 = tpu.memref_squeeze %dma_wait3A_138 : memref<1x128x128xf32, #tpu.memory_space<vmem>> -> memref<128x128xf32, #tpu.memory_space<vmem>>
      %dma_wait3A_140 = arith.constant 0 : i32
      %dma_wait3A_141 = tpu.memref_slice %arg9[%add3A_91, %dma_wait3A_140] : memref<10240x128xf32, #tpu.memory_space<vmem_shared>> -> memref<128x128xf32, #tpu.memory_space<vmem_shared>>
      tpu.wait_dma2 semaphore(%run_scoped3A_118 : memref<!tpu.dma_semaphore, #tpu.memory_space<semaphore_mem>>) src(%dma_wait3A_141 : memref<128x128xf32, #tpu.memory_space<vmem_shared>>) dst(%dma_wait3A_139 : memref<128x128xf32, #tpu.memory_space<vmem>>)
      tpu.yield
    }) : () -> ()
    %run_scoped3A_93 = arith.constant 0 : i32
    "tpu.region"() ({
      %run_scoped3A_118 = tpu.sem_alloc : memref<!tpu.dma_semaphore, #tpu.memory_space<semaphore_mem>>
      %dma_start3A_119 = arith.constant 0 : i32
      %dma_start3A_120 = arith.constant 0 : i32
      %dma_start3A_121 = tpu.memref_slice %arg8[%run_scoped3A_93, %dma_start3A_119, %dma_start3A_120] : memref<2x128x128xf32, #tpu.memory_space<vmem>> -> memref<1x128x128xf32, #tpu.memory_space<vmem>>
      %dma_start3A_122 = tpu.memref_squeeze %dma_start3A_121 : memref<1x128x128xf32, #tpu.memory_space<vmem>> -> memref<128x128xf32, #tpu.memory_space<vmem>>
      %dma_start3A_123 = arith.constant 0 : i32
      %dma_start3A_124 = tpu.memref_slice %arg5[%arg0, %add3A_91, %dma_start3A_123] : memref<2x10240x128xf32, #tpu.memory_space<hbm>> -> memref<1x128x128xf32, #tpu.memory_space<hbm>>
      %dma_start3A_125 = tpu.memref_squeeze %dma_start3A_124 : memref<1x128x128xf32, #tpu.memory_space<hbm>> -> memref<128x128xf32, #tpu.memory_space<hbm>>
      %dma_start3A_126 = arith.constant 0 : i32
      %dma_start3A_127 = tpu.memref_slice %arg5[%arg0, %add3A_91, %dma_start3A_126] : memref<2x10240x128xf32, #tpu.memory_space<hbm>> -> memref<1x128x128xf32, #tpu.memory_space<hbm>>
      %dma_start3A_128 = tpu.memref_squeeze %dma_start3A_127 : memref<1x128x128xf32, #tpu.memory_space<hbm>> -> memref<128x128xf32, #tpu.memory_space<hbm>>
      %dma_start3A_129 = arith.constant 0 : i32
      %dma_start3A_130 = arith.constant 0 : i32
      %dma_start3A_131 = tpu.memref_slice %arg8[%run_scoped3A_93, %dma_start3A_129, %dma_start3A_130] : memref<2x128x128xf32, #tpu.memory_space<vmem>> -> memref<1x128x128xf32, #tpu.memory_space<vmem>>
      %dma_start3A_132 = tpu.memref_squeeze %dma_start3A_131 : memref<1x128x128xf32, #tpu.memory_space<vmem>> -> memref<128x128xf32, #tpu.memory_space<vmem>>
      tpu.enqueue_dma source(%dma_start3A_132 : memref<128x128xf32, #tpu.memory_space<vmem>>) target(%dma_start3A_128 : memref<128x128xf32, #tpu.memory_space<hbm>>) target_semaphore(%run_scoped3A_118 : memref<!tpu.dma_semaphore, #tpu.memory_space<semaphore_mem>>)
      %dma_wait3A = arith.constant 0 : i32
      %dma_wait3A_133 = arith.constant 0 : i32
      %dma_wait3A_134 = tpu.memref_slice %arg8[%run_scoped3A_93, %dma_wait3A, %dma_wait3A_133] : memref<2x128x128xf32, #tpu.memory_space<vmem>> -> memref<1x128x128xf32, #tpu.memory_space<vmem>>
      %dma_wait3A_135 = tpu.memref_squeeze %dma_wait3A_134 : memref<1x128x128xf32, #tpu.memory_space<vmem>> -> memref<128x128xf32, #tpu.memory_space<vmem>>
      %dma_wait3A_136 = arith.constant 0 : i32
      %dma_wait3A_137 = tpu.memref_slice %arg5[%arg0, %add3A_91, %dma_wait3A_136] : memref<2x10240x128xf32, #tpu.memory_space<hbm>> -> memref<1x128x128xf32, #tpu.memory_space<hbm>>
      %dma_wait3A_138 = tpu.memref_squeeze %dma_wait3A_137 : memref<1x128x128xf32, #tpu.memory_space<hbm>> -> memref<128x128xf32, #tpu.memory_space<hbm>>
      %dma_wait3A_139 = arith.constant 0 : i32
      %dma_wait3A_140 = tpu.memref_slice %arg5[%arg0, %add3A_91, %dma_wait3A_139] : memref<2x10240x128xf32, #tpu.memory_space<hbm>> -> memref<1x128x128xf32, #tpu.memory_space<hbm>>
      %dma_wait3A_141 = tpu.memref_squeeze %dma_wait3A_140 : memref<1x128x128xf32, #tpu.memory_space<hbm>> -> memref<128x128xf32, #tpu.memory_space<hbm>>
      %dma_wait3A_142 = arith.constant 0 : i32
      %dma_wait3A_143 = arith.constant 0 : i32
      %dma_wait3A_144 = tpu.memref_slice %arg8[%run_scoped3A_93, %dma_wait3A_142, %dma_wait3A_143] : memref<2x128x128xf32, #tpu.memory_space<vmem>> -> memref<1x128x128xf32, #tpu.memory_space<vmem>>
      %dma_wait3A_145 = tpu.memref_squeeze %dma_wait3A_144 : memref<1x128x128xf32, #tpu.memory_space<vmem>> -> memref<128x128xf32, #tpu.memory_space<vmem>>
      tpu.wait_dma2 semaphore(%run_scoped3A_118 : memref<!tpu.dma_semaphore, #tpu.memory_space<semaphore_mem>>) src(%dma_wait3A_145 : memref<128x128xf32, #tpu.memory_space<vmem>>) dst(%dma_wait3A_141 : memref<128x128xf32, #tpu.memory_space<hbm>>)
      tpu.yield
    }) : () -> ()
    %mul3A_94 = arith.constant 640 : i32
    %mul3A_95 = arith.muli %arg1, %mul3A_94 : i32
    %add3A_96 = arith.constant 128 : i32
    %add3A_97 = arith.addi %mul3A_95, %add3A_96 : i32
    %run_scoped3A_98 = arith.constant 0 : i32
    "tpu.region"() ({
      %run_scoped3A_118 = tpu.sem_alloc : memref<!tpu.dma_semaphore, #tpu.memory_space<semaphore_mem>>
      %dma_start3A_119 = arith.constant 0 : i32
      %dma_start3A_120 = arith.constant 0 : i32
      %dma_start3A_121 = tpu.memref_slice %arg8[%run_scoped3A_98, %dma_start3A_119, %dma_start3A_120] : memref<2x128x128xf32, #tpu.memory_space<vmem>> -> memref<1x128x128xf32, #tpu.memory_space<vmem>>
      %dma_start3A_122 = tpu.memref_squeeze %dma_start3A_121 : memref<1x128x128xf32, #tpu.memory_space<vmem>> -> memref<128x128xf32, #tpu.memory_space<vmem>>
      %dma_start3A_123 = arith.constant 0 : i32
      %dma_start3A_124 = tpu.memref_slice %arg9[%add3A_97, %dma_start3A_123] : memref<10240x128xf32, #tpu.memory_space<vmem_shared>> -> memref<128x128xf32, #tpu.memory_space<vmem_shared>>
      %dma_start3A_125 = arith.constant 0 : i32
      %dma_start3A_126 = arith.constant 0 : i32
      %dma_start3A_127 = tpu.memref_slice %arg8[%run_scoped3A_98, %dma_start3A_125, %dma_start3A_126] : memref<2x128x128xf32, #tpu.memory_space<vmem>> -> memref<1x128x128xf32, #tpu.memory_space<vmem>>
      %dma_start3A_128 = tpu.memref_squeeze %dma_start3A_127 : memref<1x128x128xf32, #tpu.memory_space<vmem>> -> memref<128x128xf32, #tpu.memory_space<vmem>>
      %dma_start3A_129 = arith.constant 0 : i32
      %dma_start3A_130 = tpu.memref_slice %arg9[%add3A_97, %dma_start3A_129] : memref<10240x128xf32, #tpu.memory_space<vmem_shared>> -> memref<128x128xf32, #tpu.memory_space<vmem_shared>>
      tpu.enqueue_dma source(%dma_start3A_130 : memref<128x128xf32, #tpu.memory_space<vmem_shared>>) target(%dma_start3A_128 : memref<128x128xf32, #tpu.memory_space<vmem>>) target_semaphore(%run_scoped3A_118 : memref<!tpu.dma_semaphore, #tpu.memory_space<semaphore_mem>>)
      %dma_wait3A = arith.constant 0 : i32
      %dma_wait3A_131 = arith.constant 0 : i32
      %dma_wait3A_132 = tpu.memref_slice %arg8[%run_scoped3A_98, %dma_wait3A, %dma_wait3A_131] : memref<2x128x128xf32, #tpu.memory_space<vmem>> -> memref<1x128x128xf32, #tpu.memory_space<vmem>>
      %dma_wait3A_133 = tpu.memref_squeeze %dma_wait3A_132 : memref<1x128x128xf32, #tpu.memory_space<vmem>> -> memref<128x128xf32, #tpu.memory_space<vmem>>
      %dma_wait3A_134 = arith.constant 0 : i32
      %dma_wait3A_135 = tpu.memref_slice %arg9[%add3A_97, %dma_wait3A_134] : memref<10240x128xf32, #tpu.memory_space<vmem_shared>> -> memref<128x128xf32, #tpu.memory_space<vmem_shared>>
      %dma_wait3A_136 = arith.constant 0 : i32
      %dma_wait3A_137 = arith.constant 0 : i32
      %dma_wait3A_138 = tpu.memref_slice %arg8[%run_scoped3A_98, %dma_wait3A_136, %dma_wait3A_137] : memref<2x128x128xf32, #tpu.memory_space<vmem>> -> memref<1x128x128xf32, #tpu.memory_space<vmem>>
      %dma_wait3A_139 = tpu.memref_squeeze %dma_wait3A_138 : memref<1x128x128xf32, #tpu.memory_space<vmem>> -> memref<128x128xf32, #tpu.memory_space<vmem>>
      %dma_wait3A_140 = arith.constant 0 : i32
      %dma_wait3A_141 = tpu.memref_slice %arg9[%add3A_97, %dma_wait3A_140] : memref<10240x128xf32, #tpu.memory_space<vmem_shared>> -> memref<128x128xf32, #tpu.memory_space<vmem_shared>>
      tpu.wait_dma2 semaphore(%run_scoped3A_118 : memref<!tpu.dma_semaphore, #tpu.memory_space<semaphore_mem>>) src(%dma_wait3A_141 : memref<128x128xf32, #tpu.memory_space<vmem_shared>>) dst(%dma_wait3A_139 : memref<128x128xf32, #tpu.memory_space<vmem>>)
      tpu.yield
    }) : () -> ()
    %run_scoped3A_99 = arith.constant 0 : i32
    "tpu.region"() ({
      %run_scoped3A_118 = tpu.sem_alloc : memref<!tpu.dma_semaphore, #tpu.memory_space<semaphore_mem>>
      %dma_start3A_119 = arith.constant 0 : i32
      %dma_start3A_120 = arith.constant 0 : i32
      %dma_start3A_121 = tpu.memref_slice %arg8[%run_scoped3A_99, %dma_start3A_119, %dma_start3A_120] : memref<2x128x128xf32, #tpu.memory_space<vmem>> -> memref<1x128x128xf32, #tpu.memory_space<vmem>>
      %dma_start3A_122 = tpu.memref_squeeze %dma_start3A_121 : memref<1x128x128xf32, #tpu.memory_space<vmem>> -> memref<128x128xf32, #tpu.memory_space<vmem>>
      %dma_start3A_123 = arith.constant 0 : i32
      %dma_start3A_124 = tpu.memref_slice %arg5[%arg0, %add3A_97, %dma_start3A_123] : memref<2x10240x128xf32, #tpu.memory_space<hbm>> -> memref<1x128x128xf32, #tpu.memory_space<hbm>>
      %dma_start3A_125 = tpu.memref_squeeze %dma_start3A_124 : memref<1x128x128xf32, #tpu.memory_space<hbm>> -> memref<128x128xf32, #tpu.memory_space<hbm>>
      %dma_start3A_126 = arith.constant 0 : i32
      %dma_start3A_127 = tpu.memref_slice %arg5[%arg0, %add3A_97, %dma_start3A_126] : memref<2x10240x128xf32, #tpu.memory_space<hbm>> -> memref<1x128x128xf32, #tpu.memory_space<hbm>>
      %dma_start3A_128 = tpu.memref_squeeze %dma_start3A_127 : memref<1x128x128xf32, #tpu.memory_space<hbm>> -> memref<128x128xf32, #tpu.memory_space<hbm>>
      %dma_start3A_129 = arith.constant 0 : i32
      %dma_start3A_130 = arith.constant 0 : i32
      %dma_start3A_131 = tpu.memref_slice %arg8[%run_scoped3A_99, %dma_start3A_129, %dma_start3A_130] : memref<2x128x128xf32, #tpu.memory_space<vmem>> -> memref<1x128x128xf32, #tpu.memory_space<vmem>>
      %dma_start3A_132 = tpu.memref_squeeze %dma_start3A_131 : memref<1x128x128xf32, #tpu.memory_space<vmem>> -> memref<128x128xf32, #tpu.memory_space<vmem>>
      tpu.enqueue_dma source(%dma_start3A_132 : memref<128x128xf32, #tpu.memory_space<vmem>>) target(%dma_start3A_128 : memref<128x128xf32, #tpu.memory_space<hbm>>) target_semaphore(%run_scoped3A_118 : memref<!tpu.dma_semaphore, #tpu.memory_space<semaphore_mem>>)
      %dma_wait3A = arith.constant 0 : i32
      %dma_wait3A_133 = arith.constant 0 : i32
      %dma_wait3A_134 = tpu.memref_slice %arg8[%run_scoped3A_99, %dma_wait3A, %dma_wait3A_133] : memref<2x128x128xf32, #tpu.memory_space<vmem>> -> memref<1x128x128xf32, #tpu.memory_space<vmem>>
      %dma_wait3A_135 = tpu.memref_squeeze %dma_wait3A_134 : memref<1x128x128xf32, #tpu.memory_space<vmem>> -> memref<128x128xf32, #tpu.memory_space<vmem>>
      %dma_wait3A_136 = arith.constant 0 : i32
      %dma_wait3A_137 = tpu.memref_slice %arg5[%arg0, %add3A_97, %dma_wait3A_136] : memref<2x10240x128xf32, #tpu.memory_space<hbm>> -> memref<1x128x128xf32, #tpu.memory_space<hbm>>
      %dma_wait3A_138 = tpu.memref_squeeze %dma_wait3A_137 : memref<1x128x128xf32, #tpu.memory_space<hbm>> -> memref<128x128xf32, #tpu.memory_space<hbm>>
      %dma_wait3A_139 = arith.constant 0 : i32
      %dma_wait3A_140 = tpu.memref_slice %arg5[%arg0, %add3A_97, %dma_wait3A_139] : memref<2x10240x128xf32, #tpu.memory_space<hbm>> -> memref<1x128x128xf32, #tpu.memory_space<hbm>>
      %dma_wait3A_141 = tpu.memref_squeeze %dma_wait3A_140 : memref<1x128x128xf32, #tpu.memory_space<hbm>> -> memref<128x128xf32, #tpu.memory_space<hbm>>
      %dma_wait3A_142 = arith.constant 0 : i32
      %dma_wait3A_143 = arith.constant 0 : i32
      %dma_wait3A_144 = tpu.memref_slice %arg8[%run_scoped3A_99, %dma_wait3A_142, %dma_wait3A_143] : memref<2x128x128xf32, #tpu.memory_space<vmem>> -> memref<1x128x128xf32, #tpu.memory_space<vmem>>
      %dma_wait3A_145 = tpu.memref_squeeze %dma_wait3A_144 : memref<1x128x128xf32, #tpu.memory_space<vmem>> -> memref<128x128xf32, #tpu.memory_space<vmem>>
      tpu.wait_dma2 semaphore(%run_scoped3A_118 : memref<!tpu.dma_semaphore, #tpu.memory_space<semaphore_mem>>) src(%dma_wait3A_145 : memref<128x128xf32, #tpu.memory_space<vmem>>) dst(%dma_wait3A_141 : memref<128x128xf32, #tpu.memory_space<hbm>>)
      tpu.yield
    }) : () -> ()
    %mul3A_100 = arith.constant 640 : i32
    %mul3A_101 = arith.muli %arg1, %mul3A_100 : i32
    %add3A_102 = arith.constant 256 : i32
    %add3A_103 = arith.addi %mul3A_101, %add3A_102 : i32
    %run_scoped3A_104 = arith.constant 0 : i32
    "tpu.region"() ({
      %run_scoped3A_118 = tpu.sem_alloc : memref<!tpu.dma_semaphore, #tpu.memory_space<semaphore_mem>>
      %dma_start3A_119 = arith.constant 0 : i32
      %dma_start3A_120 = arith.constant 0 : i32
      %dma_start3A_121 = tpu.memref_slice %arg8[%run_scoped3A_104, %dma_start3A_119, %dma_start3A_120] : memref<2x128x128xf32, #tpu.memory_space<vmem>> -> memref<1x128x128xf32, #tpu.memory_space<vmem>>
      %dma_start3A_122 = tpu.memref_squeeze %dma_start3A_121 : memref<1x128x128xf32, #tpu.memory_space<vmem>> -> memref<128x128xf32, #tpu.memory_space<vmem>>
      %dma_start3A_123 = arith.constant 0 : i32
      %dma_start3A_124 = tpu.memref_slice %arg9[%add3A_103, %dma_start3A_123] : memref<10240x128xf32, #tpu.memory_space<vmem_shared>> -> memref<128x128xf32, #tpu.memory_space<vmem_shared>>
      %dma_start3A_125 = arith.constant 0 : i32
      %dma_start3A_126 = arith.constant 0 : i32
      %dma_start3A_127 = tpu.memref_slice %arg8[%run_scoped3A_104, %dma_start3A_125, %dma_start3A_126] : memref<2x128x128xf32, #tpu.memory_space<vmem>> -> memref<1x128x128xf32, #tpu.memory_space<vmem>>
      %dma_start3A_128 = tpu.memref_squeeze %dma_start3A_127 : memref<1x128x128xf32, #tpu.memory_space<vmem>> -> memref<128x128xf32, #tpu.memory_space<vmem>>
      %dma_start3A_129 = arith.constant 0 : i32
      %dma_start3A_130 = tpu.memref_slice %arg9[%add3A_103, %dma_start3A_129] : memref<10240x128xf32, #tpu.memory_space<vmem_shared>> -> memref<128x128xf32, #tpu.memory_space<vmem_shared>>
      tpu.enqueue_dma source(%dma_start3A_130 : memref<128x128xf32, #tpu.memory_space<vmem_shared>>) target(%dma_start3A_128 : memref<128x128xf32, #tpu.memory_space<vmem>>) target_semaphore(%run_scoped3A_118 : memref<!tpu.dma_semaphore, #tpu.memory_space<semaphore_mem>>)
      %dma_wait3A = arith.constant 0 : i32
      %dma_wait3A_131 = arith.constant 0 : i32
      %dma_wait3A_132 = tpu.memref_slice %arg8[%run_scoped3A_104, %dma_wait3A, %dma_wait3A_131] : memref<2x128x128xf32, #tpu.memory_space<vmem>> -> memref<1x128x128xf32, #tpu.memory_space<vmem>>
      %dma_wait3A_133 = tpu.memref_squeeze %dma_wait3A_132 : memref<1x128x128xf32, #tpu.memory_space<vmem>> -> memref<128x128xf32, #tpu.memory_space<vmem>>
      %dma_wait3A_134 = arith.constant 0 : i32
      %dma_wait3A_135 = tpu.memref_slice %arg9[%add3A_103, %dma_wait3A_134] : memref<10240x128xf32, #tpu.memory_space<vmem_shared>> -> memref<128x128xf32, #tpu.memory_space<vmem_shared>>
      %dma_wait3A_136 = arith.constant 0 : i32
      %dma_wait3A_137 = arith.constant 0 : i32
      %dma_wait3A_138 = tpu.memref_slice %arg8[%run_scoped3A_104, %dma_wait3A_136, %dma_wait3A_137] : memref<2x128x128xf32, #tpu.memory_space<vmem>> -> memref<1x128x128xf32, #tpu.memory_space<vmem>>
      %dma_wait3A_139 = tpu.memref_squeeze %dma_wait3A_138 : memref<1x128x128xf32, #tpu.memory_space<vmem>> -> memref<128x128xf32, #tpu.memory_space<vmem>>
      %dma_wait3A_140 = arith.constant 0 : i32
      %dma_wait3A_141 = tpu.memref_slice %arg9[%add3A_103, %dma_wait3A_140] : memref<10240x128xf32, #tpu.memory_space<vmem_shared>> -> memref<128x128xf32, #tpu.memory_space<vmem_shared>>
      tpu.wait_dma2 semaphore(%run_scoped3A_118 : memref<!tpu.dma_semaphore, #tpu.memory_space<semaphore_mem>>) src(%dma_wait3A_141 : memref<128x128xf32, #tpu.memory_space<vmem_shared>>) dst(%dma_wait3A_139 : memref<128x128xf32, #tpu.memory_space<vmem>>)
      tpu.yield
    }) : () -> ()
    %run_scoped3A_105 = arith.constant 0 : i32
    "tpu.region"() ({
      %run_scoped3A_118 = tpu.sem_alloc : memref<!tpu.dma_semaphore, #tpu.memory_space<semaphore_mem>>
      %dma_start3A_119 = arith.constant 0 : i32
      %dma_start3A_120 = arith.constant 0 : i32
      %dma_start3A_121 = tpu.memref_slice %arg8[%run_scoped3A_105, %dma_start3A_119, %dma_start3A_120] : memref<2x128x128xf32, #tpu.memory_space<vmem>> -> memref<1x128x128xf32, #tpu.memory_space<vmem>>
      %dma_start3A_122 = tpu.memref_squeeze %dma_start3A_121 : memref<1x128x128xf32, #tpu.memory_space<vmem>> -> memref<128x128xf32, #tpu.memory_space<vmem>>
      %dma_start3A_123 = arith.constant 0 : i32
      %dma_start3A_124 = tpu.memref_slice %arg5[%arg0, %add3A_103, %dma_start3A_123] : memref<2x10240x128xf32, #tpu.memory_space<hbm>> -> memref<1x128x128xf32, #tpu.memory_space<hbm>>
      %dma_start3A_125 = tpu.memref_squeeze %dma_start3A_124 : memref<1x128x128xf32, #tpu.memory_space<hbm>> -> memref<128x128xf32, #tpu.memory_space<hbm>>
      %dma_start3A_126 = arith.constant 0 : i32
      %dma_start3A_127 = tpu.memref_slice %arg5[%arg0, %add3A_103, %dma_start3A_126] : memref<2x10240x128xf32, #tpu.memory_space<hbm>> -> memref<1x128x128xf32, #tpu.memory_space<hbm>>
      %dma_start3A_128 = tpu.memref_squeeze %dma_start3A_127 : memref<1x128x128xf32, #tpu.memory_space<hbm>> -> memref<128x128xf32, #tpu.memory_space<hbm>>
      %dma_start3A_129 = arith.constant 0 : i32
      %dma_start3A_130 = arith.constant 0 : i32
      %dma_start3A_131 = tpu.memref_slice %arg8[%run_scoped3A_105, %dma_start3A_129, %dma_start3A_130] : memref<2x128x128xf32, #tpu.memory_space<vmem>> -> memref<1x128x128xf32, #tpu.memory_space<vmem>>
      %dma_start3A_132 = tpu.memref_squeeze %dma_start3A_131 : memref<1x128x128xf32, #tpu.memory_space<vmem>> -> memref<128x128xf32, #tpu.memory_space<vmem>>
      tpu.enqueue_dma source(%dma_start3A_132 : memref<128x128xf32, #tpu.memory_space<vmem>>) target(%dma_start3A_128 : memref<128x128xf32, #tpu.memory_space<hbm>>) target_semaphore(%run_scoped3A_118 : memref<!tpu.dma_semaphore, #tpu.memory_space<semaphore_mem>>)
      %dma_wait3A = arith.constant 0 : i32
      %dma_wait3A_133 = arith.constant 0 : i32
      %dma_wait3A_134 = tpu.memref_slice %arg8[%run_scoped3A_105, %dma_wait3A, %dma_wait3A_133] : memref<2x128x128xf32, #tpu.memory_space<vmem>> -> memref<1x128x128xf32, #tpu.memory_space<vmem>>
      %dma_wait3A_135 = tpu.memref_squeeze %dma_wait3A_134 : memref<1x128x128xf32, #tpu.memory_space<vmem>> -> memref<128x128xf32, #tpu.memory_space<vmem>>
      %dma_wait3A_136 = arith.constant 0 : i32
      %dma_wait3A_137 = tpu.memref_slice %arg5[%arg0, %add3A_103, %dma_wait3A_136] : memref<2x10240x128xf32, #tpu.memory_space<hbm>> -> memref<1x128x128xf32, #tpu.memory_space<hbm>>
      %dma_wait3A_138 = tpu.memref_squeeze %dma_wait3A_137 : memref<1x128x128xf32, #tpu.memory_space<hbm>> -> memref<128x128xf32, #tpu.memory_space<hbm>>
      %dma_wait3A_139 = arith.constant 0 : i32
      %dma_wait3A_140 = tpu.memref_slice %arg5[%arg0, %add3A_103, %dma_wait3A_139] : memref<2x10240x128xf32, #tpu.memory_space<hbm>> -> memref<1x128x128xf32, #tpu.memory_space<hbm>>
      %dma_wait3A_141 = tpu.memref_squeeze %dma_wait3A_140 : memref<1x128x128xf32, #tpu.memory_space<hbm>> -> memref<128x128xf32, #tpu.memory_space<hbm>>
      %dma_wait3A_142 = arith.constant 0 : i32
      %dma_wait3A_143 = arith.constant 0 : i32
      %dma_wait3A_144 = tpu.memref_slice %arg8[%run_scoped3A_105, %dma_wait3A_142, %dma_wait3A_143] : memref<2x128x128xf32, #tpu.memory_space<vmem>> -> memref<1x128x128xf32, #tpu.memory_space<vmem>>
      %dma_wait3A_145 = tpu.memref_squeeze %dma_wait3A_144 : memref<1x128x128xf32, #tpu.memory_space<vmem>> -> memref<128x128xf32, #tpu.memory_space<vmem>>
      tpu.wait_dma2 semaphore(%run_scoped3A_118 : memref<!tpu.dma_semaphore, #tpu.memory_space<semaphore_mem>>) src(%dma_wait3A_145 : memref<128x128xf32, #tpu.memory_space<vmem>>) dst(%dma_wait3A_141 : memref<128x128xf32, #tpu.memory_space<hbm>>)
      tpu.yield
    }) : () -> ()
    %mul3A_106 = arith.constant 640 : i32
    %mul3A_107 = arith.muli %arg1, %mul3A_106 : i32
    %add3A_108 = arith.constant 384 : i32
    %add3A_109 = arith.addi %mul3A_107, %add3A_108 : i32
    %run_scoped3A_110 = arith.constant 0 : i32
    "tpu.region"() ({
      %run_scoped3A_118 = tpu.sem_alloc : memref<!tpu.dma_semaphore, #tpu.memory_space<semaphore_mem>>
      %dma_start3A_119 = arith.constant 0 : i32
      %dma_start3A_120 = arith.constant 0 : i32
      %dma_start3A_121 = tpu.memref_slice %arg8[%run_scoped3A_110, %dma_start3A_119, %dma_start3A_120] : memref<2x128x128xf32, #tpu.memory_space<vmem>> -> memref<1x128x128xf32, #tpu.memory_space<vmem>>
      %dma_start3A_122 = tpu.memref_squeeze %dma_start3A_121 : memref<1x128x128xf32, #tpu.memory_space<vmem>> -> memref<128x128xf32, #tpu.memory_space<vmem>>
      %dma_start3A_123 = arith.constant 0 : i32
      %dma_start3A_124 = tpu.memref_slice %arg9[%add3A_109, %dma_start3A_123] : memref<10240x128xf32, #tpu.memory_space<vmem_shared>> -> memref<128x128xf32, #tpu.memory_space<vmem_shared>>
      %dma_start3A_125 = arith.constant 0 : i32
      %dma_start3A_126 = arith.constant 0 : i32
      %dma_start3A_127 = tpu.memref_slice %arg8[%run_scoped3A_110, %dma_start3A_125, %dma_start3A_126] : memref<2x128x128xf32, #tpu.memory_space<vmem>> -> memref<1x128x128xf32, #tpu.memory_space<vmem>>
      %dma_start3A_128 = tpu.memref_squeeze %dma_start3A_127 : memref<1x128x128xf32, #tpu.memory_space<vmem>> -> memref<128x128xf32, #tpu.memory_space<vmem>>
      %dma_start3A_129 = arith.constant 0 : i32
      %dma_start3A_130 = tpu.memref_slice %arg9[%add3A_109, %dma_start3A_129] : memref<10240x128xf32, #tpu.memory_space<vmem_shared>> -> memref<128x128xf32, #tpu.memory_space<vmem_shared>>
      tpu.enqueue_dma source(%dma_start3A_130 : memref<128x128xf32, #tpu.memory_space<vmem_shared>>) target(%dma_start3A_128 : memref<128x128xf32, #tpu.memory_space<vmem>>) target_semaphore(%run_scoped3A_118 : memref<!tpu.dma_semaphore, #tpu.memory_space<semaphore_mem>>)
      %dma_wait3A = arith.constant 0 : i32
      %dma_wait3A_131 = arith.constant 0 : i32
      %dma_wait3A_132 = tpu.memref_slice %arg8[%run_scoped3A_110, %dma_wait3A, %dma_wait3A_131] : memref<2x128x128xf32, #tpu.memory_space<vmem>> -> memref<1x128x128xf32, #tpu.memory_space<vmem>>
      %dma_wait3A_133 = tpu.memref_squeeze %dma_wait3A_132 : memref<1x128x128xf32, #tpu.memory_space<vmem>> -> memref<128x128xf32, #tpu.memory_space<vmem>>
      %dma_wait3A_134 = arith.constant 0 : i32
      %dma_wait3A_135 = tpu.memref_slice %arg9[%add3A_109, %dma_wait3A_134] : memref<10240x128xf32, #tpu.memory_space<vmem_shared>> -> memref<128x128xf32, #tpu.memory_space<vmem_shared>>
      %dma_wait3A_136 = arith.constant 0 : i32
      %dma_wait3A_137 = arith.constant 0 : i32
      %dma_wait3A_138 = tpu.memref_slice %arg8[%run_scoped3A_110, %dma_wait3A_136, %dma_wait3A_137] : memref<2x128x128xf32, #tpu.memory_space<vmem>> -> memref<1x128x128xf32, #tpu.memory_space<vmem>>
      %dma_wait3A_139 = tpu.memref_squeeze %dma_wait3A_138 : memref<1x128x128xf32, #tpu.memory_space<vmem>> -> memref<128x128xf32, #tpu.memory_space<vmem>>
      %dma_wait3A_140 = arith.constant 0 : i32
      %dma_wait3A_141 = tpu.memref_slice %arg9[%add3A_109, %dma_wait3A_140] : memref<10240x128xf32, #tpu.memory_space<vmem_shared>> -> memref<128x128xf32, #tpu.memory_space<vmem_shared>>
      tpu.wait_dma2 semaphore(%run_scoped3A_118 : memref<!tpu.dma_semaphore, #tpu.memory_space<semaphore_mem>>) src(%dma_wait3A_141 : memref<128x128xf32, #tpu.memory_space<vmem_shared>>) dst(%dma_wait3A_139 : memref<128x128xf32, #tpu.memory_space<vmem>>)
      tpu.yield
    }) : () -> ()
    %run_scoped3A_111 = arith.constant 0 : i32
    "tpu.region"() ({
      %run_scoped3A_118 = tpu.sem_alloc : memref<!tpu.dma_semaphore, #tpu.memory_space<semaphore_mem>>
      %dma_start3A_119 = arith.constant 0 : i32
      %dma_start3A_120 = arith.constant 0 : i32
      %dma_start3A_121 = tpu.memref_slice %arg8[%run_scoped3A_111, %dma_start3A_119, %dma_start3A_120] : memref<2x128x128xf32, #tpu.memory_space<vmem>> -> memref<1x128x128xf32, #tpu.memory_space<vmem>>
      %dma_start3A_122 = tpu.memref_squeeze %dma_start3A_121 : memref<1x128x128xf32, #tpu.memory_space<vmem>> -> memref<128x128xf32, #tpu.memory_space<vmem>>
      %dma_start3A_123 = arith.constant 0 : i32
      %dma_start3A_124 = tpu.memref_slice %arg5[%arg0, %add3A_109, %dma_start3A_123] : memref<2x10240x128xf32, #tpu.memory_space<hbm>> -> memref<1x128x128xf32, #tpu.memory_space<hbm>>
      %dma_start3A_125 = tpu.memref_squeeze %dma_start3A_124 : memref<1x128x128xf32, #tpu.memory_space<hbm>> -> memref<128x128xf32, #tpu.memory_space<hbm>>
      %dma_start3A_126 = arith.constant 0 : i32
      %dma_start3A_127 = tpu.memref_slice %arg5[%arg0, %add3A_109, %dma_start3A_126] : memref<2x10240x128xf32, #tpu.memory_space<hbm>> -> memref<1x128x128xf32, #tpu.memory_space<hbm>>
      %dma_start3A_128 = tpu.memref_squeeze %dma_start3A_127 : memref<1x128x128xf32, #tpu.memory_space<hbm>> -> memref<128x128xf32, #tpu.memory_space<hbm>>
      %dma_start3A_129 = arith.constant 0 : i32
      %dma_start3A_130 = arith.constant 0 : i32
      %dma_start3A_131 = tpu.memref_slice %arg8[%run_scoped3A_111, %dma_start3A_129, %dma_start3A_130] : memref<2x128x128xf32, #tpu.memory_space<vmem>> -> memref<1x128x128xf32, #tpu.memory_space<vmem>>
      %dma_start3A_132 = tpu.memref_squeeze %dma_start3A_131 : memref<1x128x128xf32, #tpu.memory_space<vmem>> -> memref<128x128xf32, #tpu.memory_space<vmem>>
      tpu.enqueue_dma source(%dma_start3A_132 : memref<128x128xf32, #tpu.memory_space<vmem>>) target(%dma_start3A_128 : memref<128x128xf32, #tpu.memory_space<hbm>>) target_semaphore(%run_scoped3A_118 : memref<!tpu.dma_semaphore, #tpu.memory_space<semaphore_mem>>)
      %dma_wait3A = arith.constant 0 : i32
      %dma_wait3A_133 = arith.constant 0 : i32
      %dma_wait3A_134 = tpu.memref_slice %arg8[%run_scoped3A_111, %dma_wait3A, %dma_wait3A_133] : memref<2x128x128xf32, #tpu.memory_space<vmem>> -> memref<1x128x128xf32, #tpu.memory_space<vmem>>
      %dma_wait3A_135 = tpu.memref_squeeze %dma_wait3A_134 : memref<1x128x128xf32, #tpu.memory_space<vmem>> -> memref<128x128xf32, #tpu.memory_space<vmem>>
      %dma_wait3A_136 = arith.constant 0 : i32
      %dma_wait3A_137 = tpu.memref_slice %arg5[%arg0, %add3A_109, %dma_wait3A_136] : memref<2x10240x128xf32, #tpu.memory_space<hbm>> -> memref<1x128x128xf32, #tpu.memory_space<hbm>>
      %dma_wait3A_138 = tpu.memref_squeeze %dma_wait3A_137 : memref<1x128x128xf32, #tpu.memory_space<hbm>> -> memref<128x128xf32, #tpu.memory_space<hbm>>
      %dma_wait3A_139 = arith.constant 0 : i32
      %dma_wait3A_140 = tpu.memref_slice %arg5[%arg0, %add3A_109, %dma_wait3A_139] : memref<2x10240x128xf32, #tpu.memory_space<hbm>> -> memref<1x128x128xf32, #tpu.memory_space<hbm>>
      %dma_wait3A_141 = tpu.memref_squeeze %dma_wait3A_140 : memref<1x128x128xf32, #tpu.memory_space<hbm>> -> memref<128x128xf32, #tpu.memory_space<hbm>>
      %dma_wait3A_142 = arith.constant 0 : i32
      %dma_wait3A_143 = arith.constant 0 : i32
      %dma_wait3A_144 = tpu.memref_slice %arg8[%run_scoped3A_111, %dma_wait3A_142, %dma_wait3A_143] : memref<2x128x128xf32, #tpu.memory_space<vmem>> -> memref<1x128x128xf32, #tpu.memory_space<vmem>>
      %dma_wait3A_145 = tpu.memref_squeeze %dma_wait3A_144 : memref<1x128x128xf32, #tpu.memory_space<vmem>> -> memref<128x128xf32, #tpu.memory_space<vmem>>
      tpu.wait_dma2 semaphore(%run_scoped3A_118 : memref<!tpu.dma_semaphore, #tpu.memory_space<semaphore_mem>>) src(%dma_wait3A_145 : memref<128x128xf32, #tpu.memory_space<vmem>>) dst(%dma_wait3A_141 : memref<128x128xf32, #tpu.memory_space<hbm>>)
      tpu.yield
    }) : () -> ()
    %mul3A_112 = arith.constant 640 : i32
    %mul3A_113 = arith.muli %arg1, %mul3A_112 : i32
    %add3A_114 = arith.constant 512 : i32
    %add3A_115 = arith.addi %mul3A_113, %add3A_114 : i32
    %run_scoped3A_116 = arith.constant 0 : i32
    "tpu.region"() ({
      %run_scoped3A_118 = tpu.sem_alloc : memref<!tpu.dma_semaphore, #tpu.memory_space<semaphore_mem>>
      %dma_start3A_119 = arith.constant 0 : i32
      %dma_start3A_120 = arith.constant 0 : i32
      %dma_start3A_121 = tpu.memref_slice %arg8[%run_scoped3A_116, %dma_start3A_119, %dma_start3A_120] : memref<2x128x128xf32, #tpu.memory_space<vmem>> -> memref<1x128x128xf32, #tpu.memory_space<vmem>>
      %dma_start3A_122 = tpu.memref_squeeze %dma_start3A_121 : memref<1x128x128xf32, #tpu.memory_space<vmem>> -> memref<128x128xf32, #tpu.memory_space<vmem>>
      %dma_start3A_123 = arith.constant 0 : i32
      %dma_start3A_124 = tpu.memref_slice %arg9[%add3A_115, %dma_start3A_123] : memref<10240x128xf32, #tpu.memory_space<vmem_shared>> -> memref<128x128xf32, #tpu.memory_space<vmem_shared>>
      %dma_start3A_125 = arith.constant 0 : i32
      %dma_start3A_126 = arith.constant 0 : i32
      %dma_start3A_127 = tpu.memref_slice %arg8[%run_scoped3A_116, %dma_start3A_125, %dma_start3A_126] : memref<2x128x128xf32, #tpu.memory_space<vmem>> -> memref<1x128x128xf32, #tpu.memory_space<vmem>>
      %dma_start3A_128 = tpu.memref_squeeze %dma_start3A_127 : memref<1x128x128xf32, #tpu.memory_space<vmem>> -> memref<128x128xf32, #tpu.memory_space<vmem>>
      %dma_start3A_129 = arith.constant 0 : i32
      %dma_start3A_130 = tpu.memref_slice %arg9[%add3A_115, %dma_start3A_129] : memref<10240x128xf32, #tpu.memory_space<vmem_shared>> -> memref<128x128xf32, #tpu.memory_space<vmem_shared>>
      tpu.enqueue_dma source(%dma_start3A_130 : memref<128x128xf32, #tpu.memory_space<vmem_shared>>) target(%dma_start3A_128 : memref<128x128xf32, #tpu.memory_space<vmem>>) target_semaphore(%run_scoped3A_118 : memref<!tpu.dma_semaphore, #tpu.memory_space<semaphore_mem>>)
      %dma_wait3A = arith.constant 0 : i32
      %dma_wait3A_131 = arith.constant 0 : i32
      %dma_wait3A_132 = tpu.memref_slice %arg8[%run_scoped3A_116, %dma_wait3A, %dma_wait3A_131] : memref<2x128x128xf32, #tpu.memory_space<vmem>> -> memref<1x128x128xf32, #tpu.memory_space<vmem>>
      %dma_wait3A_133 = tpu.memref_squeeze %dma_wait3A_132 : memref<1x128x128xf32, #tpu.memory_space<vmem>> -> memref<128x128xf32, #tpu.memory_space<vmem>>
      %dma_wait3A_134 = arith.constant 0 : i32
      %dma_wait3A_135 = tpu.memref_slice %arg9[%add3A_115, %dma_wait3A_134] : memref<10240x128xf32, #tpu.memory_space<vmem_shared>> -> memref<128x128xf32, #tpu.memory_space<vmem_shared>>
      %dma_wait3A_136 = arith.constant 0 : i32
      %dma_wait3A_137 = arith.constant 0 : i32
      %dma_wait3A_138 = tpu.memref_slice %arg8[%run_scoped3A_116, %dma_wait3A_136, %dma_wait3A_137] : memref<2x128x128xf32, #tpu.memory_space<vmem>> -> memref<1x128x128xf32, #tpu.memory_space<vmem>>
      %dma_wait3A_139 = tpu.memref_squeeze %dma_wait3A_138 : memref<1x128x128xf32, #tpu.memory_space<vmem>> -> memref<128x128xf32, #tpu.memory_space<vmem>>
      %dma_wait3A_140 = arith.constant 0 : i32
      %dma_wait3A_141 = tpu.memref_slice %arg9[%add3A_115, %dma_wait3A_140] : memref<10240x128xf32, #tpu.memory_space<vmem_shared>> -> memref<128x128xf32, #tpu.memory_space<vmem_shared>>
      tpu.wait_dma2 semaphore(%run_scoped3A_118 : memref<!tpu.dma_semaphore, #tpu.memory_space<semaphore_mem>>) src(%dma_wait3A_141 : memref<128x128xf32, #tpu.memory_space<vmem_shared>>) dst(%dma_wait3A_139 : memref<128x128xf32, #tpu.memory_space<vmem>>)
      tpu.yield
    }) : () -> ()
    %run_scoped3A_117 = arith.constant 0 : i32
    "tpu.region"() ({
      %run_scoped3A_118 = tpu.sem_alloc : memref<!tpu.dma_semaphore, #tpu.memory_space<semaphore_mem>>
      %dma_start3A_119 = arith.constant 0 : i32
      %dma_start3A_120 = arith.constant 0 : i32
      %dma_start3A_121 = tpu.memref_slice %arg8[%run_scoped3A_117, %dma_start3A_119, %dma_start3A_120] : memref<2x128x128xf32, #tpu.memory_space<vmem>> -> memref<1x128x128xf32, #tpu.memory_space<vmem>>
      %dma_start3A_122 = tpu.memref_squeeze %dma_start3A_121 : memref<1x128x128xf32, #tpu.memory_space<vmem>> -> memref<128x128xf32, #tpu.memory_space<vmem>>
      %dma_start3A_123 = arith.constant 0 : i32
      %dma_start3A_124 = tpu.memref_slice %arg5[%arg0, %add3A_115, %dma_start3A_123] : memref<2x10240x128xf32, #tpu.memory_space<hbm>> -> memref<1x128x128xf32, #tpu.memory_space<hbm>>
      %dma_start3A_125 = tpu.memref_squeeze %dma_start3A_124 : memref<1x128x128xf32, #tpu.memory_space<hbm>> -> memref<128x128xf32, #tpu.memory_space<hbm>>
      %dma_start3A_126 = arith.constant 0 : i32
      %dma_start3A_127 = tpu.memref_slice %arg5[%arg0, %add3A_115, %dma_start3A_126] : memref<2x10240x128xf32, #tpu.memory_space<hbm>> -> memref<1x128x128xf32, #tpu.memory_space<hbm>>
      %dma_start3A_128 = tpu.memref_squeeze %dma_start3A_127 : memref<1x128x128xf32, #tpu.memory_space<hbm>> -> memref<128x128xf32, #tpu.memory_space<hbm>>
      %dma_start3A_129 = arith.constant 0 : i32
      %dma_start3A_130 = arith.constant 0 : i32
      %dma_start3A_131 = tpu.memref_slice %arg8[%run_scoped3A_117, %dma_start3A_129, %dma_start3A_130] : memref<2x128x128xf32, #tpu.memory_space<vmem>> -> memref<1x128x128xf32, #tpu.memory_space<vmem>>
      %dma_start3A_132 = tpu.memref_squeeze %dma_start3A_131 : memref<1x128x128xf32, #tpu.memory_space<vmem>> -> memref<128x128xf32, #tpu.memory_space<vmem>>
      tpu.enqueue_dma source(%dma_start3A_132 : memref<128x128xf32, #tpu.memory_space<vmem>>) target(%dma_start3A_128 : memref<128x128xf32, #tpu.memory_space<hbm>>) target_semaphore(%run_scoped3A_118 : memref<!tpu.dma_semaphore, #tpu.memory_space<semaphore_mem>>)
      %dma_wait3A = arith.constant 0 : i32
      %dma_wait3A_133 = arith.constant 0 : i32
      %dma_wait3A_134 = tpu.memref_slice %arg8[%run_scoped3A_117, %dma_wait3A, %dma_wait3A_133] : memref<2x128x128xf32, #tpu.memory_space<vmem>> -> memref<1x128x128xf32, #tpu.memory_space<vmem>>
      %dma_wait3A_135 = tpu.memref_squeeze %dma_wait3A_134 : memref<1x128x128xf32, #tpu.memory_space<vmem>> -> memref<128x128xf32, #tpu.memory_space<vmem>>
      %dma_wait3A_136 = arith.constant 0 : i32
      %dma_wait3A_137 = tpu.memref_slice %arg5[%arg0, %add3A_115, %dma_wait3A_136] : memref<2x10240x128xf32, #tpu.memory_space<hbm>> -> memref<1x128x128xf32, #tpu.memory_space<hbm>>
      %dma_wait3A_138 = tpu.memref_squeeze %dma_wait3A_137 : memref<1x128x128xf32, #tpu.memory_space<hbm>> -> memref<128x128xf32, #tpu.memory_space<hbm>>
      %dma_wait3A_139 = arith.constant 0 : i32
      %dma_wait3A_140 = tpu.memref_slice %arg5[%arg0, %add3A_115, %dma_wait3A_139] : memref<2x10240x128xf32, #tpu.memory_space<hbm>> -> memref<1x128x128xf32, #tpu.memory_space<hbm>>
      %dma_wait3A_141 = tpu.memref_squeeze %dma_wait3A_140 : memref<1x128x128xf32, #tpu.memory_space<hbm>> -> memref<128x128xf32, #tpu.memory_space<hbm>>
      %dma_wait3A_142 = arith.constant 0 : i32
      %dma_wait3A_143 = arith.constant 0 : i32
      %dma_wait3A_144 = tpu.memref_slice %arg8[%run_scoped3A_117, %dma_wait3A_142, %dma_wait3A_143] : memref<2x128x128xf32, #tpu.memory_space<vmem>> -> memref<1x128x128xf32, #tpu.memory_space<vmem>>
      %dma_wait3A_145 = tpu.memref_squeeze %dma_wait3A_144 : memref<1x128x128xf32, #tpu.memory_space<vmem>> -> memref<128x128xf32, #tpu.memory_space<vmem>>
      tpu.wait_dma2 semaphore(%run_scoped3A_118 : memref<!tpu.dma_semaphore, #tpu.memory_space<semaphore_mem>>) src(%dma_wait3A_145 : memref<128x128xf32, #tpu.memory_space<vmem>>) dst(%dma_wait3A_141 : memref<128x128xf32, #tpu.memory_space<hbm>>)
      tpu.yield
    }) : () -> ()
    return
  }
}

module attributes {stable_mosaic.version = 14 : i64} {
  func.func @_scale_body(%arg0: i32, %arg1: memref<128x512xf32, #tpu.memory_space<vmem>>, %arg2: memref<1x512x128xf32, #tpu.memory_space<vmem>>, %arg3: memref<1x512x128xf32, #tpu.memory_space<vmem>>, %arg4: memref<512x128xf32, #tpu.memory_space<vmem>>) attributes {dimension_semantics = [#tpu.dimension_semantics<arbitrary>], iteration_bounds = array<i64: 20>, scalar_prefetch = 0 : i64, scratch_operands = 0 : i64, tpu.core_type = #tpu.core_type<tc>, window_params = [{transform_indices = @transform_0, window_bounds = array<i64: 128, 512>}, {transform_indices = @transform_1, window_bounds = array<i64: 1, 512, 128>}, {transform_indices = @transform_2, window_bounds = array<i64: 1, 512, 128>}, {transform_indices = @transform_3, window_bounds = array<i64: 512, 128>}]} {
    %get3A = arith.constant 0 : index
    %get3A_0 = arith.constant 0 : index
    %get3A_1 = vector.load %arg1[%get3A, %get3A_0] : memref<128x512xf32, #tpu.memory_space<vmem>>, vector<128x512xf32>
    %transpose3A = tpu.transpose %get3A_1, [1, 0] : vector<128x512xf32> -> vector<512x128xf32>
    %get3A_2 = arith.constant 0 : index
    %get3A_3 = arith.constant 0 : index
    %get3A_4 = arith.constant 0 : index
    %get3A_5 = vector.load %arg2[%get3A_2, %get3A_3, %get3A_4] : memref<1x512x128xf32, #tpu.memory_space<vmem>>, vector<1x512x1xf32>
    %get3A_6 = vector.shape_cast %get3A_5 : vector<1x512x1xf32> to vector<512x1xf32>
    %get3A_7 = arith.constant 0 : index
    %get3A_8 = arith.constant 0 : index
    %get3A_9 = arith.constant 0 : index
    %get3A_10 = vector.load %arg3[%get3A_7, %get3A_8, %get3A_9] : memref<1x512x128xf32, #tpu.memory_space<vmem>>, vector<1x512x1xf32>
    %get3A_11 = vector.shape_cast %get3A_10 : vector<1x512x1xf32> to vector<512x1xf32>
    %add3A = arith.addf %get3A_6, %get3A_11 : vector<512x1xf32>
    %add3A_12 = arith.constant 1.000000e+00 : f32
    %add3A_13 = vector.broadcast %add3A_12 : f32 to vector<512x1xf32>
    %add3A_14 = arith.addf %add3A, %add3A_13 : vector<512x1xf32>
    %rsqrt3A = math.rsqrt %add3A_14 : vector<512x1xf32>
    %mul3A = vector.broadcast %rsqrt3A : vector<512x1xf32> to vector<512x128xf32>
    %mul3A_15 = arith.mulf %transpose3A, %mul3A : vector<512x128xf32>
    %swap3A = arith.constant 0 : index
    %swap3A_16 = arith.constant 0 : index
    %swap3A_17 = vector.load %arg4[%swap3A, %swap3A_16] : memref<512x128xf32, #tpu.memory_space<vmem>>, vector<512x128xf32>
    tpu.vector_store %arg4[%swap3A, %swap3A_16], %mul3A_15 {strides = array<i32>} : memref<512x128xf32, #tpu.memory_space<vmem>>, vector<512x128xf32>,
    return
  }
  func.func @transform_0(%arg0: i32) -> (i32, i32) {
    %c0_i32 = arith.constant 0 : i32
    %c0_i32_0 = arith.constant 0 : i32
    return %c0_i32, %arg0 : i32, i32
  }
  func.func @transform_1(%arg0: i32) -> (i32, i32, i32) {
    %c0_i32 = arith.constant 0 : i32
    %c0_i32_0 = arith.constant 0 : i32
    %c0_i32_1 = arith.constant 0 : i32
    return %c0_i32, %arg0, %c0_i32_0 : i32, i32, i32
  }
  func.func @transform_2(%arg0: i32) -> (i32, i32, i32) {
    %c1_i32 = arith.constant 1 : i32
    %c0_i32 = arith.constant 0 : i32
    %c0_i32_0 = arith.constant 0 : i32
    return %c1_i32, %arg0, %c0_i32 : i32, i32, i32
  }
  func.func @transform_3(%arg0: i32) -> (i32, i32) {
    %c0_i32 = arith.constant 0 : i32
    %c0_i32_0 = arith.constant 0 : i32
    return %arg0, %c0_i32 : i32, i32
  }
}

module attributes {stable_mosaic.version = 14 : i64} {
  func.func @_mid_body(%arg0: i32, %arg1: memref<1x512x128xf32, #tpu.memory_space<vmem>>, %arg2: memref<1x512x128xf32, #tpu.memory_space<vmem>>, %arg3: memref<512x128xf32, #tpu.memory_space<vmem>>, %arg4: memref<1x512x128xf32, #tpu.memory_space<vmem>>, %arg5: memref<1x512x128xf32, #tpu.memory_space<vmem>>, %arg6: memref<128x256xf32, #tpu.memory_space<vmem>>, %arg7: memref<1x256xf32, #tpu.memory_space<vmem>>, %arg8: memref<256x128xf32, #tpu.memory_space<vmem>>, %arg9: memref<512x128xf32, #tpu.memory_space<vmem>>) attributes {dimension_semantics = [#tpu.dimension_semantics<arbitrary>], iteration_bounds = array<i64: 20>, scalar_prefetch = 0 : i64, scratch_operands = 0 : i64, tpu.core_type = #tpu.core_type<tc>, window_params = [{transform_indices = @transform_0, window_bounds = array<i64: 1, 512, 128>}, {transform_indices = @transform_1, window_bounds = array<i64: 1, 512, 128>}, {transform_indices = @transform_2, window_bounds = array<i64: 512, 128>}, {transform_indices = @transform_3, window_bounds = array<i64: 1, 512, 128>}, {transform_indices = @transform_4, window_bounds = array<i64: 1, 512, 128>}, {pipeline_mode = #tpu.pipeline_mode<synchronous>, transform_indices = @transform_5, window_bounds = array<i64: 128, 256>}, {pipeline_mode = #tpu.pipeline_mode<synchronous>, transform_indices = @transform_6, window_bounds = array<i64: 1, 256>}, {pipeline_mode = #tpu.pipeline_mode<synchronous>, transform_indices = @transform_7, window_bounds = array<i64: 256, 128>}, {transform_indices = @transform_8, window_bounds = array<i64: 512, 128>}]} {
    %get3A = arith.constant 0 : index
    %get3A_0 = arith.constant 0 : index
    %get3A_1 = arith.constant 0 : index
    %get3A_2 = vector.load %arg4[%get3A, %get3A_0, %get3A_1] : memref<1x512x128xf32, #tpu.memory_space<vmem>>, vector<1x512x1xf32>
    %get3A_3 = vector.shape_cast %get3A_2 : vector<1x512x1xf32> to vector<512x1xf32>
    %get3A_4 = arith.constant 0 : index
    %get3A_5 = arith.constant 0 : index
    %get3A_6 = arith.constant 0 : index
    %get3A_7 = vector.load %arg5[%get3A_4, %get3A_5, %get3A_6] : memref<1x512x128xf32, #tpu.memory_space<vmem>>, vector<1x512x1xf32>
    %get3A_8 = vector.shape_cast %get3A_7 : vector<1x512x1xf32> to vector<512x1xf32>
    %add3A = arith.addf %get3A_3, %get3A_8 : vector<512x1xf32>
    %add3A_9 = arith.constant 1.000000e+00 : f32
    %add3A_10 = vector.broadcast %add3A_9 : f32 to vector<512x1xf32>
    %add3A_11 = arith.addf %add3A, %add3A_10 : vector<512x1xf32>
    %rsqrt3A = math.rsqrt %add3A_11 : vector<512x1xf32>
    %get3A_12 = arith.constant 0 : index
    %get3A_13 = arith.constant 0 : index
    %get3A_14 = arith.constant 0 : index
    %get3A_15 = vector.load %arg1[%get3A_12, %get3A_13, %get3A_14] : memref<1x512x128xf32, #tpu.memory_space<vmem>>, vector<1x512x128xf32>
    %get3A_16 = vector.shape_cast %get3A_15 : vector<1x512x128xf32> to vector<512x128xf32>
    %get3A_17 = arith.constant 0 : index
    %get3A_18 = arith.constant 0 : index
    %get3A_19 = arith.constant 0 : index
    %get3A_20 = vector.load %arg2[%get3A_17, %get3A_18, %get3A_19] : memref<1x512x128xf32, #tpu.memory_space<vmem>>, vector<1x512x128xf32>
    %get3A_21 = vector.shape_cast %get3A_20 : vector<1x512x128xf32> to vector<512x128xf32>
    %add3A_22 = arith.addf %get3A_16, %get3A_21 : vector<512x128xf32>
    %get3A_23 = arith.constant 0 : index
    %get3A_24 = arith.constant 0 : index
    %get3A_25 = vector.load %arg3[%get3A_23, %get3A_24] : memref<512x128xf32, #tpu.memory_space<vmem>>, vector<512x128xf32>
    %add3A_26 = arith.addf %add3A_22, %get3A_25 : vector<512x128xf32>
    %mul3A = vector.broadcast %rsqrt3A : vector<512x1xf32> to vector<512x128xf32>
    %mul3A_27 = arith.mulf %mul3A, %add3A_26 : vector<512x128xf32>
    %get3A_28 = arith.constant 0 : index
    %get3A_29 = arith.constant 0 : index
    %get3A_30 = vector.load %arg6[%get3A_28, %get3A_29] : memref<128x256xf32, #tpu.memory_space<vmem>>, vector<128x256xf32>
    %dot_general3A = arith.constant dense<0.000000e+00> : vector<512x256xf32>
    %dot_general3A_31 = tpu.matmul %mul3A_27, %get3A_30, %dot_general3A {dimension_numbers = #tpu.dot_dimension_numbers<[1], [0], [0], [1], [0, 0, 1, 1], [], []>, transpose_lhs_hint = false} : vector<512x128xf32>, vector<128x256xf32>, vector<512x256xf32> -> vector<512x256xf32>
    %get3A_32 = arith.constant 0 : index
    %get3A_33 = arith.constant 0 : index
    %get3A_34 = vector.load %arg7[%get3A_32, %get3A_33] : memref<1x256xf32, #tpu.memory_space<vmem>>, vector<1x256xf32>
    %add3A_35 = vector.broadcast %get3A_34 : vector<1x256xf32> to vector<512x256xf32>
    %add3A_36 = arith.addf %dot_general3A_31, %add3A_35 : vector<512x256xf32>
    %gt3A = arith.constant 0.000000e+00 : f32
    %gt3A_37 = vector.broadcast %gt3A : f32 to vector<512x256xf32>
    %gt3A_38 = arith.cmpf ogt, %add3A_36, %gt3A_37 : vector<512x256xf32>
    %min3A = arith.constant 0.000000e+00 : f32
    %min3A_39 = vector.broadcast %min3A : f32 to vector<512x256xf32>
    %min3A_40 = arith.minimumf %add3A_36, %min3A_39 : vector<512x256xf32>
    %exp3A = math.exp %min3A_40 : vector<512x256xf32>
    %sub3A = arith.constant 1.000000e+00 : f32
    %sub3A_41 = vector.broadcast %sub3A : f32 to vector<512x256xf32>
    %sub3A_42 = arith.subf %exp3A, %sub3A_41 : vector<512x256xf32>
    %select_n3A = arith.select %gt3A_38, %add3A_36, %sub3A_42 : vector<512x256xi1>, vector<512x256xf32>
    %get3A_43 = arith.constant 0 : index
    %get3A_44 = arith.constant 0 : index
    %get3A_45 = vector.load %arg8[%get3A_43, %get3A_44] : memref<256x128xf32, #tpu.memory_space<vmem>>, vector<256x128xf32>
    %dot_general3A_46 = arith.constant dense<0.000000e+00> : vector<512x128xf32>
    %dot_general3A_47 = tpu.matmul %select_n3A, %get3A_45, %dot_general3A_46 {dimension_numbers = #tpu.dot_dimension_numbers<[1], [0], [0], [1], [0, 0, 1, 1], [], []>, transpose_lhs_hint = false} : vector<512x256xf32>, vector<256x128xf32>, vector<512x128xf32> -> vector<512x128xf32>
    %mul3A_48 = arith.constant 512 : i32
    %mul3A_49 = arith.muli %arg0, %mul3A_48 : i32
    %iota3A = tpu.iota {dimensions = array<i32: 0>} : vector<512x1xi32>
    %add3A_50 = vector.broadcast %mul3A_49 : i32 to vector<512x1xi32>
    %add3A_51 = arith.addi %add3A_50, %iota3A : vector<512x1xi32>
    %lt3A = arith.constant 10000 : i32
    %lt3A_52 = vector.broadcast %lt3A : i32 to vector<512x1xi32>
    %lt3A_53 = arith.cmpi slt, %add3A_51, %lt3A_52 : vector<512x1xi32>
    %mul3A_54 = vector.broadcast %rsqrt3A : vector<512x1xf32> to vector<512x128xf32>
    %mul3A_55 = arith.mulf %mul3A_54, %dot_general3A_47 : vector<512x128xf32>
    %jit3A = arith.constant 0.000000e+00 : f32
    %broadcast_in_dim3A = vector.shape_cast %lt3A_53 : vector<512x1xi1> to vector<512x1xi1>
    %broadcast_in_dim3A_56 = vector.broadcast %broadcast_in_dim3A : vector<512x1xi1> to vector<512x128xi1>
    %broadcast_in_dim3A_57 = vector.broadcast %jit3A : f32 to vector<512x128xf32>
    %select_n3A_58 = arith.select %broadcast_in_dim3A_56, %mul3A_55, %broadcast_in_dim3A_57 : vector<512x128xi1>, vector<512x128xf32>
    %swap3A = arith.constant 0 : index
    %swap3A_59 = arith.constant 0 : index
    %swap3A_60 = vector.load %arg9[%swap3A, %swap3A_59] : memref<512x128xf32, #tpu.memory_space<vmem>>, vector<512x128xf32>
    tpu.vector_store %arg9[%swap3A, %swap3A_59], %select_n3A_58 {strides = array<i32>} : memref<512x128xf32, #tpu.memory_space<vmem>>, vector<512x128xf32>,
    return
  }
  func.func @transform_0(%arg0: i32) -> (i32, i32, i32) {
    %c0_i32 = arith.constant 0 : i32
    %c0_i32_0 = arith.constant 0 : i32
    %c0_i32_1 = arith.constant 0 : i32
    return %c0_i32, %arg0, %c0_i32_0 : i32, i32, i32
  }
  func.func @transform_1(%arg0: i32) -> (i32, i32, i32) {
    %c1_i32 = arith.constant 1 : i32
    %c0_i32 = arith.constant 0 : i32
    %c0_i32_0 = arith.constant 0 : i32
    return %c1_i32, %arg0, %c0_i32 : i32, i32, i32
  }
  func.func @transform_2(%arg0: i32) -> (i32, i32) {
    %c0_i32 = arith.constant 0 : i32
    %c0_i32_0 = arith.constant 0 : i32
    return %arg0, %c0_i32 : i32, i32
  }
  func.func @transform_3(%arg0: i32) -> (i32, i32, i32) {
    %c0_i32 = arith.constant 0 : i32
    %c0_i32_0 = arith.constant 0 : i32
    %c0_i32_1 = arith.constant 0 : i32
    return %c0_i32, %arg0, %c0_i32_0 : i32, i32, i32
  }
  func.func @transform_4(%arg0: i32) -> (i32, i32, i32) {
    %c1_i32 = arith.constant 1 : i32
    %c0_i32 = arith.constant 0 : i32
    %c0_i32_0 = arith.constant 0 : i32
    return %c1_i32, %arg0, %c0_i32 : i32, i32, i32
  }
  func.func @transform_5(%arg0: i32) -> (i32, i32) {
    %c0_i32 = arith.constant 0 : i32
    %c0_i32_0 = arith.constant 0 : i32
    %c0_i32_1 = arith.constant 0 : i32
    return %c0_i32, %c0_i32_0 : i32, i32
  }
  func.func @transform_6(%arg0: i32) -> (i32, i32) {
    %c0_i32 = arith.constant 0 : i32
    %c0_i32_0 = arith.constant 0 : i32
    %c0_i32_1 = arith.constant 0 : i32
    return %c0_i32, %c0_i32_0 : i32, i32
  }
  func.func @transform_7(%arg0: i32) -> (i32, i32) {
    %c0_i32 = arith.constant 0 : i32
    %c0_i32_0 = arith.constant 0 : i32
    %c0_i32_1 = arith.constant 0 : i32
    return %c0_i32, %c0_i32_0 : i32, i32
  }
  func.func @transform_8(%arg0: i32) -> (i32, i32) {
    %c0_i32 = arith.constant 0 : i32
    %c0_i32_0 = arith.constant 0 : i32
    return %arg0, %c0_i32 : i32, i32
  }
}

module attributes {stable_mosaic.version = 14 : i64} {
  func.func @_final1_body(%arg0: i32, %arg1: memref<1x2000x128xf32, #tpu.memory_space<vmem>>, %arg2: memref<1x2000x128xf32, #tpu.memory_space<vmem>>, %arg3: memref<2000x128xf32, #tpu.memory_space<vmem>>, %arg4: memref<1x2000x128xf32, #tpu.memory_space<vmem>>, %arg5: memref<1x2000x128xf32, #tpu.memory_space<vmem>>, %arg6: memref<1x128xf32, #tpu.memory_space<vmem>>, %arg7: memref<2000x256xf32, #tpu.memory_space<vmem>>, %arg8: memref<1x256xf32, #tpu.memory_space<vmem>>, %arg9: memref<128x256xf32, #tpu.memory_space<vmem>>) attributes {dimension_semantics = [#tpu.dimension_semantics<arbitrary>], iteration_bounds = array<i64: 5>, scalar_prefetch = 0 : i64, scratch_operands = 0 : i64, tpu.core_type = #tpu.core_type<tc>, window_params = [{transform_indices = @transform_0, window_bounds = array<i64: 1, 2000, 128>}, {transform_indices = @transform_1, window_bounds = array<i64: 1, 2000, 128>}, {transform_indices = @transform_2, window_bounds = array<i64: 2000, 128>}, {transform_indices = @transform_3, window_bounds = array<i64: 1, 2000, 128>}, {transform_indices = @transform_4, window_bounds = array<i64: 1, 2000, 128>}, {pipeline_mode = #tpu.pipeline_mode<synchronous>, transform_indices = @transform_5, window_bounds = array<i64: 1, 128>}, {transform_indices = @transform_6, window_bounds = array<i64: 2000, 256>}, {pipeline_mode = #tpu.pipeline_mode<synchronous>, transform_indices = @transform_7, window_bounds = array<i64: 1, 256>}, {pipeline_mode = #tpu.pipeline_mode<synchronous>, transform_indices = @transform_8, window_bounds = array<i64: 128, 256>}]} {
    %get3A = arith.constant 0 : index
    %get3A_0 = arith.constant 0 : index
    %get3A_1 = arith.constant 0 : index
    %get3A_2 = vector.load %arg4[%get3A, %get3A_0, %get3A_1] : memref<1x2000x128xf32, #tpu.memory_space<vmem>>, vector<1x2000x1xf32>
    %get3A_3 = vector.shape_cast %get3A_2 : vector<1x2000x1xf32> to vector<2000x1xf32>
    %get3A_4 = arith.constant 0 : index
    %get3A_5 = arith.constant 0 : index
    %get3A_6 = arith.constant 0 : index
    %get3A_7 = vector.load %arg5[%get3A_4, %get3A_5, %get3A_6] : memref<1x2000x128xf32, #tpu.memory_space<vmem>>, vector<1x2000x1xf32>
    %get3A_8 = vector.shape_cast %get3A_7 : vector<1x2000x1xf32> to vector<2000x1xf32>
    %add3A = arith.addf %get3A_3, %get3A_8 : vector<2000x1xf32>
    %add3A_9 = arith.constant 1.000000e+00 : f32
    %add3A_10 = vector.broadcast %add3A_9 : f32 to vector<2000x1xf32>
    %add3A_11 = arith.addf %add3A, %add3A_10 : vector<2000x1xf32>
    %rsqrt3A = math.rsqrt %add3A_11 : vector<2000x1xf32>
    %get3A_12 = arith.constant 0 : index
    %get3A_13 = arith.constant 0 : index
    %get3A_14 = arith.constant 0 : index
    %get3A_15 = vector.load %arg1[%get3A_12, %get3A_13, %get3A_14] : memref<1x2000x128xf32, #tpu.memory_space<vmem>>, vector<1x2000x128xf32>
    %get3A_16 = vector.shape_cast %get3A_15 : vector<1x2000x128xf32> to vector<2000x128xf32>
    %get3A_17 = arith.constant 0 : index
    %get3A_18 = arith.constant 0 : index
    %get3A_19 = arith.constant 0 : index
    %get3A_20 = vector.load %arg2[%get3A_17, %get3A_18, %get3A_19] : memref<1x2000x128xf32, #tpu.memory_space<vmem>>, vector<1x2000x128xf32>
    %get3A_21 = vector.shape_cast %get3A_20 : vector<1x2000x128xf32> to vector<2000x128xf32>
    %add3A_22 = arith.addf %get3A_16, %get3A_21 : vector<2000x128xf32>
    %get3A_23 = arith.constant 0 : index
    %get3A_24 = arith.constant 0 : index
    %get3A_25 = vector.load %arg3[%get3A_23, %get3A_24] : memref<2000x128xf32, #tpu.memory_space<vmem>>, vector<2000x128xf32>
    %add3A_26 = arith.addf %add3A_22, %get3A_25 : vector<2000x128xf32>
    %mul3A = vector.broadcast %rsqrt3A : vector<2000x1xf32> to vector<2000x128xf32>
    %mul3A_27 = arith.mulf %mul3A, %add3A_26 : vector<2000x128xf32>
    %get3A_28 = arith.constant 0 : index
    %get3A_29 = arith.constant 0 : index
    %get3A_30 = vector.load %arg6[%get3A_28, %get3A_29] : memref<1x128xf32, #tpu.memory_space<vmem>>, vector<1x128xf32>
    %add3A_31 = vector.broadcast %get3A_30 : vector<1x128xf32> to vector<2000x128xf32>
    %add3A_32 = arith.addf %mul3A_27, %add3A_31 : vector<2000x128xf32>
    %gt3A = arith.constant 0.000000e+00 : f32
    %gt3A_33 = vector.broadcast %gt3A : f32 to vector<2000x128xf32>
    %gt3A_34 = arith.cmpf ogt, %add3A_32, %gt3A_33 : vector<2000x128xf32>
    %min3A = arith.constant 0.000000e+00 : f32
    %min3A_35 = vector.broadcast %min3A : f32 to vector<2000x128xf32>
    %min3A_36 = arith.minimumf %add3A_32, %min3A_35 : vector<2000x128xf32>
    %exp3A = math.exp %min3A_36 : vector<2000x128xf32>
    %sub3A = arith.constant 1.000000e+00 : f32
    %sub3A_37 = vector.broadcast %sub3A : f32 to vector<2000x128xf32>
    %sub3A_38 = arith.subf %exp3A, %sub3A_37 : vector<2000x128xf32>
    %select_n3A = arith.select %gt3A_34, %add3A_32, %sub3A_38 : vector<2000x128xi1>, vector<2000x128xf32>
    %get3A_39 = arith.constant 0 : index
    %get3A_40 = arith.constant 0 : index
    %get3A_41 = vector.load %arg7[%get3A_39, %get3A_40] : memref<2000x256xf32, #tpu.memory_space<vmem>>, vector<2000x256xf32>
    %dot_general3A = arith.constant dense<0.000000e+00> : vector<128x256xf32>
    %dot_general3A_42 = tpu.matmul %select_n3A, %get3A_41, %dot_general3A {dimension_numbers = #tpu.dot_dimension_numbers<[0], [0], [1], [1], [0, 1, 1, 1], [], []>, transpose_lhs_hint = false} : vector<2000x128xf32>, vector<2000x256xf32>, vector<128x256xf32> -> vector<128x256xf32>
    %eq3A = arith.constant 0 : i32
    %eq3A_43 = arith.cmpi eq, %arg0, %eq3A : i32
    %convert_element_type3A = arith.extui %eq3A_43 : i1 to i32
    %cond3A = arith.constant 0 : i32
    %cond3A_44 = arith.cmpi ne, %convert_element_type3A, %cond3A : i32
    scf.if %cond3A_44 {
      %broadcast_in_dim3A = arith.constant 0.000000e+00 : f32
      %broadcast_in_dim3A_56 = vector.broadcast %broadcast_in_dim3A : f32 to vector<128x256xf32>
      %swap3A_57 = arith.constant 0 : index
      %swap3A_58 = arith.constant 0 : index
      %swap3A_59 = vector.load %arg9[%swap3A_57, %swap3A_58] : memref<128x256xf32, #tpu.memory_space<vmem>>, vector<128x256xf32>
      tpu.vector_store %arg9[%swap3A_57, %swap3A_58], %broadcast_in_dim3A_56 {strides = array<i32>} : memref<128x256xf32, #tpu.memory_space<vmem>>, vector<128x256xf32>,
    } else {
    }
    %get3A_45 = arith.constant 0 : index
    %get3A_46 = arith.constant 0 : index
    %get3A_47 = vector.load %arg9[%get3A_45, %get3A_46] : memref<128x256xf32, #tpu.memory_space<vmem>>, vector<128x256xf32>
    %add3A_48 = arith.addf %get3A_47, %dot_general3A_42 : vector<128x256xf32>
    %swap3A = arith.constant 0 : index
    %swap3A_49 = arith.constant 0 : index
    %swap3A_50 = vector.load %arg9[%swap3A, %swap3A_49] : memref<128x256xf32, #tpu.memory_space<vmem>>, vector<128x256xf32>
    tpu.vector_store %arg9[%swap3A, %swap3A_49], %add3A_48 {strides = array<i32>} : memref<128x256xf32, #tpu.memory_space<vmem>>, vector<128x256xf32>,
    %eq3A_51 = arith.constant 4 : i32
    %eq3A_52 = arith.cmpi eq, %arg0, %eq3A_51 : i32
    %convert_element_type3A_53 = arith.extui %eq3A_52 : i1 to i32
    %cond3A_54 = arith.constant 0 : i32
    %cond3A_55 = arith.cmpi ne, %convert_element_type3A_53, %cond3A_54 : i32
    scf.if %cond3A_55 {
      %get3A_56 = arith.constant 0 : index
      %get3A_57 = arith.constant 0 : index
      %get3A_58 = vector.load %arg9[%get3A_56, %get3A_57] : memref<128x256xf32, #tpu.memory_space<vmem>>, vector<128x256xf32>
      %get3A_59 = arith.constant 0 : index
      %get3A_60 = arith.constant 0 : index
      %get3A_61 = vector.load %arg8[%get3A_59, %get3A_60] : memref<1x256xf32, #tpu.memory_space<vmem>>, vector<1x256xf32>
      %add3A_62 = vector.broadcast %get3A_61 : vector<1x256xf32> to vector<128x256xf32>
      %add3A_63 = arith.addf %get3A_58, %add3A_62 : vector<128x256xf32>
      %swap3A_64 = arith.constant 0 : index
      %swap3A_65 = arith.constant 0 : index
      %swap3A_66 = vector.load %arg9[%swap3A_64, %swap3A_65] : memref<128x256xf32, #tpu.memory_space<vmem>>, vector<128x256xf32>
      tpu.vector_store %arg9[%swap3A_64, %swap3A_65], %add3A_63 {strides = array<i32>} : memref<128x256xf32, #tpu.memory_space<vmem>>, vector<128x256xf32>,
    } else {
    }
    return
  }
  func.func @transform_0(%arg0: i32) -> (i32, i32, i32) {
    %c0_i32 = arith.constant 0 : i32
    %c0_i32_0 = arith.constant 0 : i32
    %c0_i32_1 = arith.constant 0 : i32
    return %c0_i32, %arg0, %c0_i32_0 : i32, i32, i32
  }
  func.func @transform_1(%arg0: i32) -> (i32, i32, i32) {
    %c1_i32 = arith.constant 1 : i32
    %c0_i32 = arith.constant 0 : i32
    %c0_i32_0 = arith.constant 0 : i32
    return %c1_i32, %arg0, %c0_i32 : i32, i32, i32
  }
  func.func @transform_2(%arg0: i32) -> (i32, i32) {
    %c0_i32 = arith.constant 0 : i32
    %c0_i32_0 = arith.constant 0 : i32
    return %arg0, %c0_i32 : i32, i32
  }
  func.func @transform_3(%arg0: i32) -> (i32, i32, i32) {
    %c0_i32 = arith.constant 0 : i32
    %c0_i32_0 = arith.constant 0 : i32
    %c0_i32_1 = arith.constant 0 : i32
    return %c0_i32, %arg0, %c0_i32_0 : i32, i32, i32
  }
  func.func @transform_4(%arg0: i32) -> (i32, i32, i32) {
    %c1_i32 = arith.constant 1 : i32
    %c0_i32 = arith.constant 0 : i32
    %c0_i32_0 = arith.constant 0 : i32
    return %c1_i32, %arg0, %c0_i32 : i32, i32, i32
  }
  func.func @transform_5(%arg0: i32) -> (i32, i32) {
    %c0_i32 = arith.constant 0 : i32
    %c0_i32_0 = arith.constant 0 : i32
    %c0_i32_1 = arith.constant 0 : i32
    return %c0_i32, %c0_i32_0 : i32, i32
  }
  func.func @transform_6(%arg0: i32) -> (i32, i32) {
    %c0_i32 = arith.constant 0 : i32
    %c0_i32_0 = arith.constant 0 : i32
    return %arg0, %c0_i32 : i32, i32
  }
  func.func @transform_7(%arg0: i32) -> (i32, i32) {
    %c0_i32 = arith.constant 0 : i32
    %c0_i32_0 = arith.constant 0 : i32
    %c0_i32_1 = arith.constant 0 : i32
    return %c0_i32, %c0_i32_0 : i32, i32
  }
  func.func @transform_8(%arg0: i32) -> (i32, i32) {
    %c0_i32 = arith.constant 0 : i32
    %c0_i32_0 = arith.constant 0 : i32
    %c0_i32_1 = arith.constant 0 : i32
    return %c0_i32, %c0_i32_0 : i32, i32
  }
}

module attributes {stable_mosaic.version = 14 : i64} {
  func.func @_final2_body(%arg0: i32, %arg1: memref<128x256xf32, #tpu.memory_space<vmem>>, %arg2: memref<256x512xf32, #tpu.memory_space<vmem>>, %arg3: memref<1x512xf32, #tpu.memory_space<vmem>>, %arg4: memref<512x2048xf32, #tpu.memory_space<vmem>>, %arg5: memref<1x2048xf32, #tpu.memory_space<vmem>>, %arg6: memref<128x2048xf32, #tpu.memory_space<vmem>>) attributes {dimension_semantics = [#tpu.dimension_semantics<arbitrary>], iteration_bounds = array<i64: 5>, scalar_prefetch = 0 : i64, scratch_operands = 0 : i64, tpu.core_type = #tpu.core_type<tc>, window_params = [{pipeline_mode = #tpu.pipeline_mode<synchronous>, transform_indices = @transform_0, window_bounds = array<i64: 128, 256>}, {pipeline_mode = #tpu.pipeline_mode<synchronous>, transform_indices = @transform_1, window_bounds = array<i64: 256, 512>}, {pipeline_mode = #tpu.pipeline_mode<synchronous>, transform_indices = @transform_2, window_bounds = array<i64: 1, 512>}, {transform_indices = @transform_3, window_bounds = array<i64: 512, 2048>}, {transform_indices = @transform_4, window_bounds = array<i64: 1, 2048>}, {transform_indices = @transform_5, window_bounds = array<i64: 128, 2048>}]} {
    %get3A = arith.constant 0 : index
    %get3A_0 = arith.constant 0 : index
    %get3A_1 = vector.load %arg1[%get3A, %get3A_0] : memref<128x256xf32, #tpu.memory_space<vmem>>, vector<128x256xf32>
    %get3A_2 = arith.constant 0 : index
    %get3A_3 = arith.constant 0 : index
    %get3A_4 = vector.load %arg2[%get3A_2, %get3A_3] : memref<256x512xf32, #tpu.memory_space<vmem>>, vector<256x512xf32>
    %dot_general3A = arith.constant dense<0.000000e+00> : vector<128x512xf32>
    %dot_general3A_5 = tpu.matmul %get3A_1, %get3A_4, %dot_general3A {dimension_numbers = #tpu.dot_dimension_numbers<[1], [0], [0], [1], [0, 0, 1, 1], [], []>, transpose_lhs_hint = false} : vector<128x256xf32>, vector<256x512xf32>, vector<128x512xf32> -> vector<128x512xf32>
    %get3A_6 = arith.constant 0 : index
    %get3A_7 = arith.constant 0 : index
    %get3A_8 = vector.load %arg3[%get3A_6, %get3A_7] : memref<1x512xf32, #tpu.memory_space<vmem>>, vector<1x512xf32>
    %add3A = vector.broadcast %get3A_8 : vector<1x512xf32> to vector<128x512xf32>
    %add3A_9 = arith.addf %dot_general3A_5, %add3A : vector<128x512xf32>
    %gt3A = arith.constant 0.000000e+00 : f32
    %gt3A_10 = vector.broadcast %gt3A : f32 to vector<128x512xf32>
    %gt3A_11 = arith.cmpf ogt, %add3A_9, %gt3A_10 : vector<128x512xf32>
    %min3A = arith.constant 0.000000e+00 : f32
    %min3A_12 = vector.broadcast %min3A : f32 to vector<128x512xf32>
    %min3A_13 = arith.minimumf %add3A_9, %min3A_12 : vector<128x512xf32>
    %exp3A = math.exp %min3A_13 : vector<128x512xf32>
    %sub3A = arith.constant 1.000000e+00 : f32
    %sub3A_14 = vector.broadcast %sub3A : f32 to vector<128x512xf32>
    %sub3A_15 = arith.subf %exp3A, %sub3A_14 : vector<128x512xf32>
    %select_n3A = arith.select %gt3A_11, %add3A_9, %sub3A_15 : vector<128x512xi1>, vector<128x512xf32>
    %get3A_16 = arith.constant 0 : index
    %get3A_17 = arith.constant 0 : index
    %get3A_18 = vector.load %arg4[%get3A_16, %get3A_17] : memref<512x2048xf32, #tpu.memory_space<vmem>>, vector<512x2048xf32>
    %dot_general3A_19 = arith.constant dense<0.000000e+00> : vector<128x2048xf32>
    %dot_general3A_20 = tpu.matmul %select_n3A, %get3A_18, %dot_general3A_19 {dimension_numbers = #tpu.dot_dimension_numbers<[1], [0], [0], [1], [0, 0, 1, 1], [], []>, transpose_lhs_hint = false} : vector<128x512xf32>, vector<512x2048xf32>, vector<128x2048xf32> -> vector<128x2048xf32>
    %get3A_21 = arith.constant 0 : index
    %get3A_22 = arith.constant 0 : index
    %get3A_23 = vector.load %arg5[%get3A_21, %get3A_22] : memref<1x2048xf32, #tpu.memory_space<vmem>>, vector<1x2048xf32>
    %add3A_24 = vector.broadcast %get3A_23 : vector<1x2048xf32> to vector<128x2048xf32>
    %add3A_25 = arith.addf %dot_general3A_20, %add3A_24 : vector<128x2048xf32>
    %gt3A_26 = arith.constant 0.000000e+00 : f32
    %gt3A_27 = vector.broadcast %gt3A_26 : f32 to vector<128x2048xf32>
    %gt3A_28 = arith.cmpf ogt, %add3A_25, %gt3A_27 : vector<128x2048xf32>
    %min3A_29 = arith.constant 0.000000e+00 : f32
    %min3A_30 = vector.broadcast %min3A_29 : f32 to vector<128x2048xf32>
    %min3A_31 = arith.minimumf %add3A_25, %min3A_30 : vector<128x2048xf32>
    %exp3A_32 = math.exp %min3A_31 : vector<128x2048xf32>
    %sub3A_33 = arith.constant 1.000000e+00 : f32
    %sub3A_34 = vector.broadcast %sub3A_33 : f32 to vector<128x2048xf32>
    %sub3A_35 = arith.subf %exp3A_32, %sub3A_34 : vector<128x2048xf32>
    %select_n3A_36 = arith.select %gt3A_28, %add3A_25, %sub3A_35 : vector<128x2048xi1>, vector<128x2048xf32>
    %swap3A = arith.constant 0 : index
    %swap3A_37 = arith.constant 0 : index
    %swap3A_38 = vector.load %arg6[%swap3A, %swap3A_37] : memref<128x2048xf32, #tpu.memory_space<vmem>>, vector<128x2048xf32>
    tpu.vector_store %arg6[%swap3A, %swap3A_37], %select_n3A_36 {strides = array<i32>} : memref<128x2048xf32, #tpu.memory_space<vmem>>, vector<128x2048xf32>,
    return
  }
  func.func @transform_0(%arg0: i32) -> (i32, i32) {
    %c0_i32 = arith.constant 0 : i32
    %c0_i32_0 = arith.constant 0 : i32
    %c0_i32_1 = arith.constant 0 : i32
    return %c0_i32, %c0_i32_0 : i32, i32
  }
  func.func @transform_1(%arg0: i32) -> (i32, i32) {
    %c0_i32 = arith.constant 0 : i32
    %c0_i32_0 = arith.constant 0 : i32
    %c0_i32_1 = arith.constant 0 : i32
    return %c0_i32, %c0_i32_0 : i32, i32
  }
  func.func @transform_2(%arg0: i32) -> (i32, i32) {
    %c0_i32 = arith.constant 0 : i32
    %c0_i32_0 = arith.constant 0 : i32
    %c0_i32_1 = arith.constant 0 : i32
    return %c0_i32, %c0_i32_0 : i32, i32
  }
  func.func @transform_3(%arg0: i32) -> (i32, i32) {
    %c0_i32 = arith.constant 0 : i32
    %c0_i32_0 = arith.constant 0 : i32
    return %c0_i32, %arg0 : i32, i32
  }
  func.func @transform_4(%arg0: i32) -> (i32, i32) {
    %c0_i32 = arith.constant 0 : i32
    %c0_i32_0 = arith.constant 0 : i32
    return %c0_i32, %arg0 : i32, i32
  }
  func.func @transform_5(%arg0: i32) -> (i32, i32) {
    %c0_i32 = arith.constant 0 : i32
    %c0_i32_0 = arith.constant 0 : i32
    return %c0_i32, %arg0 : i32, i32
  }
}

</mosaic_0001>

<sc_bundles>
// kernel: kernel.12.cloned.1.call-start
scs
__scs_entry_jumppad:
0x0: {  	(pc) =	sbr.rel $0x88, $3  }
0x1: {  	(tag) =	ssettag $0x0;
	lr =	simm.s32 $0x1  }
0x2: {  	[smem:$0x3F95] =	sst lr;
	_ =	strace $0xD0000000  }
0x3: {  	_ = 	snop  }
0x4: {  	_ = 	snop  }
0x5: {  	_ = 	snop  }
0x6: {  	_ = 	snop  }
0x7: {  	_ = 	snop  }
__scs_overlays_trampoline_lowered:
0x8: {  	[smem:$0x3FA4] =	sst s0  }
0x9: {  	[smem:$0x3FA5] =	sst s1  }
0xa: {  	[smem:$0x3FA6] =	sst s2  }
0xb: {  	[smem:$0x3FA7] =	sst s3  }
0xc: {  	[smem:$0x3FA8] =	sst s4  }
0xd: {  	[smem:$0x3FA9] =	sst s5  }
0xe: {  	[smem:$0x3FAA] =	sst s6  }
0xf: {  	[smem:$0x3FAB] =	sst s7  }
0x10: {  	[smem:$0x3FAC] =	sst s8  }
0x11: {  	[smem:$0x3FAD] =	sst s9;
	s0 =	simm.s32 @!p0 $0x0  }
0x12: {  	s1 =	sld [smem:$0x3F93];
	s0 =	simm.s32 @p0 $0x1  }
0x13: {  	[smem:$0x3FAE] =	sst s0;
	s0 =	simm.s32 @!p1 $0x0  }
0x14: {  	s2 =	sld [smem:$0x3F92];
	s0 =	simm.s32 @p1 $0x1  }
0x15: {  	[smem:$0x3FAF] =	sst s0;
	s0 =	simm.s32 @!p2 $0x0  }
0x16: {  	s3 =	sld [smem:$0x3FDB];
	s0 =	simm.s32 @p2 $0x1  }
0x17: {  	s4 =	simm.s32 $0x1BF5;
	[smem:$0x3FB1] =	sst s0  }
0x18: {  	s0 =	sld [smem:$0x3F94];
	_ =	swait.ge [sflag:s4], $0x0  }
0x19: {  	s7 =	sld [smem:$0x3F95]  }
0x1a: {  	s8 =	sadd.s32 $0xFFFFE003, lr  }
0x1b: {  	s9 =	sadd.s32 $0xFFFFFEF7, lr;
	s5 =	simm.s32 $0xFFFFFFFF;
	p2 =	slt.u32 s8, $0xFFFFF086  }
0x1c: {  	p1 =	slt.u32 s9, $0xF7A;
	s5 =	simm.s32 @!p2 $0x0  }
0x1d: {  	s5 =	simm.s32 @p1 $0x1;
	p0 =	seq.s32 s7, s2  }
0x1e: {  	s7 =	smul.u32 @!p0 $0xF7A, s2;
	p2 =	seq.s32 @!p0 s5, $0x0  }
0x1f: {  	s9 =	smul.u32 $0xF7A, s1;
	s8 =	simm.s32 @!p0 $0x1BF5;
	p2 =	por !p2, p0  }
0x20: {  	[sflag:s8] =	ssyncset.s32 @!p0 $0xFFFFF086;
	s6 =	sadd.s32 @!p0 s3, s7;
	s7 =	simm.s32 @!p0 $0x108  }
0x21: {  	s3 =	sadd.s32 s3, s9;
	s6 =	sadd.s32 @!p0 $0x88, s6;
	s7 =	simm.s32 @p2 $0x1082  }
0x22: {  	[simem:s7], [sflag:s8] =	dma.local @!p0 [hbm:s6], $0xF7A  }
0x23: {  	s9 =	sor.u32 $0xD0000000, s2;
	s6 =	simm.s32 $0x108;
	_ =	swait.ge @!p0 [sflag:s8], $0x0  }
0x24: {  	s3 =	sadd.s32 $0x88, s3;
	s6 =	simm.s32 @!p1 $0x1082;
	[sflag:s4] =	ssyncset.s32 $0xFFFFF086  }
0x25: {  	[simem:s6], [sflag:s4] =	dma.local [hbm:s3], $0xF7A  }
0x26: {  	[smem:$0x3F95] =	sst s1;
	(tag) =	ssettag s2;
	_ =	strace s9  }
0x27: {  	s1 =	sld [smem:$0x3FA5]  }
0x28: {  	s2 =	sld [smem:$0x3FA6]  }
0x29: {  	s4 =	sld [smem:$0x3FA8]  }
0x2a: {  	p0 =	seq.s32 s5, $0x0;
	s5 =	sld [smem:$0x3FA9]  }
0x2b: {  	s6 =	sld [smem:$0x3FAA]  }
0x2c: {  	s7 =	sld [smem:$0x3FAB]  }
0x2d: {  	s3 =	simm.s32 $0x108;
	s8 =	sld [smem:$0x3FAC]  }
0x2e: {  	s3 =	simm.s32 @!p0 $0x1082;
	s9 =	sld [smem:$0x3FAD]  }
0x2f: {  	lr =	sadd.s32 s0, s3;
	s0 =	sld [smem:$0x3FA4]  }
0x30: {  	s3 =	sld [smem:$0x3FA7]  }
0x31: {  	[smem:$0x3FB0] =	sst s10  }
0x32: {  	s10 =	sld [smem:$0x3FAE];
	_ =	sdelay $0x3  }
0x33: {  	p0 =	seq.s32 s10, $0x1;
	s10 =	sld [smem:$0x3FB0];
	_ =	sdelay $0x3  }
0x34: {  	[smem:$0x3FB0] =	sst s10  }
0x35: {  	s10 =	sld [smem:$0x3FAF];
	_ =	sdelay $0x3  }
0x36: {  	p1 =	seq.s32 s10, $0x1;
	s10 =	sld [smem:$0x3FB0];
	_ =	sdelay $0x3  }
0x37: {  	[smem:$0x3FB0] =	sst s10  }
0x38: {  	s10 =	sld [smem:$0x3FB1]  }
0x39: {  	_ = 	snop;
	(pc) =	sbr.ind lr, $3  }
0x3a: {  	_ = 	snop  }
0x3b: {  	_ = 	snop  }
0x3c: {  	p2 =	seq.s32 s10, $0x1;
	s10 =	sld [smem:$0x3FB0]  }
0x3d: {  	_ =	shalt  }
0x3e: {  	_ =	shalt  }
0x3f: {  	_ =	shalt  }
0x40: {  	_ =	shalt  }
0x41: {  	_ =	shalt  }
0x42: {  	_ =	shalt  }
0x43: {  	_ =	shalt  }
0x44: {  	_ =	shalt  }
0x45: {  	_ =	shalt  }
0x46: {  	_ =	shalt  }
0x47: {  	_ =	shalt  }
0x48: {  	_ =	shalt  }
0x49: {  	_ =	shalt  }
0x4a: {  	_ =	shalt  }
0x4b: {  	_ =	shalt  }
0x4c: {  	_ =	shalt  }
0x4d: {  	_ =	shalt  }
0x4e: {  	_ =	shalt  }
0x4f: {  	_ =	shalt  }
0x50: {  	_ =	shalt  }
0x51: {  	_ =	shalt  }
0x52: {  	_ =	shalt  }
0x53: {  	_ =	shalt  }
0x54: {  	_ =	shalt  }
0x55: {  	_ =	shalt  }
0x56: {  	_ =	shalt  }
0x57: {  	_ =	shalt  }
0x58: {  	_ =	shalt  }
0x59: {  	_ =	shalt  }
0x5a: {  	_ =	shalt  }
0x5b: {  	_ =	shalt  }
0x5c: {  	_ =	shalt  }
0x5d: {  	_ =	shalt  }
0x5e: {  	_ =	shalt  }
0x5f: {  	_ =	shalt  }
0x60: {  	_ =	shalt  }
0x61: {  	_ =	shalt  }
0x62: {  	_ =	shalt  }
0x63: {  	_ =	shalt  }
0x64: {  	_ =	shalt  }
0x65: {  	_ =	shalt  }
0x66: {  	_ =	shalt  }
0x67: {  	_ =	shalt  }
0x68: {  	_ =	shalt  }
0x69: {  	_ =	shalt  }
0x6a: {  	_ =	shalt  }
0x6b: {  	_ =	shalt  }
0x6c: {  	_ =	shalt  }
0x6d: {  	_ =	shalt  }
0x6e: {  	_ =	shalt  }
0x6f: {  	_ =	shalt  }
0x70: {  	_ =	shalt  }
0x71: {  	_ =	shalt  }
0x72: {  	_ =	shalt  }
0x73: {  	_ =	shalt  }
0x74: {  	_ =	shalt  }
0x75: {  	_ =	shalt  }
0x76: {  	_ =	shalt  }
0x77: {  	_ =	shalt  }
0x78: {  	_ =	shalt  }
0x79: {  	_ =	shalt  }
0x7a: {  	_ =	shalt  }
0x7b: {  	_ =	shalt  }
0x7c: {  	_ =	shalt  }
0x7d: {  	_ =	shalt  }
0x7e: {  	_ =	shalt  }
0x7f: {  	_ =	shalt  }
0x80: {  	_ =	shalt  }
0x81: {  	_ =	shalt  }
0x82: {  	_ =	shalt  }
0x83: {  	_ =	shalt  }
0x84: {  	_ =	shalt  }
0x85: {  	_ =	shalt  }
0x86: {  	_ =	shalt  }
0x87: {  	_ =	shalt  }
.Lfunc_end0:
.L_simem_size_0:
called_computation.1_lowered:
.L_overlay_start_0:
0x88: {  	s2 =	sld [smem:$0x3FD9]  }
0x89: {  	s3 =	sld [smem:$0x3FFE];
	_ =	sdelay $0x1  }
0x8a: {  	s1 =	srdreg.scid  }
0x8b: {  	s0 =	sand.u32 $0x1, s1  }
0x8c: {  	s14 =	sshll.u32 s0, $0xA;
	s2 =	sadd.s32 s3, s2  }
0x8d: {  	s2 =	sadd.s32 s2, s14  }
0x8e: {  	[smem:$0x3FBC] =	sst s2  }
0x8f: {  	_ = 	snop  }
0x90: {  	s2 =	sld [smem:$0x3FD0];
	_ =	sdelay $0x2  }
0x91: {  	s15 =	simm.s32 $0xA;
	s4 =	simm.s32 $0x10  }
0x92: {  	[smem:s4], [sflag:s15] =	dma.local [hbm:s2], $0x1  }
0x93: {  	_ =	swait.eq [sflag:s15], $0x1  }
0x94: {  	[sflag:s15] =	ssyncset.done $0x0  }
0x95: {  	[sflag:s15] =	ssyncadd.s32 $0xFFFFFFFF  }
0x96: {  	s16 =	sld [smem:$0x11];
	(tm) =	ssettm $0x1  }
0x97: {  	s17 =	sld [smem:$0x3FFB];
	_ =	sdelay $0x3  }
0x98: {  	_ =	strace s17  }
0x99: {  	s3 =	sld [smem:$0x3FFC];
	_ =	sdelay $0x3  }
0x9a: {  	_ =	strace s3  }
0x9b: {  	s3 =	sld [smem:$0x3FFD];
	_ =	sdelay $0x3  }
0x9c: {  	_ =	strace s3  }
0x9d: {  	_ =	strace $0x8FFFFFFF  }
0x9e: {  	s18 =	sld [smem:$0x3FDB];
	_ =	sdelay $0x1  }
0x9f: {  	s19 =	simm.s32 $_scs_section_size  }
0xa0: {  	s5 =	simm.s32 $_size__tile_overlayer_lowered;
	s6 =	simm.s32 $_tile_overlayer_lowered  }
0xa1: {  	s22 =	simm.s32 $0x1BFF;
	s21 =	sshll.u32 s6, $0x1;
	s3 =	sadd.s32 s19, s18  }
0xa2: {  	s7 =	simm.s32 $0x0;
	s20 =	sshll.u32 s5, $0x1;
	s5 =	sadd.s32 s21, s3  }
0xa3: {  	[timem:s7], [sflag:s22] =	dma.local [hbm:s5], s20  }
0xa4: {  	_ =	swait.ge [sflag:s22], s20  }
0xa5: {  	s4 =	ssub.s32 $0x0, s20;
	[sflag:s22] =	ssyncset.done $0x0  }
0xa6: {  	[sflag:s22] =	ssyncadd.s32 s4;
	_ =	sdelay $0x1  }
0xa7: {  	s23 =	simm.s32 $0x1B8B  }
0xa8: {  	_ =	swait.ge [sflag:s23], $0x1  }
0xa9: {  	[sflag:s23] =	ssyncset.done $0x0  }
0xaa: {  	s25 =	simm.s32 $0x1B8E;
	s24 =	sld [smem:$0x3FFE];
	[sflag:s23] =	ssyncadd.s32 $0xFFFFFFFF  }
0xab: {  	s26 =	simm.s32 $execute0_lowered;
	[smem:$0x3FD2] =	sst s25  }
0xac: {  	s5 =	sshll.u32 s26, $0x1;
	_ =	strace $0x80000049;
	[dreg:$0x1] =	wrdreg $0xFFFFFFFF  }
0xad: {  	s28 =	simm.s32 $_size_execute0_lowered;
	s3 =	sadd.s32 s3, s5;
	[dreg:$0x0] =	wrdreg $0x0  }
0xae: {  	s5 =	sshll.u32 s28, $0x1;
	[dreg:$0x2] =	wrdreg s3  }
0xaf: {  	[dreg:$0x3] =	wrdreg s5  }
0xb0: {  	[dreg:$0x4] =	wrdreg $0xC0  }
0xb1: {  	_ =	task [dreg:s7], $0x5FFFF  }
0xb2: {  	[dreg:$0x1] =	wrdreg $0xFFFFFFFF  }
0xb3: {  	[dreg:$0x0] =	wrdreg $0x60  }
0xb4: {  	[dreg:$0x2] =	wrdreg s24  }
0xb5: {  	[dreg:$0x3] =	wrdreg s16  }
0xb6: {  	[dreg:$0x4] =	wrdreg $0xA8000  }
0xb7: {  	[dreg:$0x5] =	wrdreg $0x9  }
0xb8: {  	_ =	task.clear_ibuf [dreg:s7], $0x6FFFF;
	_ =	strace $0x90000049  }
0xb9: {  	s29 =	simm.s32 $0x9;
	_ =	strace $0x8000004B  }
0xba: {  	_ =	swait.ge [sflag:s29], $0x1  }
0xbb: {  	[sflag:s29] =	ssyncadd.s32 $0xFFFFFFFF  }
0xbc: {  	_ =	strace $0x9000004B  }
0xbd: {  	_ =	sfence  }
0xbe: {  	s30 =	sld [smem:$0x0];
	_ =	sdelay $0x2  }
0xbf: {  	s31 =	sshll.u32 s1, $0xD;
	s1 =	sshrl.u32 s1, $0x2  }
0xc0: {  	s3 =	sand.u32 $0x4000, s31;
	s1 =	sadd.s32 s1, s30  }
0xc1: {  	s0 =	sor.u32 s3, s0;
	s1 =	sshll.u32 s1, $0x11  }
0xc2: {  	s0 =	sor.u32 s1, s0  }
0xc3: {  	s0 =	sadd.s32 $0x8F2B, s0  }
0xc4: {  	[sflag:s0] =	ssyncadd.remote.s32 $0x1  }
0xc5: {  	_ =	sfence.sel $0xFFFF  }
0xc6: {  	[dreg:$0x0] =	wrdreg $0xFFFFFFFF;
	(pc) =	sbr.abs _section_cstart, $3  }
0xc7: {  	[dreg:$0x1] =	wrdreg $0xFFFFFFFF  }
0xc8: {  	_ =	task.clear_ibuf [dreg:s7], $0x2FFFF;
	_ =	strace $0x9FFFFFFF  }
0xc9: {  	(tm) =	ssettm $0x7FFFFFFF  }
tec
execute0_lowered:
.L_overlay_start_1:
0x0: {  	(tag) =	ssettag $0x1  }
0x1: {  	s0 =	rddreg [dreg:$0x0]  }
0x2: {  	s13 =	rddreg [dreg:$0x1]  }
0x3: {  	s1 =	rddreg [dreg:$0x2]  }
0x4: {  	s3 =	simm.s32 $0x0;
	s4 =	srdreg.scid;
	s2 =	stileid.u32  }
0x5: {  	s22 =	simm.s32 $0x1400;
	s23 =	simm.s32 $0x80;
	s24 =	simm.s32 $0x6800  }
0x6: {  	s25 =	simm.s32 $0x1;
	s26 =	simm.s32 $0x2;
	s28 =	simm.s32 $0x2700  }
0x7: {  	s29 =	simm.s32 $0x2780;
	s30 =	simm.s32 $0x0;
	[smem:$0x7FF] =	sst s3  }
0x8: {  	s8 =	sand.u32 $0x1, s4;
	s4 =	sadd.s32 $0x5DC00, s0;
	s6 =	smul.u32 $0x50000, s2  }
0x9: {  	s12 =	sadd.s32 $0x53C00, s0;
	s0 =	sadd.s32 $0x85C00, s0;
	s14 =	smul.u32 $0x14000, s2  }
0xa: {  	_ =	strace $0x8000004A;
	s5 =	ssub.s32 $0x2, s8;
	s9 =	sshll.u32 s8, $0x4  }
0xb: {  	s21 =	smul.u32 $0x140000, s8;
	s7 =	sshrl.u32 s5, $0x1;
	s6 =	sshrl.u32 s6, $0x2  }
0xc: {  	s31 =	sor.u32 s2, s9;
	s15 =	sadd.s32 $0x4000, s14;
	s16 =	sadd.s32 $0x8000, s14  }
0xd: {  	s17 =	sadd.s32 $0xC000, s14;
	s18 =	sadd.s32 $0x10000, s14;
	s19 =	ssub.s32 s5, s7  }
0xe: {  	s5 =	sadd.s32 s6, s1;
	s9 =	smul.u32 $0x2800, s31;
	s6 =	sadd.s32 s15, s1  }
0xf: {  	s7 =	sadd.s32 s16, s1;
	s8 =	sadd.s32 s17, s1;
	s14 =	sadd.s32 s14, s21  }
0x10: {  	s15 =	sadd.s32 s21, s15;
	s16 =	sadd.s32 s21, s16;
	s17 =	sadd.s32 s21, s17  }
0x11: {  	s14 =	sshrl.u32 s14, $0x3;
	s15 =	sshrl.u32 s15, $0x3;
	s16 =	sshrl.u32 s16, $0x3  }
0x12: {  	s17 =	sshrl.u32 s17, $0x3;
	s19 =	smax.u32 s19, $0x1;
	s20 =	sshrl.u32 s9, $0x3  }
0x13: {  	s9 =	sadd.s32 s18, s1;
	s14 =	sadd.s32 s0, s14;
	s15 =	sadd.s32 s0, s15  }
0x14: {  	s18 =	sadd.s32 s21, s18;
	s16 =	sadd.s32 s0, s16;
	s17 =	sadd.s32 s0, s17  }
0x15: {  	s10 =	sadd.s32 s12, s20;
	s11 =	sadd.s32 s13, s20;
	s20 =	sadd.s32 $0x280, s20  }
0x16: {  	s21 =	simm.s32 $0x3;
	s18 =	sshrl.u32 s18, $0x3;
	s12 =	sadd.s32 s12, s20  }
0x17: {  	v0 =	vimm.f32 $0.0e+00;
	s13 =	sadd.s32 s13, s20;
	s18 =	sadd.s32 s0, s18;
	s20 =	simm.s32 $0x2800  }
.LBB2_1:
0x18: {  	s31 =	simm.s32 $0x0;
	s0 =	simm.s32 $0x200  }
.LBB2_2:
0x19: {  	p0 =	sne.s32 s0, $0xFE00;
	[tilespmem:s31+$0x2870] =	vst v0  }
0x1a: {  	[tilespmem:s31+$0x2800] =	vst v0  }
0x1b: {  	[tilespmem:s31+$0x2810] =	vst v0  }
.Ltmp0:
0x1c: {  	[tilespmem:s31+$0x2820] =	vst v0;
	(pc) =	sbr.rel @p0 .LBB2_2-.Ltmp0, $4  }
0x1d: {  	[tilespmem:s31+$0x2830] =	vst v0  }
0x1e: {  	[tilespmem:s31+$0x2840] =	vst v0  }
0x1f: {  	[tilespmem:s31+$0x2850] =	vst v0  }
0x20: {  	[tilespmem:s31+$0x2860] =	vst v0;
	s31 =	sshra.s32 s0, $0x2;
	s0 =	sadd.s32 $0x200, s0  }
0x21: {  	[tilespmem:s31+$0x2870] =	vst v0  }
0x22: {  	[tilespmem:s31+$0x2800] =	vst v0  }
0x23: {  	[tilespmem:s31+$0x2810] =	vst v0  }
0x24: {  	[tilespmem:s31+$0x2820] =	vst v0  }
0x25: {  	[tilespmem:s31+$0x2830] =	vst v0  }
0x26: {  	[tilespmem:s31+$0x2840] =	vst v0  }
0x27: {  	[tilespmem:s31+$0x2850] =	vst v0  }
0x28: {  	[tilespmem:s31+$0x2860] =	vst v0  }
0x29: {  	[spmem:s5] =	stream.linear.scatter [tilespmem:s20], [sflag:$0x3], $0x4000, $0x38;
	[tilespmem:$0x1E800] =	vst v63  }
0x2a: {  	_ =	swait.ge [sflag:s21], $0x4000  }
0x2b: {  	[sflag:s21] =	ssyncset.done $0x0  }
0x2c: {  	[sflag:s21] =	ssyncadd.s32 $0xFFFFC000  }
0x2d: {  	[spmem:s6] =	stream.linear.scatter [tilespmem:s20], [sflag:$0x3], $0x4000, $0x38;
	[tilespmem:$0x1E800] =	vst v63  }
0x2e: {  	_ =	swait.ge [sflag:s21], $0x4000  }
0x2f: {  	[sflag:s21] =	ssyncset.done $0x0  }
0x30: {  	[sflag:s21] =	ssyncadd.s32 $0xFFFFC000  }
0x31: {  	[spmem:s7] =	stream.linear.scatter [tilespmem:s20], [sflag:$0x3], $0x4000, $0x38;
	[tilespmem:$0x1E800] =	vst v63  }
0x32: {  	_ =	swait.ge [sflag:s21], $0x4000  }
0x33: {  	[sflag:s21] =	ssyncset.done $0x0  }
0x34: {  	[sflag:s21] =	ssyncadd.s32 $0xFFFFC000  }
0x35: {  	[spmem:s8] =	stream.linear.scatter [tilespmem:s20], [sflag:$0x3], $0x4000, $0x38;
	[tilespmem:$0x1E800] =	vst v63  }
0x36: {  	_ =	swait.ge [sflag:s21], $0x4000  }
0x37: {  	[sflag:s21] =	ssyncset.done $0x0  }
0x38: {  	[sflag:s21] =	ssyncadd.s32 $0xFFFFC000  }
0x39: {  	[spmem:s9] =	stream.linear.scatter [tilespmem:s20], [sflag:$0x3], $0x4000, $0x38;
	[tilespmem:$0x1E800] =	vst v63  }
0x3a: {  	_ =	swait.ge [sflag:s21], $0x4000  }
0x3b: {  	[sflag:s21] =	ssyncset.done $0x0  }
0x3c: {  	[sflag:s21] =	ssyncadd.s32 $0xFFFFC000  }
0x3d: {  	s0 =	simm.s32 $0x0;
	[bflag:$0x0] =	sbarrier.arrive $0xFFFF  }
0x3e: {  	[tilespmem:s0], [sflag:$0x3] =	stream.linear.gather [hbm4b:s10+s0], $0x1400, $0x38;
	[tilespmem:$0x1E800] =	vst v63  }
0x3f: {  	_ =	swait.ge [sflag:s21], $0x1400  }
0x40: {  	[sflag:s21] =	ssyncset.done $0x0  }
0x41: {  	[sflag:s21] =	ssyncadd.s32 $0xFFFFEC00  }
0x42: {  	[tilespmem:s22], [sflag:$0x3] =	stream.linear.gather [hbm4b:s11+s0], $0x1400, $0x38;
	[tilespmem:$0x1E800] =	vst v63  }
0x43: {  	_ =	swait.ge [sflag:s21], $0x1400  }
0x44: {  	[sflag:s21] =	ssyncset.done $0x0  }
0x45: {  	[sflag:s21] =	ssyncadd.s32 $0xFFFFEC00  }
0x46: {  	[tilespmem:s20], [sflag:$0x1] =	stream.indirect.gather [hbm4b:s4+s23], $0x80, s0, s23, $0xb8;
	[tilespmem:$0x1E800] =	vst v63  }
0x47: {  	_ = 	snop  }
0x48: {  	[tilespmem:s24], [sflag:$0x2] =	stream.indirect.gather [hbm4b:s4+s23], $0x80, s23, s23, $0xb8;
	[tilespmem:$0x1E800] =	vst v63  }
0x49: {  	_ =	swait.ge [sflag:s25], $0x4000  }
0x4a: {  	[sflag:s25] =	ssyncset.done $0x0  }
0x4b: {  	s2 =	simm.s32 $0x1400;
	[sflag:s25] =	ssyncadd.s32 $0xFFFFC000  }
0x4c: {  	[spmem:s1] =	stream.indirect.scatter.add.f32 [tilespmem:s20], [sflag:$0x3], $0x80, s2, s23, $0xb8;
	[tilespmem:$0x1E800] =	vst v63  }
0x4d: {  	_ =	swait.ge [sflag:s21], $0x4000  }
0x4e: {  	[sflag:s21] =	ssyncset.done $0x0  }
0x4f: {  	s2 =	simm.s32 $0x100;
	[sflag:s21] =	ssyncadd.s32 $0xFFFFC000  }
0x50: {  	[tilespmem:s20], [sflag:$0x1] =	stream.indirect.gather [hbm4b:s4+s23], $0x80, s2, s23, $0xb8;
	[tilespmem:$0x1E800] =	vst v63  }
0x51: {  	_ =	swait.ge [sflag:s26], $0x4000  }
0x52: {  	[sflag:s26] =	ssyncset.done $0x0  }
0x53: {  	s2 =	simm.s32 $0x1480;
	[sflag:s26] =	ssyncadd.s32 $0xFFFFC000  }
0x54: {  	[spmem:s1] =	stream.indirect.scatter.add.f32 [tilespmem:s24], [sflag:$0x3], $0x80, s2, s23, $0xb8;
	[tilespmem:$0x1E800] =	vst v63  }
0x55: {  	_ =	swait.ge [sflag:s21], $0x4000  }
0x56: {  	[sflag:s21] =	ssyncset.done $0x0  }
0x57: {  	s31 =	simm.s32 $0x400;
	s0 =	simm.s32 $0x180;
	[sflag:s21] =	ssyncadd.s32 $0xFFFFC000  }
.LBB2_4:
0x58: {  	[tilespmem:s24], [sflag:$0x2] =	stream.indirect.gather [hbm4b:s4+s23], $0x80, s0, s23, $0xb8;
	[tilespmem:$0x1E800] =	vst v63  }
0x59: {  	s0 =	smov.u32 s31  }
0x5a: {  	p0 =	sne.s32 s31, $0x4800;
	s31 =	sadd.s32 $0x400, s31;
	_ =	swait.ge [sflag:s25], $0x4000  }
0x5b: {  	s0 =	sshra.s32 s0, $0x2;
	[sflag:s25] =	ssyncset.done $0x0  }
0x5c: {  	s2 =	sadd.s32 $0x1400, s0;
	[sflag:s25] =	ssyncadd.s32 $0xFFFFC000  }
0x5d: {  	[spmem:s1] =	stream.indirect.scatter.add.f32 [tilespmem:s20], [sflag:$0x3], $0x80, s2, s23, $0xb8;
	[tilespmem:$0x1E800] =	vst v63  }
0x5e: {  	_ =	swait.ge [sflag:s21], $0x4000  }
0x5f: {  	[sflag:s21] =	ssyncset.done $0x0  }
0x60: {  	s2 =	sadd.s32 $0x100, s0;
	[sflag:s21] =	ssyncadd.s32 $0xFFFFC000  }
0x61: {  	[tilespmem:s20], [sflag:$0x1] =	stream.indirect.gather [hbm4b:s4+s23], $0x80, s2, s23, $0xb8;
	[tilespmem:$0x1E800] =	vst v63  }
0x62: {  	_ =	swait.ge [sflag:s26], $0x4000  }
0x63: {  	[sflag:s26] =	ssyncset.done $0x0  }
.Ltmp1:
0x64: {  	s2 =	sadd.s32 $0x1480, s0;
	[sflag:s26] =	ssyncadd.s32 $0xFFFFC000;
	(pc) =	sbr.rel @p0 .LBB2_4-.Ltmp1, $4  }
0x65: {  	[spmem:s1] =	stream.indirect.scatter.add.f32 [tilespmem:s24], [sflag:$0x3], $0x80, s2, s23, $0xb8;
	[tilespmem:$0x1E800] =	vst v63  }
0x66: {  	_ =	swait.ge [sflag:s21], $0x4000  }
0x67: {  	[sflag:s21] =	ssyncset.done $0x0  }
0x68: {  	s0 =	sadd.s32 $0x180, s0;
	[sflag:s21] =	ssyncadd.s32 $0xFFFFC000  }
0x69: {  	[tilespmem:s24], [sflag:$0x2] =	stream.indirect.gather [hbm4b:s4+s23], $0x80, s0, s23, $0xb8;
	[tilespmem:$0x1E800] =	vst v63  }
0x6a: {  	_ =	swait.ge [sflag:s25], $0x4000  }
0x6b: {  	[sflag:s25] =	ssyncset.done $0x0  }
0x6c: {  	[sflag:s25] =	ssyncadd.s32 $0xFFFFC000  }
0x6d: {  	[spmem:s1] =	stream.indirect.scatter.add.f32 [tilespmem:s20], [sflag:$0x3], $0x80, s28, s23, $0xb8;
	[tilespmem:$0x1E800] =	vst v63  }
0x6e: {  	_ =	swait.ge [sflag:s21], $0x4000  }
0x6f: {  	[sflag:s21] =	ssyncset.done $0x0  }
0x70: {  	[sflag:s21] =	ssyncadd.s32 $0xFFFFC000  }
0x71: {  	_ =	swait.ge [sflag:s26], $0x4000  }
0x72: {  	[sflag:s26] =	ssyncset.done $0x0  }
0x73: {  	[sflag:s26] =	ssyncadd.s32 $0xFFFFC000  }
0x74: {  	[spmem:s1] =	stream.indirect.scatter.add.f32 [tilespmem:s24], [sflag:$0x3], $0x80, s29, s23, $0xb8;
	[tilespmem:$0x1E800] =	vst v63  }
0x75: {  	_ =	swait.ge [sflag:s21], $0x4000  }
0x76: {  	[sflag:s21] =	ssyncset.done $0x0  }
0x77: {  	s2 =	simm.s32 $0x0;
	[sflag:s21] =	ssyncadd.s32 $0xFFFFC000  }
0x78: {  	[tilespmem:s2], [sflag:$0x3] =	stream.linear.gather [hbm4b:s12+s2], $0x1400, $0x38;
	[tilespmem:$0x1E800] =	vst v63  }
0x79: {  	_ =	swait.ge [sflag:s21], $0x1400  }
0x7a: {  	[sflag:s21] =	ssyncset.done $0x0  }
0x7b: {  	[sflag:s21] =	ssyncadd.s32 $0xFFFFEC00  }
0x7c: {  	[tilespmem:s22], [sflag:$0x3] =	stream.linear.gather [hbm4b:s13+s2], $0x1400, $0x38;
	[tilespmem:$0x1E800] =	vst v63  }
0x7d: {  	_ =	swait.ge [sflag:s21], $0x1400  }
0x7e: {  	[sflag:s21] =	ssyncset.done $0x0  }
0x7f: {  	[sflag:s21] =	ssyncadd.s32 $0xFFFFEC00  }
0x80: {  	[tilespmem:s20], [sflag:$0x1] =	stream.indirect.gather [hbm4b:s4+s23], $0x80, s2, s23, $0xb8;
	[tilespmem:$0x1E800] =	vst v63  }
0x81: {  	_ = 	snop  }
0x82: {  	[tilespmem:s24], [sflag:$0x2] =	stream.indirect.gather [hbm4b:s4+s23], $0x80, s23, s23, $0xb8;
	[tilespmem:$0x1E800] =	vst v63  }
0x83: {  	_ =	swait.ge [sflag:s25], $0x4000  }
0x84: {  	[sflag:s25] =	ssyncset.done $0x0  }
0x85: {  	s2 =	simm.s32 $0x1400;
	[sflag:s25] =	ssyncadd.s32 $0xFFFFC000  }
0x86: {  	[spmem:s1] =	stream.indirect.scatter.add.f32 [tilespmem:s20], [sflag:$0x3], $0x80, s2, s23, $0xb8;
	[tilespmem:$0x1E800] =	vst v63  }
0x87: {  	_ =	swait.ge [sflag:s21], $0x4000  }
0x88: {  	[sflag:s21] =	ssyncset.done $0x0  }
0x89: {  	s2 =	simm.s32 $0x100;
	[sflag:s21] =	ssyncadd.s32 $0xFFFFC000  }
0x8a: {  	[tilespmem:s20], [sflag:$0x1] =	stream.indirect.gather [hbm4b:s4+s23], $0x80, s2, s23, $0xb8;
	[tilespmem:$0x1E800] =	vst v63  }
0x8b: {  	_ =	swait.ge [sflag:s26], $0x4000  }
0x8c: {  	[sflag:s26] =	ssyncset.done $0x0  }
0x8d: {  	s2 =	simm.s32 $0x1480;
	[sflag:s26] =	ssyncadd.s32 $0xFFFFC000  }
0x8e: {  	[spmem:s1] =	stream.indirect.scatter.add.f32 [tilespmem:s24], [sflag:$0x3], $0x80, s2, s23, $0xb8;
	[tilespmem:$0x1E800] =	vst v63  }
0x8f: {  	_ =	swait.ge [sflag:s21], $0x4000  }
0x90: {  	[sflag:s21] =	ssyncset.done $0x0  }
0x91: {  	s31 =	simm.s32 $0x400;
	s0 =	simm.s32 $0x180;
	[sflag:s21] =	ssyncadd.s32 $0xFFFFC000  }
.LBB2_6:
0x92: {  	[tilespmem:s24], [sflag:$0x2] =	stream.indirect.gather [hbm4b:s4+s23], $0x80, s0, s23, $0xb8;
	[tilespmem:$0x1E800] =	vst v63  }
0x93: {  	s0 =	smov.u32 s31  }
0x94: {  	p0 =	sne.s32 s31, $0x4800;
	s31 =	sadd.s32 $0x400, s31;
	_ =	swait.ge [sflag:s25], $0x4000  }
0x95: {  	s0 =	sshra.s32 s0, $0x2;
	[sflag:s25] =	ssyncset.done $0x0  }
0x96: {  	s2 =	sadd.s32 $0x1400, s0;
	[sflag:s25] =	ssyncadd.s32 $0xFFFFC000  }
0x97: {  	[spmem:s1] =	stream.indirect.scatter.add.f32 [tilespmem:s20], [sflag:$0x3], $0x80, s2, s23, $0xb8;
	[tilespmem:$0x1E800] =	vst v63  }
0x98: {  	_ =	swait.ge [sflag:s21], $0x4000  }
0x99: {  	[sflag:s21] =	ssyncset.done $0x0  }
0x9a: {  	s2 =	sadd.s32 $0x100, s0;
	[sflag:s21] =	ssyncadd.s32 $0xFFFFC000  }
0x9b: {  	[tilespmem:s20], [sflag:$0x1] =	stream.indirect.gather [hbm4b:s4+s23], $0x80, s2, s23, $0xb8;
	[tilespmem:$0x1E800] =	vst v63  }
0x9c: {  	_ =	swait.ge [sflag:s26], $0x4000  }
0x9d: {  	[sflag:s26] =	ssyncset.done $0x0  }
.Ltmp2:
0x9e: {  	s2 =	sadd.s32 $0x1480, s0;
	[sflag:s26] =	ssyncadd.s32 $0xFFFFC000;
	(pc) =	sbr.rel @p0 .LBB2_6-.Ltmp2, $4  }
0x9f: {  	[spmem:s1] =	stream.indirect.scatter.add.f32 [tilespmem:s24], [sflag:$0x3], $0x80, s2, s23, $0xb8;
	[tilespmem:$0x1E800] =	vst v63  }
0xa0: {  	_ =	swait.ge [sflag:s21], $0x4000  }
0xa1: {  	[sflag:s21] =	ssyncset.done $0x0  }
0xa2: {  	s0 =	sadd.s32 $0x180, s0;
	[sflag:s21] =	ssyncadd.s32 $0xFFFFC000  }
0xa3: {  	[tilespmem:s24], [sflag:$0x2] =	stream.indirect.gather [hbm4b:s4+s23], $0x80, s0, s23, $0xb8;
	[tilespmem:$0x1E800] =	vst v63  }
0xa4: {  	_ =	swait.ge [sflag:s25], $0x4000  }
0xa5: {  	[sflag:s25] =	ssyncset.done $0x0  }
0xa6: {  	[sflag:s25] =	ssyncadd.s32 $0xFFFFC000  }
0xa7: {  	[spmem:s1] =	stream.indirect.scatter.add.f32 [tilespmem:s20], [sflag:$0x3], $0x80, s28, s23, $0xb8;
	[tilespmem:$0x1E800] =	vst v63  }
0xa8: {  	_ =	swait.ge [sflag:s21], $0x4000  }
0xa9: {  	[sflag:s21] =	ssyncset.done $0x0  }
0xaa: {  	[sflag:s21] =	ssyncadd.s32 $0xFFFFC000  }
0xab: {  	_ =	swait.ge [sflag:s26], $0x4000  }
0xac: {  	[sflag:s26] =	ssyncset.done $0x0  }
0xad: {  	[sflag:s26] =	ssyncadd.s32 $0xFFFFC000  }
0xae: {  	[spmem:s1] =	stream.indirect.scatter.add.f32 [tilespmem:s24], [sflag:$0x3], $0x80, s29, s23, $0xb8;
	[tilespmem:$0x1E800] =	vst v63  }
0xaf: {  	_ =	swait.ge [sflag:s21], $0x4000  }
0xb0: {  	[sflag:s21] =	ssyncset.done $0x0  }
0xb1: {  	[sflag:s21] =	ssyncadd.s32 $0xFFFFC000  }
0xb2: {  	[bflag:$0x0] =	sbarrier.arrive $0xFFFF  }
0xb3: {  	[tilespmem:s20], [sflag:$0x3] =	stream.linear.gather [spmem:s5], $0x4000, $0x38;
	[tilespmem:$0x1E800] =	vst v63  }
0xb4: {  	_ =	swait.ge [sflag:s21], $0x4000  }
0xb5: {  	[sflag:s21] =	ssyncset.done $0x0  }
0xb6: {  	[sflag:s21] =	ssyncadd.s32 $0xFFFFC000  }
0xb7: {  	[hbm4b:s14+s3] =	stream.linear.scatter [tilespmem:s20], [sflag:$0x3], $0x4000, $0x38;
	[tilespmem:$0x1E800] =	vst v63  }
0xb8: {  	_ =	swait.ge [sflag:s21], $0x4000  }
0xb9: {  	[sflag:s21] =	ssyncset.done $0x0  }
0xba: {  	[sflag:s21] =	ssyncadd.s32 $0xFFFFC000  }
0xbb: {  	[tilespmem:s20], [sflag:$0x3] =	stream.linear.gather [spmem:s6], $0x4000, $0x38;
	[tilespmem:$0x1E800] =	vst v63  }
0xbc: {  	_ =	swait.ge [sflag:s21], $0x4000  }
0xbd: {  	[sflag:s21] =	ssyncset.done $0x0  }
0xbe: {  	[sflag:s21] =	ssyncadd.s32 $0xFFFFC000  }
0xbf: {  	[hbm4b:s15+s3] =	stream.linear.scatter [tilespmem:s20], [sflag:$0x3], $0x4000, $0x38;
	[tilespmem:$0x1E800] =	vst v63  }
0xc0: {  	_ =	swait.ge [sflag:s21], $0x4000  }
0xc1: {  	[sflag:s21] =	ssyncset.done $0x0  }
0xc2: {  	[sflag:s21] =	ssyncadd.s32 $0xFFFFC000  }
0xc3: {  	[tilespmem:s20], [sflag:$0x3] =	stream.linear.gather [spmem:s7], $0x4000, $0x38;
	[tilespmem:$0x1E800] =	vst v63  }
0xc4: {  	_ =	swait.ge [sflag:s21], $0x4000  }
0xc5: {  	[sflag:s21] =	ssyncset.done $0x0  }
0xc6: {  	[sflag:s21] =	ssyncadd.s32 $0xFFFFC000  }
0xc7: {  	[hbm4b:s16+s3] =	stream.linear.scatter [tilespmem:s20], [sflag:$0x3], $0x4000, $0x38;
	[tilespmem:$0x1E800] =	vst v63  }
0xc8: {  	_ =	swait.ge [sflag:s21], $0x4000  }
0xc9: {  	[sflag:s21] =	ssyncset.done $0x0  }
0xca: {  	[sflag:s21] =	ssyncadd.s32 $0xFFFFC000  }
0xcb: {  	[tilespmem:s20], [sflag:$0x3] =	stream.linear.gather [spmem:s8], $0x4000, $0x38;
	[tilespmem:$0x1E800] =	vst v63  }
0xcc: {  	_ =	swait.ge [sflag:s21], $0x4000  }
0xcd: {  	[sflag:s21] =	ssyncset.done $0x0  }
0xce: {  	[sflag:s21] =	ssyncadd.s32 $0xFFFFC000  }
0xcf: {  	[hbm4b:s17+s3] =	stream.linear.scatter [tilespmem:s20], [sflag:$0x3], $0x4000, $0x38;
	[tilespmem:$0x1E800] =	vst v63  }
0xd0: {  	_ =	swait.ge [sflag:s21], $0x4000  }
0xd1: {  	[sflag:s21] =	ssyncset.done $0x0  }
0xd2: {  	[sflag:s21] =	ssyncadd.s32 $0xFFFFC000  }
0xd3: {  	[tilespmem:s20], [sflag:$0x3] =	stream.linear.gather [spmem:s9], $0x4000, $0x38;
	[tilespmem:$0x1E800] =	vst v63  }
0xd4: {  	s30 =	sadd.s32 $0x1, s30;
	_ =	swait.ge [sflag:s21], $0x4000  }
0xd5: {  	p0 =	sne.s32 s30, s19;
	[sflag:s21] =	ssyncset.done $0x0  }
.Ltmp3:
0xd6: {  	[sflag:s21] =	ssyncadd.s32 $0xFFFFC000;
	(pc) =	sbr.rel @p0 .LBB2_1-.Ltmp3, $4  }
0xd7: {  	[hbm4b:s18+s3] =	stream.linear.scatter [tilespmem:s20], [sflag:$0x3], $0x4000, $0x38;
	[tilespmem:$0x1E800] =	vst v63  }
0xd8: {  	_ =	swait.ge [sflag:s21], $0x4000  }
0xd9: {  	[sflag:s21] =	ssyncset.done $0x0  }
0xda: {  	[sflag:s21] =	ssyncadd.s32 $0xFFFFC000  }
0xdb: {  	_ =	sfence.sel $0x180000  }
0xdc: {  	[bflag:$0x0] =	sbarrier.arrive $0xFFFF  }
0xdd: {  	_ =	strace $0x9000004A  }
0xde: {  	s0 =	stileid.u32;
	[bflag:$0x2] =	sbarrier.arrive $0xFFFF  }
0xdf: {  	p0 =	sne.s32 s0, $0x0;
	s0 =	rddreg [dreg:$0x3]  }
0xe0: {  	s0 =	sadd.s32 @!p0 $0x100000, s0  }
0xe1: {  	[sflag:s0] =	ssyncadd.tile.s32 @!p0 $0x1;
	_ =	shalt  }
.Lfunc_end2:
_tile_overlayer_lowered:
.L_overlay_start_2:
0xe2: {  	(tag) =	ssettag $0x2  }
0xe3: {  	s0 =	rddreg [dreg:$0x0];
	s2 =	stileid.u32  }
0xe4: {  	s1 =	rddreg [dreg:$0x1];
	p0 =	sne.s32 s2, $0x0  }
0xe5: {  	s3 =	rddreg [dreg:$0x2];
	[bflag:$0x3] =	sbarrier.arrive $0xFFFF;
	s2 =	simm.s32 @!p0 $0x1C03  }
0xe6: {  	[timem:s3], [sflag:s2] =	dma.local @!p0 [hbm:s0], s1  }
0xe7: {  	s0 =	simm.s32 @!p0 $0x3  }
0xe8: {  	_ =	swait.ge @!p0 [sflag:s0], s1  }
0xe9: {  	s1 =	ssub.s32 @!p0 $0x0, s1;
	[sflag:s0] =	ssyncset.done @!p0 $0x0  }
0xea: {  	[sflag:s0] =	ssyncadd.s32 @!p0 s1  }
0xeb: {  	[bflag:$0x3] =	sbarrier.arrive $0xFFFF  }
0xec: {  	_ =	shalt  }

// kernel: kernel.15.cloned.1.call-start
scs
__scs_entry_jumppad:
0x0: {  	(pc) =	sbr.rel $0x88, $3  }
0x1: {  	(tag) =	ssettag $0x0;
	lr =	simm.s32 $0x1  }
0x2: {  	[smem:$0x3F95] =	sst lr;
	_ =	strace $0xD0000000  }
0x3: {  	_ = 	snop  }
0x4: {  	_ = 	snop  }
0x5: {  	_ = 	snop  }
0x6: {  	_ = 	snop  }
0x7: {  	_ = 	snop  }
__scs_overlays_trampoline_lowered:
0x8: {  	[smem:$0x3FA4] =	sst s0  }
0x9: {  	[smem:$0x3FA5] =	sst s1  }
0xa: {  	[smem:$0x3FA6] =	sst s2  }
0xb: {  	[smem:$0x3FA7] =	sst s3  }
0xc: {  	[smem:$0x3FA8] =	sst s4  }
0xd: {  	[smem:$0x3FA9] =	sst s5  }
0xe: {  	[smem:$0x3FAA] =	sst s6  }
0xf: {  	[smem:$0x3FAB] =	sst s7  }
0x10: {  	[smem:$0x3FAC] =	sst s8  }
0x11: {  	[smem:$0x3FAD] =	sst s9;
	s0 =	simm.s32 @!p0 $0x0  }
0x12: {  	s1 =	sld [smem:$0x3F93];
	s0 =	simm.s32 @p0 $0x1  }
0x13: {  	[smem:$0x3FAE] =	sst s0;
	s0 =	simm.s32 @!p1 $0x0  }
0x14: {  	s2 =	sld [smem:$0x3F92];
	s0 =	simm.s32 @p1 $0x1  }
0x15: {  	[smem:$0x3FAF] =	sst s0;
	s0 =	simm.s32 @!p2 $0x0  }
0x16: {  	s3 =	sld [smem:$0x3FDB];
	s0 =	simm.s32 @p2 $0x1  }
0x17: {  	s4 =	simm.s32 $0x1BF5;
	[smem:$0x3FB1] =	sst s0  }
0x18: {  	s0 =	sld [smem:$0x3F94];
	_ =	swait.ge [sflag:s4], $0x0  }
0x19: {  	s7 =	sld [smem:$0x3F95]  }
0x1a: {  	s8 =	sadd.s32 $0xFFFFE003, lr  }
0x1b: {  	s9 =	sadd.s32 $0xFFFFFEF7, lr;
	s5 =	simm.s32 $0xFFFFFFFF;
	p2 =	slt.u32 s8, $0xFFFFF086  }
0x1c: {  	p1 =	slt.u32 s9, $0xF7A;
	s5 =	simm.s32 @!p2 $0x0  }
0x1d: {  	s5 =	simm.s32 @p1 $0x1;
	p0 =	seq.s32 s7, s2  }
0x1e: {  	s7 =	smul.u32 @!p0 $0xF7A, s2;
	p2 =	seq.s32 @!p0 s5, $0x0  }
0x1f: {  	s9 =	smul.u32 $0xF7A, s1;
	s8 =	simm.s32 @!p0 $0x1BF5;
	p2 =	por !p2, p0  }
0x20: {  	[sflag:s8] =	ssyncset.s32 @!p0 $0xFFFFF086;
	s6 =	sadd.s32 @!p0 s3, s7;
	s7 =	simm.s32 @!p0 $0x108  }
0x21: {  	s3 =	sadd.s32 s3, s9;
	s6 =	sadd.s32 @!p0 $0x88, s6;
	s7 =	simm.s32 @p2 $0x1082  }
0x22: {  	[simem:s7], [sflag:s8] =	dma.local @!p0 [hbm:s6], $0xF7A  }
0x23: {  	s9 =	sor.u32 $0xD0000000, s2;
	s6 =	simm.s32 $0x108;
	_ =	swait.ge @!p0 [sflag:s8], $0x0  }
0x24: {  	s3 =	sadd.s32 $0x88, s3;
	s6 =	simm.s32 @!p1 $0x1082;
	[sflag:s4] =	ssyncset.s32 $0xFFFFF086  }
0x25: {  	[simem:s6], [sflag:s4] =	dma.local [hbm:s3], $0xF7A  }
0x26: {  	[smem:$0x3F95] =	sst s1;
	(tag) =	ssettag s2;
	_ =	strace s9  }
0x27: {  	s1 =	sld [smem:$0x3FA5]  }
0x28: {  	s2 =	sld [smem:$0x3FA6]  }
0x29: {  	s4 =	sld [smem:$0x3FA8]  }
0x2a: {  	p0 =	seq.s32 s5, $0x0;
	s5 =	sld [smem:$0x3FA9]  }
0x2b: {  	s6 =	sld [smem:$0x3FAA]  }
0x2c: {  	s7 =	sld [smem:$0x3FAB]  }
0x2d: {  	s3 =	simm.s32 $0x108;
	s8 =	sld [smem:$0x3FAC]  }
0x2e: {  	s3 =	simm.s32 @!p0 $0x1082;
	s9 =	sld [smem:$0x3FAD]  }
0x2f: {  	lr =	sadd.s32 s0, s3;
	s0 =	sld [smem:$0x3FA4]  }
0x30: {  	s3 =	sld [smem:$0x3FA7]  }
0x31: {  	[smem:$0x3FB0] =	sst s10  }
0x32: {  	s10 =	sld [smem:$0x3FAE];
	_ =	sdelay $0x3  }
0x33: {  	p0 =	seq.s32 s10, $0x1;
	s10 =	sld [smem:$0x3FB0];
	_ =	sdelay $0x3  }
0x34: {  	[smem:$0x3FB0] =	sst s10  }
0x35: {  	s10 =	sld [smem:$0x3FAF];
	_ =	sdelay $0x3  }
0x36: {  	p1 =	seq.s32 s10, $0x1;
	s10 =	sld [smem:$0x3FB0];
	_ =	sdelay $0x3  }
0x37: {  	[smem:$0x3FB0] =	sst s10  }
0x38: {  	s10 =	sld [smem:$0x3FB1]  }
0x39: {  	_ = 	snop;
	(pc) =	sbr.ind lr, $3  }
0x3a: {  	_ = 	snop  }
0x3b: {  	_ = 	snop  }
0x3c: {  	p2 =	seq.s32 s10, $0x1;
	s10 =	sld [smem:$0x3FB0]  }
0x3d: {  	_ =	shalt  }
0x3e: {  	_ =	shalt  }
0x3f: {  	_ =	shalt  }
0x40: {  	_ =	shalt  }
0x41: {  	_ =	shalt  }
0x42: {  	_ =	shalt  }
0x43: {  	_ =	shalt  }
0x44: {  	_ =	shalt  }
0x45: {  	_ =	shalt  }
0x46: {  	_ =	shalt  }
0x47: {  	_ =	shalt  }
0x48: {  	_ =	shalt  }
0x49: {  	_ =	shalt  }
0x4a: {  	_ =	shalt  }
0x4b: {  	_ =	shalt  }
0x4c: {  	_ =	shalt  }
0x4d: {  	_ =	shalt  }
0x4e: {  	_ =	shalt  }
0x4f: {  	_ =	shalt  }
0x50: {  	_ =	shalt  }
0x51: {  	_ =	shalt  }
0x52: {  	_ =	shalt  }
0x53: {  	_ =	shalt  }
0x54: {  	_ =	shalt  }
0x55: {  	_ =	shalt  }
0x56: {  	_ =	shalt  }
0x57: {  	_ =	shalt  }
0x58: {  	_ =	shalt  }
0x59: {  	_ =	shalt  }
0x5a: {  	_ =	shalt  }
0x5b: {  	_ =	shalt  }
0x5c: {  	_ =	shalt  }
0x5d: {  	_ =	shalt  }
0x5e: {  	_ =	shalt  }
0x5f: {  	_ =	shalt  }
0x60: {  	_ =	shalt  }
0x61: {  	_ =	shalt  }
0x62: {  	_ =	shalt  }
0x63: {  	_ =	shalt  }
0x64: {  	_ =	shalt  }
0x65: {  	_ =	shalt  }
0x66: {  	_ =	shalt  }
0x67: {  	_ =	shalt  }
0x68: {  	_ =	shalt  }
0x69: {  	_ =	shalt  }
0x6a: {  	_ =	shalt  }
0x6b: {  	_ =	shalt  }
0x6c: {  	_ =	shalt  }
0x6d: {  	_ =	shalt  }
0x6e: {  	_ =	shalt  }
0x6f: {  	_ =	shalt  }
0x70: {  	_ =	shalt  }
0x71: {  	_ =	shalt  }
0x72: {  	_ =	shalt  }
0x73: {  	_ =	shalt  }
0x74: {  	_ =	shalt  }
0x75: {  	_ =	shalt  }
0x76: {  	_ =	shalt  }
0x77: {  	_ =	shalt  }
0x78: {  	_ =	shalt  }
0x79: {  	_ =	shalt  }
0x7a: {  	_ =	shalt  }
0x7b: {  	_ =	shalt  }
0x7c: {  	_ =	shalt  }
0x7d: {  	_ =	shalt  }
0x7e: {  	_ =	shalt  }
0x7f: {  	_ =	shalt  }
0x80: {  	_ =	shalt  }
0x81: {  	_ =	shalt  }
0x82: {  	_ =	shalt  }
0x83: {  	_ =	shalt  }
0x84: {  	_ =	shalt  }
0x85: {  	_ =	shalt  }
0x86: {  	_ =	shalt  }
0x87: {  	_ =	shalt  }
.Lfunc_end0:
.L_simem_size_0:
called_computation.2_lowered:
.L_overlay_start_0:
0x88: {  	s2 =	sld [smem:$0x3FD9]  }
0x89: {  	s3 =	sld [smem:$0x3FFE];
	_ =	sdelay $0x1  }
0x8a: {  	s1 =	srdreg.scid  }
0x8b: {  	s0 =	sand.u32 $0x1, s1  }
0x8c: {  	s14 =	sshll.u32 s0, $0xA;
	s2 =	sadd.s32 s3, s2  }
0x8d: {  	s2 =	sadd.s32 s2, s14  }
0x8e: {  	[smem:$0x3FBC] =	sst s2  }
0x8f: {  	_ = 	snop  }
0x90: {  	s2 =	sld [smem:$0x3FD0];
	_ =	sdelay $0x2  }
0x91: {  	s15 =	simm.s32 $0xA;
	s4 =	simm.s32 $0x10  }
0x92: {  	[smem:s4], [sflag:s15] =	dma.local [hbm:s2], $0x1  }
0x93: {  	_ =	swait.eq [sflag:s15], $0x1  }
0x94: {  	[sflag:s15] =	ssyncset.done $0x0  }
0x95: {  	[sflag:s15] =	ssyncadd.s32 $0xFFFFFFFF  }
0x96: {  	s16 =	sld [smem:$0x11];
	(tm) =	ssettm $0x1  }
0x97: {  	s17 =	sld [smem:$0x3FFB];
	_ =	sdelay $0x3  }
0x98: {  	_ =	strace s17  }
0x99: {  	s3 =	sld [smem:$0x3FFC];
	_ =	sdelay $0x3  }
0x9a: {  	_ =	strace s3  }
0x9b: {  	s3 =	sld [smem:$0x3FFD];
	_ =	sdelay $0x3  }
0x9c: {  	_ =	strace s3  }
0x9d: {  	_ =	strace $0x8FFFFFFF  }
0x9e: {  	s18 =	sld [smem:$0x3FDB];
	_ =	sdelay $0x1  }
0x9f: {  	s19 =	simm.s32 $_scs_section_size  }
0xa0: {  	s5 =	simm.s32 $_size__tile_overlayer_lowered;
	s6 =	simm.s32 $_tile_overlayer_lowered  }
0xa1: {  	s22 =	simm.s32 $0x1BFF;
	s21 =	sshll.u32 s6, $0x1;
	s3 =	sadd.s32 s19, s18  }
0xa2: {  	s7 =	simm.s32 $0x0;
	s20 =	sshll.u32 s5, $0x1;
	s5 =	sadd.s32 s21, s3  }
0xa3: {  	[timem:s7], [sflag:s22] =	dma.local [hbm:s5], s20  }
0xa4: {  	_ =	swait.ge [sflag:s22], s20  }
0xa5: {  	s4 =	ssub.s32 $0x0, s20;
	[sflag:s22] =	ssyncset.done $0x0  }
0xa6: {  	[sflag:s22] =	ssyncadd.s32 s4;
	_ =	sdelay $0x1  }
0xa7: {  	s23 =	simm.s32 $0x1B8B  }
0xa8: {  	_ =	swait.ge [sflag:s23], $0x1  }
0xa9: {  	[sflag:s23] =	ssyncset.done $0x0  }
0xaa: {  	s25 =	simm.s32 $0x1B8E;
	s24 =	sld [smem:$0x3FFE];
	[sflag:s23] =	ssyncadd.s32 $0xFFFFFFFF  }
0xab: {  	s26 =	simm.s32 $execute0_lowered;
	[smem:$0x3FD2] =	sst s25  }
0xac: {  	s5 =	sshll.u32 s26, $0x1;
	_ =	strace $0x8000004C;
	[dreg:$0x1] =	wrdreg $0xFFFFFFFF  }
0xad: {  	s28 =	simm.s32 $_size_execute0_lowered;
	s3 =	sadd.s32 s3, s5;
	[dreg:$0x0] =	wrdreg $0x0  }
0xae: {  	s5 =	sshll.u32 s28, $0x1;
	[dreg:$0x2] =	wrdreg s3  }
0xaf: {  	[dreg:$0x3] =	wrdreg s5  }
0xb0: {  	[dreg:$0x4] =	wrdreg $0xC0  }
0xb1: {  	_ =	task [dreg:s7], $0x5FFFF  }
0xb2: {  	[dreg:$0x1] =	wrdreg $0xFFFFFFFF  }
0xb3: {  	[dreg:$0x0] =	wrdreg $0x60  }
0xb4: {  	[dreg:$0x2] =	wrdreg s24  }
0xb5: {  	[dreg:$0x3] =	wrdreg s16  }
0xb6: {  	[dreg:$0x4] =	wrdreg $0xA8000  }
0xb7: {  	[dreg:$0x5] =	wrdreg $0x9  }
0xb8: {  	_ =	task.clear_ibuf [dreg:s7], $0x6FFFF;
	_ =	strace $0x9000004C  }
0xb9: {  	s29 =	simm.s32 $0x9;
	_ =	strace $0x8000004E  }
0xba: {  	_ =	swait.ge [sflag:s29], $0x1  }
0xbb: {  	[sflag:s29] =	ssyncadd.s32 $0xFFFFFFFF  }
0xbc: {  	_ =	strace $0x9000004E  }
0xbd: {  	_ =	sfence  }
0xbe: {  	s30 =	sld [smem:$0x0];
	_ =	sdelay $0x2  }
0xbf: {  	s31 =	sshll.u32 s1, $0xD;
	s1 =	sshrl.u32 s1, $0x2  }
0xc0: {  	s3 =	sand.u32 $0x4000, s31;
	s1 =	sadd.s32 s1, s30  }
0xc1: {  	s0 =	sor.u32 s3, s0;
	s1 =	sshll.u32 s1, $0x11  }
0xc2: {  	s0 =	sor.u32 s1, s0  }
0xc3: {  	s0 =	sadd.s32 $0x8F2B, s0  }
0xc4: {  	[sflag:s0] =	ssyncadd.remote.s32 $0x1  }
0xc5: {  	_ =	sfence.sel $0xFFFF  }
0xc6: {  	[dreg:$0x0] =	wrdreg $0xFFFFFFFF;
	(pc) =	sbr.abs _section_cstart, $3  }
0xc7: {  	[dreg:$0x1] =	wrdreg $0xFFFFFFFF  }
0xc8: {  	_ =	task.clear_ibuf [dreg:s7], $0x2FFFF;
	_ =	strace $0x9FFFFFFF  }
0xc9: {  	(tm) =	ssettm $0x7FFFFFFF  }
tec
execute0_lowered:
.L_overlay_start_1:
0x0: {  	(tag) =	ssettag $0x1  }
0x1: {  	s0 =	rddreg [dreg:$0x0]  }
0x2: {  	s13 =	rddreg [dreg:$0x1]  }
0x3: {  	s1 =	rddreg [dreg:$0x2]  }
0x4: {  	s3 =	simm.s32 $0x0;
	s4 =	srdreg.scid;
	s2 =	stileid.u32  }
0x5: {  	s22 =	simm.s32 $0x1400;
	s23 =	simm.s32 $0x80;
	s24 =	simm.s32 $0x6800  }
0x6: {  	s25 =	simm.s32 $0x1;
	s26 =	simm.s32 $0x2;
	s28 =	simm.s32 $0x2700  }
0x7: {  	s29 =	simm.s32 $0x2780;
	s30 =	simm.s32 $0x0;
	[smem:$0x7FF] =	sst s3  }
0x8: {  	s8 =	sand.u32 $0x1, s4;
	s4 =	sadd.s32 $0x5DC00, s0;
	s6 =	smul.u32 $0x50000, s2  }
0x9: {  	s12 =	sadd.s32 $0x53C00, s0;
	s0 =	sadd.s32 $0x85C00, s0;
	s14 =	smul.u32 $0x14000, s2  }
0xa: {  	_ =	strace $0x8000004D;
	s5 =	ssub.s32 $0x2, s8;
	s9 =	sshll.u32 s8, $0x4  }
0xb: {  	s21 =	smul.u32 $0x140000, s8;
	s7 =	sshrl.u32 s5, $0x1;
	s6 =	sshrl.u32 s6, $0x2  }
0xc: {  	s31 =	sor.u32 s2, s9;
	s15 =	sadd.s32 $0x4000, s14;
	s16 =	sadd.s32 $0x8000, s14  }
0xd: {  	s17 =	sadd.s32 $0xC000, s14;
	s18 =	sadd.s32 $0x10000, s14;
	s19 =	ssub.s32 s5, s7  }
0xe: {  	s5 =	sadd.s32 s6, s1;
	s9 =	smul.u32 $0x2800, s31;
	s6 =	sadd.s32 s15, s1  }
0xf: {  	s7 =	sadd.s32 s16, s1;
	s8 =	sadd.s32 s17, s1;
	s14 =	sadd.s32 s14, s21  }
0x10: {  	s15 =	sadd.s32 s21, s15;
	s16 =	sadd.s32 s21, s16;
	s17 =	sadd.s32 s21, s17  }
0x11: {  	s14 =	sshrl.u32 s14, $0x3;
	s15 =	sshrl.u32 s15, $0x3;
	s16 =	sshrl.u32 s16, $0x3  }
0x12: {  	s17 =	sshrl.u32 s17, $0x3;
	s19 =	smax.u32 s19, $0x1;
	s20 =	sshrl.u32 s9, $0x3  }
0x13: {  	s9 =	sadd.s32 s18, s1;
	s14 =	sadd.s32 s0, s14;
	s15 =	sadd.s32 s0, s15  }
0x14: {  	s18 =	sadd.s32 s21, s18;
	s16 =	sadd.s32 s0, s16;
	s17 =	sadd.s32 s0, s17  }
0x15: {  	s10 =	sadd.s32 s12, s20;
	s11 =	sadd.s32 s13, s20;
	s20 =	sadd.s32 $0x280, s20  }
0x16: {  	s21 =	simm.s32 $0x3;
	s18 =	sshrl.u32 s18, $0x3;
	s12 =	sadd.s32 s12, s20  }
0x17: {  	v0 =	vimm.f32 $0.0e+00;
	s13 =	sadd.s32 s13, s20;
	s18 =	sadd.s32 s0, s18;
	s20 =	simm.s32 $0x2800  }
.LBB2_1:
0x18: {  	s31 =	simm.s32 $0x0;
	s0 =	simm.s32 $0x200  }
.LBB2_2:
0x19: {  	p0 =	sne.s32 s0, $0xFE00;
	[tilespmem:s31+$0x2870] =	vst v0  }
0x1a: {  	[tilespmem:s31+$0x2800] =	vst v0  }
0x1b: {  	[tilespmem:s31+$0x2810] =	vst v0  }
.Ltmp0:
0x1c: {  	[tilespmem:s31+$0x2820] =	vst v0;
	(pc) =	sbr.rel @p0 .LBB2_2-.Ltmp0, $4  }
0x1d: {  	[tilespmem:s31+$0x2830] =	vst v0  }
0x1e: {  	[tilespmem:s31+$0x2840] =	vst v0  }
0x1f: {  	[tilespmem:s31+$0x2850] =	vst v0  }
0x20: {  	[tilespmem:s31+$0x2860] =	vst v0;
	s31 =	sshra.s32 s0, $0x2;
	s0 =	sadd.s32 $0x200, s0  }
0x21: {  	[tilespmem:s31+$0x2870] =	vst v0  }
0x22: {  	[tilespmem:s31+$0x2800] =	vst v0  }
0x23: {  	[tilespmem:s31+$0x2810] =	vst v0  }
0x24: {  	[tilespmem:s31+$0x2820] =	vst v0  }
0x25: {  	[tilespmem:s31+$0x2830] =	vst v0  }
0x26: {  	[tilespmem:s31+$0x2840] =	vst v0  }
0x27: {  	[tilespmem:s31+$0x2850] =	vst v0  }
0x28: {  	[tilespmem:s31+$0x2860] =	vst v0  }
0x29: {  	[spmem:s5] =	stream.linear.scatter [tilespmem:s20], [sflag:$0x3], $0x4000, $0x38;
	[tilespmem:$0x1E800] =	vst v63  }
0x2a: {  	_ =	swait.ge [sflag:s21], $0x4000  }
0x2b: {  	[sflag:s21] =	ssyncset.done $0x0  }
0x2c: {  	[sflag:s21] =	ssyncadd.s32 $0xFFFFC000  }
0x2d: {  	[spmem:s6] =	stream.linear.scatter [tilespmem:s20], [sflag:$0x3], $0x4000, $0x38;
	[tilespmem:$0x1E800] =	vst v63  }
0x2e: {  	_ =	swait.ge [sflag:s21], $0x4000  }
0x2f: {  	[sflag:s21] =	ssyncset.done $0x0  }
0x30: {  	[sflag:s21] =	ssyncadd.s32 $0xFFFFC000  }
0x31: {  	[spmem:s7] =	stream.linear.scatter [tilespmem:s20], [sflag:$0x3], $0x4000, $0x38;
	[tilespmem:$0x1E800] =	vst v63  }
0x32: {  	_ =	swait.ge [sflag:s21], $0x4000  }
0x33: {  	[sflag:s21] =	ssyncset.done $0x0  }
0x34: {  	[sflag:s21] =	ssyncadd.s32 $0xFFFFC000  }
0x35: {  	[spmem:s8] =	stream.linear.scatter [tilespmem:s20], [sflag:$0x3], $0x4000, $0x38;
	[tilespmem:$0x1E800] =	vst v63  }
0x36: {  	_ =	swait.ge [sflag:s21], $0x4000  }
0x37: {  	[sflag:s21] =	ssyncset.done $0x0  }
0x38: {  	[sflag:s21] =	ssyncadd.s32 $0xFFFFC000  }
0x39: {  	[spmem:s9] =	stream.linear.scatter [tilespmem:s20], [sflag:$0x3], $0x4000, $0x38;
	[tilespmem:$0x1E800] =	vst v63  }
0x3a: {  	_ =	swait.ge [sflag:s21], $0x4000  }
0x3b: {  	[sflag:s21] =	ssyncset.done $0x0  }
0x3c: {  	[sflag:s21] =	ssyncadd.s32 $0xFFFFC000  }
0x3d: {  	s0 =	simm.s32 $0x0;
	[bflag:$0x0] =	sbarrier.arrive $0xFFFF  }
0x3e: {  	[tilespmem:s0], [sflag:$0x3] =	stream.linear.gather [hbm4b:s10+s0], $0x1400, $0x38;
	[tilespmem:$0x1E800] =	vst v63  }
0x3f: {  	_ =	swait.ge [sflag:s21], $0x1400  }
0x40: {  	[sflag:s21] =	ssyncset.done $0x0  }
0x41: {  	[sflag:s21] =	ssyncadd.s32 $0xFFFFEC00  }
0x42: {  	[tilespmem:s22], [sflag:$0x3] =	stream.linear.gather [hbm4b:s11+s0], $0x1400, $0x38;
	[tilespmem:$0x1E800] =	vst v63  }
0x43: {  	_ =	swait.ge [sflag:s21], $0x1400  }
0x44: {  	[sflag:s21] =	ssyncset.done $0x0  }
0x45: {  	[sflag:s21] =	ssyncadd.s32 $0xFFFFEC00  }
0x46: {  	[tilespmem:s20], [sflag:$0x1] =	stream.indirect.gather [hbm4b:s4+s23], $0x80, s0, s23, $0xb8;
	[tilespmem:$0x1E800] =	vst v63  }
0x47: {  	_ = 	snop  }
0x48: {  	[tilespmem:s24], [sflag:$0x2] =	stream.indirect.gather [hbm4b:s4+s23], $0x80, s23, s23, $0xb8;
	[tilespmem:$0x1E800] =	vst v63  }
0x49: {  	_ =	swait.ge [sflag:s25], $0x4000  }
0x4a: {  	[sflag:s25] =	ssyncset.done $0x0  }
0x4b: {  	s2 =	simm.s32 $0x1400;
	[sflag:s25] =	ssyncadd.s32 $0xFFFFC000  }
0x4c: {  	[spmem:s1] =	stream.indirect.scatter.add.f32 [tilespmem:s20], [sflag:$0x3], $0x80, s2, s23, $0xb8;
	[tilespmem:$0x1E800] =	vst v63  }
0x4d: {  	_ =	swait.ge [sflag:s21], $0x4000  }
0x4e: {  	[sflag:s21] =	ssyncset.done $0x0  }
0x4f: {  	s2 =	simm.s32 $0x100;
	[sflag:s21] =	ssyncadd.s32 $0xFFFFC000  }
0x50: {  	[tilespmem:s20], [sflag:$0x1] =	stream.indirect.gather [hbm4b:s4+s23], $0x80, s2, s23, $0xb8;
	[tilespmem:$0x1E800] =	vst v63  }
0x51: {  	_ =	swait.ge [sflag:s26], $0x4000  }
0x52: {  	[sflag:s26] =	ssyncset.done $0x0  }
0x53: {  	s2 =	simm.s32 $0x1480;
	[sflag:s26] =	ssyncadd.s32 $0xFFFFC000  }
0x54: {  	[spmem:s1] =	stream.indirect.scatter.add.f32 [tilespmem:s24], [sflag:$0x3], $0x80, s2, s23, $0xb8;
	[tilespmem:$0x1E800] =	vst v63  }
0x55: {  	_ =	swait.ge [sflag:s21], $0x4000  }
0x56: {  	[sflag:s21] =	ssyncset.done $0x0  }
0x57: {  	s31 =	simm.s32 $0x400;
	s0 =	simm.s32 $0x180;
	[sflag:s21] =	ssyncadd.s32 $0xFFFFC000  }
.LBB2_4:
0x58: {  	[tilespmem:s24], [sflag:$0x2] =	stream.indirect.gather [hbm4b:s4+s23], $0x80, s0, s23, $0xb8;
	[tilespmem:$0x1E800] =	vst v63  }
0x59: {  	s0 =	smov.u32 s31  }
0x5a: {  	p0 =	sne.s32 s31, $0x4800;
	s31 =	sadd.s32 $0x400, s31;
	_ =	swait.ge [sflag:s25], $0x4000  }
0x5b: {  	s0 =	sshra.s32 s0, $0x2;
	[sflag:s25] =	ssyncset.done $0x0  }
0x5c: {  	s2 =	sadd.s32 $0x1400, s0;
	[sflag:s25] =	ssyncadd.s32 $0xFFFFC000  }
0x5d: {  	[spmem:s1] =	stream.indirect.scatter.add.f32 [tilespmem:s20], [sflag:$0x3], $0x80, s2, s23, $0xb8;
	[tilespmem:$0x1E800] =	vst v63  }
0x5e: {  	_ =	swait.ge [sflag:s21], $0x4000  }
0x5f: {  	[sflag:s21] =	ssyncset.done $0x0  }
0x60: {  	s2 =	sadd.s32 $0x100, s0;
	[sflag:s21] =	ssyncadd.s32 $0xFFFFC000  }
0x61: {  	[tilespmem:s20], [sflag:$0x1] =	stream.indirect.gather [hbm4b:s4+s23], $0x80, s2, s23, $0xb8;
	[tilespmem:$0x1E800] =	vst v63  }
0x62: {  	_ =	swait.ge [sflag:s26], $0x4000  }
0x63: {  	[sflag:s26] =	ssyncset.done $0x0  }
.Ltmp1:
0x64: {  	s2 =	sadd.s32 $0x1480, s0;
	[sflag:s26] =	ssyncadd.s32 $0xFFFFC000;
	(pc) =	sbr.rel @p0 .LBB2_4-.Ltmp1, $4  }
0x65: {  	[spmem:s1] =	stream.indirect.scatter.add.f32 [tilespmem:s24], [sflag:$0x3], $0x80, s2, s23, $0xb8;
	[tilespmem:$0x1E800] =	vst v63  }
0x66: {  	_ =	swait.ge [sflag:s21], $0x4000  }
0x67: {  	[sflag:s21] =	ssyncset.done $0x0  }
0x68: {  	s0 =	sadd.s32 $0x180, s0;
	[sflag:s21] =	ssyncadd.s32 $0xFFFFC000  }
0x69: {  	[tilespmem:s24], [sflag:$0x2] =	stream.indirect.gather [hbm4b:s4+s23], $0x80, s0, s23, $0xb8;
	[tilespmem:$0x1E800] =	vst v63  }
0x6a: {  	_ =	swait.ge [sflag:s25], $0x4000  }
0x6b: {  	[sflag:s25] =	ssyncset.done $0x0  }
0x6c: {  	[sflag:s25] =	ssyncadd.s32 $0xFFFFC000  }
0x6d: {  	[spmem:s1] =	stream.indirect.scatter.add.f32 [tilespmem:s20], [sflag:$0x3], $0x80, s28, s23, $0xb8;
	[tilespmem:$0x1E800] =	vst v63  }
0x6e: {  	_ =	swait.ge [sflag:s21], $0x4000  }
0x6f: {  	[sflag:s21] =	ssyncset.done $0x0  }
0x70: {  	[sflag:s21] =	ssyncadd.s32 $0xFFFFC000  }
0x71: {  	_ =	swait.ge [sflag:s26], $0x4000  }
0x72: {  	[sflag:s26] =	ssyncset.done $0x0  }
0x73: {  	[sflag:s26] =	ssyncadd.s32 $0xFFFFC000  }
0x74: {  	[spmem:s1] =	stream.indirect.scatter.add.f32 [tilespmem:s24], [sflag:$0x3], $0x80, s29, s23, $0xb8;
	[tilespmem:$0x1E800] =	vst v63  }
0x75: {  	_ =	swait.ge [sflag:s21], $0x4000  }
0x76: {  	[sflag:s21] =	ssyncset.done $0x0  }
0x77: {  	s2 =	simm.s32 $0x0;
	[sflag:s21] =	ssyncadd.s32 $0xFFFFC000  }
0x78: {  	[tilespmem:s2], [sflag:$0x3] =	stream.linear.gather [hbm4b:s12+s2], $0x1400, $0x38;
	[tilespmem:$0x1E800] =	vst v63  }
0x79: {  	_ =	swait.ge [sflag:s21], $0x1400  }
0x7a: {  	[sflag:s21] =	ssyncset.done $0x0  }
0x7b: {  	[sflag:s21] =	ssyncadd.s32 $0xFFFFEC00  }
0x7c: {  	[tilespmem:s22], [sflag:$0x3] =	stream.linear.gather [hbm4b:s13+s2], $0x1400, $0x38;
	[tilespmem:$0x1E800] =	vst v63  }
0x7d: {  	_ =	swait.ge [sflag:s21], $0x1400  }
0x7e: {  	[sflag:s21] =	ssyncset.done $0x0  }
0x7f: {  	[sflag:s21] =	ssyncadd.s32 $0xFFFFEC00  }
0x80: {  	[tilespmem:s20], [sflag:$0x1] =	stream.indirect.gather [hbm4b:s4+s23], $0x80, s2, s23, $0xb8;
	[tilespmem:$0x1E800] =	vst v63  }
0x81: {  	_ = 	snop  }
0x82: {  	[tilespmem:s24], [sflag:$0x2] =	stream.indirect.gather [hbm4b:s4+s23], $0x80, s23, s23, $0xb8;
	[tilespmem:$0x1E800] =	vst v63  }
0x83: {  	_ =	swait.ge [sflag:s25], $0x4000  }
0x84: {  	[sflag:s25] =	ssyncset.done $0x0  }
0x85: {  	s2 =	simm.s32 $0x1400;
	[sflag:s25] =	ssyncadd.s32 $0xFFFFC000  }
0x86: {  	[spmem:s1] =	stream.indirect.scatter.add.f32 [tilespmem:s20], [sflag:$0x3], $0x80, s2, s23, $0xb8;
	[tilespmem:$0x1E800] =	vst v63  }
0x87: {  	_ =	swait.ge [sflag:s21], $0x4000  }
0x88: {  	[sflag:s21] =	ssyncset.done $0x0  }
0x89: {  	s2 =	simm.s32 $0x100;
	[sflag:s21] =	ssyncadd.s32 $0xFFFFC000  }
0x8a: {  	[tilespmem:s20], [sflag:$0x1] =	stream.indirect.gather [hbm4b:s4+s23], $0x80, s2, s23, $0xb8;
	[tilespmem:$0x1E800] =	vst v63  }
0x8b: {  	_ =	swait.ge [sflag:s26], $0x4000  }
0x8c: {  	[sflag:s26] =	ssyncset.done $0x0  }
0x8d: {  	s2 =	simm.s32 $0x1480;
	[sflag:s26] =	ssyncadd.s32 $0xFFFFC000  }
0x8e: {  	[spmem:s1] =	stream.indirect.scatter.add.f32 [tilespmem:s24], [sflag:$0x3], $0x80, s2, s23, $0xb8;
	[tilespmem:$0x1E800] =	vst v63  }
0x8f: {  	_ =	swait.ge [sflag:s21], $0x4000  }
0x90: {  	[sflag:s21] =	ssyncset.done $0x0  }
0x91: {  	s31 =	simm.s32 $0x400;
	s0 =	simm.s32 $0x180;
	[sflag:s21] =	ssyncadd.s32 $0xFFFFC000  }
.LBB2_6:
0x92: {  	[tilespmem:s24], [sflag:$0x2] =	stream.indirect.gather [hbm4b:s4+s23], $0x80, s0, s23, $0xb8;
	[tilespmem:$0x1E800] =	vst v63  }
0x93: {  	s0 =	smov.u32 s31  }
0x94: {  	p0 =	sne.s32 s31, $0x4800;
	s31 =	sadd.s32 $0x400, s31;
	_ =	swait.ge [sflag:s25], $0x4000  }
0x95: {  	s0 =	sshra.s32 s0, $0x2;
	[sflag:s25] =	ssyncset.done $0x0  }
0x96: {  	s2 =	sadd.s32 $0x1400, s0;
	[sflag:s25] =	ssyncadd.s32 $0xFFFFC000  }
0x97: {  	[spmem:s1] =	stream.indirect.scatter.add.f32 [tilespmem:s20], [sflag:$0x3], $0x80, s2, s23, $0xb8;
	[tilespmem:$0x1E800] =	vst v63  }
0x98: {  	_ =	swait.ge [sflag:s21], $0x4000  }
0x99: {  	[sflag:s21] =	ssyncset.done $0x0  }
0x9a: {  	s2 =	sadd.s32 $0x100, s0;
	[sflag:s21] =	ssyncadd.s32 $0xFFFFC000  }
0x9b: {  	[tilespmem:s20], [sflag:$0x1] =	stream.indirect.gather [hbm4b:s4+s23], $0x80, s2, s23, $0xb8;
	[tilespmem:$0x1E800] =	vst v63  }
0x9c: {  	_ =	swait.ge [sflag:s26], $0x4000  }
0x9d: {  	[sflag:s26] =	ssyncset.done $0x0  }
.Ltmp2:
0x9e: {  	s2 =	sadd.s32 $0x1480, s0;
	[sflag:s26] =	ssyncadd.s32 $0xFFFFC000;
	(pc) =	sbr.rel @p0 .LBB2_6-.Ltmp2, $4  }
0x9f: {  	[spmem:s1] =	stream.indirect.scatter.add.f32 [tilespmem:s24], [sflag:$0x3], $0x80, s2, s23, $0xb8;
	[tilespmem:$0x1E800] =	vst v63  }
0xa0: {  	_ =	swait.ge [sflag:s21], $0x4000  }
0xa1: {  	[sflag:s21] =	ssyncset.done $0x0  }
0xa2: {  	s0 =	sadd.s32 $0x180, s0;
	[sflag:s21] =	ssyncadd.s32 $0xFFFFC000  }
0xa3: {  	[tilespmem:s24], [sflag:$0x2] =	stream.indirect.gather [hbm4b:s4+s23], $0x80, s0, s23, $0xb8;
	[tilespmem:$0x1E800] =	vst v63  }
0xa4: {  	_ =	swait.ge [sflag:s25], $0x4000  }
0xa5: {  	[sflag:s25] =	ssyncset.done $0x0  }
0xa6: {  	[sflag:s25] =	ssyncadd.s32 $0xFFFFC000  }
0xa7: {  	[spmem:s1] =	stream.indirect.scatter.add.f32 [tilespmem:s20], [sflag:$0x3], $0x80, s28, s23, $0xb8;
	[tilespmem:$0x1E800] =	vst v63  }
0xa8: {  	_ =	swait.ge [sflag:s21], $0x4000  }
0xa9: {  	[sflag:s21] =	ssyncset.done $0x0  }
0xaa: {  	[sflag:s21] =	ssyncadd.s32 $0xFFFFC000  }
0xab: {  	_ =	swait.ge [sflag:s26], $0x4000  }
0xac: {  	[sflag:s26] =	ssyncset.done $0x0  }
0xad: {  	[sflag:s26] =	ssyncadd.s32 $0xFFFFC000  }
0xae: {  	[spmem:s1] =	stream.indirect.scatter.add.f32 [tilespmem:s24], [sflag:$0x3], $0x80, s29, s23, $0xb8;
	[tilespmem:$0x1E800] =	vst v63  }
0xaf: {  	_ =	swait.ge [sflag:s21], $0x4000  }
0xb0: {  	[sflag:s21] =	ssyncset.done $0x0  }
0xb1: {  	[sflag:s21] =	ssyncadd.s32 $0xFFFFC000  }
0xb2: {  	[bflag:$0x0] =	sbarrier.arrive $0xFFFF  }
0xb3: {  	[tilespmem:s20], [sflag:$0x3] =	stream.linear.gather [spmem:s5], $0x4000, $0x38;
	[tilespmem:$0x1E800] =	vst v63  }
0xb4: {  	_ =	swait.ge [sflag:s21], $0x4000  }
0xb5: {  	[sflag:s21] =	ssyncset.done $0x0  }
0xb6: {  	[sflag:s21] =	ssyncadd.s32 $0xFFFFC000  }
0xb7: {  	[hbm4b:s14+s3] =	stream.linear.scatter [tilespmem:s20], [sflag:$0x3], $0x4000, $0x38;
	[tilespmem:$0x1E800] =	vst v63  }
0xb8: {  	_ =	swait.ge [sflag:s21], $0x4000  }
0xb9: {  	[sflag:s21] =	ssyncset.done $0x0  }
0xba: {  	[sflag:s21] =	ssyncadd.s32 $0xFFFFC000  }
0xbb: {  	[tilespmem:s20], [sflag:$0x3] =	stream.linear.gather [spmem:s6], $0x4000, $0x38;
	[tilespmem:$0x1E800] =	vst v63  }
0xbc: {  	_ =	swait.ge [sflag:s21], $0x4000  }
0xbd: {  	[sflag:s21] =	ssyncset.done $0x0  }
0xbe: {  	[sflag:s21] =	ssyncadd.s32 $0xFFFFC000  }
0xbf: {  	[hbm4b:s15+s3] =	stream.linear.scatter [tilespmem:s20], [sflag:$0x3], $0x4000, $0x38;
	[tilespmem:$0x1E800] =	vst v63  }
0xc0: {  	_ =	swait.ge [sflag:s21], $0x4000  }
0xc1: {  	[sflag:s21] =	ssyncset.done $0x0  }
0xc2: {  	[sflag:s21] =	ssyncadd.s32 $0xFFFFC000  }
0xc3: {  	[tilespmem:s20], [sflag:$0x3] =	stream.linear.gather [spmem:s7], $0x4000, $0x38;
	[tilespmem:$0x1E800] =	vst v63  }
0xc4: {  	_ =	swait.ge [sflag:s21], $0x4000  }
0xc5: {  	[sflag:s21] =	ssyncset.done $0x0  }
0xc6: {  	[sflag:s21] =	ssyncadd.s32 $0xFFFFC000  }
0xc7: {  	[hbm4b:s16+s3] =	stream.linear.scatter [tilespmem:s20], [sflag:$0x3], $0x4000, $0x38;
	[tilespmem:$0x1E800] =	vst v63  }
0xc8: {  	_ =	swait.ge [sflag:s21], $0x4000  }
0xc9: {  	[sflag:s21] =	ssyncset.done $0x0  }
0xca: {  	[sflag:s21] =	ssyncadd.s32 $0xFFFFC000  }
0xcb: {  	[tilespmem:s20], [sflag:$0x3] =	stream.linear.gather [spmem:s8], $0x4000, $0x38;
	[tilespmem:$0x1E800] =	vst v63  }
0xcc: {  	_ =	swait.ge [sflag:s21], $0x4000  }
0xcd: {  	[sflag:s21] =	ssyncset.done $0x0  }
0xce: {  	[sflag:s21] =	ssyncadd.s32 $0xFFFFC000  }
0xcf: {  	[hbm4b:s17+s3] =	stream.linear.scatter [tilespmem:s20], [sflag:$0x3], $0x4000, $0x38;
	[tilespmem:$0x1E800] =	vst v63  }
0xd0: {  	_ =	swait.ge [sflag:s21], $0x4000  }
0xd1: {  	[sflag:s21] =	ssyncset.done $0x0  }
0xd2: {  	[sflag:s21] =	ssyncadd.s32 $0xFFFFC000  }
0xd3: {  	[tilespmem:s20], [sflag:$0x3] =	stream.linear.gather [spmem:s9], $0x4000, $0x38;
	[tilespmem:$0x1E800] =	vst v63  }
0xd4: {  	s30 =	sadd.s32 $0x1, s30;
	_ =	swait.ge [sflag:s21], $0x4000  }
0xd5: {  	p0 =	sne.s32 s30, s19;
	[sflag:s21] =	ssyncset.done $0x0  }
.Ltmp3:
0xd6: {  	[sflag:s21] =	ssyncadd.s32 $0xFFFFC000;
	(pc) =	sbr.rel @p0 .LBB2_1-.Ltmp3, $4  }
0xd7: {  	[hbm4b:s18+s3] =	stream.linear.scatter [tilespmem:s20], [sflag:$0x3], $0x4000, $0x38;
	[tilespmem:$0x1E800] =	vst v63  }
0xd8: {  	_ =	swait.ge [sflag:s21], $0x4000  }
0xd9: {  	[sflag:s21] =	ssyncset.done $0x0  }
0xda: {  	[sflag:s21] =	ssyncadd.s32 $0xFFFFC000  }
0xdb: {  	_ =	sfence.sel $0x180000  }
0xdc: {  	[bflag:$0x0] =	sbarrier.arrive $0xFFFF  }
0xdd: {  	_ =	strace $0x9000004D  }
0xde: {  	s0 =	stileid.u32;
	[bflag:$0x2] =	sbarrier.arrive $0xFFFF  }
0xdf: {  	p0 =	sne.s32 s0, $0x0;
	s0 =	rddreg [dreg:$0x3]  }
0xe0: {  	s0 =	sadd.s32 @!p0 $0x100000, s0  }
0xe1: {  	[sflag:s0] =	ssyncadd.tile.s32 @!p0 $0x1;
	_ =	shalt  }
.Lfunc_end2:
_tile_overlayer_lowered:
.L_overlay_start_2:
0xe2: {  	(tag) =	ssettag $0x2  }
0xe3: {  	s0 =	rddreg [dreg:$0x0];
	s2 =	stileid.u32  }
0xe4: {  	s1 =	rddreg [dreg:$0x1];
	p0 =	sne.s32 s2, $0x0  }
0xe5: {  	s3 =	rddreg [dreg:$0x2];
	[bflag:$0x3] =	sbarrier.arrive $0xFFFF;
	s2 =	simm.s32 @!p0 $0x1C03  }
0xe6: {  	[timem:s3], [sflag:s2] =	dma.local @!p0 [hbm:s0], s1  }
0xe7: {  	s0 =	simm.s32 @!p0 $0x3  }
0xe8: {  	_ =	swait.ge @!p0 [sflag:s0], s1  }
0xe9: {  	s1 =	ssub.s32 @!p0 $0x0, s1;
	[sflag:s0] =	ssyncset.done @!p0 $0x0  }
0xea: {  	[sflag:s0] =	ssyncadd.s32 @!p0 s1  }
0xeb: {  	[bflag:$0x3] =	sbarrier.arrive $0xFFFF  }
0xec: {  	_ =	shalt  }

// kernel: kernel.9.cloned.1.call-start
scs
__scs_entry_jumppad:
0x0: {  	(pc) =	sbr.rel $0x88, $3  }
0x1: {  	(tag) =	ssettag $0x0;
	lr =	simm.s32 $0x1  }
0x2: {  	[smem:$0x3F95] =	sst lr;
	_ =	strace $0xD0000000  }
0x3: {  	_ = 	snop  }
0x4: {  	_ = 	snop  }
0x5: {  	_ = 	snop  }
0x6: {  	_ = 	snop  }
0x7: {  	_ = 	snop  }
__scs_overlays_trampoline_lowered:
0x8: {  	[smem:$0x3FA4] =	sst s0  }
0x9: {  	[smem:$0x3FA5] =	sst s1  }
0xa: {  	[smem:$0x3FA6] =	sst s2  }
0xb: {  	[smem:$0x3FA7] =	sst s3  }
0xc: {  	[smem:$0x3FA8] =	sst s4  }
0xd: {  	[smem:$0x3FA9] =	sst s5  }
0xe: {  	[smem:$0x3FAA] =	sst s6  }
0xf: {  	[smem:$0x3FAB] =	sst s7  }
0x10: {  	[smem:$0x3FAC] =	sst s8  }
0x11: {  	[smem:$0x3FAD] =	sst s9;
	s0 =	simm.s32 @!p0 $0x0  }
0x12: {  	s1 =	sld [smem:$0x3F93];
	s0 =	simm.s32 @p0 $0x1  }
0x13: {  	[smem:$0x3FAE] =	sst s0;
	s0 =	simm.s32 @!p1 $0x0  }
0x14: {  	s2 =	sld [smem:$0x3F92];
	s0 =	simm.s32 @p1 $0x1  }
0x15: {  	[smem:$0x3FAF] =	sst s0;
	s0 =	simm.s32 @!p2 $0x0  }
0x16: {  	s3 =	sld [smem:$0x3FDB];
	s0 =	simm.s32 @p2 $0x1  }
0x17: {  	s4 =	simm.s32 $0x1BF5;
	[smem:$0x3FB1] =	sst s0  }
0x18: {  	s0 =	sld [smem:$0x3F94];
	_ =	swait.ge [sflag:s4], $0x0  }
0x19: {  	s7 =	sld [smem:$0x3F95]  }
0x1a: {  	s8 =	sadd.s32 $0xFFFFE003, lr  }
0x1b: {  	s9 =	sadd.s32 $0xFFFFFEF7, lr;
	s5 =	simm.s32 $0xFFFFFFFF;
	p2 =	slt.u32 s8, $0xFFFFF086  }
0x1c: {  	p1 =	slt.u32 s9, $0xF7A;
	s5 =	simm.s32 @!p2 $0x0  }
0x1d: {  	s5 =	simm.s32 @p1 $0x1;
	p0 =	seq.s32 s7, s2  }
0x1e: {  	s7 =	smul.u32 @!p0 $0xF7A, s2;
	p2 =	seq.s32 @!p0 s5, $0x0  }
0x1f: {  	s9 =	smul.u32 $0xF7A, s1;
	s8 =	simm.s32 @!p0 $0x1BF5;
	p2 =	por !p2, p0  }
0x20: {  	[sflag:s8] =	ssyncset.s32 @!p0 $0xFFFFF086;
	s6 =	sadd.s32 @!p0 s3, s7;
	s7 =	simm.s32 @!p0 $0x108  }
0x21: {  	s3 =	sadd.s32 s3, s9;
	s6 =	sadd.s32 @!p0 $0x88, s6;
	s7 =	simm.s32 @p2 $0x1082  }
0x22: {  	[simem:s7], [sflag:s8] =	dma.local @!p0 [hbm:s6], $0xF7A  }
0x23: {  	s9 =	sor.u32 $0xD0000000, s2;
	s6 =	simm.s32 $0x108;
	_ =	swait.ge @!p0 [sflag:s8], $0x0  }
0x24: {  	s3 =	sadd.s32 $0x88, s3;
	s6 =	simm.s32 @!p1 $0x1082;
	[sflag:s4] =	ssyncset.s32 $0xFFFFF086  }
0x25: {  	[simem:s6], [sflag:s4] =	dma.local [hbm:s3], $0xF7A  }
0x26: {  	[smem:$0x3F95] =	sst s1;
	(tag) =	ssettag s2;
	_ =	strace s9  }
0x27: {  	s1 =	sld [smem:$0x3FA5]  }
0x28: {  	s2 =	sld [smem:$0x3FA6]  }
0x29: {  	s4 =	sld [smem:$0x3FA8]  }
0x2a: {  	p0 =	seq.s32 s5, $0x0;
	s5 =	sld [smem:$0x3FA9]  }
0x2b: {  	s6 =	sld [smem:$0x3FAA]  }
0x2c: {  	s7 =	sld [smem:$0x3FAB]  }
0x2d: {  	s3 =	simm.s32 $0x108;
	s8 =	sld [smem:$0x3FAC]  }
0x2e: {  	s3 =	simm.s32 @!p0 $0x1082;
	s9 =	sld [smem:$0x3FAD]  }
0x2f: {  	lr =	sadd.s32 s0, s3;
	s0 =	sld [smem:$0x3FA4]  }
0x30: {  	s3 =	sld [smem:$0x3FA7]  }
0x31: {  	[smem:$0x3FB0] =	sst s10  }
0x32: {  	s10 =	sld [smem:$0x3FAE];
	_ =	sdelay $0x3  }
0x33: {  	p0 =	seq.s32 s10, $0x1;
	s10 =	sld [smem:$0x3FB0];
	_ =	sdelay $0x3  }
0x34: {  	[smem:$0x3FB0] =	sst s10  }
0x35: {  	s10 =	sld [smem:$0x3FAF];
	_ =	sdelay $0x3  }
0x36: {  	p1 =	seq.s32 s10, $0x1;
	s10 =	sld [smem:$0x3FB0];
	_ =	sdelay $0x3  }
0x37: {  	[smem:$0x3FB0] =	sst s10  }
0x38: {  	s10 =	sld [smem:$0x3FB1]  }
0x39: {  	_ = 	snop;
	(pc) =	sbr.ind lr, $3  }
0x3a: {  	_ = 	snop  }
0x3b: {  	_ = 	snop  }
0x3c: {  	p2 =	seq.s32 s10, $0x1;
	s10 =	sld [smem:$0x3FB0]  }
0x3d: {  	_ =	shalt  }
0x3e: {  	_ =	shalt  }
0x3f: {  	_ =	shalt  }
0x40: {  	_ =	shalt  }
0x41: {  	_ =	shalt  }
0x42: {  	_ =	shalt  }
0x43: {  	_ =	shalt  }
0x44: {  	_ =	shalt  }
0x45: {  	_ =	shalt  }
0x46: {  	_ =	shalt  }
0x47: {  	_ =	shalt  }
0x48: {  	_ =	shalt  }
0x49: {  	_ =	shalt  }
0x4a: {  	_ =	shalt  }
0x4b: {  	_ =	shalt  }
0x4c: {  	_ =	shalt  }
0x4d: {  	_ =	shalt  }
0x4e: {  	_ =	shalt  }
0x4f: {  	_ =	shalt  }
0x50: {  	_ =	shalt  }
0x51: {  	_ =	shalt  }
0x52: {  	_ =	shalt  }
0x53: {  	_ =	shalt  }
0x54: {  	_ =	shalt  }
0x55: {  	_ =	shalt  }
0x56: {  	_ =	shalt  }
0x57: {  	_ =	shalt  }
0x58: {  	_ =	shalt  }
0x59: {  	_ =	shalt  }
0x5a: {  	_ =	shalt  }
0x5b: {  	_ =	shalt  }
0x5c: {  	_ =	shalt  }
0x5d: {  	_ =	shalt  }
0x5e: {  	_ =	shalt  }
0x5f: {  	_ =	shalt  }
0x60: {  	_ =	shalt  }
0x61: {  	_ =	shalt  }
0x62: {  	_ =	shalt  }
0x63: {  	_ =	shalt  }
0x64: {  	_ =	shalt  }
0x65: {  	_ =	shalt  }
0x66: {  	_ =	shalt  }
0x67: {  	_ =	shalt  }
0x68: {  	_ =	shalt  }
0x69: {  	_ =	shalt  }
0x6a: {  	_ =	shalt  }
0x6b: {  	_ =	shalt  }
0x6c: {  	_ =	shalt  }
0x6d: {  	_ =	shalt  }
0x6e: {  	_ =	shalt  }
0x6f: {  	_ =	shalt  }
0x70: {  	_ =	shalt  }
0x71: {  	_ =	shalt  }
0x72: {  	_ =	shalt  }
0x73: {  	_ =	shalt  }
0x74: {  	_ =	shalt  }
0x75: {  	_ =	shalt  }
0x76: {  	_ =	shalt  }
0x77: {  	_ =	shalt  }
0x78: {  	_ =	shalt  }
0x79: {  	_ =	shalt  }
0x7a: {  	_ =	shalt  }
0x7b: {  	_ =	shalt  }
0x7c: {  	_ =	shalt  }
0x7d: {  	_ =	shalt  }
0x7e: {  	_ =	shalt  }
0x7f: {  	_ =	shalt  }
0x80: {  	_ =	shalt  }
0x81: {  	_ =	shalt  }
0x82: {  	_ =	shalt  }
0x83: {  	_ =	shalt  }
0x84: {  	_ =	shalt  }
0x85: {  	_ =	shalt  }
0x86: {  	_ =	shalt  }
0x87: {  	_ =	shalt  }
.Lfunc_end0:
.L_simem_size_0:
called_computation_lowered:
.L_overlay_start_0:
0x88: {  	s2 =	sld [smem:$0x3FD9]  }
0x89: {  	s3 =	sld [smem:$0x3FFE];
	_ =	sdelay $0x1  }
0x8a: {  	s1 =	srdreg.scid  }
0x8b: {  	s0 =	sand.u32 $0x1, s1  }
0x8c: {  	s14 =	sshll.u32 s0, $0xA;
	s2 =	sadd.s32 s3, s2  }
0x8d: {  	s2 =	sadd.s32 s2, s14  }
0x8e: {  	[smem:$0x3FBC] =	sst s2  }
0x8f: {  	_ = 	snop  }
0x90: {  	s2 =	sld [smem:$0x3FD0];
	_ =	sdelay $0x2  }
0x91: {  	s15 =	simm.s32 $0xA;
	s4 =	simm.s32 $0x10  }
0x92: {  	[smem:s4], [sflag:s15] =	dma.local [hbm:s2], $0x1  }
0x93: {  	_ =	swait.eq [sflag:s15], $0x1  }
0x94: {  	[sflag:s15] =	ssyncset.done $0x0  }
0x95: {  	[sflag:s15] =	ssyncadd.s32 $0xFFFFFFFF  }
0x96: {  	s16 =	sld [smem:$0x11];
	(tm) =	ssettm $0x1  }
0x97: {  	s17 =	sld [smem:$0x3FFB];
	_ =	sdelay $0x3  }
0x98: {  	_ =	strace s17  }
0x99: {  	s3 =	sld [smem:$0x3FFC];
	_ =	sdelay $0x3  }
0x9a: {  	_ =	strace s3  }
0x9b: {  	s3 =	sld [smem:$0x3FFD];
	_ =	sdelay $0x3  }
0x9c: {  	_ =	strace s3  }
0x9d: {  	_ =	strace $0x8FFFFFFF  }
0x9e: {  	s18 =	sld [smem:$0x3FDB];
	_ =	sdelay $0x1  }
0x9f: {  	s19 =	simm.s32 $_scs_section_size  }
0xa0: {  	s5 =	simm.s32 $_size__tile_overlayer_lowered;
	s6 =	simm.s32 $_tile_overlayer_lowered  }
0xa1: {  	s22 =	simm.s32 $0x1BFF;
	s21 =	sshll.u32 s6, $0x1;
	s3 =	sadd.s32 s19, s18  }
0xa2: {  	s7 =	simm.s32 $0x0;
	s20 =	sshll.u32 s5, $0x1;
	s5 =	sadd.s32 s21, s3  }
0xa3: {  	[timem:s7], [sflag:s22] =	dma.local [hbm:s5], s20  }
0xa4: {  	_ =	swait.ge [sflag:s22], s20  }
0xa5: {  	s4 =	ssub.s32 $0x0, s20;
	[sflag:s22] =	ssyncset.done $0x0  }
0xa6: {  	[sflag:s22] =	ssyncadd.s32 s4;
	_ =	sdelay $0x1  }
0xa7: {  	s23 =	simm.s32 $0x1B8B  }
0xa8: {  	_ =	swait.ge [sflag:s23], $0x1  }
0xa9: {  	[sflag:s23] =	ssyncset.done $0x0  }
0xaa: {  	s25 =	simm.s32 $0x1B8E;
	s24 =	sld [smem:$0x3FFE];
	[sflag:s23] =	ssyncadd.s32 $0xFFFFFFFF  }
0xab: {  	s26 =	simm.s32 $execute0_lowered;
	[smem:$0x3FD2] =	sst s25  }
0xac: {  	s5 =	sshll.u32 s26, $0x1;
	_ =	strace $0x80000046;
	[dreg:$0x1] =	wrdreg $0xFFFFFFFF  }
0xad: {  	s28 =	simm.s32 $_size_execute0_lowered;
	s3 =	sadd.s32 s3, s5;
	[dreg:$0x0] =	wrdreg $0x0  }
0xae: {  	s5 =	sshll.u32 s28, $0x1;
	[dreg:$0x2] =	wrdreg s3  }
0xaf: {  	[dreg:$0x3] =	wrdreg s5  }
0xb0: {  	[dreg:$0x4] =	wrdreg $0xC0  }
0xb1: {  	_ =	task [dreg:s7], $0x5FFFF  }
0xb2: {  	[dreg:$0x1] =	wrdreg $0xFFFFFFFF  }
0xb3: {  	[dreg:$0x0] =	wrdreg $0x60  }
0xb4: {  	[dreg:$0x2] =	wrdreg s16  }
0xb5: {  	[dreg:$0x3] =	wrdreg s24  }
0xb6: {  	[dreg:$0x4] =	wrdreg $0x54000  }
0xb7: {  	[dreg:$0x5] =	wrdreg $0x9  }
0xb8: {  	_ =	task.clear_ibuf [dreg:s7], $0x6FFFF;
	_ =	strace $0x90000046  }
0xb9: {  	s29 =	simm.s32 $0x9;
	_ =	strace $0x80000048  }
0xba: {  	_ =	swait.ge [sflag:s29], $0x1  }
0xbb: {  	[sflag:s29] =	ssyncadd.s32 $0xFFFFFFFF  }
0xbc: {  	_ =	strace $0x90000048  }
0xbd: {  	_ =	sfence  }
0xbe: {  	s30 =	sld [smem:$0x0];
	_ =	sdelay $0x2  }
0xbf: {  	s31 =	sshll.u32 s1, $0xD;
	s1 =	sshrl.u32 s1, $0x2  }
0xc0: {  	s3 =	sand.u32 $0x4000, s31;
	s1 =	sadd.s32 s1, s30  }
0xc1: {  	s0 =	sor.u32 s3, s0;
	s1 =	sshll.u32 s1, $0x11  }
0xc2: {  	s0 =	sor.u32 s1, s0  }
0xc3: {  	s0 =	sadd.s32 $0x8F2B, s0  }
0xc4: {  	[sflag:s0] =	ssyncadd.remote.s32 $0x1  }
0xc5: {  	_ =	sfence.sel $0xFFFF  }
0xc6: {  	[dreg:$0x0] =	wrdreg $0xFFFFFFFF;
	(pc) =	sbr.abs _section_cstart, $3  }
0xc7: {  	[dreg:$0x1] =	wrdreg $0xFFFFFFFF  }
0xc8: {  	_ =	task.clear_ibuf [dreg:s7], $0x2FFFF;
	_ =	strace $0x9FFFFFFF  }
0xc9: {  	(tm) =	ssettm $0x7FFFFFFF  }
tec
execute0_lowered:
.L_overlay_start_1:
0x0: {  	(tag) =	ssettag $0x1  }
0x1: {  	s9 =	rddreg [dreg:$0x0]  }
0x2: {  	s4 =	rddreg [dreg:$0x1]  }
0x3: {  	s2 =	rddreg [dreg:$0x2]  }
0x4: {  	s0 =	rddreg [dreg:$0x3];
	s5 =	srdreg.scid  }
0x5: {  	s3 =	simm.s32 $0x0;
	s1 =	stileid.u32;
	s20 =	simm.s32 $0x0  }
0x6: {  	s6 =	sand.u32 $0x1, s5;
	[smem:$0x7FF] =	sst s3;
	s7 =	smul.u32 $0x50000, s1  }
0x7: {  	s10 =	smul.u32 $0x14000, s1;
	s15 =	sadd.s32 $0x3C00, s4;
	s5 =	ssub.s32 $0x2, s6  }
0x8: {  	_ =	strace $0x80000047;
	s26 =	sshll.u32 s6, $0x4;
	s17 =	smul.u32 $0x140000, s6  }
0x9: {  	s8 =	sshrl.u32 s5, $0x1;
	s28 =	sor.u32 s1, s26;
	s29 =	sshrl.u32 s7, $0x2  }
0xa: {  	s11 =	sadd.s32 $0x4000, s10;
	s13 =	sadd.s32 $0x8000, s10;
	s14 =	sadd.s32 $0xC000, s10  }
0xb: {  	s18 =	sadd.s32 $0x10000, s10;
	s16 =	ssub.s32 s5, s8;
	s4 =	sadd.s32 s29, s2  }
0xc: {  	s5 =	sadd.s32 s11, s2;
	s12 =	smul.u32 $0x2800, s28;
	s6 =	sadd.s32 s13, s2  }
0xd: {  	s7 =	sadd.s32 s14, s2;
	s8 =	sadd.s32 s18, s2;
	s10 =	sadd.s32 s10, s17  }
0xe: {  	s19 =	sadd.s32 s17, s11;
	s13 =	sadd.s32 s17, s13;
	s14 =	sadd.s32 s17, s14  }
0xf: {  	s17 =	sadd.s32 s17, s18;
	s18 =	simm.s32 $0x1;
	s30 =	sshrl.u32 s10, $0x3  }
0x10: {  	s31 =	sshrl.u32 s19, $0x3;
	s13 =	sshrl.u32 s13, $0x3;
	s14 =	sshrl.u32 s14, $0x3  }
0x11: {  	s17 =	sshrl.u32 s17, $0x3;
	s16 =	smax.u32 s16, $0x1;
	s19 =	simm.s32 $0x80  }
0x12: {  	s12 =	sshrl.u32 s12, $0x3;
	s11 =	sadd.s32 s15, s30;
	s13 =	sadd.s32 s15, s13  }
0x13: {  	s14 =	sadd.s32 s15, s14;
	s9 =	sadd.s32 s9, s12;
	s12 =	sadd.s32 s15, s31  }
0x14: {  	v0 =	vimm.f32 $0.0e+00;
	v1 =	vimm.f32 $1.000000000e+00;
	s15 =	sadd.s32 s15, s17;
	s17 =	simm.s32 $0x1400;
	s10 =	sadd.s32 $0x280, s9  }
.LBB2_1:
0x15: {  	s21 =	simm.s32 $0x0;
	s22 =	simm.s32 $0x200  }
.LBB2_2:
0x16: {  	p0 =	sne.s32 s22, $0xFE00;
	[tilespmem:s21+$0x1470] =	vst v0  }
0x17: {  	[tilespmem:s21+$0x1400] =	vst v0  }
0x18: {  	[tilespmem:s21+$0x1410] =	vst v0  }
.Ltmp0:
0x19: {  	[tilespmem:s21+$0x1420] =	vst v0;
	(pc) =	sbr.rel @p0 .LBB2_2-.Ltmp0, $4  }
0x1a: {  	[tilespmem:s21+$0x1430] =	vst v0  }
0x1b: {  	[tilespmem:s21+$0x1440] =	vst v0  }
0x1c: {  	[tilespmem:s21+$0x1450] =	vst v0  }
0x1d: {  	[tilespmem:s21+$0x1460] =	vst v0;
	s21 =	sshra.s32 s22, $0x2;
	s22 =	sadd.s32 $0x200, s22  }
0x1e: {  	[tilespmem:s21+$0x1470] =	vst v0  }
0x1f: {  	[tilespmem:s21+$0x1400] =	vst v0  }
0x20: {  	[tilespmem:s21+$0x1410] =	vst v0  }
0x21: {  	[tilespmem:s21+$0x1420] =	vst v0  }
0x22: {  	[tilespmem:s21+$0x1430] =	vst v0  }
0x23: {  	[tilespmem:s21+$0x1440] =	vst v0  }
0x24: {  	[tilespmem:s21+$0x1450] =	vst v0  }
0x25: {  	[tilespmem:s21+$0x1460] =	vst v0  }
0x26: {  	[spmem:s4] =	stream.linear.scatter [tilespmem:s17], [sflag:$0x1], $0x4000, $0x38;
	[tilespmem:$0x19400] =	vst v63  }
0x27: {  	_ =	swait.ge [sflag:s18], $0x4000  }
0x28: {  	[sflag:s18] =	ssyncset.done $0x0  }
0x29: {  	[sflag:s18] =	ssyncadd.s32 $0xFFFFC000  }
0x2a: {  	[spmem:s5] =	stream.linear.scatter [tilespmem:s17], [sflag:$0x1], $0x4000, $0x38;
	[tilespmem:$0x19400] =	vst v63  }
0x2b: {  	_ =	swait.ge [sflag:s18], $0x4000  }
0x2c: {  	[sflag:s18] =	ssyncset.done $0x0  }
0x2d: {  	[sflag:s18] =	ssyncadd.s32 $0xFFFFC000  }
0x2e: {  	[spmem:s6] =	stream.linear.scatter [tilespmem:s17], [sflag:$0x1], $0x4000, $0x38;
	[tilespmem:$0x19400] =	vst v63  }
0x2f: {  	_ =	swait.ge [sflag:s18], $0x4000  }
0x30: {  	[sflag:s18] =	ssyncset.done $0x0  }
0x31: {  	[sflag:s18] =	ssyncadd.s32 $0xFFFFC000  }
0x32: {  	[spmem:s7] =	stream.linear.scatter [tilespmem:s17], [sflag:$0x1], $0x4000, $0x38;
	[tilespmem:$0x19400] =	vst v63  }
0x33: {  	_ =	swait.ge [sflag:s18], $0x4000  }
0x34: {  	[sflag:s18] =	ssyncset.done $0x0  }
0x35: {  	[sflag:s18] =	ssyncadd.s32 $0xFFFFC000  }
0x36: {  	[spmem:s8] =	stream.linear.scatter [tilespmem:s17], [sflag:$0x1], $0x4000, $0x38;
	[tilespmem:$0x19400] =	vst v63  }
0x37: {  	_ =	swait.ge [sflag:s18], $0x4000  }
0x38: {  	[sflag:s18] =	ssyncset.done $0x0  }
0x39: {  	s21 =	simm.s32 $0x0;
	s22 =	simm.s32 $0x200;
	[sflag:s18] =	ssyncadd.s32 $0xFFFFC000  }
.LBB2_4:
0x3a: {  	p0 =	sne.s32 s22, $0xFE00;
	[tilespmem:s21+$0x1470] =	vst v1  }
0x3b: {  	[tilespmem:s21+$0x1400] =	vst v1  }
0x3c: {  	[tilespmem:s21+$0x1410] =	vst v1  }
.Ltmp1:
0x3d: {  	[tilespmem:s21+$0x1420] =	vst v1;
	(pc) =	sbr.rel @p0 .LBB2_4-.Ltmp1, $4  }
0x3e: {  	[tilespmem:s21+$0x1430] =	vst v1  }
0x3f: {  	[tilespmem:s21+$0x1440] =	vst v1  }
0x40: {  	[tilespmem:s21+$0x1450] =	vst v1  }
0x41: {  	[tilespmem:s21+$0x1460] =	vst v1;
	s21 =	sshra.s32 s22, $0x2;
	s22 =	sadd.s32 $0x200, s22  }
0x42: {  	[tilespmem:s21+$0x1470] =	vst v1  }
0x43: {  	[tilespmem:s21+$0x1400] =	vst v1  }
0x44: {  	[tilespmem:s21+$0x1410] =	vst v1  }
0x45: {  	[tilespmem:s21+$0x1420] =	vst v1  }
0x46: {  	[tilespmem:s21+$0x1430] =	vst v1  }
0x47: {  	[tilespmem:s21+$0x1440] =	vst v1  }
0x48: {  	[tilespmem:s21+$0x1450] =	vst v1  }
0x49: {  	[tilespmem:s21+$0x1460] =	vst v1  }
0x4a: {  	s30 =	simm.s32 $0x0;
	[bflag:$0x0] =	sbarrier.arrive $0xFFFF  }
0x4b: {  	[tilespmem:s30], [sflag:$0x1] =	stream.linear.gather [hbm4b:s9+s30], $0x1400, $0x38;
	[tilespmem:$0x19400] =	vst v63  }
0x4c: {  	_ =	swait.ge [sflag:s18], $0x1400  }
0x4d: {  	[sflag:s18] =	ssyncset.done $0x0  }
0x4e: {  	s31 =	simm.s32 $0x0;
	[sflag:s18] =	ssyncadd.s32 $0xFFFFEC00  }
0x4f: {  	[spmem:s2] =	stream.indirect.scatter.add.f32 [tilespmem:s17], [sflag:$0x1], $0x80, s31, s19, $0xb8;
	[tilespmem:$0x19400] =	vst v63  }
0x50: {  	_ =	swait.ge [sflag:s18], $0x4000  }
0x51: {  	s21 =	simm.s32 $0x200;
	[sflag:s18] =	ssyncset.done $0x0  }
.LBB2_6:
0x52: {  	s22 =	sshra.s32 s21, $0x2;
	[sflag:s18] =	ssyncadd.s32 $0xFFFFC000;
	p0 =	sne.s32 s21, $0x4E00  }
0x53: {  	[spmem:s2] =	stream.indirect.scatter.add.f32 [tilespmem:s17], [sflag:$0x1], $0x80, s22, s19, $0xb8;
	[tilespmem:$0x19400] =	vst v63  }
.Ltmp2:
0x54: {  	_ = 	snop;
	(pc) =	sbr.rel @p0 .LBB2_6-.Ltmp2, $4  }
0x55: {  	_ = 	snop  }
0x56: {  	s21 =	sadd.s32 $0x200, s21  }
0x57: {  	_ =	swait.ge [sflag:s18], $0x4000  }
0x58: {  	[sflag:s18] =	ssyncset.done $0x0  }
0x59: {  	[sflag:s18] =	ssyncadd.s32 $0xFFFFC000;
	s21 =	simm.s32 $0x0  }
0x5a: {  	[tilespmem:s21], [sflag:$0x1] =	stream.linear.gather [hbm4b:s10+s21], $0x1400, $0x38;
	[tilespmem:$0x19400] =	vst v63  }
0x5b: {  	_ =	swait.ge [sflag:s18], $0x1400  }
0x5c: {  	[sflag:s18] =	ssyncset.done $0x0  }
0x5d: {  	s31 =	simm.s32 $0x0;
	[sflag:s18] =	ssyncadd.s32 $0xFFFFEC00  }
0x5e: {  	[spmem:s2] =	stream.indirect.scatter.add.f32 [tilespmem:s17], [sflag:$0x1], $0x80, s31, s19, $0xb8;
	[tilespmem:$0x19400] =	vst v63  }
0x5f: {  	_ =	swait.ge [sflag:s18], $0x4000  }
0x60: {  	s21 =	simm.s32 $0x200;
	[sflag:s18] =	ssyncset.done $0x0  }
.LBB2_8:
0x61: {  	s22 =	sshra.s32 s21, $0x2;
	[sflag:s18] =	ssyncadd.s32 $0xFFFFC000;
	p0 =	sne.s32 s21, $0x4E00  }
0x62: {  	[spmem:s2] =	stream.indirect.scatter.add.f32 [tilespmem:s17], [sflag:$0x1], $0x80, s22, s19, $0xb8;
	[tilespmem:$0x19400] =	vst v63  }
.Ltmp3:
0x63: {  	_ = 	snop;
	(pc) =	sbr.rel @p0 .LBB2_8-.Ltmp3, $4  }
0x64: {  	_ = 	snop  }
0x65: {  	s21 =	sadd.s32 $0x200, s21  }
0x66: {  	_ =	swait.ge [sflag:s18], $0x4000  }
0x67: {  	[sflag:s18] =	ssyncset.done $0x0  }
0x68: {  	[sflag:s18] =	ssyncadd.s32 $0xFFFFC000  }
0x69: {  	[bflag:$0x0] =	sbarrier.arrive $0xFFFF  }
0x6a: {  	[tilespmem:s17], [sflag:$0x1] =	stream.linear.gather [spmem:s4], $0x4000, $0x38;
	[tilespmem:$0x19400] =	vst v63  }
0x6b: {  	_ =	swait.ge [sflag:s18], $0x4000  }
0x6c: {  	[sflag:s18] =	ssyncset.done $0x0  }
0x6d: {  	[sflag:s18] =	ssyncadd.s32 $0xFFFFC000  }
0x6e: {  	[hbm4b:s11+s3] =	stream.linear.scatter [tilespmem:s17], [sflag:$0x1], $0x4000, $0x38;
	[tilespmem:$0x19400] =	vst v63  }
0x6f: {  	_ =	swait.ge [sflag:s18], $0x4000  }
0x70: {  	[sflag:s18] =	ssyncset.done $0x0  }
0x71: {  	[sflag:s18] =	ssyncadd.s32 $0xFFFFC000  }
0x72: {  	[tilespmem:s17], [sflag:$0x1] =	stream.linear.gather [spmem:s5], $0x4000, $0x38;
	[tilespmem:$0x19400] =	vst v63  }
0x73: {  	_ =	swait.ge [sflag:s18], $0x4000  }
0x74: {  	[sflag:s18] =	ssyncset.done $0x0  }
0x75: {  	[sflag:s18] =	ssyncadd.s32 $0xFFFFC000  }
0x76: {  	[hbm4b:s12+s3] =	stream.linear.scatter [tilespmem:s17], [sflag:$0x1], $0x4000, $0x38;
	[tilespmem:$0x19400] =	vst v63  }
0x77: {  	_ =	swait.ge [sflag:s18], $0x4000  }
0x78: {  	[sflag:s18] =	ssyncset.done $0x0  }
0x79: {  	[sflag:s18] =	ssyncadd.s32 $0xFFFFC000  }
0x7a: {  	[tilespmem:s17], [sflag:$0x1] =	stream.linear.gather [spmem:s6], $0x4000, $0x38;
	[tilespmem:$0x19400] =	vst v63  }
0x7b: {  	_ =	swait.ge [sflag:s18], $0x4000  }
0x7c: {  	[sflag:s18] =	ssyncset.done $0x0  }
0x7d: {  	[sflag:s18] =	ssyncadd.s32 $0xFFFFC000  }
0x7e: {  	[hbm4b:s13+s3] =	stream.linear.scatter [tilespmem:s17], [sflag:$0x1], $0x4000, $0x38;
	[tilespmem:$0x19400] =	vst v63  }
0x7f: {  	_ =	swait.ge [sflag:s18], $0x4000  }
0x80: {  	[sflag:s18] =	ssyncset.done $0x0  }
0x81: {  	[sflag:s18] =	ssyncadd.s32 $0xFFFFC000  }
0x82: {  	[tilespmem:s17], [sflag:$0x1] =	stream.linear.gather [spmem:s7], $0x4000, $0x38;
	[tilespmem:$0x19400] =	vst v63  }
0x83: {  	_ =	swait.ge [sflag:s18], $0x4000  }
0x84: {  	[sflag:s18] =	ssyncset.done $0x0  }
0x85: {  	[sflag:s18] =	ssyncadd.s32 $0xFFFFC000  }
0x86: {  	[hbm4b:s14+s3] =	stream.linear.scatter [tilespmem:s17], [sflag:$0x1], $0x4000, $0x38;
	[tilespmem:$0x19400] =	vst v63  }
0x87: {  	_ =	swait.ge [sflag:s18], $0x4000  }
0x88: {  	[sflag:s18] =	ssyncset.done $0x0  }
0x89: {  	[sflag:s18] =	ssyncadd.s32 $0xFFFFC000  }
0x8a: {  	[tilespmem:s17], [sflag:$0x1] =	stream.linear.gather [spmem:s8], $0x4000, $0x38;
	[tilespmem:$0x19400] =	vst v63  }
0x8b: {  	s20 =	sadd.s32 $0x1, s20;
	_ =	swait.ge [sflag:s18], $0x4000  }
0x8c: {  	p0 =	sne.s32 s20, s16;
	[sflag:s18] =	ssyncset.done $0x0  }
.Ltmp4:
0x8d: {  	[sflag:s18] =	ssyncadd.s32 $0xFFFFC000;
	(pc) =	sbr.rel @p0 .LBB2_1-.Ltmp4, $4  }
0x8e: {  	[hbm4b:s15+s3] =	stream.linear.scatter [tilespmem:s17], [sflag:$0x1], $0x4000, $0x38;
	[tilespmem:$0x19400] =	vst v63  }
0x8f: {  	_ =	swait.ge [sflag:s18], $0x4000  }
0x90: {  	[sflag:s18] =	ssyncset.done $0x0  }
0x91: {  	[sflag:s18] =	ssyncadd.s32 $0xFFFFC000  }
0x92: {  	_ =	sfence.sel $0x180000  }
0x93: {  	[bflag:$0x0] =	sbarrier.arrive $0xFFFF  }
0x94: {  	p0 =	sne.s32 s1, $0x0;
	_ =	strace $0x90000047  }
0x95: {  	s0 =	sadd.s32 @!p0 $0x100000, s0;
	[bflag:$0x2] =	sbarrier.arrive $0xFFFF  }
0x96: {  	[sflag:s0] =	ssyncadd.tile.s32 @!p0 $0x1;
	_ =	shalt  }
.Lfunc_end2:
_tile_overlayer_lowered:
.L_overlay_start_2:
0x97: {  	(tag) =	ssettag $0x2  }
0x98: {  	s0 =	rddreg [dreg:$0x0];
	s2 =	stileid.u32  }
0x99: {  	s1 =	rddreg [dreg:$0x1];
	p0 =	sne.s32 s2, $0x0  }
0x9a: {  	s3 =	rddreg [dreg:$0x2];
	[bflag:$0x3] =	sbarrier.arrive $0xFFFF;
	s2 =	simm.s32 @!p0 $0x1C01  }
0x9b: {  	[timem:s3], [sflag:s2] =	dma.local @!p0 [hbm:s0], s1  }
0x9c: {  	s0 =	simm.s32 @!p0 $0x1  }
0x9d: {  	_ =	swait.ge @!p0 [sflag:s0], s1  }
0x9e: {  	s1 =	ssub.s32 @!p0 $0x0, s1;
	[sflag:s0] =	ssyncset.done @!p0 $0x0  }
0x9f: {  	[sflag:s0] =	ssyncadd.s32 @!p0 s1  }
0xa0: {  	[bflag:$0x3] =	sbarrier.arrive $0xFFFF  }
0xa1: {  	_ =	shalt  }

</sc_bundles>
